<compile_context>
chip_gen: v7x
topology: tpu7x:2x2x1
jax: 0.10.2.dev20260603
libtpu: 0.0.44.dev20260713+nightly
codegen_flags: <defaults>
</compile_context>

<pallas_src>
import functools

import jax
import jax.numpy as jnp
from jax import lax
from jax.experimental import pallas as pl
from jax.experimental.pallas import tpu as pltpu
from jax.experimental.pallas import tpu_sc as plsc

_B = 16384
_D = 32
_N = 1000000
_NC = 2
_NS = 16
_NW = _NC * _NS
_BPW = _B // _NW
_CH = 16
_NCHUNK = _BPW // _CH


def _body(idx_hbm, sp_hbm, su_hbm, out_sp, out_su,
          idx_v, t_v, s_v, staged, out_buf, sem0, sem1):
    wid = lax.axis_index("s") * _NC + lax.axis_index("c")
    base = wid * _BPW
    pltpu.sync_copy(idx_hbm.at[pl.ds(base, _BPW)], idx_v)

    for g in range(_BPW // 16):
        v = idx_v[pl.ds(g * 16, 16)]
        t_v[pl.ds(g * 16, 16)] = lax.shift_right_logical(v, 3)
        s_v[pl.ds(g * 16, 16)] = lax.bitwise_and(v, 7)

    lanes = lax.iota(jnp.int32, 16)
    sems = (sem0, sem1)
    sp3 = sp_hbm
    su3 = su_hbm
    staged3 = staged

    for table, out in ((sp3, out_sp), (su3, out_su)):
        def issue(c, buf, table=table):
            vec = t_v[pl.ds(c * _CH, _CH)]
            for k in range(_CH):
                pltpu.async_copy(
                    table.at[pl.ds(vec[k], 1)],
                    staged3.at[pl.ds(buf * _CH + k, 1)],
                    sems[buf])

        def drain(buf, table=table):
            for k in range(_CH):
                pltpu.make_async_copy(
                    table.at[pl.ds(0, 1)],
                    staged3.at[pl.ds(buf * _CH + k, 1)],
                    sems[buf]).wait()

        issue(0, 0)

        def chunk_body(c, carry, issue=issue, drain=drain):
            @pl.when(c + 1 < _NCHUNK)
            def _():
                lax.switch(lax.rem(c + 1, 2),
                           [lambda: issue(c + 1, 0), lambda: issue(c + 1, 1)])

            def de(buf):
                drain(buf)
                svec = s_v[pl.ds(c * _CH, _CH)]
                for k in range(_CH):
                    kv = jnp.full((16,), buf * _CH + k, jnp.int32)
                    sv = jnp.full((16,), svec[k], jnp.int32)
                    rv = jnp.full((16,), c * _CH + k, jnp.int32)
                    lo = plsc.load_gather(staged, [kv, sv, lanes])
                    hi = plsc.load_gather(staged, [kv, sv, lanes + 16])
                    plsc.store_scatter(out_buf, [rv, lanes], lo)
                    plsc.store_scatter(out_buf, [rv, lanes + 16], hi)

            lax.switch(lax.rem(c, 2), [lambda: de(0), lambda: de(1)])
            return carry

        lax.fori_loop(0, _NCHUNK, chunk_body, 0)
        pltpu.sync_copy(out_buf, out.at[pl.ds(base, _BPW)])


@jax.jit
def kernel(node_indices, B_sp, B_su):
    gather = pl.kernel(
        _body,
        out_type=(
            jax.ShapeDtypeStruct((_B, _D), jnp.float32),
            jax.ShapeDtypeStruct((_B, _D), jnp.float32),
        ),
        mesh=plsc.VectorSubcoreMesh(core_axis_name="c", subcore_axis_name="s"),
        scratch_types=[
            pltpu.VMEM((_BPW,), jnp.int32),
            pltpu.VMEM((_BPW,), jnp.int32),
            pltpu.VMEM((_BPW,), jnp.int32),
            pltpu.VMEM((2 * _CH, 8, _D), jnp.float32),
            pltpu.VMEM((_BPW, _D), jnp.float32),
            pltpu.SemaphoreType.DMA,
            pltpu.SemaphoreType.DMA,
        ],
        compiler_params=pltpu.CompilerParams(
            use_tc_tiling_on_sc=True, needs_layout_passes=False),
    )
    sp3 = B_sp.reshape(_N // 8, 8, _D)
    su3 = B_su.reshape(_N // 8, 8, _D)
    return gather(node_indices.astype(jnp.int32), sp3, su3)

# --- scband reference (transcript-rebuilt; emitter-appended) ---
"""Pipeline reference for scband-spatial-embedding-22608707846509 (READ-ONLY COPY).

The authoritative reference and input builder live on the scoring server;
editing this copy changes nothing except your own understanding.
"""

import jax, jax.numpy as jnp
import numpy as np

N = 1000000
DSP = 32
DSU = 32
B = 16384

def setup_inputs(seed: int = 0) -> dict:
    key = jax.random.key(seed)
    k1, k2, k3 = jax.random.split(key, 3)
    node_indices = jax.random.randint(k1, (B,), 0, N)
    B_sp = jax.random.normal(k2, (N, DSP), dtype=jnp.float32)
    B_su = jax.random.normal(k3, (N, DSU), dtype=jnp.float32)
    return {"node_indices": node_indices, "B_sp": B_sp, "B_su": B_su}

def reference(node_indices, B_sp, B_su):
    # Faithful translation: gather rows of both embedding tables at node_indices.
    # (The torch code also builds a boolean mask but never uses it for output.)
    E_i_sp = jnp.take(B_sp, node_indices, axis=0)
    E_i_su = jnp.take(B_su, node_indices, axis=0)
    return (E_i_sp, E_i_su)

if __name__ == "__main__":
    import jax
    _d = setup_inputs()
    print(jax.jit(kernel)(*tuple(_d.values())))

</pallas_src>

<mosaic_0001>
#map = affine_map<(d0, d1) -> (0)>
#map1 = affine_map<(d0, d1) -> (0, 0, 0)>
#map2 = affine_map<(d0, d1) -> (0, 0)>
module attributes {stable_mosaic.version = 14 : i64} {
  func.func @_body(%arg0: i32, %arg1: i32, %arg2: memref<16384xi32, #tpu.memory_space<hbm>>, %arg3: memref<125000x8x32xf32, #tpu.memory_space<hbm>>, %arg4: memref<125000x8x32xf32, #tpu.memory_space<hbm>>, %arg5: memref<16384x32xf32, #tpu.memory_space<hbm>>, %arg6: memref<16384x32xf32, #tpu.memory_space<hbm>>, %arg7: memref<512xi32, #tpu.memory_space<vmem>>, %arg8: memref<512xi32, #tpu.memory_space<vmem>>, %arg9: memref<512xi32, #tpu.memory_space<vmem>>, %arg10: memref<32x8x32xf32, #tpu.memory_space<vmem>>, %arg11: memref<512x32xf32, #tpu.memory_space<vmem>>, %arg12: memref<!tpu.dma_semaphore, #tpu.memory_space<semaphore_mem>>, %arg13: memref<!tpu.dma_semaphore, #tpu.memory_space<semaphore_mem>>) attributes {dimension_semantics = [#tpu.dimension_semantics<core_parallel>, #tpu.dimension_semantics<subcore_parallel>], iteration_bounds = array<i64: 2, 16>, scalar_prefetch = 0 : i64, scratch_operands = 7 : i64, tpu.core_type = #tpu.core_type<sc_vector_subcore>, window_params = [{transform_indices = #map}, {transform_indices = #map1}, {transform_indices = #map1}, {transform_indices = #map2}, {transform_indices = #map2}]} {
    %mul3A = arith.constant 2 : i32
    %mul3A_0 = arith.muli %arg1, %mul3A : i32
    %add3A = arith.addi %mul3A_0, %arg0 : i32
    %mul3A_1 = arith.constant 512 : i32
    %mul3A_2 = arith.muli %add3A, %mul3A_1 : i32
    "tpu.region"() ({
      %run_scoped3A = tpu.sem_alloc : memref<!tpu.dma_semaphore, #tpu.memory_space<semaphore_mem>>
      %dma_start3A_907 = tpu.memref_slice %arg2[%mul3A_2] : memref<16384xi32, #tpu.memory_space<hbm>> -> memref<512xi32, #tpu.memory_space<hbm>>
      %dma_start3A_908 = tpu.memref_slice %arg2[%mul3A_2] : memref<16384xi32, #tpu.memory_space<hbm>> -> memref<512xi32, #tpu.memory_space<hbm>>
      tpu.enqueue_dma source(%dma_start3A_908 : memref<512xi32, #tpu.memory_space<hbm>>) target(%arg7 : memref<512xi32, #tpu.memory_space<vmem>>) target_semaphore(%run_scoped3A : memref<!tpu.dma_semaphore, #tpu.memory_space<semaphore_mem>>)
      %dma_wait3A = tpu.memref_slice %arg2[%mul3A_2] : memref<16384xi32, #tpu.memory_space<hbm>> -> memref<512xi32, #tpu.memory_space<hbm>>
      %dma_wait3A_909 = tpu.memref_slice %arg2[%mul3A_2] : memref<16384xi32, #tpu.memory_space<hbm>> -> memref<512xi32, #tpu.memory_space<hbm>>
      tpu.wait_dma2 semaphore(%run_scoped3A : memref<!tpu.dma_semaphore, #tpu.memory_space<semaphore_mem>>) src(%dma_wait3A_909 : memref<512xi32, #tpu.memory_space<hbm>>) dst(%arg7 : memref<512xi32, #tpu.memory_space<vmem>>)
      tpu.yield
    }) : () -> ()
    %get3A = arith.constant 0 : index
    %get3A_3 = tpu.vector_load %arg7[%get3A] {strides = array<i32>} : memref<512xi32, #tpu.memory_space<vmem>>, vector<16xi32>,
    %shift_right_logical3A = arith.constant 3 : i32
    %shift_right_logical3A_4 = vector.broadcast %shift_right_logical3A : i32 to vector<16xi32>
    %shift_right_logical3A_5 = arith.shrui %get3A_3, %shift_right_logical3A_4 : vector<16xi32>
    %swap3A = arith.constant 0 : index
    %swap3A_6 = tpu.vector_load %arg8[%swap3A] {strides = array<i32>} : memref<512xi32, #tpu.memory_space<vmem>>, vector<16xi32>,
    tpu.vector_store %arg8[%swap3A], %shift_right_logical3A_5 {strides = array<i32>} : memref<512xi32, #tpu.memory_space<vmem>>, vector<16xi32>,
    %and3A = arith.constant 7 : i32
    %and3A_7 = vector.broadcast %and3A : i32 to vector<16xi32>
    %and3A_8 = arith.andi %get3A_3, %and3A_7 : vector<16xi32>
    %swap3A_9 = arith.constant 0 : index
    %swap3A_10 = tpu.vector_load %arg9[%swap3A_9] {strides = array<i32>} : memref<512xi32, #tpu.memory_space<vmem>>, vector<16xi32>,
    tpu.vector_store %arg9[%swap3A_9], %and3A_8 {strides = array<i32>} : memref<512xi32, #tpu.memory_space<vmem>>, vector<16xi32>,
    %get3A_11 = arith.constant 16 : index
    %get3A_12 = tpu.vector_load %arg7[%get3A_11] {strides = array<i32>} : memref<512xi32, #tpu.memory_space<vmem>>, vector<16xi32>,
    %shift_right_logical3A_13 = arith.constant 3 : i32
    %shift_right_logical3A_14 = vector.broadcast %shift_right_logical3A_13 : i32 to vector<16xi32>
    %shift_right_logical3A_15 = arith.shrui %get3A_12, %shift_right_logical3A_14 : vector<16xi32>
    %swap3A_16 = arith.constant 16 : index
    %swap3A_17 = tpu.vector_load %arg8[%swap3A_16] {strides = array<i32>} : memref<512xi32, #tpu.memory_space<vmem>>, vector<16xi32>,
    tpu.vector_store %arg8[%swap3A_16], %shift_right_logical3A_15 {strides = array<i32>} : memref<512xi32, #tpu.memory_space<vmem>>, vector<16xi32>,
    %and3A_18 = arith.constant 7 : i32
    %and3A_19 = vector.broadcast %and3A_18 : i32 to vector<16xi32>
    %and3A_20 = arith.andi %get3A_12, %and3A_19 : vector<16xi32>
    %swap3A_21 = arith.constant 16 : index
    %swap3A_22 = tpu.vector_load %arg9[%swap3A_21] {strides = array<i32>} : memref<512xi32, #tpu.memory_space<vmem>>, vector<16xi32>,
    tpu.vector_store %arg9[%swap3A_21], %and3A_20 {strides = array<i32>} : memref<512xi32, #tpu.memory_space<vmem>>, vector<16xi32>,
    %get3A_23 = arith.constant 32 : index
    %get3A_24 = tpu.vector_load %arg7[%get3A_23] {strides = array<i32>} : memref<512xi32, #tpu.memory_space<vmem>>, vector<16xi32>,
    %shift_right_logical3A_25 = arith.constant 3 : i32
    %shift_right_logical3A_26 = vector.broadcast %shift_right_logical3A_25 : i32 to vector<16xi32>
    %shift_right_logical3A_27 = arith.shrui %get3A_24, %shift_right_logical3A_26 : vector<16xi32>
    %swap3A_28 = arith.constant 32 : index
    %swap3A_29 = tpu.vector_load %arg8[%swap3A_28] {strides = array<i32>} : memref<512xi32, #tpu.memory_space<vmem>>, vector<16xi32>,
    tpu.vector_store %arg8[%swap3A_28], %shift_right_logical3A_27 {strides = array<i32>} : memref<512xi32, #tpu.memory_space<vmem>>, vector<16xi32>,
    %and3A_30 = arith.constant 7 : i32
    %and3A_31 = vector.broadcast %and3A_30 : i32 to vector<16xi32>
    %and3A_32 = arith.andi %get3A_24, %and3A_31 : vector<16xi32>
    %swap3A_33 = arith.constant 32 : index
    %swap3A_34 = tpu.vector_load %arg9[%swap3A_33] {strides = array<i32>} : memref<512xi32, #tpu.memory_space<vmem>>, vector<16xi32>,
    tpu.vector_store %arg9[%swap3A_33], %and3A_32 {strides = array<i32>} : memref<512xi32, #tpu.memory_space<vmem>>, vector<16xi32>,
    %get3A_35 = arith.constant 48 : index
    %get3A_36 = tpu.vector_load %arg7[%get3A_35] {strides = array<i32>} : memref<512xi32, #tpu.memory_space<vmem>>, vector<16xi32>,
    %shift_right_logical3A_37 = arith.constant 3 : i32
    %shift_right_logical3A_38 = vector.broadcast %shift_right_logical3A_37 : i32 to vector<16xi32>
    %shift_right_logical3A_39 = arith.shrui %get3A_36, %shift_right_logical3A_38 : vector<16xi32>
    %swap3A_40 = arith.constant 48 : index
    %swap3A_41 = tpu.vector_load %arg8[%swap3A_40] {strides = array<i32>} : memref<512xi32, #tpu.memory_space<vmem>>, vector<16xi32>,
    tpu.vector_store %arg8[%swap3A_40], %shift_right_logical3A_39 {strides = array<i32>} : memref<512xi32, #tpu.memory_space<vmem>>, vector<16xi32>,
    %and3A_42 = arith.constant 7 : i32
    %and3A_43 = vector.broadcast %and3A_42 : i32 to vector<16xi32>
    %and3A_44 = arith.andi %get3A_36, %and3A_43 : vector<16xi32>
    %swap3A_45 = arith.constant 48 : index
    %swap3A_46 = tpu.vector_load %arg9[%swap3A_45] {strides = array<i32>} : memref<512xi32, #tpu.memory_space<vmem>>, vector<16xi32>,
    tpu.vector_store %arg9[%swap3A_45], %and3A_44 {strides = array<i32>} : memref<512xi32, #tpu.memory_space<vmem>>, vector<16xi32>,
    %get3A_47 = arith.constant 64 : index
    %get3A_48 = tpu.vector_load %arg7[%get3A_47] {strides = array<i32>} : memref<512xi32, #tpu.memory_space<vmem>>, vector<16xi32>,
    %shift_right_logical3A_49 = arith.constant 3 : i32
    %shift_right_logical3A_50 = vector.broadcast %shift_right_logical3A_49 : i32 to vector<16xi32>
    %shift_right_logical3A_51 = arith.shrui %get3A_48, %shift_right_logical3A_50 : vector<16xi32>
    %swap3A_52 = arith.constant 64 : index
    %swap3A_53 = tpu.vector_load %arg8[%swap3A_52] {strides = array<i32>} : memref<512xi32, #tpu.memory_space<vmem>>, vector<16xi32>,
    tpu.vector_store %arg8[%swap3A_52], %shift_right_logical3A_51 {strides = array<i32>} : memref<512xi32, #tpu.memory_space<vmem>>, vector<16xi32>,
    %and3A_54 = arith.constant 7 : i32
    %and3A_55 = vector.broadcast %and3A_54 : i32 to vector<16xi32>
    %and3A_56 = arith.andi %get3A_48, %and3A_55 : vector<16xi32>
    %swap3A_57 = arith.constant 64 : index
    %swap3A_58 = tpu.vector_load %arg9[%swap3A_57] {strides = array<i32>} : memref<512xi32, #tpu.memory_space<vmem>>, vector<16xi32>,
    tpu.vector_store %arg9[%swap3A_57], %and3A_56 {strides = array<i32>} : memref<512xi32, #tpu.memory_space<vmem>>, vector<16xi32>,
    %get3A_59 = arith.constant 80 : index
    %get3A_60 = tpu.vector_load %arg7[%get3A_59] {strides = array<i32>} : memref<512xi32, #tpu.memory_space<vmem>>, vector<16xi32>,
    %shift_right_logical3A_61 = arith.constant 3 : i32
    %shift_right_logical3A_62 = vector.broadcast %shift_right_logical3A_61 : i32 to vector<16xi32>
    %shift_right_logical3A_63 = arith.shrui %get3A_60, %shift_right_logical3A_62 : vector<16xi32>
    %swap3A_64 = arith.constant 80 : index
    %swap3A_65 = tpu.vector_load %arg8[%swap3A_64] {strides = array<i32>} : memref<512xi32, #tpu.memory_space<vmem>>, vector<16xi32>,
    tpu.vector_store %arg8[%swap3A_64], %shift_right_logical3A_63 {strides = array<i32>} : memref<512xi32, #tpu.memory_space<vmem>>, vector<16xi32>,
    %and3A_66 = arith.constant 7 : i32
    %and3A_67 = vector.broadcast %and3A_66 : i32 to vector<16xi32>
    %and3A_68 = arith.andi %get3A_60, %and3A_67 : vector<16xi32>
    %swap3A_69 = arith.constant 80 : index
    %swap3A_70 = tpu.vector_load %arg9[%swap3A_69] {strides = array<i32>} : memref<512xi32, #tpu.memory_space<vmem>>, vector<16xi32>,
    tpu.vector_store %arg9[%swap3A_69], %and3A_68 {strides = array<i32>} : memref<512xi32, #tpu.memory_space<vmem>>, vector<16xi32>,
    %get3A_71 = arith.constant 96 : index
    %get3A_72 = tpu.vector_load %arg7[%get3A_71] {strides = array<i32>} : memref<512xi32, #tpu.memory_space<vmem>>, vector<16xi32>,
    %shift_right_logical3A_73 = arith.constant 3 : i32
    %shift_right_logical3A_74 = vector.broadcast %shift_right_logical3A_73 : i32 to vector<16xi32>
    %shift_right_logical3A_75 = arith.shrui %get3A_72, %shift_right_logical3A_74 : vector<16xi32>
    %swap3A_76 = arith.constant 96 : index
    %swap3A_77 = tpu.vector_load %arg8[%swap3A_76] {strides = array<i32>} : memref<512xi32, #tpu.memory_space<vmem>>, vector<16xi32>,
    tpu.vector_store %arg8[%swap3A_76], %shift_right_logical3A_75 {strides = array<i32>} : memref<512xi32, #tpu.memory_space<vmem>>, vector<16xi32>,
    %and3A_78 = arith.constant 7 : i32
    %and3A_79 = vector.broadcast %and3A_78 : i32 to vector<16xi32>
    %and3A_80 = arith.andi %get3A_72, %and3A_79 : vector<16xi32>
    %swap3A_81 = arith.constant 96 : index
    %swap3A_82 = tpu.vector_load %arg9[%swap3A_81] {strides = array<i32>} : memref<512xi32, #tpu.memory_space<vmem>>, vector<16xi32>,
    tpu.vector_store %arg9[%swap3A_81], %and3A_80 {strides = array<i32>} : memref<512xi32, #tpu.memory_space<vmem>>, vector<16xi32>,
    %get3A_83 = arith.constant 112 : index
    %get3A_84 = tpu.vector_load %arg7[%get3A_83] {strides = array<i32>} : memref<512xi32, #tpu.memory_space<vmem>>, vector<16xi32>,
    %shift_right_logical3A_85 = arith.constant 3 : i32
    %shift_right_logical3A_86 = vector.broadcast %shift_right_logical3A_85 : i32 to vector<16xi32>
    %shift_right_logical3A_87 = arith.shrui %get3A_84, %shift_right_logical3A_86 : vector<16xi32>
    %swap3A_88 = arith.constant 112 : index
    %swap3A_89 = tpu.vector_load %arg8[%swap3A_88] {strides = array<i32>} : memref<512xi32, #tpu.memory_space<vmem>>, vector<16xi32>,
    tpu.vector_store %arg8[%swap3A_88], %shift_right_logical3A_87 {strides = array<i32>} : memref<512xi32, #tpu.memory_space<vmem>>, vector<16xi32>,
    %and3A_90 = arith.constant 7 : i32
    %and3A_91 = vector.broadcast %and3A_90 : i32 to vector<16xi32>
    %and3A_92 = arith.andi %get3A_84, %and3A_91 : vector<16xi32>
    %swap3A_93 = arith.constant 112 : index
    %swap3A_94 = tpu.vector_load %arg9[%swap3A_93] {strides = array<i32>} : memref<512xi32, #tpu.memory_space<vmem>>, vector<16xi32>,
    tpu.vector_store %arg9[%swap3A_93], %and3A_92 {strides = array<i32>} : memref<512xi32, #tpu.memory_space<vmem>>, vector<16xi32>,
    %get3A_95 = arith.constant 128 : index
    %get3A_96 = tpu.vector_load %arg7[%get3A_95] {strides = array<i32>} : memref<512xi32, #tpu.memory_space<vmem>>, vector<16xi32>,
    %shift_right_logical3A_97 = arith.constant 3 : i32
    %shift_right_logical3A_98 = vector.broadcast %shift_right_logical3A_97 : i32 to vector<16xi32>
    %shift_right_logical3A_99 = arith.shrui %get3A_96, %shift_right_logical3A_98 : vector<16xi32>
    %swap3A_100 = arith.constant 128 : index
    %swap3A_101 = tpu.vector_load %arg8[%swap3A_100] {strides = array<i32>} : memref<512xi32, #tpu.memory_space<vmem>>, vector<16xi32>,
    tpu.vector_store %arg8[%swap3A_100], %shift_right_logical3A_99 {strides = array<i32>} : memref<512xi32, #tpu.memory_space<vmem>>, vector<16xi32>,
    %and3A_102 = arith.constant 7 : i32
    %and3A_103 = vector.broadcast %and3A_102 : i32 to vector<16xi32>
    %and3A_104 = arith.andi %get3A_96, %and3A_103 : vector<16xi32>
    %swap3A_105 = arith.constant 128 : index
    %swap3A_106 = tpu.vector_load %arg9[%swap3A_105] {strides = array<i32>} : memref<512xi32, #tpu.memory_space<vmem>>, vector<16xi32>,
    tpu.vector_store %arg9[%swap3A_105], %and3A_104 {strides = array<i32>} : memref<512xi32, #tpu.memory_space<vmem>>, vector<16xi32>,
    %get3A_107 = arith.constant 144 : index
    %get3A_108 = tpu.vector_load %arg7[%get3A_107] {strides = array<i32>} : memref<512xi32, #tpu.memory_space<vmem>>, vector<16xi32>,
    %shift_right_logical3A_109 = arith.constant 3 : i32
    %shift_right_logical3A_110 = vector.broadcast %shift_right_logical3A_109 : i32 to vector<16xi32>
    %shift_right_logical3A_111 = arith.shrui %get3A_108, %shift_right_logical3A_110 : vector<16xi32>
    %swap3A_112 = arith.constant 144 : index
    %swap3A_113 = tpu.vector_load %arg8[%swap3A_112] {strides = array<i32>} : memref<512xi32, #tpu.memory_space<vmem>>, vector<16xi32>,
    tpu.vector_store %arg8[%swap3A_112], %shift_right_logical3A_111 {strides = array<i32>} : memref<512xi32, #tpu.memory_space<vmem>>, vector<16xi32>,
    %and3A_114 = arith.constant 7 : i32
    %and3A_115 = vector.broadcast %and3A_114 : i32 to vector<16xi32>
    %and3A_116 = arith.andi %get3A_108, %and3A_115 : vector<16xi32>
    %swap3A_117 = arith.constant 144 : index
    %swap3A_118 = tpu.vector_load %arg9[%swap3A_117] {strides = array<i32>} : memref<512xi32, #tpu.memory_space<vmem>>, vector<16xi32>,
    tpu.vector_store %arg9[%swap3A_117], %and3A_116 {strides = array<i32>} : memref<512xi32, #tpu.memory_space<vmem>>, vector<16xi32>,
    %get3A_119 = arith.constant 160 : index
    %get3A_120 = tpu.vector_load %arg7[%get3A_119] {strides = array<i32>} : memref<512xi32, #tpu.memory_space<vmem>>, vector<16xi32>,
    %shift_right_logical3A_121 = arith.constant 3 : i32
    %shift_right_logical3A_122 = vector.broadcast %shift_right_logical3A_121 : i32 to vector<16xi32>
    %shift_right_logical3A_123 = arith.shrui %get3A_120, %shift_right_logical3A_122 : vector<16xi32>
    %swap3A_124 = arith.constant 160 : index
    %swap3A_125 = tpu.vector_load %arg8[%swap3A_124] {strides = array<i32>} : memref<512xi32, #tpu.memory_space<vmem>>, vector<16xi32>,
    tpu.vector_store %arg8[%swap3A_124], %shift_right_logical3A_123 {strides = array<i32>} : memref<512xi32, #tpu.memory_space<vmem>>, vector<16xi32>,
    %and3A_126 = arith.constant 7 : i32
    %and3A_127 = vector.broadcast %and3A_126 : i32 to vector<16xi32>
    %and3A_128 = arith.andi %get3A_120, %and3A_127 : vector<16xi32>
    %swap3A_129 = arith.constant 160 : index
    %swap3A_130 = tpu.vector_load %arg9[%swap3A_129] {strides = array<i32>} : memref<512xi32, #tpu.memory_space<vmem>>, vector<16xi32>,
    tpu.vector_store %arg9[%swap3A_129], %and3A_128 {strides = array<i32>} : memref<512xi32, #tpu.memory_space<vmem>>, vector<16xi32>,
    %get3A_131 = arith.constant 176 : index
    %get3A_132 = tpu.vector_load %arg7[%get3A_131] {strides = array<i32>} : memref<512xi32, #tpu.memory_space<vmem>>, vector<16xi32>,
    %shift_right_logical3A_133 = arith.constant 3 : i32
    %shift_right_logical3A_134 = vector.broadcast %shift_right_logical3A_133 : i32 to vector<16xi32>
    %shift_right_logical3A_135 = arith.shrui %get3A_132, %shift_right_logical3A_134 : vector<16xi32>
    %swap3A_136 = arith.constant 176 : index
    %swap3A_137 = tpu.vector_load %arg8[%swap3A_136] {strides = array<i32>} : memref<512xi32, #tpu.memory_space<vmem>>, vector<16xi32>,
    tpu.vector_store %arg8[%swap3A_136], %shift_right_logical3A_135 {strides = array<i32>} : memref<512xi32, #tpu.memory_space<vmem>>, vector<16xi32>,
    %and3A_138 = arith.constant 7 : i32
    %and3A_139 = vector.broadcast %and3A_138 : i32 to vector<16xi32>
    %and3A_140 = arith.andi %get3A_132, %and3A_139 : vector<16xi32>
    %swap3A_141 = arith.constant 176 : index
    %swap3A_142 = tpu.vector_load %arg9[%swap3A_141] {strides = array<i32>} : memref<512xi32, #tpu.memory_space<vmem>>, vector<16xi32>,
    tpu.vector_store %arg9[%swap3A_141], %and3A_140 {strides = array<i32>} : memref<512xi32, #tpu.memory_space<vmem>>, vector<16xi32>,
    %get3A_143 = arith.constant 192 : index
    %get3A_144 = tpu.vector_load %arg7[%get3A_143] {strides = array<i32>} : memref<512xi32, #tpu.memory_space<vmem>>, vector<16xi32>,
    %shift_right_logical3A_145 = arith.constant 3 : i32
    %shift_right_logical3A_146 = vector.broadcast %shift_right_logical3A_145 : i32 to vector<16xi32>
    %shift_right_logical3A_147 = arith.shrui %get3A_144, %shift_right_logical3A_146 : vector<16xi32>
    %swap3A_148 = arith.constant 192 : index
    %swap3A_149 = tpu.vector_load %arg8[%swap3A_148] {strides = array<i32>} : memref<512xi32, #tpu.memory_space<vmem>>, vector<16xi32>,
    tpu.vector_store %arg8[%swap3A_148], %shift_right_logical3A_147 {strides = array<i32>} : memref<512xi32, #tpu.memory_space<vmem>>, vector<16xi32>,
    %and3A_150 = arith.constant 7 : i32
    %and3A_151 = vector.broadcast %and3A_150 : i32 to vector<16xi32>
    %and3A_152 = arith.andi %get3A_144, %and3A_151 : vector<16xi32>
    %swap3A_153 = arith.constant 192 : index
    %swap3A_154 = tpu.vector_load %arg9[%swap3A_153] {strides = array<i32>} : memref<512xi32, #tpu.memory_space<vmem>>, vector<16xi32>,
    tpu.vector_store %arg9[%swap3A_153], %and3A_152 {strides = array<i32>} : memref<512xi32, #tpu.memory_space<vmem>>, vector<16xi32>,
    %get3A_155 = arith.constant 208 : index
    %get3A_156 = tpu.vector_load %arg7[%get3A_155] {strides = array<i32>} : memref<512xi32, #tpu.memory_space<vmem>>, vector<16xi32>,
    %shift_right_logical3A_157 = arith.constant 3 : i32
    %shift_right_logical3A_158 = vector.broadcast %shift_right_logical3A_157 : i32 to vector<16xi32>
    %shift_right_logical3A_159 = arith.shrui %get3A_156, %shift_right_logical3A_158 : vector<16xi32>
    %swap3A_160 = arith.constant 208 : index
    %swap3A_161 = tpu.vector_load %arg8[%swap3A_160] {strides = array<i32>} : memref<512xi32, #tpu.memory_space<vmem>>, vector<16xi32>,
    tpu.vector_store %arg8[%swap3A_160], %shift_right_logical3A_159 {strides = array<i32>} : memref<512xi32, #tpu.memory_space<vmem>>, vector<16xi32>,
    %and3A_162 = arith.constant 7 : i32
    %and3A_163 = vector.broadcast %and3A_162 : i32 to vector<16xi32>
    %and3A_164 = arith.andi %get3A_156, %and3A_163 : vector<16xi32>
    %swap3A_165 = arith.constant 208 : index
    %swap3A_166 = tpu.vector_load %arg9[%swap3A_165] {strides = array<i32>} : memref<512xi32, #tpu.memory_space<vmem>>, vector<16xi32>,
    tpu.vector_store %arg9[%swap3A_165], %and3A_164 {strides = array<i32>} : memref<512xi32, #tpu.memory_space<vmem>>, vector<16xi32>,
    %get3A_167 = arith.constant 224 : index
    %get3A_168 = tpu.vector_load %arg7[%get3A_167] {strides = array<i32>} : memref<512xi32, #tpu.memory_space<vmem>>, vector<16xi32>,
    %shift_right_logical3A_169 = arith.constant 3 : i32
    %shift_right_logical3A_170 = vector.broadcast %shift_right_logical3A_169 : i32 to vector<16xi32>
    %shift_right_logical3A_171 = arith.shrui %get3A_168, %shift_right_logical3A_170 : vector<16xi32>
    %swap3A_172 = arith.constant 224 : index
    %swap3A_173 = tpu.vector_load %arg8[%swap3A_172] {strides = array<i32>} : memref<512xi32, #tpu.memory_space<vmem>>, vector<16xi32>,
    tpu.vector_store %arg8[%swap3A_172], %shift_right_logical3A_171 {strides = array<i32>} : memref<512xi32, #tpu.memory_space<vmem>>, vector<16xi32>,
    %and3A_174 = arith.constant 7 : i32
    %and3A_175 = vector.broadcast %and3A_174 : i32 to vector<16xi32>
    %and3A_176 = arith.andi %get3A_168, %and3A_175 : vector<16xi32>
    %swap3A_177 = arith.constant 224 : index
    %swap3A_178 = tpu.vector_load %arg9[%swap3A_177] {strides = array<i32>} : memref<512xi32, #tpu.memory_space<vmem>>, vector<16xi32>,
    tpu.vector_store %arg9[%swap3A_177], %and3A_176 {strides = array<i32>} : memref<512xi32, #tpu.memory_space<vmem>>, vector<16xi32>,
    %get3A_179 = arith.constant 240 : index
    %get3A_180 = tpu.vector_load %arg7[%get3A_179] {strides = array<i32>} : memref<512xi32, #tpu.memory_space<vmem>>, vector<16xi32>,
    %shift_right_logical3A_181 = arith.constant 3 : i32
    %shift_right_logical3A_182 = vector.broadcast %shift_right_logical3A_181 : i32 to vector<16xi32>
    %shift_right_logical3A_183 = arith.shrui %get3A_180, %shift_right_logical3A_182 : vector<16xi32>
    %swap3A_184 = arith.constant 240 : index
    %swap3A_185 = tpu.vector_load %arg8[%swap3A_184] {strides = array<i32>} : memref<512xi32, #tpu.memory_space<vmem>>, vector<16xi32>,
    tpu.vector_store %arg8[%swap3A_184], %shift_right_logical3A_183 {strides = array<i32>} : memref<512xi32, #tpu.memory_space<vmem>>, vector<16xi32>,
    %and3A_186 = arith.constant 7 : i32
    %and3A_187 = vector.broadcast %and3A_186 : i32 to vector<16xi32>
    %and3A_188 = arith.andi %get3A_180, %and3A_187 : vector<16xi32>
    %swap3A_189 = arith.constant 240 : index
    %swap3A_190 = tpu.vector_load %arg9[%swap3A_189] {strides = array<i32>} : memref<512xi32, #tpu.memory_space<vmem>>, vector<16xi32>,
    tpu.vector_store %arg9[%swap3A_189], %and3A_188 {strides = array<i32>} : memref<512xi32, #tpu.memory_space<vmem>>, vector<16xi32>,
    %get3A_191 = arith.constant 256 : index
    %get3A_192 = tpu.vector_load %arg7[%get3A_191] {strides = array<i32>} : memref<512xi32, #tpu.memory_space<vmem>>, vector<16xi32>,
    %shift_right_logical3A_193 = arith.constant 3 : i32
    %shift_right_logical3A_194 = vector.broadcast %shift_right_logical3A_193 : i32 to vector<16xi32>
    %shift_right_logical3A_195 = arith.shrui %get3A_192, %shift_right_logical3A_194 : vector<16xi32>
    %swap3A_196 = arith.constant 256 : index
    %swap3A_197 = tpu.vector_load %arg8[%swap3A_196] {strides = array<i32>} : memref<512xi32, #tpu.memory_space<vmem>>, vector<16xi32>,
    tpu.vector_store %arg8[%swap3A_196], %shift_right_logical3A_195 {strides = array<i32>} : memref<512xi32, #tpu.memory_space<vmem>>, vector<16xi32>,
    %and3A_198 = arith.constant 7 : i32
    %and3A_199 = vector.broadcast %and3A_198 : i32 to vector<16xi32>
    %and3A_200 = arith.andi %get3A_192, %and3A_199 : vector<16xi32>
    %swap3A_201 = arith.constant 256 : index
    %swap3A_202 = tpu.vector_load %arg9[%swap3A_201] {strides = array<i32>} : memref<512xi32, #tpu.memory_space<vmem>>, vector<16xi32>,
    tpu.vector_store %arg9[%swap3A_201], %and3A_200 {strides = array<i32>} : memref<512xi32, #tpu.memory_space<vmem>>, vector<16xi32>,
    %get3A_203 = arith.constant 272 : index
    %get3A_204 = tpu.vector_load %arg7[%get3A_203] {strides = array<i32>} : memref<512xi32, #tpu.memory_space<vmem>>, vector<16xi32>,
    %shift_right_logical3A_205 = arith.constant 3 : i32
    %shift_right_logical3A_206 = vector.broadcast %shift_right_logical3A_205 : i32 to vector<16xi32>
    %shift_right_logical3A_207 = arith.shrui %get3A_204, %shift_right_logical3A_206 : vector<16xi32>
    %swap3A_208 = arith.constant 272 : index
    %swap3A_209 = tpu.vector_load %arg8[%swap3A_208] {strides = array<i32>} : memref<512xi32, #tpu.memory_space<vmem>>, vector<16xi32>,
    tpu.vector_store %arg8[%swap3A_208], %shift_right_logical3A_207 {strides = array<i32>} : memref<512xi32, #tpu.memory_space<vmem>>, vector<16xi32>,
    %and3A_210 = arith.constant 7 : i32
    %and3A_211 = vector.broadcast %and3A_210 : i32 to vector<16xi32>
    %and3A_212 = arith.andi %get3A_204, %and3A_211 : vector<16xi32>
    %swap3A_213 = arith.constant 272 : index
    %swap3A_214 = tpu.vector_load %arg9[%swap3A_213] {strides = array<i32>} : memref<512xi32, #tpu.memory_space<vmem>>, vector<16xi32>,
    tpu.vector_store %arg9[%swap3A_213], %and3A_212 {strides = array<i32>} : memref<512xi32, #tpu.memory_space<vmem>>, vector<16xi32>,
    %get3A_215 = arith.constant 288 : index
    %get3A_216 = tpu.vector_load %arg7[%get3A_215] {strides = array<i32>} : memref<512xi32, #tpu.memory_space<vmem>>, vector<16xi32>,
    %shift_right_logical3A_217 = arith.constant 3 : i32
    %shift_right_logical3A_218 = vector.broadcast %shift_right_logical3A_217 : i32 to vector<16xi32>
    %shift_right_logical3A_219 = arith.shrui %get3A_216, %shift_right_logical3A_218 : vector<16xi32>
    %swap3A_220 = arith.constant 288 : index
    %swap3A_221 = tpu.vector_load %arg8[%swap3A_220] {strides = array<i32>} : memref<512xi32, #tpu.memory_space<vmem>>, vector<16xi32>,
    tpu.vector_store %arg8[%swap3A_220], %shift_right_logical3A_219 {strides = array<i32>} : memref<512xi32, #tpu.memory_space<vmem>>, vector<16xi32>,
    %and3A_222 = arith.constant 7 : i32
    %and3A_223 = vector.broadcast %and3A_222 : i32 to vector<16xi32>
    %and3A_224 = arith.andi %get3A_216, %and3A_223 : vector<16xi32>
    %swap3A_225 = arith.constant 288 : index
    %swap3A_226 = tpu.vector_load %arg9[%swap3A_225] {strides = array<i32>} : memref<512xi32, #tpu.memory_space<vmem>>, vector<16xi32>,
    tpu.vector_store %arg9[%swap3A_225], %and3A_224 {strides = array<i32>} : memref<512xi32, #tpu.memory_space<vmem>>, vector<16xi32>,
    %get3A_227 = arith.constant 304 : index
    %get3A_228 = tpu.vector_load %arg7[%get3A_227] {strides = array<i32>} : memref<512xi32, #tpu.memory_space<vmem>>, vector<16xi32>,
    %shift_right_logical3A_229 = arith.constant 3 : i32
    %shift_right_logical3A_230 = vector.broadcast %shift_right_logical3A_229 : i32 to vector<16xi32>
    %shift_right_logical3A_231 = arith.shrui %get3A_228, %shift_right_logical3A_230 : vector<16xi32>
    %swap3A_232 = arith.constant 304 : index
    %swap3A_233 = tpu.vector_load %arg8[%swap3A_232] {strides = array<i32>} : memref<512xi32, #tpu.memory_space<vmem>>, vector<16xi32>,
    tpu.vector_store %arg8[%swap3A_232], %shift_right_logical3A_231 {strides = array<i32>} : memref<512xi32, #tpu.memory_space<vmem>>, vector<16xi32>,
    %and3A_234 = arith.constant 7 : i32
    %and3A_235 = vector.broadcast %and3A_234 : i32 to vector<16xi32>
    %and3A_236 = arith.andi %get3A_228, %and3A_235 : vector<16xi32>
    %swap3A_237 = arith.constant 304 : index
    %swap3A_238 = tpu.vector_load %arg9[%swap3A_237] {strides = array<i32>} : memref<512xi32, #tpu.memory_space<vmem>>, vector<16xi32>,
    tpu.vector_store %arg9[%swap3A_237], %and3A_236 {strides = array<i32>} : memref<512xi32, #tpu.memory_space<vmem>>, vector<16xi32>,
    %get3A_239 = arith.constant 320 : index
    %get3A_240 = tpu.vector_load %arg7[%get3A_239] {strides = array<i32>} : memref<512xi32, #tpu.memory_space<vmem>>, vector<16xi32>,
    %shift_right_logical3A_241 = arith.constant 3 : i32
    %shift_right_logical3A_242 = vector.broadcast %shift_right_logical3A_241 : i32 to vector<16xi32>
    %shift_right_logical3A_243 = arith.shrui %get3A_240, %shift_right_logical3A_242 : vector<16xi32>
    %swap3A_244 = arith.constant 320 : index
    %swap3A_245 = tpu.vector_load %arg8[%swap3A_244] {strides = array<i32>} : memref<512xi32, #tpu.memory_space<vmem>>, vector<16xi32>,
    tpu.vector_store %arg8[%swap3A_244], %shift_right_logical3A_243 {strides = array<i32>} : memref<512xi32, #tpu.memory_space<vmem>>, vector<16xi32>,
    %and3A_246 = arith.constant 7 : i32
    %and3A_247 = vector.broadcast %and3A_246 : i32 to vector<16xi32>
    %and3A_248 = arith.andi %get3A_240, %and3A_247 : vector<16xi32>
    %swap3A_249 = arith.constant 320 : index
    %swap3A_250 = tpu.vector_load %arg9[%swap3A_249] {strides = array<i32>} : memref<512xi32, #tpu.memory_space<vmem>>, vector<16xi32>,
    tpu.vector_store %arg9[%swap3A_249], %and3A_248 {strides = array<i32>} : memref<512xi32, #tpu.memory_space<vmem>>, vector<16xi32>,
    %get3A_251 = arith.constant 336 : index
    %get3A_252 = tpu.vector_load %arg7[%get3A_251] {strides = array<i32>} : memref<512xi32, #tpu.memory_space<vmem>>, vector<16xi32>,
    %shift_right_logical3A_253 = arith.constant 3 : i32
    %shift_right_logical3A_254 = vector.broadcast %shift_right_logical3A_253 : i32 to vector<16xi32>
    %shift_right_logical3A_255 = arith.shrui %get3A_252, %shift_right_logical3A_254 : vector<16xi32>
    %swap3A_256 = arith.constant 336 : index
    %swap3A_257 = tpu.vector_load %arg8[%swap3A_256] {strides = array<i32>} : memref<512xi32, #tpu.memory_space<vmem>>, vector<16xi32>,
    tpu.vector_store %arg8[%swap3A_256], %shift_right_logical3A_255 {strides = array<i32>} : memref<512xi32, #tpu.memory_space<vmem>>, vector<16xi32>,
    %and3A_258 = arith.constant 7 : i32
    %and3A_259 = vector.broadcast %and3A_258 : i32 to vector<16xi32>
    %and3A_260 = arith.andi %get3A_252, %and3A_259 : vector<16xi32>
    %swap3A_261 = arith.constant 336 : index
    %swap3A_262 = tpu.vector_load %arg9[%swap3A_261] {strides = array<i32>} : memref<512xi32, #tpu.memory_space<vmem>>, vector<16xi32>,
    tpu.vector_store %arg9[%swap3A_261], %and3A_260 {strides = array<i32>} : memref<512xi32, #tpu.memory_space<vmem>>, vector<16xi32>,
    %get3A_263 = arith.constant 352 : index
    %get3A_264 = tpu.vector_load %arg7[%get3A_263] {strides = array<i32>} : memref<512xi32, #tpu.memory_space<vmem>>, vector<16xi32>,
    %shift_right_logical3A_265 = arith.constant 3 : i32
    %shift_right_logical3A_266 = vector.broadcast %shift_right_logical3A_265 : i32 to vector<16xi32>
    %shift_right_logical3A_267 = arith.shrui %get3A_264, %shift_right_logical3A_266 : vector<16xi32>
    %swap3A_268 = arith.constant 352 : index
    %swap3A_269 = tpu.vector_load %arg8[%swap3A_268] {strides = array<i32>} : memref<512xi32, #tpu.memory_space<vmem>>, vector<16xi32>,
    tpu.vector_store %arg8[%swap3A_268], %shift_right_logical3A_267 {strides = array<i32>} : memref<512xi32, #tpu.memory_space<vmem>>, vector<16xi32>,
    %and3A_270 = arith.constant 7 : i32
    %and3A_271 = vector.broadcast %and3A_270 : i32 to vector<16xi32>
    %and3A_272 = arith.andi %get3A_264, %and3A_271 : vector<16xi32>
    %swap3A_273 = arith.constant 352 : index
    %swap3A_274 = tpu.vector_load %arg9[%swap3A_273] {strides = array<i32>} : memref<512xi32, #tpu.memory_space<vmem>>, vector<16xi32>,
    tpu.vector_store %arg9[%swap3A_273], %and3A_272 {strides = array<i32>} : memref<512xi32, #tpu.memory_space<vmem>>, vector<16xi32>,
    %get3A_275 = arith.constant 368 : index
    %get3A_276 = tpu.vector_load %arg7[%get3A_275] {strides = array<i32>} : memref<512xi32, #tpu.memory_space<vmem>>, vector<16xi32>,
    %shift_right_logical3A_277 = arith.constant 3 : i32
    %shift_right_logical3A_278 = vector.broadcast %shift_right_logical3A_277 : i32 to vector<16xi32>
    %shift_right_logical3A_279 = arith.shrui %get3A_276, %shift_right_logical3A_278 : vector<16xi32>
    %swap3A_280 = arith.constant 368 : index
    %swap3A_281 = tpu.vector_load %arg8[%swap3A_280] {strides = array<i32>} : memref<512xi32, #tpu.memory_space<vmem>>, vector<16xi32>,
    tpu.vector_store %arg8[%swap3A_280], %shift_right_logical3A_279 {strides = array<i32>} : memref<512xi32, #tpu.memory_space<vmem>>, vector<16xi32>,
    %and3A_282 = arith.constant 7 : i32
    %and3A_283 = vector.broadcast %and3A_282 : i32 to vector<16xi32>
    %and3A_284 = arith.andi %get3A_276, %and3A_283 : vector<16xi32>
    %swap3A_285 = arith.constant 368 : index
    %swap3A_286 = tpu.vector_load %arg9[%swap3A_285] {strides = array<i32>} : memref<512xi32, #tpu.memory_space<vmem>>, vector<16xi32>,
    tpu.vector_store %arg9[%swap3A_285], %and3A_284 {strides = array<i32>} : memref<512xi32, #tpu.memory_space<vmem>>, vector<16xi32>,
    %get3A_287 = arith.constant 384 : index
    %get3A_288 = tpu.vector_load %arg7[%get3A_287] {strides = array<i32>} : memref<512xi32, #tpu.memory_space<vmem>>, vector<16xi32>,
    %shift_right_logical3A_289 = arith.constant 3 : i32
    %shift_right_logical3A_290 = vector.broadcast %shift_right_logical3A_289 : i32 to vector<16xi32>
    %shift_right_logical3A_291 = arith.shrui %get3A_288, %shift_right_logical3A_290 : vector<16xi32>
    %swap3A_292 = arith.constant 384 : index
    %swap3A_293 = tpu.vector_load %arg8[%swap3A_292] {strides = array<i32>} : memref<512xi32, #tpu.memory_space<vmem>>, vector<16xi32>,
    tpu.vector_store %arg8[%swap3A_292], %shift_right_logical3A_291 {strides = array<i32>} : memref<512xi32, #tpu.memory_space<vmem>>, vector<16xi32>,
    %and3A_294 = arith.constant 7 : i32
    %and3A_295 = vector.broadcast %and3A_294 : i32 to vector<16xi32>
    %and3A_296 = arith.andi %get3A_288, %and3A_295 : vector<16xi32>
    %swap3A_297 = arith.constant 384 : index
    %swap3A_298 = tpu.vector_load %arg9[%swap3A_297] {strides = array<i32>} : memref<512xi32, #tpu.memory_space<vmem>>, vector<16xi32>,
    tpu.vector_store %arg9[%swap3A_297], %and3A_296 {strides = array<i32>} : memref<512xi32, #tpu.memory_space<vmem>>, vector<16xi32>,
    %get3A_299 = arith.constant 400 : index
    %get3A_300 = tpu.vector_load %arg7[%get3A_299] {strides = array<i32>} : memref<512xi32, #tpu.memory_space<vmem>>, vector<16xi32>,
    %shift_right_logical3A_301 = arith.constant 3 : i32
    %shift_right_logical3A_302 = vector.broadcast %shift_right_logical3A_301 : i32 to vector<16xi32>
    %shift_right_logical3A_303 = arith.shrui %get3A_300, %shift_right_logical3A_302 : vector<16xi32>
    %swap3A_304 = arith.constant 400 : index
    %swap3A_305 = tpu.vector_load %arg8[%swap3A_304] {strides = array<i32>} : memref<512xi32, #tpu.memory_space<vmem>>, vector<16xi32>,
    tpu.vector_store %arg8[%swap3A_304], %shift_right_logical3A_303 {strides = array<i32>} : memref<512xi32, #tpu.memory_space<vmem>>, vector<16xi32>,
    %and3A_306 = arith.constant 7 : i32
    %and3A_307 = vector.broadcast %and3A_306 : i32 to vector<16xi32>
    %and3A_308 = arith.andi %get3A_300, %and3A_307 : vector<16xi32>
    %swap3A_309 = arith.constant 400 : index
    %swap3A_310 = tpu.vector_load %arg9[%swap3A_309] {strides = array<i32>} : memref<512xi32, #tpu.memory_space<vmem>>, vector<16xi32>,
    tpu.vector_store %arg9[%swap3A_309], %and3A_308 {strides = array<i32>} : memref<512xi32, #tpu.memory_space<vmem>>, vector<16xi32>,
    %get3A_311 = arith.constant 416 : index
    %get3A_312 = tpu.vector_load %arg7[%get3A_311] {strides = array<i32>} : memref<512xi32, #tpu.memory_space<vmem>>, vector<16xi32>,
    %shift_right_logical3A_313 = arith.constant 3 : i32
    %shift_right_logical3A_314 = vector.broadcast %shift_right_logical3A_313 : i32 to vector<16xi32>
    %shift_right_logical3A_315 = arith.shrui %get3A_312, %shift_right_logical3A_314 : vector<16xi32>
    %swap3A_316 = arith.constant 416 : index
    %swap3A_317 = tpu.vector_load %arg8[%swap3A_316] {strides = array<i32>} : memref<512xi32, #tpu.memory_space<vmem>>, vector<16xi32>,
    tpu.vector_store %arg8[%swap3A_316], %shift_right_logical3A_315 {strides = array<i32>} : memref<512xi32, #tpu.memory_space<vmem>>, vector<16xi32>,
    %and3A_318 = arith.constant 7 : i32
    %and3A_319 = vector.broadcast %and3A_318 : i32 to vector<16xi32>
    %and3A_320 = arith.andi %get3A_312, %and3A_319 : vector<16xi32>
    %swap3A_321 = arith.constant 416 : index
    %swap3A_322 = tpu.vector_load %arg9[%swap3A_321] {strides = array<i32>} : memref<512xi32, #tpu.memory_space<vmem>>, vector<16xi32>,
    tpu.vector_store %arg9[%swap3A_321], %and3A_320 {strides = array<i32>} : memref<512xi32, #tpu.memory_space<vmem>>, vector<16xi32>,
    %get3A_323 = arith.constant 432 : index
    %get3A_324 = tpu.vector_load %arg7[%get3A_323] {strides = array<i32>} : memref<512xi32, #tpu.memory_space<vmem>>, vector<16xi32>,
    %shift_right_logical3A_325 = arith.constant 3 : i32
    %shift_right_logical3A_326 = vector.broadcast %shift_right_logical3A_325 : i32 to vector<16xi32>
    %shift_right_logical3A_327 = arith.shrui %get3A_324, %shift_right_logical3A_326 : vector<16xi32>
    %swap3A_328 = arith.constant 432 : index
    %swap3A_329 = tpu.vector_load %arg8[%swap3A_328] {strides = array<i32>} : memref<512xi32, #tpu.memory_space<vmem>>, vector<16xi32>,
    tpu.vector_store %arg8[%swap3A_328], %shift_right_logical3A_327 {strides = array<i32>} : memref<512xi32, #tpu.memory_space<vmem>>, vector<16xi32>,
    %and3A_330 = arith.constant 7 : i32
    %and3A_331 = vector.broadcast %and3A_330 : i32 to vector<16xi32>
    %and3A_332 = arith.andi %get3A_324, %and3A_331 : vector<16xi32>
    %swap3A_333 = arith.constant 432 : index
    %swap3A_334 = tpu.vector_load %arg9[%swap3A_333] {strides = array<i32>} : memref<512xi32, #tpu.memory_space<vmem>>, vector<16xi32>,
    tpu.vector_store %arg9[%swap3A_333], %and3A_332 {strides = array<i32>} : memref<512xi32, #tpu.memory_space<vmem>>, vector<16xi32>,
    %get3A_335 = arith.constant 448 : index
    %get3A_336 = tpu.vector_load %arg7[%get3A_335] {strides = array<i32>} : memref<512xi32, #tpu.memory_space<vmem>>, vector<16xi32>,
    %shift_right_logical3A_337 = arith.constant 3 : i32
    %shift_right_logical3A_338 = vector.broadcast %shift_right_logical3A_337 : i32 to vector<16xi32>
    %shift_right_logical3A_339 = arith.shrui %get3A_336, %shift_right_logical3A_338 : vector<16xi32>
    %swap3A_340 = arith.constant 448 : index
    %swap3A_341 = tpu.vector_load %arg8[%swap3A_340] {strides = array<i32>} : memref<512xi32, #tpu.memory_space<vmem>>, vector<16xi32>,
    tpu.vector_store %arg8[%swap3A_340], %shift_right_logical3A_339 {strides = array<i32>} : memref<512xi32, #tpu.memory_space<vmem>>, vector<16xi32>,
    %and3A_342 = arith.constant 7 : i32
    %and3A_343 = vector.broadcast %and3A_342 : i32 to vector<16xi32>
    %and3A_344 = arith.andi %get3A_336, %and3A_343 : vector<16xi32>
    %swap3A_345 = arith.constant 448 : index
    %swap3A_346 = tpu.vector_load %arg9[%swap3A_345] {strides = array<i32>} : memref<512xi32, #tpu.memory_space<vmem>>, vector<16xi32>,
    tpu.vector_store %arg9[%swap3A_345], %and3A_344 {strides = array<i32>} : memref<512xi32, #tpu.memory_space<vmem>>, vector<16xi32>,
    %get3A_347 = arith.constant 464 : index
    %get3A_348 = tpu.vector_load %arg7[%get3A_347] {strides = array<i32>} : memref<512xi32, #tpu.memory_space<vmem>>, vector<16xi32>,
    %shift_right_logical3A_349 = arith.constant 3 : i32
    %shift_right_logical3A_350 = vector.broadcast %shift_right_logical3A_349 : i32 to vector<16xi32>
    %shift_right_logical3A_351 = arith.shrui %get3A_348, %shift_right_logical3A_350 : vector<16xi32>
    %swap3A_352 = arith.constant 464 : index
    %swap3A_353 = tpu.vector_load %arg8[%swap3A_352] {strides = array<i32>} : memref<512xi32, #tpu.memory_space<vmem>>, vector<16xi32>,
    tpu.vector_store %arg8[%swap3A_352], %shift_right_logical3A_351 {strides = array<i32>} : memref<512xi32, #tpu.memory_space<vmem>>, vector<16xi32>,
    %and3A_354 = arith.constant 7 : i32
    %and3A_355 = vector.broadcast %and3A_354 : i32 to vector<16xi32>
    %and3A_356 = arith.andi %get3A_348, %and3A_355 : vector<16xi32>
    %swap3A_357 = arith.constant 464 : index
    %swap3A_358 = tpu.vector_load %arg9[%swap3A_357] {strides = array<i32>} : memref<512xi32, #tpu.memory_space<vmem>>, vector<16xi32>,
    tpu.vector_store %arg9[%swap3A_357], %and3A_356 {strides = array<i32>} : memref<512xi32, #tpu.memory_space<vmem>>, vector<16xi32>,
    %get3A_359 = arith.constant 480 : index
    %get3A_360 = tpu.vector_load %arg7[%get3A_359] {strides = array<i32>} : memref<512xi32, #tpu.memory_space<vmem>>, vector<16xi32>,
    %shift_right_logical3A_361 = arith.constant 3 : i32
    %shift_right_logical3A_362 = vector.broadcast %shift_right_logical3A_361 : i32 to vector<16xi32>
    %shift_right_logical3A_363 = arith.shrui %get3A_360, %shift_right_logical3A_362 : vector<16xi32>
    %swap3A_364 = arith.constant 480 : index
    %swap3A_365 = tpu.vector_load %arg8[%swap3A_364] {strides = array<i32>} : memref<512xi32, #tpu.memory_space<vmem>>, vector<16xi32>,
    tpu.vector_store %arg8[%swap3A_364], %shift_right_logical3A_363 {strides = array<i32>} : memref<512xi32, #tpu.memory_space<vmem>>, vector<16xi32>,
    %and3A_366 = arith.constant 7 : i32
    %and3A_367 = vector.broadcast %and3A_366 : i32 to vector<16xi32>
    %and3A_368 = arith.andi %get3A_360, %and3A_367 : vector<16xi32>
    %swap3A_369 = arith.constant 480 : index
    %swap3A_370 = tpu.vector_load %arg9[%swap3A_369] {strides = array<i32>} : memref<512xi32, #tpu.memory_space<vmem>>, vector<16xi32>,
    tpu.vector_store %arg9[%swap3A_369], %and3A_368 {strides = array<i32>} : memref<512xi32, #tpu.memory_space<vmem>>, vector<16xi32>,
    %get3A_371 = arith.constant 496 : index
    %get3A_372 = tpu.vector_load %arg7[%get3A_371] {strides = array<i32>} : memref<512xi32, #tpu.memory_space<vmem>>, vector<16xi32>,
    %shift_right_logical3A_373 = arith.constant 3 : i32
    %shift_right_logical3A_374 = vector.broadcast %shift_right_logical3A_373 : i32 to vector<16xi32>
    %shift_right_logical3A_375 = arith.shrui %get3A_372, %shift_right_logical3A_374 : vector<16xi32>
    %swap3A_376 = arith.constant 496 : index
    %swap3A_377 = tpu.vector_load %arg8[%swap3A_376] {strides = array<i32>} : memref<512xi32, #tpu.memory_space<vmem>>, vector<16xi32>,
    tpu.vector_store %arg8[%swap3A_376], %shift_right_logical3A_375 {strides = array<i32>} : memref<512xi32, #tpu.memory_space<vmem>>, vector<16xi32>,
    %and3A_378 = arith.constant 7 : i32
    %and3A_379 = vector.broadcast %and3A_378 : i32 to vector<16xi32>
    %and3A_380 = arith.andi %get3A_372, %and3A_379 : vector<16xi32>
    %swap3A_381 = arith.constant 496 : index
    %swap3A_382 = tpu.vector_load %arg9[%swap3A_381] {strides = array<i32>} : memref<512xi32, #tpu.memory_space<vmem>>, vector<16xi32>,
    tpu.vector_store %arg9[%swap3A_381], %and3A_380 {strides = array<i32>} : memref<512xi32, #tpu.memory_space<vmem>>, vector<16xi32>,
    %iota3A = tpu.iota {dimensions = array<i32: 0>} : vector<16xi32>
    %get3A_383 = arith.constant 0 : index
    %get3A_384 = tpu.vector_load %arg8[%get3A_383] {strides = array<i32>} : memref<512xi32, #tpu.memory_space<vmem>>, vector<16xi32>,
    %slice3A = vector.extract_strided_slice %get3A_384 {offsets = [0], sizes = [1], strides = [1]} : vector<16xi32> to vector<1xi32>
    %squeeze3A = vector.extract %slice3A[0] : i32 from vector<1xi32>
    %dma_start3A = arith.constant 0 : i32
    %dma_start3A_385 = arith.constant 0 : i32
    %dma_start3A_386 = arith.constant 0 : i32
    %dma_start3A_387 = tpu.memref_slice %arg10[%dma_start3A, %dma_start3A_385, %dma_start3A_386] : memref<32x8x32xf32, #tpu.memory_space<vmem>> -> memref<1x8x32xf32, #tpu.memory_space<vmem>>
    %dma_start3A_388 = arith.constant 0 : i32
    %dma_start3A_389 = arith.constant 0 : i32
    %dma_start3A_390 = tpu.memref_slice %arg3[%squeeze3A, %dma_start3A_388, %dma_start3A_389] : memref<125000x8x32xf32, #tpu.memory_space<hbm>> -> memref<1x8x32xf32, #tpu.memory_space<hbm>>
    %dma_start3A_391 = arith.constant 0 : i32
    %dma_start3A_392 = arith.constant 0 : i32
    %dma_start3A_393 = arith.constant 0 : i32
    %dma_start3A_394 = tpu.memref_slice %arg10[%dma_start3A_391, %dma_start3A_392, %dma_start3A_393] : memref<32x8x32xf32, #tpu.memory_space<vmem>> -> memref<1x8x32xf32, #tpu.memory_space<vmem>>
    %dma_start3A_395 = arith.constant 0 : i32
    %dma_start3A_396 = arith.constant 0 : i32
    %dma_start3A_397 = tpu.memref_slice %arg3[%squeeze3A, %dma_start3A_395, %dma_start3A_396] : memref<125000x8x32xf32, #tpu.memory_space<hbm>> -> memref<1x8x32xf32, #tpu.memory_space<hbm>>
    tpu.enqueue_dma source(%dma_start3A_397 : memref<1x8x32xf32, #tpu.memory_space<hbm>>) target(%dma_start3A_394 : memref<1x8x32xf32, #tpu.memory_space<vmem>>) target_semaphore(%arg12 : memref<!tpu.dma_semaphore, #tpu.memory_space<semaphore_mem>>)
    %slice3A_398 = vector.extract_strided_slice %get3A_384 {offsets = [1], sizes = [1], strides = [1]} : vector<16xi32> to vector<1xi32>
    %squeeze3A_399 = vector.extract %slice3A_398[0] : i32 from vector<1xi32>
    %dma_start3A_400 = arith.constant 1 : i32
    %dma_start3A_401 = arith.constant 0 : i32
    %dma_start3A_402 = arith.constant 0 : i32
    %dma_start3A_403 = tpu.memref_slice %arg10[%dma_start3A_400, %dma_start3A_401, %dma_start3A_402] : memref<32x8x32xf32, #tpu.memory_space<vmem>> -> memref<1x8x32xf32, #tpu.memory_space<vmem>>
    %dma_start3A_404 = arith.constant 0 : i32
    %dma_start3A_405 = arith.constant 0 : i32
    %dma_start3A_406 = tpu.memref_slice %arg3[%squeeze3A_399, %dma_start3A_404, %dma_start3A_405] : memref<125000x8x32xf32, #tpu.memory_space<hbm>> -> memref<1x8x32xf32, #tpu.memory_space<hbm>>
    %dma_start3A_407 = arith.constant 1 : i32
    %dma_start3A_408 = arith.constant 0 : i32
    %dma_start3A_409 = arith.constant 0 : i32
    %dma_start3A_410 = tpu.memref_slice %arg10[%dma_start3A_407, %dma_start3A_408, %dma_start3A_409] : memref<32x8x32xf32, #tpu.memory_space<vmem>> -> memref<1x8x32xf32, #tpu.memory_space<vmem>>
    %dma_start3A_411 = arith.constant 0 : i32
    %dma_start3A_412 = arith.constant 0 : i32
    %dma_start3A_413 = tpu.memref_slice %arg3[%squeeze3A_399, %dma_start3A_411, %dma_start3A_412] : memref<125000x8x32xf32, #tpu.memory_space<hbm>> -> memref<1x8x32xf32, #tpu.memory_space<hbm>>
    tpu.enqueue_dma source(%dma_start3A_413 : memref<1x8x32xf32, #tpu.memory_space<hbm>>) target(%dma_start3A_410 : memref<1x8x32xf32, #tpu.memory_space<vmem>>) target_semaphore(%arg12 : memref<!tpu.dma_semaphore, #tpu.memory_space<semaphore_mem>>)
    %slice3A_414 = vector.extract_strided_slice %get3A_384 {offsets = [2], sizes = [1], strides = [1]} : vector<16xi32> to vector<1xi32>
    %squeeze3A_415 = vector.extract %slice3A_414[0] : i32 from vector<1xi32>
    %dma_start3A_416 = arith.constant 2 : i32
    %dma_start3A_417 = arith.constant 0 : i32
    %dma_start3A_418 = arith.constant 0 : i32
    %dma_start3A_419 = tpu.memref_slice %arg10[%dma_start3A_416, %dma_start3A_417, %dma_start3A_418] : memref<32x8x32xf32, #tpu.memory_space<vmem>> -> memref<1x8x32xf32, #tpu.memory_space<vmem>>
    %dma_start3A_420 = arith.constant 0 : i32
    %dma_start3A_421 = arith.constant 0 : i32
    %dma_start3A_422 = tpu.memref_slice %arg3[%squeeze3A_415, %dma_start3A_420, %dma_start3A_421] : memref<125000x8x32xf32, #tpu.memory_space<hbm>> -> memref<1x8x32xf32, #tpu.memory_space<hbm>>
    %dma_start3A_423 = arith.constant 2 : i32
    %dma_start3A_424 = arith.constant 0 : i32
    %dma_start3A_425 = arith.constant 0 : i32
    %dma_start3A_426 = tpu.memref_slice %arg10[%dma_start3A_423, %dma_start3A_424, %dma_start3A_425] : memref<32x8x32xf32, #tpu.memory_space<vmem>> -> memref<1x8x32xf32, #tpu.memory_space<vmem>>
    %dma_start3A_427 = arith.constant 0 : i32
    %dma_start3A_428 = arith.constant 0 : i32
    %dma_start3A_429 = tpu.memref_slice %arg3[%squeeze3A_415, %dma_start3A_427, %dma_start3A_428] : memref<125000x8x32xf32, #tpu.memory_space<hbm>> -> memref<1x8x32xf32, #tpu.memory_space<hbm>>
    tpu.enqueue_dma source(%dma_start3A_429 : memref<1x8x32xf32, #tpu.memory_space<hbm>>) target(%dma_start3A_426 : memref<1x8x32xf32, #tpu.memory_space<vmem>>) target_semaphore(%arg12 : memref<!tpu.dma_semaphore, #tpu.memory_space<semaphore_mem>>)
    %slice3A_430 = vector.extract_strided_slice %get3A_384 {offsets = [3], sizes = [1], strides = [1]} : vector<16xi32> to vector<1xi32>
    %squeeze3A_431 = vector.extract %slice3A_430[0] : i32 from vector<1xi32>
    %dma_start3A_432 = arith.constant 3 : i32
    %dma_start3A_433 = arith.constant 0 : i32
    %dma_start3A_434 = arith.constant 0 : i32
    %dma_start3A_435 = tpu.memref_slice %arg10[%dma_start3A_432, %dma_start3A_433, %dma_start3A_434] : memref<32x8x32xf32, #tpu.memory_space<vmem>> -> memref<1x8x32xf32, #tpu.memory_space<vmem>>
    %dma_start3A_436 = arith.constant 0 : i32
    %dma_start3A_437 = arith.constant 0 : i32
    %dma_start3A_438 = tpu.memref_slice %arg3[%squeeze3A_431, %dma_start3A_436, %dma_start3A_437] : memref<125000x8x32xf32, #tpu.memory_space<hbm>> -> memref<1x8x32xf32, #tpu.memory_space<hbm>>
    %dma_start3A_439 = arith.constant 3 : i32
    %dma_start3A_440 = arith.constant 0 : i32
    %dma_start3A_441 = arith.constant 0 : i32
    %dma_start3A_442 = tpu.memref_slice %arg10[%dma_start3A_439, %dma_start3A_440, %dma_start3A_441] : memref<32x8x32xf32, #tpu.memory_space<vmem>> -> memref<1x8x32xf32, #tpu.memory_space<vmem>>
    %dma_start3A_443 = arith.constant 0 : i32
    %dma_start3A_444 = arith.constant 0 : i32
    %dma_start3A_445 = tpu.memref_slice %arg3[%squeeze3A_431, %dma_start3A_443, %dma_start3A_444] : memref<125000x8x32xf32, #tpu.memory_space<hbm>> -> memref<1x8x32xf32, #tpu.memory_space<hbm>>
    tpu.enqueue_dma source(%dma_start3A_445 : memref<1x8x32xf32, #tpu.memory_space<hbm>>) target(%dma_start3A_442 : memref<1x8x32xf32, #tpu.memory_space<vmem>>) target_semaphore(%arg12 : memref<!tpu.dma_semaphore, #tpu.memory_space<semaphore_mem>>)
    %slice3A_446 = vector.extract_strided_slice %get3A_384 {offsets = [4], sizes = [1], strides = [1]} : vector<16xi32> to vector<1xi32>
    %squeeze3A_447 = vector.extract %slice3A_446[0] : i32 from vector<1xi32>
    %dma_start3A_448 = arith.constant 4 : i32
    %dma_start3A_449 = arith.constant 0 : i32
    %dma_start3A_450 = arith.constant 0 : i32
    %dma_start3A_451 = tpu.memref_slice %arg10[%dma_start3A_448, %dma_start3A_449, %dma_start3A_450] : memref<32x8x32xf32, #tpu.memory_space<vmem>> -> memref<1x8x32xf32, #tpu.memory_space<vmem>>
    %dma_start3A_452 = arith.constant 0 : i32
    %dma_start3A_453 = arith.constant 0 : i32
    %dma_start3A_454 = tpu.memref_slice %arg3[%squeeze3A_447, %dma_start3A_452, %dma_start3A_453] : memref<125000x8x32xf32, #tpu.memory_space<hbm>> -> memref<1x8x32xf32, #tpu.memory_space<hbm>>
    %dma_start3A_455 = arith.constant 4 : i32
    %dma_start3A_456 = arith.constant 0 : i32
    %dma_start3A_457 = arith.constant 0 : i32
    %dma_start3A_458 = tpu.memref_slice %arg10[%dma_start3A_455, %dma_start3A_456, %dma_start3A_457] : memref<32x8x32xf32, #tpu.memory_space<vmem>> -> memref<1x8x32xf32, #tpu.memory_space<vmem>>
    %dma_start3A_459 = arith.constant 0 : i32
    %dma_start3A_460 = arith.constant 0 : i32
    %dma_start3A_461 = tpu.memref_slice %arg3[%squeeze3A_447, %dma_start3A_459, %dma_start3A_460] : memref<125000x8x32xf32, #tpu.memory_space<hbm>> -> memref<1x8x32xf32, #tpu.memory_space<hbm>>
    tpu.enqueue_dma source(%dma_start3A_461 : memref<1x8x32xf32, #tpu.memory_space<hbm>>) target(%dma_start3A_458 : memref<1x8x32xf32, #tpu.memory_space<vmem>>) target_semaphore(%arg12 : memref<!tpu.dma_semaphore, #tpu.memory_space<semaphore_mem>>)
    %slice3A_462 = vector.extract_strided_slice %get3A_384 {offsets = [5], sizes = [1], strides = [1]} : vector<16xi32> to vector<1xi32>
    %squeeze3A_463 = vector.extract %slice3A_462[0] : i32 from vector<1xi32>
    %dma_start3A_464 = arith.constant 5 : i32
    %dma_start3A_465 = arith.constant 0 : i32
    %dma_start3A_466 = arith.constant 0 : i32
    %dma_start3A_467 = tpu.memref_slice %arg10[%dma_start3A_464, %dma_start3A_465, %dma_start3A_466] : memref<32x8x32xf32, #tpu.memory_space<vmem>> -> memref<1x8x32xf32, #tpu.memory_space<vmem>>
    %dma_start3A_468 = arith.constant 0 : i32
    %dma_start3A_469 = arith.constant 0 : i32
    %dma_start3A_470 = tpu.memref_slice %arg3[%squeeze3A_463, %dma_start3A_468, %dma_start3A_469] : memref<125000x8x32xf32, #tpu.memory_space<hbm>> -> memref<1x8x32xf32, #tpu.memory_space<hbm>>
    %dma_start3A_471 = arith.constant 5 : i32
    %dma_start3A_472 = arith.constant 0 : i32
    %dma_start3A_473 = arith.constant 0 : i32
    %dma_start3A_474 = tpu.memref_slice %arg10[%dma_start3A_471, %dma_start3A_472, %dma_start3A_473] : memref<32x8x32xf32, #tpu.memory_space<vmem>> -> memref<1x8x32xf32, #tpu.memory_space<vmem>>
    %dma_start3A_475 = arith.constant 0 : i32
    %dma_start3A_476 = arith.constant 0 : i32
    %dma_start3A_477 = tpu.memref_slice %arg3[%squeeze3A_463, %dma_start3A_475, %dma_start3A_476] : memref<125000x8x32xf32, #tpu.memory_space<hbm>> -> memref<1x8x32xf32, #tpu.memory_space<hbm>>
    tpu.enqueue_dma source(%dma_start3A_477 : memref<1x8x32xf32, #tpu.memory_space<hbm>>) target(%dma_start3A_474 : memref<1x8x32xf32, #tpu.memory_space<vmem>>) target_semaphore(%arg12 : memref<!tpu.dma_semaphore, #tpu.memory_space<semaphore_mem>>)
    %slice3A_478 = vector.extract_strided_slice %get3A_384 {offsets = [6], sizes = [1], strides = [1]} : vector<16xi32> to vector<1xi32>
    %squeeze3A_479 = vector.extract %slice3A_478[0] : i32 from vector<1xi32>
    %dma_start3A_480 = arith.constant 6 : i32
    %dma_start3A_481 = arith.constant 0 : i32
    %dma_start3A_482 = arith.constant 0 : i32
    %dma_start3A_483 = tpu.memref_slice %arg10[%dma_start3A_480, %dma_start3A_481, %dma_start3A_482] : memref<32x8x32xf32, #tpu.memory_space<vmem>> -> memref<1x8x32xf32, #tpu.memory_space<vmem>>
    %dma_start3A_484 = arith.constant 0 : i32
    %dma_start3A_485 = arith.constant 0 : i32
    %dma_start3A_486 = tpu.memref_slice %arg3[%squeeze3A_479, %dma_start3A_484, %dma_start3A_485] : memref<125000x8x32xf32, #tpu.memory_space<hbm>> -> memref<1x8x32xf32, #tpu.memory_space<hbm>>
    %dma_start3A_487 = arith.constant 6 : i32
    %dma_start3A_488 = arith.constant 0 : i32
    %dma_start3A_489 = arith.constant 0 : i32
    %dma_start3A_490 = tpu.memref_slice %arg10[%dma_start3A_487, %dma_start3A_488, %dma_start3A_489] : memref<32x8x32xf32, #tpu.memory_space<vmem>> -> memref<1x8x32xf32, #tpu.memory_space<vmem>>
    %dma_start3A_491 = arith.constant 0 : i32
    %dma_start3A_492 = arith.constant 0 : i32
    %dma_start3A_493 = tpu.memref_slice %arg3[%squeeze3A_479, %dma_start3A_491, %dma_start3A_492] : memref<125000x8x32xf32, #tpu.memory_space<hbm>> -> memref<1x8x32xf32, #tpu.memory_space<hbm>>
    tpu.enqueue_dma source(%dma_start3A_493 : memref<1x8x32xf32, #tpu.memory_space<hbm>>) target(%dma_start3A_490 : memref<1x8x32xf32, #tpu.memory_space<vmem>>) target_semaphore(%arg12 : memref<!tpu.dma_semaphore, #tpu.memory_space<semaphore_mem>>)
    %slice3A_494 = vector.extract_strided_slice %get3A_384 {offsets = [7], sizes = [1], strides = [1]} : vector<16xi32> to vector<1xi32>
    %squeeze3A_495 = vector.extract %slice3A_494[0] : i32 from vector<1xi32>
    %dma_start3A_496 = arith.constant 7 : i32
    %dma_start3A_497 = arith.constant 0 : i32
    %dma_start3A_498 = arith.constant 0 : i32
    %dma_start3A_499 = tpu.memref_slice %arg10[%dma_start3A_496, %dma_start3A_497, %dma_start3A_498] : memref<32x8x32xf32, #tpu.memory_space<vmem>> -> memref<1x8x32xf32, #tpu.memory_space<vmem>>
    %dma_start3A_500 = arith.constant 0 : i32
    %dma_start3A_501 = arith.constant 0 : i32
    %dma_start3A_502 = tpu.memref_slice %arg3[%squeeze3A_495, %dma_start3A_500, %dma_start3A_501] : memref<125000x8x32xf32, #tpu.memory_space<hbm>> -> memref<1x8x32xf32, #tpu.memory_space<hbm>>
    %dma_start3A_503 = arith.constant 7 : i32
    %dma_start3A_504 = arith.constant 0 : i32
    %dma_start3A_505 = arith.constant 0 : i32
    %dma_start3A_506 = tpu.memref_slice %arg10[%dma_start3A_503, %dma_start3A_504, %dma_start3A_505] : memref<32x8x32xf32, #tpu.memory_space<vmem>> -> memref<1x8x32xf32, #tpu.memory_space<vmem>>
    %dma_start3A_507 = arith.constant 0 : i32
    %dma_start3A_508 = arith.constant 0 : i32
    %dma_start3A_509 = tpu.memref_slice %arg3[%squeeze3A_495, %dma_start3A_507, %dma_start3A_508] : memref<125000x8x32xf32, #tpu.memory_space<hbm>> -> memref<1x8x32xf32, #tpu.memory_space<hbm>>
    tpu.enqueue_dma source(%dma_start3A_509 : memref<1x8x32xf32, #tpu.memory_space<hbm>>) target(%dma_start3A_506 : memref<1x8x32xf32, #tpu.memory_space<vmem>>) target_semaphore(%arg12 : memref<!tpu.dma_semaphore, #tpu.memory_space<semaphore_mem>>)
    %slice3A_510 = vector.extract_strided_slice %get3A_384 {offsets = [8], sizes = [1], strides = [1]} : vector<16xi32> to vector<1xi32>
    %squeeze3A_511 = vector.extract %slice3A_510[0] : i32 from vector<1xi32>
    %dma_start3A_512 = arith.constant 8 : i32
    %dma_start3A_513 = arith.constant 0 : i32
    %dma_start3A_514 = arith.constant 0 : i32
    %dma_start3A_515 = tpu.memref_slice %arg10[%dma_start3A_512, %dma_start3A_513, %dma_start3A_514] : memref<32x8x32xf32, #tpu.memory_space<vmem>> -> memref<1x8x32xf32, #tpu.memory_space<vmem>>
    %dma_start3A_516 = arith.constant 0 : i32
    %dma_start3A_517 = arith.constant 0 : i32
    %dma_start3A_518 = tpu.memref_slice %arg3[%squeeze3A_511, %dma_start3A_516, %dma_start3A_517] : memref<125000x8x32xf32, #tpu.memory_space<hbm>> -> memref<1x8x32xf32, #tpu.memory_space<hbm>>
    %dma_start3A_519 = arith.constant 8 : i32
    %dma_start3A_520 = arith.constant 0 : i32
    %dma_start3A_521 = arith.constant 0 : i32
    %dma_start3A_522 = tpu.memref_slice %arg10[%dma_start3A_519, %dma_start3A_520, %dma_start3A_521] : memref<32x8x32xf32, #tpu.memory_space<vmem>> -> memref<1x8x32xf32, #tpu.memory_space<vmem>>
    %dma_start3A_523 = arith.constant 0 : i32
    %dma_start3A_524 = arith.constant 0 : i32
    %dma_start3A_525 = tpu.memref_slice %arg3[%squeeze3A_511, %dma_start3A_523, %dma_start3A_524] : memref<125000x8x32xf32, #tpu.memory_space<hbm>> -> memref<1x8x32xf32, #tpu.memory_space<hbm>>
    tpu.enqueue_dma source(%dma_start3A_525 : memref<1x8x32xf32, #tpu.memory_space<hbm>>) target(%dma_start3A_522 : memref<1x8x32xf32, #tpu.memory_space<vmem>>) target_semaphore(%arg12 : memref<!tpu.dma_semaphore, #tpu.memory_space<semaphore_mem>>)
    %slice3A_526 = vector.extract_strided_slice %get3A_384 {offsets = [9], sizes = [1], strides = [1]} : vector<16xi32> to vector<1xi32>
    %squeeze3A_527 = vector.extract %slice3A_526[0] : i32 from vector<1xi32>
    %dma_start3A_528 = arith.constant 9 : i32
    %dma_start3A_529 = arith.constant 0 : i32
    %dma_start3A_530 = arith.constant 0 : i32
    %dma_start3A_531 = tpu.memref_slice %arg10[%dma_start3A_528, %dma_start3A_529, %dma_start3A_530] : memref<32x8x32xf32, #tpu.memory_space<vmem>> -> memref<1x8x32xf32, #tpu.memory_space<vmem>>
    %dma_start3A_532 = arith.constant 0 : i32
    %dma_start3A_533 = arith.constant 0 : i32
    %dma_start3A_534 = tpu.memref_slice %arg3[%squeeze3A_527, %dma_start3A_532, %dma_start3A_533] : memref<125000x8x32xf32, #tpu.memory_space<hbm>> -> memref<1x8x32xf32, #tpu.memory_space<hbm>>
    %dma_start3A_535 = arith.constant 9 : i32
    %dma_start3A_536 = arith.constant 0 : i32
    %dma_start3A_537 = arith.constant 0 : i32
    %dma_start3A_538 = tpu.memref_slice %arg10[%dma_start3A_535, %dma_start3A_536, %dma_start3A_537] : memref<32x8x32xf32, #tpu.memory_space<vmem>> -> memref<1x8x32xf32, #tpu.memory_space<vmem>>
    %dma_start3A_539 = arith.constant 0 : i32
    %dma_start3A_540 = arith.constant 0 : i32
    %dma_start3A_541 = tpu.memref_slice %arg3[%squeeze3A_527, %dma_start3A_539, %dma_start3A_540] : memref<125000x8x32xf32, #tpu.memory_space<hbm>> -> memref<1x8x32xf32, #tpu.memory_space<hbm>>
    tpu.enqueue_dma source(%dma_start3A_541 : memref<1x8x32xf32, #tpu.memory_space<hbm>>) target(%dma_start3A_538 : memref<1x8x32xf32, #tpu.memory_space<vmem>>) target_semaphore(%arg12 : memref<!tpu.dma_semaphore, #tpu.memory_space<semaphore_mem>>)
    %slice3A_542 = vector.extract_strided_slice %get3A_384 {offsets = [10], sizes = [1], strides = [1]} : vector<16xi32> to vector<1xi32>
    %squeeze3A_543 = vector.extract %slice3A_542[0] : i32 from vector<1xi32>
    %dma_start3A_544 = arith.constant 10 : i32
    %dma_start3A_545 = arith.constant 0 : i32
    %dma_start3A_546 = arith.constant 0 : i32
    %dma_start3A_547 = tpu.memref_slice %arg10[%dma_start3A_544, %dma_start3A_545, %dma_start3A_546] : memref<32x8x32xf32, #tpu.memory_space<vmem>> -> memref<1x8x32xf32, #tpu.memory_space<vmem>>
    %dma_start3A_548 = arith.constant 0 : i32
    %dma_start3A_549 = arith.constant 0 : i32
    %dma_start3A_550 = tpu.memref_slice %arg3[%squeeze3A_543, %dma_start3A_548, %dma_start3A_549] : memref<125000x8x32xf32, #tpu.memory_space<hbm>> -> memref<1x8x32xf32, #tpu.memory_space<hbm>>
    %dma_start3A_551 = arith.constant 10 : i32
    %dma_start3A_552 = arith.constant 0 : i32
    %dma_start3A_553 = arith.constant 0 : i32
    %dma_start3A_554 = tpu.memref_slice %arg10[%dma_start3A_551, %dma_start3A_552, %dma_start3A_553] : memref<32x8x32xf32, #tpu.memory_space<vmem>> -> memref<1x8x32xf32, #tpu.memory_space<vmem>>
    %dma_start3A_555 = arith.constant 0 : i32
    %dma_start3A_556 = arith.constant 0 : i32
    %dma_start3A_557 = tpu.memref_slice %arg3[%squeeze3A_543, %dma_start3A_555, %dma_start3A_556] : memref<125000x8x32xf32, #tpu.memory_space<hbm>> -> memref<1x8x32xf32, #tpu.memory_space<hbm>>
    tpu.enqueue_dma source(%dma_start3A_557 : memref<1x8x32xf32, #tpu.memory_space<hbm>>) target(%dma_start3A_554 : memref<1x8x32xf32, #tpu.memory_space<vmem>>) target_semaphore(%arg12 : memref<!tpu.dma_semaphore, #tpu.memory_space<semaphore_mem>>)
    %slice3A_558 = vector.extract_strided_slice %get3A_384 {offsets = [11], sizes = [1], strides = [1]} : vector<16xi32> to vector<1xi32>
    %squeeze3A_559 = vector.extract %slice3A_558[0] : i32 from vector<1xi32>
    %dma_start3A_560 = arith.constant 11 : i32
    %dma_start3A_561 = arith.constant 0 : i32
    %dma_start3A_562 = arith.constant 0 : i32
    %dma_start3A_563 = tpu.memref_slice %arg10[%dma_start3A_560, %dma_start3A_561, %dma_start3A_562] : memref<32x8x32xf32, #tpu.memory_space<vmem>> -> memref<1x8x32xf32, #tpu.memory_space<vmem>>
    %dma_start3A_564 = arith.constant 0 : i32
    %dma_start3A_565 = arith.constant 0 : i32
    %dma_start3A_566 = tpu.memref_slice %arg3[%squeeze3A_559, %dma_start3A_564, %dma_start3A_565] : memref<125000x8x32xf32, #tpu.memory_space<hbm>> -> memref<1x8x32xf32, #tpu.memory_space<hbm>>
    %dma_start3A_567 = arith.constant 11 : i32
    %dma_start3A_568 = arith.constant 0 : i32
    %dma_start3A_569 = arith.constant 0 : i32
    %dma_start3A_570 = tpu.memref_slice %arg10[%dma_start3A_567, %dma_start3A_568, %dma_start3A_569] : memref<32x8x32xf32, #tpu.memory_space<vmem>> -> memref<1x8x32xf32, #tpu.memory_space<vmem>>
    %dma_start3A_571 = arith.constant 0 : i32
    %dma_start3A_572 = arith.constant 0 : i32
    %dma_start3A_573 = tpu.memref_slice %arg3[%squeeze3A_559, %dma_start3A_571, %dma_start3A_572] : memref<125000x8x32xf32, #tpu.memory_space<hbm>> -> memref<1x8x32xf32, #tpu.memory_space<hbm>>
    tpu.enqueue_dma source(%dma_start3A_573 : memref<1x8x32xf32, #tpu.memory_space<hbm>>) target(%dma_start3A_570 : memref<1x8x32xf32, #tpu.memory_space<vmem>>) target_semaphore(%arg12 : memref<!tpu.dma_semaphore, #tpu.memory_space<semaphore_mem>>)
    %slice3A_574 = vector.extract_strided_slice %get3A_384 {offsets = [12], sizes = [1], strides = [1]} : vector<16xi32> to vector<1xi32>
    %squeeze3A_575 = vector.extract %slice3A_574[0] : i32 from vector<1xi32>
    %dma_start3A_576 = arith.constant 12 : i32
    %dma_start3A_577 = arith.constant 0 : i32
    %dma_start3A_578 = arith.constant 0 : i32
    %dma_start3A_579 = tpu.memref_slice %arg10[%dma_start3A_576, %dma_start3A_577, %dma_start3A_578] : memref<32x8x32xf32, #tpu.memory_space<vmem>> -> memref<1x8x32xf32, #tpu.memory_space<vmem>>
    %dma_start3A_580 = arith.constant 0 : i32
    %dma_start3A_581 = arith.constant 0 : i32
    %dma_start3A_582 = tpu.memref_slice %arg3[%squeeze3A_575, %dma_start3A_580, %dma_start3A_581] : memref<125000x8x32xf32, #tpu.memory_space<hbm>> -> memref<1x8x32xf32, #tpu.memory_space<hbm>>
    %dma_start3A_583 = arith.constant 12 : i32
    %dma_start3A_584 = arith.constant 0 : i32
    %dma_start3A_585 = arith.constant 0 : i32
    %dma_start3A_586 = tpu.memref_slice %arg10[%dma_start3A_583, %dma_start3A_584, %dma_start3A_585] : memref<32x8x32xf32, #tpu.memory_space<vmem>> -> memref<1x8x32xf32, #tpu.memory_space<vmem>>
    %dma_start3A_587 = arith.constant 0 : i32
    %dma_start3A_588 = arith.constant 0 : i32
    %dma_start3A_589 = tpu.memref_slice %arg3[%squeeze3A_575, %dma_start3A_587, %dma_start3A_588] : memref<125000x8x32xf32, #tpu.memory_space<hbm>> -> memref<1x8x32xf32, #tpu.memory_space<hbm>>
    tpu.enqueue_dma source(%dma_start3A_589 : memref<1x8x32xf32, #tpu.memory_space<hbm>>) target(%dma_start3A_586 : memref<1x8x32xf32, #tpu.memory_space<vmem>>) target_semaphore(%arg12 : memref<!tpu.dma_semaphore, #tpu.memory_space<semaphore_mem>>)
    %slice3A_590 = vector.extract_strided_slice %get3A_384 {offsets = [13], sizes = [1], strides = [1]} : vector<16xi32> to vector<1xi32>
    %squeeze3A_591 = vector.extract %slice3A_590[0] : i32 from vector<1xi32>
    %dma_start3A_592 = arith.constant 13 : i32
    %dma_start3A_593 = arith.constant 0 : i32
    %dma_start3A_594 = arith.constant 0 : i32
    %dma_start3A_595 = tpu.memref_slice %arg10[%dma_start3A_592, %dma_start3A_593, %dma_start3A_594] : memref<32x8x32xf32, #tpu.memory_space<vmem>> -> memref<1x8x32xf32, #tpu.memory_space<vmem>>
    %dma_start3A_596 = arith.constant 0 : i32
    %dma_start3A_597 = arith.constant 0 : i32
    %dma_start3A_598 = tpu.memref_slice %arg3[%squeeze3A_591, %dma_start3A_596, %dma_start3A_597] : memref<125000x8x32xf32, #tpu.memory_space<hbm>> -> memref<1x8x32xf32, #tpu.memory_space<hbm>>
    %dma_start3A_599 = arith.constant 13 : i32
    %dma_start3A_600 = arith.constant 0 : i32
    %dma_start3A_601 = arith.constant 0 : i32
    %dma_start3A_602 = tpu.memref_slice %arg10[%dma_start3A_599, %dma_start3A_600, %dma_start3A_601] : memref<32x8x32xf32, #tpu.memory_space<vmem>> -> memref<1x8x32xf32, #tpu.memory_space<vmem>>
    %dma_start3A_603 = arith.constant 0 : i32
    %dma_start3A_604 = arith.constant 0 : i32
    %dma_start3A_605 = tpu.memref_slice %arg3[%squeeze3A_591, %dma_start3A_603, %dma_start3A_604] : memref<125000x8x32xf32, #tpu.memory_space<hbm>> -> memref<1x8x32xf32, #tpu.memory_space<hbm>>
    tpu.enqueue_dma source(%dma_start3A_605 : memref<1x8x32xf32, #tpu.memory_space<hbm>>) target(%dma_start3A_602 : memref<1x8x32xf32, #tpu.memory_space<vmem>>) target_semaphore(%arg12 : memref<!tpu.dma_semaphore, #tpu.memory_space<semaphore_mem>>)
    %slice3A_606 = vector.extract_strided_slice %get3A_384 {offsets = [14], sizes = [1], strides = [1]} : vector<16xi32> to vector<1xi32>
    %squeeze3A_607 = vector.extract %slice3A_606[0] : i32 from vector<1xi32>
    %dma_start3A_608 = arith.constant 14 : i32
    %dma_start3A_609 = arith.constant 0 : i32
    %dma_start3A_610 = arith.constant 0 : i32
    %dma_start3A_611 = tpu.memref_slice %arg10[%dma_start3A_608, %dma_start3A_609, %dma_start3A_610] : memref<32x8x32xf32, #tpu.memory_space<vmem>> -> memref<1x8x32xf32, #tpu.memory_space<vmem>>
    %dma_start3A_612 = arith.constant 0 : i32
    %dma_start3A_613 = arith.constant 0 : i32
    %dma_start3A_614 = tpu.memref_slice %arg3[%squeeze3A_607, %dma_start3A_612, %dma_start3A_613] : memref<125000x8x32xf32, #tpu.memory_space<hbm>> -> memref<1x8x32xf32, #tpu.memory_space<hbm>>
    %dma_start3A_615 = arith.constant 14 : i32
    %dma_start3A_616 = arith.constant 0 : i32
    %dma_start3A_617 = arith.constant 0 : i32
    %dma_start3A_618 = tpu.memref_slice %arg10[%dma_start3A_615, %dma_start3A_616, %dma_start3A_617] : memref<32x8x32xf32, #tpu.memory_space<vmem>> -> memref<1x8x32xf32, #tpu.memory_space<vmem>>
    %dma_start3A_619 = arith.constant 0 : i32
    %dma_start3A_620 = arith.constant 0 : i32
    %dma_start3A_621 = tpu.memref_slice %arg3[%squeeze3A_607, %dma_start3A_619, %dma_start3A_620] : memref<125000x8x32xf32, #tpu.memory_space<hbm>> -> memref<1x8x32xf32, #tpu.memory_space<hbm>>
    tpu.enqueue_dma source(%dma_start3A_621 : memref<1x8x32xf32, #tpu.memory_space<hbm>>) target(%dma_start3A_618 : memref<1x8x32xf32, #tpu.memory_space<vmem>>) target_semaphore(%arg12 : memref<!tpu.dma_semaphore, #tpu.memory_space<semaphore_mem>>)
    %slice3A_622 = vector.extract_strided_slice %get3A_384 {offsets = [15], sizes = [1], strides = [1]} : vector<16xi32> to vector<1xi32>
    %squeeze3A_623 = vector.extract %slice3A_622[0] : i32 from vector<1xi32>
    %dma_start3A_624 = arith.constant 15 : i32
    %dma_start3A_625 = arith.constant 0 : i32
    %dma_start3A_626 = arith.constant 0 : i32
    %dma_start3A_627 = tpu.memref_slice %arg10[%dma_start3A_624, %dma_start3A_625, %dma_start3A_626] : memref<32x8x32xf32, #tpu.memory_space<vmem>> -> memref<1x8x32xf32, #tpu.memory_space<vmem>>
    %dma_start3A_628 = arith.constant 0 : i32
    %dma_start3A_629 = arith.constant 0 : i32
    %dma_start3A_630 = tpu.memref_slice %arg3[%squeeze3A_623, %dma_start3A_628, %dma_start3A_629] : memref<125000x8x32xf32, #tpu.memory_space<hbm>> -> memref<1x8x32xf32, #tpu.memory_space<hbm>>
    %dma_start3A_631 = arith.constant 15 : i32
    %dma_start3A_632 = arith.constant 0 : i32
    %dma_start3A_633 = arith.constant 0 : i32
    %dma_start3A_634 = tpu.memref_slice %arg10[%dma_start3A_631, %dma_start3A_632, %dma_start3A_633] : memref<32x8x32xf32, #tpu.memory_space<vmem>> -> memref<1x8x32xf32, #tpu.memory_space<vmem>>
    %dma_start3A_635 = arith.constant 0 : i32
    %dma_start3A_636 = arith.constant 0 : i32
    %dma_start3A_637 = tpu.memref_slice %arg3[%squeeze3A_623, %dma_start3A_635, %dma_start3A_636] : memref<125000x8x32xf32, #tpu.memory_space<hbm>> -> memref<1x8x32xf32, #tpu.memory_space<hbm>>
    tpu.enqueue_dma source(%dma_start3A_637 : memref<1x8x32xf32, #tpu.memory_space<hbm>>) target(%dma_start3A_634 : memref<1x8x32xf32, #tpu.memory_space<vmem>>) target_semaphore(%arg12 : memref<!tpu.dma_semaphore, #tpu.memory_space<semaphore_mem>>)
    %scan3A = arith.constant 0 : i32
    %scan3A_638 = arith.constant 0 : i32
    %scan3A_639 = arith.constant 32 : i32
    %scan3A_640 = arith.addi %scan3A_638, %scan3A_639 : i32
    %scan3A_641 = arith.constant 1 : i32
    scf.for %scan3A_907 = %scan3A_638 to %scan3A_640 step %scan3A_641  : i32 {
      %add3A_908 = arith.constant 1 : i32
      %add3A_909 = arith.addi %scan3A_907, %add3A_908 : i32
      %lt3A = arith.constant 32 : i32
      %lt3A_910 = arith.cmpi slt, %add3A_909, %lt3A : i32
      %convert_element_type3A = arith.extui %lt3A_910 : i1 to i32
      %cond3A = arith.constant 0 : i32
      %cond3A_911 = arith.cmpi ne, %convert_element_type3A, %cond3A : i32
      scf.if %cond3A_911 {
        %add3A_918 = arith.constant 1 : i32
        %add3A_919 = arith.addi %scan3A_907, %add3A_918 : i32
        %rem3A_920 = arith.constant 2 : i32
        %rem3A_921 = arith.remsi %add3A_919, %rem3A_920 : i32
        %clamp3A_922 = arith.constant 0 : i32
        %clamp3A_923 = arith.constant 1 : i32
        %clamp3A_924 = arith.maxsi %rem3A_921, %clamp3A_922 : i32
        %clamp3A_925 = arith.minsi %clamp3A_924, %clamp3A_923 : i32
        %cond3A_926 = arith.constant 0 : i32
        %cond3A_927 = arith.cmpi ne, %clamp3A_925, %cond3A_926 : i32
        scf.if %cond3A_927 {
          %add3A_928 = arith.constant 1 : i32
          %add3A_929 = arith.addi %scan3A_907, %add3A_928 : i32
          %mul3A_930 = arith.constant 16 : i32
          %mul3A_931 = arith.muli %add3A_929, %mul3A_930 : i32
          %get3A_932 = arith.index_cast %mul3A_931 : i32 to index
          %get3A_933 = tpu.vector_load %arg8[%get3A_932] {strides = array<i32>} : memref<512xi32, #tpu.memory_space<vmem>>, vector<16xi32>,
          %slice3A_934 = vector.extract_strided_slice %get3A_933 {offsets = [0], sizes = [1], strides = [1]} : vector<16xi32> to vector<1xi32>
          %squeeze3A_935 = vector.extract %slice3A_934[0] : i32 from vector<1xi32>
          %dma_start3A_936 = arith.constant 16 : i32
          %dma_start3A_937 = arith.constant 0 : i32
          %dma_start3A_938 = arith.constant 0 : i32
          %dma_start3A_939 = tpu.memref_slice %arg10[%dma_start3A_936, %dma_start3A_937, %dma_start3A_938] : memref<32x8x32xf32, #tpu.memory_space<vmem>> -> memref<1x8x32xf32, #tpu.memory_space<vmem>>
          %dma_start3A_940 = arith.constant 0 : i32
          %dma_start3A_941 = arith.constant 0 : i32
          %dma_start3A_942 = tpu.memref_slice %arg3[%squeeze3A_935, %dma_start3A_940, %dma_start3A_941] : memref<125000x8x32xf32, #tpu.memory_space<hbm>> -> memref<1x8x32xf32, #tpu.memory_space<hbm>>
          %dma_start3A_943 = arith.constant 16 : i32
          %dma_start3A_944 = arith.constant 0 : i32
          %dma_start3A_945 = arith.constant 0 : i32
          %dma_start3A_946 = tpu.memref_slice %arg10[%dma_start3A_943, %dma_start3A_944, %dma_start3A_945] : memref<32x8x32xf32, #tpu.memory_space<vmem>> -> memref<1x8x32xf32, #tpu.memory_space<vmem>>
          %dma_start3A_947 = arith.constant 0 : i32
          %dma_start3A_948 = arith.constant 0 : i32
          %dma_start3A_949 = tpu.memref_slice %arg3[%squeeze3A_935, %dma_start3A_947, %dma_start3A_948] : memref<125000x8x32xf32, #tpu.memory_space<hbm>> -> memref<1x8x32xf32, #tpu.memory_space<hbm>>
          tpu.enqueue_dma source(%dma_start3A_949 : memref<1x8x32xf32, #tpu.memory_space<hbm>>) target(%dma_start3A_946 : memref<1x8x32xf32, #tpu.memory_space<vmem>>) target_semaphore(%arg13 : memref<!tpu.dma_semaphore, #tpu.memory_space<semaphore_mem>>)
          %slice3A_950 = vector.extract_strided_slice %get3A_933 {offsets = [1], sizes = [1], strides = [1]} : vector<16xi32> to vector<1xi32>
          %squeeze3A_951 = vector.extract %slice3A_950[0] : i32 from vector<1xi32>
          %dma_start3A_952 = arith.constant 17 : i32
          %dma_start3A_953 = arith.constant 0 : i32
          %dma_start3A_954 = arith.constant 0 : i32
          %dma_start3A_955 = tpu.memref_slice %arg10[%dma_start3A_952, %dma_start3A_953, %dma_start3A_954] : memref<32x8x32xf32, #tpu.memory_space<vmem>> -> memref<1x8x32xf32, #tpu.memory_space<vmem>>
          %dma_start3A_956 = arith.constant 0 : i32
          %dma_start3A_957 = arith.constant 0 : i32
          %dma_start3A_958 = tpu.memref_slice %arg3[%squeeze3A_951, %dma_start3A_956, %dma_start3A_957] : memref<125000x8x32xf32, #tpu.memory_space<hbm>> -> memref<1x8x32xf32, #tpu.memory_space<hbm>>
          %dma_start3A_959 = arith.constant 17 : i32
          %dma_start3A_960 = arith.constant 0 : i32
          %dma_start3A_961 = arith.constant 0 : i32
          %dma_start3A_962 = tpu.memref_slice %arg10[%dma_start3A_959, %dma_start3A_960, %dma_start3A_961] : memref<32x8x32xf32, #tpu.memory_space<vmem>> -> memref<1x8x32xf32, #tpu.memory_space<vmem>>
          %dma_start3A_963 = arith.constant 0 : i32
          %dma_start3A_964 = arith.constant 0 : i32
          %dma_start3A_965 = tpu.memref_slice %arg3[%squeeze3A_951, %dma_start3A_963, %dma_start3A_964] : memref<125000x8x32xf32, #tpu.memory_space<hbm>> -> memref<1x8x32xf32, #tpu.memory_space<hbm>>
          tpu.enqueue_dma source(%dma_start3A_965 : memref<1x8x32xf32, #tpu.memory_space<hbm>>) target(%dma_start3A_962 : memref<1x8x32xf32, #tpu.memory_space<vmem>>) target_semaphore(%arg13 : memref<!tpu.dma_semaphore, #tpu.memory_space<semaphore_mem>>)
          %slice3A_966 = vector.extract_strided_slice %get3A_933 {offsets = [2], sizes = [1], strides = [1]} : vector<16xi32> to vector<1xi32>
          %squeeze3A_967 = vector.extract %slice3A_966[0] : i32 from vector<1xi32>
          %dma_start3A_968 = arith.constant 18 : i32
          %dma_start3A_969 = arith.constant 0 : i32
          %dma_start3A_970 = arith.constant 0 : i32
          %dma_start3A_971 = tpu.memref_slice %arg10[%dma_start3A_968, %dma_start3A_969, %dma_start3A_970] : memref<32x8x32xf32, #tpu.memory_space<vmem>> -> memref<1x8x32xf32, #tpu.memory_space<vmem>>
          %dma_start3A_972 = arith.constant 0 : i32
          %dma_start3A_973 = arith.constant 0 : i32
          %dma_start3A_974 = tpu.memref_slice %arg3[%squeeze3A_967, %dma_start3A_972, %dma_start3A_973] : memref<125000x8x32xf32, #tpu.memory_space<hbm>> -> memref<1x8x32xf32, #tpu.memory_space<hbm>>
          %dma_start3A_975 = arith.constant 18 : i32
          %dma_start3A_976 = arith.constant 0 : i32
          %dma_start3A_977 = arith.constant 0 : i32
          %dma_start3A_978 = tpu.memref_slice %arg10[%dma_start3A_975, %dma_start3A_976, %dma_start3A_977] : memref<32x8x32xf32, #tpu.memory_space<vmem>> -> memref<1x8x32xf32, #tpu.memory_space<vmem>>
          %dma_start3A_979 = arith.constant 0 : i32
          %dma_start3A_980 = arith.constant 0 : i32
          %dma_start3A_981 = tpu.memref_slice %arg3[%squeeze3A_967, %dma_start3A_979, %dma_start3A_980] : memref<125000x8x32xf32, #tpu.memory_space<hbm>> -> memref<1x8x32xf32, #tpu.memory_space<hbm>>
          tpu.enqueue_dma source(%dma_start3A_981 : memref<1x8x32xf32, #tpu.memory_space<hbm>>) target(%dma_start3A_978 : memref<1x8x32xf32, #tpu.memory_space<vmem>>) target_semaphore(%arg13 : memref<!tpu.dma_semaphore, #tpu.memory_space<semaphore_mem>>)
          %slice3A_982 = vector.extract_strided_slice %get3A_933 {offsets = [3], sizes = [1], strides = [1]} : vector<16xi32> to vector<1xi32>
          %squeeze3A_983 = vector.extract %slice3A_982[0] : i32 from vector<1xi32>
          %dma_start3A_984 = arith.constant 19 : i32
          %dma_start3A_985 = arith.constant 0 : i32
          %dma_start3A_986 = arith.constant 0 : i32
          %dma_start3A_987 = tpu.memref_slice %arg10[%dma_start3A_984, %dma_start3A_985, %dma_start3A_986] : memref<32x8x32xf32, #tpu.memory_space<vmem>> -> memref<1x8x32xf32, #tpu.memory_space<vmem>>
          %dma_start3A_988 = arith.constant 0 : i32
          %dma_start3A_989 = arith.constant 0 : i32
          %dma_start3A_990 = tpu.memref_slice %arg3[%squeeze3A_983, %dma_start3A_988, %dma_start3A_989] : memref<125000x8x32xf32, #tpu.memory_space<hbm>> -> memref<1x8x32xf32, #tpu.memory_space<hbm>>
          %dma_start3A_991 = arith.constant 19 : i32
          %dma_start3A_992 = arith.constant 0 : i32
          %dma_start3A_993 = arith.constant 0 : i32
          %dma_start3A_994 = tpu.memref_slice %arg10[%dma_start3A_991, %dma_start3A_992, %dma_start3A_993] : memref<32x8x32xf32, #tpu.memory_space<vmem>> -> memref<1x8x32xf32, #tpu.memory_space<vmem>>
          %dma_start3A_995 = arith.constant 0 : i32
          %dma_start3A_996 = arith.constant 0 : i32
          %dma_start3A_997 = tpu.memref_slice %arg3[%squeeze3A_983, %dma_start3A_995, %dma_start3A_996] : memref<125000x8x32xf32, #tpu.memory_space<hbm>> -> memref<1x8x32xf32, #tpu.memory_space<hbm>>
          tpu.enqueue_dma source(%dma_start3A_997 : memref<1x8x32xf32, #tpu.memory_space<hbm>>) target(%dma_start3A_994 : memref<1x8x32xf32, #tpu.memory_space<vmem>>) target_semaphore(%arg13 : memref<!tpu.dma_semaphore, #tpu.memory_space<semaphore_mem>>)
          %slice3A_998 = vector.extract_strided_slice %get3A_933 {offsets = [4], sizes = [1], strides = [1]} : vector<16xi32> to vector<1xi32>
          %squeeze3A_999 = vector.extract %slice3A_998[0] : i32 from vector<1xi32>
          %dma_start3A_1000 = arith.constant 20 : i32
          %dma_start3A_1001 = arith.constant 0 : i32
          %dma_start3A_1002 = arith.constant 0 : i32
          %dma_start3A_1003 = tpu.memref_slice %arg10[%dma_start3A_1000, %dma_start3A_1001, %dma_start3A_1002] : memref<32x8x32xf32, #tpu.memory_space<vmem>> -> memref<1x8x32xf32, #tpu.memory_space<vmem>>
          %dma_start3A_1004 = arith.constant 0 : i32
          %dma_start3A_1005 = arith.constant 0 : i32
          %dma_start3A_1006 = tpu.memref_slice %arg3[%squeeze3A_999, %dma_start3A_1004, %dma_start3A_1005] : memref<125000x8x32xf32, #tpu.memory_space<hbm>> -> memref<1x8x32xf32, #tpu.memory_space<hbm>>
          %dma_start3A_1007 = arith.constant 20 : i32
          %dma_start3A_1008 = arith.constant 0 : i32
          %dma_start3A_1009 = arith.constant 0 : i32
          %dma_start3A_1010 = tpu.memref_slice %arg10[%dma_start3A_1007, %dma_start3A_1008, %dma_start3A_1009] : memref<32x8x32xf32, #tpu.memory_space<vmem>> -> memref<1x8x32xf32, #tpu.memory_space<vmem>>
          %dma_start3A_1011 = arith.constant 0 : i32
          %dma_start3A_1012 = arith.constant 0 : i32
          %dma_start3A_1013 = tpu.memref_slice %arg3[%squeeze3A_999, %dma_start3A_1011, %dma_start3A_1012] : memref<125000x8x32xf32, #tpu.memory_space<hbm>> -> memref<1x8x32xf32, #tpu.memory_space<hbm>>
          tpu.enqueue_dma source(%dma_start3A_1013 : memref<1x8x32xf32, #tpu.memory_space<hbm>>) target(%dma_start3A_1010 : memref<1x8x32xf32, #tpu.memory_space<vmem>>) target_semaphore(%arg13 : memref<!tpu.dma_semaphore, #tpu.memory_space<semaphore_mem>>)
          %slice3A_1014 = vector.extract_strided_slice %get3A_933 {offsets = [5], sizes = [1], strides = [1]} : vector<16xi32> to vector<1xi32>
          %squeeze3A_1015 = vector.extract %slice3A_1014[0] : i32 from vector<1xi32>
          %dma_start3A_1016 = arith.constant 21 : i32
          %dma_start3A_1017 = arith.constant 0 : i32
          %dma_start3A_1018 = arith.constant 0 : i32
          %dma_start3A_1019 = tpu.memref_slice %arg10[%dma_start3A_1016, %dma_start3A_1017, %dma_start3A_1018] : memref<32x8x32xf32, #tpu.memory_space<vmem>> -> memref<1x8x32xf32, #tpu.memory_space<vmem>>
          %dma_start3A_1020 = arith.constant 0 : i32
          %dma_start3A_1021 = arith.constant 0 : i32
          %dma_start3A_1022 = tpu.memref_slice %arg3[%squeeze3A_1015, %dma_start3A_1020, %dma_start3A_1021] : memref<125000x8x32xf32, #tpu.memory_space<hbm>> -> memref<1x8x32xf32, #tpu.memory_space<hbm>>
          %dma_start3A_1023 = arith.constant 21 : i32
          %dma_start3A_1024 = arith.constant 0 : i32
          %dma_start3A_1025 = arith.constant 0 : i32
          %dma_start3A_1026 = tpu.memref_slice %arg10[%dma_start3A_1023, %dma_start3A_1024, %dma_start3A_1025] : memref<32x8x32xf32, #tpu.memory_space<vmem>> -> memref<1x8x32xf32, #tpu.memory_space<vmem>>
          %dma_start3A_1027 = arith.constant 0 : i32
          %dma_start3A_1028 = arith.constant 0 : i32
          %dma_start3A_1029 = tpu.memref_slice %arg3[%squeeze3A_1015, %dma_start3A_1027, %dma_start3A_1028] : memref<125000x8x32xf32, #tpu.memory_space<hbm>> -> memref<1x8x32xf32, #tpu.memory_space<hbm>>
          tpu.enqueue_dma source(%dma_start3A_1029 : memref<1x8x32xf32, #tpu.memory_space<hbm>>) target(%dma_start3A_1026 : memref<1x8x32xf32, #tpu.memory_space<vmem>>) target_semaphore(%arg13 : memref<!tpu.dma_semaphore, #tpu.memory_space<semaphore_mem>>)
          %slice3A_1030 = vector.extract_strided_slice %get3A_933 {offsets = [6], sizes = [1], strides = [1]} : vector<16xi32> to vector<1xi32>
          %squeeze3A_1031 = vector.extract %slice3A_1030[0] : i32 from vector<1xi32>
          %dma_start3A_1032 = arith.constant 22 : i32
          %dma_start3A_1033 = arith.constant 0 : i32
          %dma_start3A_1034 = arith.constant 0 : i32
          %dma_start3A_1035 = tpu.memref_slice %arg10[%dma_start3A_1032, %dma_start3A_1033, %dma_start3A_1034] : memref<32x8x32xf32, #tpu.memory_space<vmem>> -> memref<1x8x32xf32, #tpu.memory_space<vmem>>
          %dma_start3A_1036 = arith.constant 0 : i32
          %dma_start3A_1037 = arith.constant 0 : i32
          %dma_start3A_1038 = tpu.memref_slice %arg3[%squeeze3A_1031, %dma_start3A_1036, %dma_start3A_1037] : memref<125000x8x32xf32, #tpu.memory_space<hbm>> -> memref<1x8x32xf32, #tpu.memory_space<hbm>>
          %dma_start3A_1039 = arith.constant 22 : i32
          %dma_start3A_1040 = arith.constant 0 : i32
          %dma_start3A_1041 = arith.constant 0 : i32
          %dma_start3A_1042 = tpu.memref_slice %arg10[%dma_start3A_1039, %dma_start3A_1040, %dma_start3A_1041] : memref<32x8x32xf32, #tpu.memory_space<vmem>> -> memref<1x8x32xf32, #tpu.memory_space<vmem>>
          %dma_start3A_1043 = arith.constant 0 : i32
          %dma_start3A_1044 = arith.constant 0 : i32
          %dma_start3A_1045 = tpu.memref_slice %arg3[%squeeze3A_1031, %dma_start3A_1043, %dma_start3A_1044] : memref<125000x8x32xf32, #tpu.memory_space<hbm>> -> memref<1x8x32xf32, #tpu.memory_space<hbm>>
          tpu.enqueue_dma source(%dma_start3A_1045 : memref<1x8x32xf32, #tpu.memory_space<hbm>>) target(%dma_start3A_1042 : memref<1x8x32xf32, #tpu.memory_space<vmem>>) target_semaphore(%arg13 : memref<!tpu.dma_semaphore, #tpu.memory_space<semaphore_mem>>)
          %slice3A_1046 = vector.extract_strided_slice %get3A_933 {offsets = [7], sizes = [1], strides = [1]} : vector<16xi32> to vector<1xi32>
          %squeeze3A_1047 = vector.extract %slice3A_1046[0] : i32 from vector<1xi32>
          %dma_start3A_1048 = arith.constant 23 : i32
          %dma_start3A_1049 = arith.constant 0 : i32
          %dma_start3A_1050 = arith.constant 0 : i32
          %dma_start3A_1051 = tpu.memref_slice %arg10[%dma_start3A_1048, %dma_start3A_1049, %dma_start3A_1050] : memref<32x8x32xf32, #tpu.memory_space<vmem>> -> memref<1x8x32xf32, #tpu.memory_space<vmem>>
          %dma_start3A_1052 = arith.constant 0 : i32
          %dma_start3A_1053 = arith.constant 0 : i32
          %dma_start3A_1054 = tpu.memref_slice %arg3[%squeeze3A_1047, %dma_start3A_1052, %dma_start3A_1053] : memref<125000x8x32xf32, #tpu.memory_space<hbm>> -> memref<1x8x32xf32, #tpu.memory_space<hbm>>
          %dma_start3A_1055 = arith.constant 23 : i32
          %dma_start3A_1056 = arith.constant 0 : i32
          %dma_start3A_1057 = arith.constant 0 : i32
          %dma_start3A_1058 = tpu.memref_slice %arg10[%dma_start3A_1055, %dma_start3A_1056, %dma_start3A_1057] : memref<32x8x32xf32, #tpu.memory_space<vmem>> -> memref<1x8x32xf32, #tpu.memory_space<vmem>>
          %dma_start3A_1059 = arith.constant 0 : i32
          %dma_start3A_1060 = arith.constant 0 : i32
          %dma_start3A_1061 = tpu.memref_slice %arg3[%squeeze3A_1047, %dma_start3A_1059, %dma_start3A_1060] : memref<125000x8x32xf32, #tpu.memory_space<hbm>> -> memref<1x8x32xf32, #tpu.memory_space<hbm>>
          tpu.enqueue_dma source(%dma_start3A_1061 : memref<1x8x32xf32, #tpu.memory_space<hbm>>) target(%dma_start3A_1058 : memref<1x8x32xf32, #tpu.memory_space<vmem>>) target_semaphore(%arg13 : memref<!tpu.dma_semaphore, #tpu.memory_space<semaphore_mem>>)
          %slice3A_1062 = vector.extract_strided_slice %get3A_933 {offsets = [8], sizes = [1], strides = [1]} : vector<16xi32> to vector<1xi32>
          %squeeze3A_1063 = vector.extract %slice3A_1062[0] : i32 from vector<1xi32>
          %dma_start3A_1064 = arith.constant 24 : i32
          %dma_start3A_1065 = arith.constant 0 : i32
          %dma_start3A_1066 = arith.constant 0 : i32
          %dma_start3A_1067 = tpu.memref_slice %arg10[%dma_start3A_1064, %dma_start3A_1065, %dma_start3A_1066] : memref<32x8x32xf32, #tpu.memory_space<vmem>> -> memref<1x8x32xf32, #tpu.memory_space<vmem>>
          %dma_start3A_1068 = arith.constant 0 : i32
          %dma_start3A_1069 = arith.constant 0 : i32
          %dma_start3A_1070 = tpu.memref_slice %arg3[%squeeze3A_1063, %dma_start3A_1068, %dma_start3A_1069] : memref<125000x8x32xf32, #tpu.memory_space<hbm>> -> memref<1x8x32xf32, #tpu.memory_space<hbm>>
          %dma_start3A_1071 = arith.constant 24 : i32
          %dma_start3A_1072 = arith.constant 0 : i32
          %dma_start3A_1073 = arith.constant 0 : i32
          %dma_start3A_1074 = tpu.memref_slice %arg10[%dma_start3A_1071, %dma_start3A_1072, %dma_start3A_1073] : memref<32x8x32xf32, #tpu.memory_space<vmem>> -> memref<1x8x32xf32, #tpu.memory_space<vmem>>
          %dma_start3A_1075 = arith.constant 0 : i32
          %dma_start3A_1076 = arith.constant 0 : i32
          %dma_start3A_1077 = tpu.memref_slice %arg3[%squeeze3A_1063, %dma_start3A_1075, %dma_start3A_1076] : memref<125000x8x32xf32, #tpu.memory_space<hbm>> -> memref<1x8x32xf32, #tpu.memory_space<hbm>>
          tpu.enqueue_dma source(%dma_start3A_1077 : memref<1x8x32xf32, #tpu.memory_space<hbm>>) target(%dma_start3A_1074 : memref<1x8x32xf32, #tpu.memory_space<vmem>>) target_semaphore(%arg13 : memref<!tpu.dma_semaphore, #tpu.memory_space<semaphore_mem>>)
          %slice3A_1078 = vector.extract_strided_slice %get3A_933 {offsets = [9], sizes = [1], strides = [1]} : vector<16xi32> to vector<1xi32>
          %squeeze3A_1079 = vector.extract %slice3A_1078[0] : i32 from vector<1xi32>
          %dma_start3A_1080 = arith.constant 25 : i32
          %dma_start3A_1081 = arith.constant 0 : i32
          %dma_start3A_1082 = arith.constant 0 : i32
          %dma_start3A_1083 = tpu.memref_slice %arg10[%dma_start3A_1080, %dma_start3A_1081, %dma_start3A_1082] : memref<32x8x32xf32, #tpu.memory_space<vmem>> -> memref<1x8x32xf32, #tpu.memory_space<vmem>>
          %dma_start3A_1084 = arith.constant 0 : i32
          %dma_start3A_1085 = arith.constant 0 : i32
          %dma_start3A_1086 = tpu.memref_slice %arg3[%squeeze3A_1079, %dma_start3A_1084, %dma_start3A_1085] : memref<125000x8x32xf32, #tpu.memory_space<hbm>> -> memref<1x8x32xf32, #tpu.memory_space<hbm>>
          %dma_start3A_1087 = arith.constant 25 : i32
          %dma_start3A_1088 = arith.constant 0 : i32
          %dma_start3A_1089 = arith.constant 0 : i32
          %dma_start3A_1090 = tpu.memref_slice %arg10[%dma_start3A_1087, %dma_start3A_1088, %dma_start3A_1089] : memref<32x8x32xf32, #tpu.memory_space<vmem>> -> memref<1x8x32xf32, #tpu.memory_space<vmem>>
          %dma_start3A_1091 = arith.constant 0 : i32
          %dma_start3A_1092 = arith.constant 0 : i32
          %dma_start3A_1093 = tpu.memref_slice %arg3[%squeeze3A_1079, %dma_start3A_1091, %dma_start3A_1092] : memref<125000x8x32xf32, #tpu.memory_space<hbm>> -> memref<1x8x32xf32, #tpu.memory_space<hbm>>
          tpu.enqueue_dma source(%dma_start3A_1093 : memref<1x8x32xf32, #tpu.memory_space<hbm>>) target(%dma_start3A_1090 : memref<1x8x32xf32, #tpu.memory_space<vmem>>) target_semaphore(%arg13 : memref<!tpu.dma_semaphore, #tpu.memory_space<semaphore_mem>>)
          %slice3A_1094 = vector.extract_strided_slice %get3A_933 {offsets = [10], sizes = [1], strides = [1]} : vector<16xi32> to vector<1xi32>
          %squeeze3A_1095 = vector.extract %slice3A_1094[0] : i32 from vector<1xi32>
          %dma_start3A_1096 = arith.constant 26 : i32
          %dma_start3A_1097 = arith.constant 0 : i32
          %dma_start3A_1098 = arith.constant 0 : i32
          %dma_start3A_1099 = tpu.memref_slice %arg10[%dma_start3A_1096, %dma_start3A_1097, %dma_start3A_1098] : memref<32x8x32xf32, #tpu.memory_space<vmem>> -> memref<1x8x32xf32, #tpu.memory_space<vmem>>
          %dma_start3A_1100 = arith.constant 0 : i32
          %dma_start3A_1101 = arith.constant 0 : i32
          %dma_start3A_1102 = tpu.memref_slice %arg3[%squeeze3A_1095, %dma_start3A_1100, %dma_start3A_1101] : memref<125000x8x32xf32, #tpu.memory_space<hbm>> -> memref<1x8x32xf32, #tpu.memory_space<hbm>>
          %dma_start3A_1103 = arith.constant 26 : i32
          %dma_start3A_1104 = arith.constant 0 : i32
          %dma_start3A_1105 = arith.constant 0 : i32
          %dma_start3A_1106 = tpu.memref_slice %arg10[%dma_start3A_1103, %dma_start3A_1104, %dma_start3A_1105] : memref<32x8x32xf32, #tpu.memory_space<vmem>> -> memref<1x8x32xf32, #tpu.memory_space<vmem>>
          %dma_start3A_1107 = arith.constant 0 : i32
          %dma_start3A_1108 = arith.constant 0 : i32
          %dma_start3A_1109 = tpu.memref_slice %arg3[%squeeze3A_1095, %dma_start3A_1107, %dma_start3A_1108] : memref<125000x8x32xf32, #tpu.memory_space<hbm>> -> memref<1x8x32xf32, #tpu.memory_space<hbm>>
          tpu.enqueue_dma source(%dma_start3A_1109 : memref<1x8x32xf32, #tpu.memory_space<hbm>>) target(%dma_start3A_1106 : memref<1x8x32xf32, #tpu.memory_space<vmem>>) target_semaphore(%arg13 : memref<!tpu.dma_semaphore, #tpu.memory_space<semaphore_mem>>)
          %slice3A_1110 = vector.extract_strided_slice %get3A_933 {offsets = [11], sizes = [1], strides = [1]} : vector<16xi32> to vector<1xi32>
          %squeeze3A_1111 = vector.extract %slice3A_1110[0] : i32 from vector<1xi32>
          %dma_start3A_1112 = arith.constant 27 : i32
          %dma_start3A_1113 = arith.constant 0 : i32
          %dma_start3A_1114 = arith.constant 0 : i32
          %dma_start3A_1115 = tpu.memref_slice %arg10[%dma_start3A_1112, %dma_start3A_1113, %dma_start3A_1114] : memref<32x8x32xf32, #tpu.memory_space<vmem>> -> memref<1x8x32xf32, #tpu.memory_space<vmem>>
          %dma_start3A_1116 = arith.constant 0 : i32
          %dma_start3A_1117 = arith.constant 0 : i32
          %dma_start3A_1118 = tpu.memref_slice %arg3[%squeeze3A_1111, %dma_start3A_1116, %dma_start3A_1117] : memref<125000x8x32xf32, #tpu.memory_space<hbm>> -> memref<1x8x32xf32, #tpu.memory_space<hbm>>
          %dma_start3A_1119 = arith.constant 27 : i32
          %dma_start3A_1120 = arith.constant 0 : i32
          %dma_start3A_1121 = arith.constant 0 : i32
          %dma_start3A_1122 = tpu.memref_slice %arg10[%dma_start3A_1119, %dma_start3A_1120, %dma_start3A_1121] : memref<32x8x32xf32, #tpu.memory_space<vmem>> -> memref<1x8x32xf32, #tpu.memory_space<vmem>>
          %dma_start3A_1123 = arith.constant 0 : i32
          %dma_start3A_1124 = arith.constant 0 : i32
          %dma_start3A_1125 = tpu.memref_slice %arg3[%squeeze3A_1111, %dma_start3A_1123, %dma_start3A_1124] : memref<125000x8x32xf32, #tpu.memory_space<hbm>> -> memref<1x8x32xf32, #tpu.memory_space<hbm>>
          tpu.enqueue_dma source(%dma_start3A_1125 : memref<1x8x32xf32, #tpu.memory_space<hbm>>) target(%dma_start3A_1122 : memref<1x8x32xf32, #tpu.memory_space<vmem>>) target_semaphore(%arg13 : memref<!tpu.dma_semaphore, #tpu.memory_space<semaphore_mem>>)
          %slice3A_1126 = vector.extract_strided_slice %get3A_933 {offsets = [12], sizes = [1], strides = [1]} : vector<16xi32> to vector<1xi32>
          %squeeze3A_1127 = vector.extract %slice3A_1126[0] : i32 from vector<1xi32>
          %dma_start3A_1128 = arith.constant 28 : i32
          %dma_start3A_1129 = arith.constant 0 : i32
          %dma_start3A_1130 = arith.constant 0 : i32
          %dma_start3A_1131 = tpu.memref_slice %arg10[%dma_start3A_1128, %dma_start3A_1129, %dma_start3A_1130] : memref<32x8x32xf32, #tpu.memory_space<vmem>> -> memref<1x8x32xf32, #tpu.memory_space<vmem>>
          %dma_start3A_1132 = arith.constant 0 : i32
          %dma_start3A_1133 = arith.constant 0 : i32
          %dma_start3A_1134 = tpu.memref_slice %arg3[%squeeze3A_1127, %dma_start3A_1132, %dma_start3A_1133] : memref<125000x8x32xf32, #tpu.memory_space<hbm>> -> memref<1x8x32xf32, #tpu.memory_space<hbm>>
          %dma_start3A_1135 = arith.constant 28 : i32
          %dma_start3A_1136 = arith.constant 0 : i32
          %dma_start3A_1137 = arith.constant 0 : i32
          %dma_start3A_1138 = tpu.memref_slice %arg10[%dma_start3A_1135, %dma_start3A_1136, %dma_start3A_1137] : memref<32x8x32xf32, #tpu.memory_space<vmem>> -> memref<1x8x32xf32, #tpu.memory_space<vmem>>
          %dma_start3A_1139 = arith.constant 0 : i32
          %dma_start3A_1140 = arith.constant 0 : i32
          %dma_start3A_1141 = tpu.memref_slice %arg3[%squeeze3A_1127, %dma_start3A_1139, %dma_start3A_1140] : memref<125000x8x32xf32, #tpu.memory_space<hbm>> -> memref<1x8x32xf32, #tpu.memory_space<hbm>>
          tpu.enqueue_dma source(%dma_start3A_1141 : memref<1x8x32xf32, #tpu.memory_space<hbm>>) target(%dma_start3A_1138 : memref<1x8x32xf32, #tpu.memory_space<vmem>>) target_semaphore(%arg13 : memref<!tpu.dma_semaphore, #tpu.memory_space<semaphore_mem>>)
          %slice3A_1142 = vector.extract_strided_slice %get3A_933 {offsets = [13], sizes = [1], strides = [1]} : vector<16xi32> to vector<1xi32>
          %squeeze3A_1143 = vector.extract %slice3A_1142[0] : i32 from vector<1xi32>
          %dma_start3A_1144 = arith.constant 29 : i32
          %dma_start3A_1145 = arith.constant 0 : i32
          %dma_start3A_1146 = arith.constant 0 : i32
          %dma_start3A_1147 = tpu.memref_slice %arg10[%dma_start3A_1144, %dma_start3A_1145, %dma_start3A_1146] : memref<32x8x32xf32, #tpu.memory_space<vmem>> -> memref<1x8x32xf32, #tpu.memory_space<vmem>>
          %dma_start3A_1148 = arith.constant 0 : i32
          %dma_start3A_1149 = arith.constant 0 : i32
          %dma_start3A_1150 = tpu.memref_slice %arg3[%squeeze3A_1143, %dma_start3A_1148, %dma_start3A_1149] : memref<125000x8x32xf32, #tpu.memory_space<hbm>> -> memref<1x8x32xf32, #tpu.memory_space<hbm>>
          %dma_start3A_1151 = arith.constant 29 : i32
          %dma_start3A_1152 = arith.constant 0 : i32
          %dma_start3A_1153 = arith.constant 0 : i32
          %dma_start3A_1154 = tpu.memref_slice %arg10[%dma_start3A_1151, %dma_start3A_1152, %dma_start3A_1153] : memref<32x8x32xf32, #tpu.memory_space<vmem>> -> memref<1x8x32xf32, #tpu.memory_space<vmem>>
          %dma_start3A_1155 = arith.constant 0 : i32
          %dma_start3A_1156 = arith.constant 0 : i32
          %dma_start3A_1157 = tpu.memref_slice %arg3[%squeeze3A_1143, %dma_start3A_1155, %dma_start3A_1156] : memref<125000x8x32xf32, #tpu.memory_space<hbm>> -> memref<1x8x32xf32, #tpu.memory_space<hbm>>
          tpu.enqueue_dma source(%dma_start3A_1157 : memref<1x8x32xf32, #tpu.memory_space<hbm>>) target(%dma_start3A_1154 : memref<1x8x32xf32, #tpu.memory_space<vmem>>) target_semaphore(%arg13 : memref<!tpu.dma_semaphore, #tpu.memory_space<semaphore_mem>>)
          %slice3A_1158 = vector.extract_strided_slice %get3A_933 {offsets = [14], sizes = [1], strides = [1]} : vector<16xi32> to vector<1xi32>
          %squeeze3A_1159 = vector.extract %slice3A_1158[0] : i32 from vector<1xi32>
          %dma_start3A_1160 = arith.constant 30 : i32
          %dma_start3A_1161 = arith.constant 0 : i32
          %dma_start3A_1162 = arith.constant 0 : i32
          %dma_start3A_1163 = tpu.memref_slice %arg10[%dma_start3A_1160, %dma_start3A_1161, %dma_start3A_1162] : memref<32x8x32xf32, #tpu.memory_space<vmem>> -> memref<1x8x32xf32, #tpu.memory_space<vmem>>
          %dma_start3A_1164 = arith.constant 0 : i32
          %dma_start3A_1165 = arith.constant 0 : i32
          %dma_start3A_1166 = tpu.memref_slice %arg3[%squeeze3A_1159, %dma_start3A_1164, %dma_start3A_1165] : memref<125000x8x32xf32, #tpu.memory_space<hbm>> -> memref<1x8x32xf32, #tpu.memory_space<hbm>>
          %dma_start3A_1167 = arith.constant 30 : i32
          %dma_start3A_1168 = arith.constant 0 : i32
          %dma_start3A_1169 = arith.constant 0 : i32
          %dma_start3A_1170 = tpu.memref_slice %arg10[%dma_start3A_1167, %dma_start3A_1168, %dma_start3A_1169] : memref<32x8x32xf32, #tpu.memory_space<vmem>> -> memref<1x8x32xf32, #tpu.memory_space<vmem>>
          %dma_start3A_1171 = arith.constant 0 : i32
          %dma_start3A_1172 = arith.constant 0 : i32
          %dma_start3A_1173 = tpu.memref_slice %arg3[%squeeze3A_1159, %dma_start3A_1171, %dma_start3A_1172] : memref<125000x8x32xf32, #tpu.memory_space<hbm>> -> memref<1x8x32xf32, #tpu.memory_space<hbm>>
          tpu.enqueue_dma source(%dma_start3A_1173 : memref<1x8x32xf32, #tpu.memory_space<hbm>>) target(%dma_start3A_1170 : memref<1x8x32xf32, #tpu.memory_space<vmem>>) target_semaphore(%arg13 : memref<!tpu.dma_semaphore, #tpu.memory_space<semaphore_mem>>)
          %slice3A_1174 = vector.extract_strided_slice %get3A_933 {offsets = [15], sizes = [1], strides = [1]} : vector<16xi32> to vector<1xi32>
          %squeeze3A_1175 = vector.extract %slice3A_1174[0] : i32 from vector<1xi32>
          %dma_start3A_1176 = arith.constant 31 : i32
          %dma_start3A_1177 = arith.constant 0 : i32
          %dma_start3A_1178 = arith.constant 0 : i32
          %dma_start3A_1179 = tpu.memref_slice %arg10[%dma_start3A_1176, %dma_start3A_1177, %dma_start3A_1178] : memref<32x8x32xf32, #tpu.memory_space<vmem>> -> memref<1x8x32xf32, #tpu.memory_space<vmem>>
          %dma_start3A_1180 = arith.constant 0 : i32
          %dma_start3A_1181 = arith.constant 0 : i32
          %dma_start3A_1182 = tpu.memref_slice %arg3[%squeeze3A_1175, %dma_start3A_1180, %dma_start3A_1181] : memref<125000x8x32xf32, #tpu.memory_space<hbm>> -> memref<1x8x32xf32, #tpu.memory_space<hbm>>
          %dma_start3A_1183 = arith.constant 31 : i32
          %dma_start3A_1184 = arith.constant 0 : i32
          %dma_start3A_1185 = arith.constant 0 : i32
          %dma_start3A_1186 = tpu.memref_slice %arg10[%dma_start3A_1183, %dma_start3A_1184, %dma_start3A_1185] : memref<32x8x32xf32, #tpu.memory_space<vmem>> -> memref<1x8x32xf32, #tpu.memory_space<vmem>>
          %dma_start3A_1187 = arith.constant 0 : i32
          %dma_start3A_1188 = arith.constant 0 : i32
          %dma_start3A_1189 = tpu.memref_slice %arg3[%squeeze3A_1175, %dma_start3A_1187, %dma_start3A_1188] : memref<125000x8x32xf32, #tpu.memory_space<hbm>> -> memref<1x8x32xf32, #tpu.memory_space<hbm>>
          tpu.enqueue_dma source(%dma_start3A_1189 : memref<1x8x32xf32, #tpu.memory_space<hbm>>) target(%dma_start3A_1186 : memref<1x8x32xf32, #tpu.memory_space<vmem>>) target_semaphore(%arg13 : memref<!tpu.dma_semaphore, #tpu.memory_space<semaphore_mem>>)
        } else {
          %add3A_928 = arith.constant 1 : i32
          %add3A_929 = arith.addi %scan3A_907, %add3A_928 : i32
          %mul3A_930 = arith.constant 16 : i32
          %mul3A_931 = arith.muli %add3A_929, %mul3A_930 : i32
          %get3A_932 = arith.index_cast %mul3A_931 : i32 to index
          %get3A_933 = tpu.vector_load %arg8[%get3A_932] {strides = array<i32>} : memref<512xi32, #tpu.memory_space<vmem>>, vector<16xi32>,
          %slice3A_934 = vector.extract_strided_slice %get3A_933 {offsets = [0], sizes = [1], strides = [1]} : vector<16xi32> to vector<1xi32>
          %squeeze3A_935 = vector.extract %slice3A_934[0] : i32 from vector<1xi32>
          %dma_start3A_936 = arith.constant 0 : i32
          %dma_start3A_937 = arith.constant 0 : i32
          %dma_start3A_938 = arith.constant 0 : i32
          %dma_start3A_939 = tpu.memref_slice %arg10[%dma_start3A_936, %dma_start3A_937, %dma_start3A_938] : memref<32x8x32xf32, #tpu.memory_space<vmem>> -> memref<1x8x32xf32, #tpu.memory_space<vmem>>
          %dma_start3A_940 = arith.constant 0 : i32
          %dma_start3A_941 = arith.constant 0 : i32
          %dma_start3A_942 = tpu.memref_slice %arg3[%squeeze3A_935, %dma_start3A_940, %dma_start3A_941] : memref<125000x8x32xf32, #tpu.memory_space<hbm>> -> memref<1x8x32xf32, #tpu.memory_space<hbm>>
          %dma_start3A_943 = arith.constant 0 : i32
          %dma_start3A_944 = arith.constant 0 : i32
          %dma_start3A_945 = arith.constant 0 : i32
          %dma_start3A_946 = tpu.memref_slice %arg10[%dma_start3A_943, %dma_start3A_944, %dma_start3A_945] : memref<32x8x32xf32, #tpu.memory_space<vmem>> -> memref<1x8x32xf32, #tpu.memory_space<vmem>>
          %dma_start3A_947 = arith.constant 0 : i32
          %dma_start3A_948 = arith.constant 0 : i32
          %dma_start3A_949 = tpu.memref_slice %arg3[%squeeze3A_935, %dma_start3A_947, %dma_start3A_948] : memref<125000x8x32xf32, #tpu.memory_space<hbm>> -> memref<1x8x32xf32, #tpu.memory_space<hbm>>
          tpu.enqueue_dma source(%dma_start3A_949 : memref<1x8x32xf32, #tpu.memory_space<hbm>>) target(%dma_start3A_946 : memref<1x8x32xf32, #tpu.memory_space<vmem>>) target_semaphore(%arg12 : memref<!tpu.dma_semaphore, #tpu.memory_space<semaphore_mem>>)
          %slice3A_950 = vector.extract_strided_slice %get3A_933 {offsets = [1], sizes = [1], strides = [1]} : vector<16xi32> to vector<1xi32>
          %squeeze3A_951 = vector.extract %slice3A_950[0] : i32 from vector<1xi32>
          %dma_start3A_952 = arith.constant 1 : i32
          %dma_start3A_953 = arith.constant 0 : i32
          %dma_start3A_954 = arith.constant 0 : i32
          %dma_start3A_955 = tpu.memref_slice %arg10[%dma_start3A_952, %dma_start3A_953, %dma_start3A_954] : memref<32x8x32xf32, #tpu.memory_space<vmem>> -> memref<1x8x32xf32, #tpu.memory_space<vmem>>
          %dma_start3A_956 = arith.constant 0 : i32
          %dma_start3A_957 = arith.constant 0 : i32
          %dma_start3A_958 = tpu.memref_slice %arg3[%squeeze3A_951, %dma_start3A_956, %dma_start3A_957] : memref<125000x8x32xf32, #tpu.memory_space<hbm>> -> memref<1x8x32xf32, #tpu.memory_space<hbm>>
          %dma_start3A_959 = arith.constant 1 : i32
          %dma_start3A_960 = arith.constant 0 : i32
          %dma_start3A_961 = arith.constant 0 : i32
          %dma_start3A_962 = tpu.memref_slice %arg10[%dma_start3A_959, %dma_start3A_960, %dma_start3A_961] : memref<32x8x32xf32, #tpu.memory_space<vmem>> -> memref<1x8x32xf32, #tpu.memory_space<vmem>>
          %dma_start3A_963 = arith.constant 0 : i32
          %dma_start3A_964 = arith.constant 0 : i32
          %dma_start3A_965 = tpu.memref_slice %arg3[%squeeze3A_951, %dma_start3A_963, %dma_start3A_964] : memref<125000x8x32xf32, #tpu.memory_space<hbm>> -> memref<1x8x32xf32, #tpu.memory_space<hbm>>
          tpu.enqueue_dma source(%dma_start3A_965 : memref<1x8x32xf32, #tpu.memory_space<hbm>>) target(%dma_start3A_962 : memref<1x8x32xf32, #tpu.memory_space<vmem>>) target_semaphore(%arg12 : memref<!tpu.dma_semaphore, #tpu.memory_space<semaphore_mem>>)
          %slice3A_966 = vector.extract_strided_slice %get3A_933 {offsets = [2], sizes = [1], strides = [1]} : vector<16xi32> to vector<1xi32>
          %squeeze3A_967 = vector.extract %slice3A_966[0] : i32 from vector<1xi32>
          %dma_start3A_968 = arith.constant 2 : i32
          %dma_start3A_969 = arith.constant 0 : i32
          %dma_start3A_970 = arith.constant 0 : i32
          %dma_start3A_971 = tpu.memref_slice %arg10[%dma_start3A_968, %dma_start3A_969, %dma_start3A_970] : memref<32x8x32xf32, #tpu.memory_space<vmem>> -> memref<1x8x32xf32, #tpu.memory_space<vmem>>
          %dma_start3A_972 = arith.constant 0 : i32
          %dma_start3A_973 = arith.constant 0 : i32
          %dma_start3A_974 = tpu.memref_slice %arg3[%squeeze3A_967, %dma_start3A_972, %dma_start3A_973] : memref<125000x8x32xf32, #tpu.memory_space<hbm>> -> memref<1x8x32xf32, #tpu.memory_space<hbm>>
          %dma_start3A_975 = arith.constant 2 : i32
          %dma_start3A_976 = arith.constant 0 : i32
          %dma_start3A_977 = arith.constant 0 : i32
          %dma_start3A_978 = tpu.memref_slice %arg10[%dma_start3A_975, %dma_start3A_976, %dma_start3A_977] : memref<32x8x32xf32, #tpu.memory_space<vmem>> -> memref<1x8x32xf32, #tpu.memory_space<vmem>>
          %dma_start3A_979 = arith.constant 0 : i32
          %dma_start3A_980 = arith.constant 0 : i32
          %dma_start3A_981 = tpu.memref_slice %arg3[%squeeze3A_967, %dma_start3A_979, %dma_start3A_980] : memref<125000x8x32xf32, #tpu.memory_space<hbm>> -> memref<1x8x32xf32, #tpu.memory_space<hbm>>
          tpu.enqueue_dma source(%dma_start3A_981 : memref<1x8x32xf32, #tpu.memory_space<hbm>>) target(%dma_start3A_978 : memref<1x8x32xf32, #tpu.memory_space<vmem>>) target_semaphore(%arg12 : memref<!tpu.dma_semaphore, #tpu.memory_space<semaphore_mem>>)
          %slice3A_982 = vector.extract_strided_slice %get3A_933 {offsets = [3], sizes = [1], strides = [1]} : vector<16xi32> to vector<1xi32>
          %squeeze3A_983 = vector.extract %slice3A_982[0] : i32 from vector<1xi32>
          %dma_start3A_984 = arith.constant 3 : i32
          %dma_start3A_985 = arith.constant 0 : i32
          %dma_start3A_986 = arith.constant 0 : i32
          %dma_start3A_987 = tpu.memref_slice %arg10[%dma_start3A_984, %dma_start3A_985, %dma_start3A_986] : memref<32x8x32xf32, #tpu.memory_space<vmem>> -> memref<1x8x32xf32, #tpu.memory_space<vmem>>
          %dma_start3A_988 = arith.constant 0 : i32
          %dma_start3A_989 = arith.constant 0 : i32
          %dma_start3A_990 = tpu.memref_slice %arg3[%squeeze3A_983, %dma_start3A_988, %dma_start3A_989] : memref<125000x8x32xf32, #tpu.memory_space<hbm>> -> memref<1x8x32xf32, #tpu.memory_space<hbm>>
          %dma_start3A_991 = arith.constant 3 : i32
          %dma_start3A_992 = arith.constant 0 : i32
          %dma_start3A_993 = arith.constant 0 : i32
          %dma_start3A_994 = tpu.memref_slice %arg10[%dma_start3A_991, %dma_start3A_992, %dma_start3A_993] : memref<32x8x32xf32, #tpu.memory_space<vmem>> -> memref<1x8x32xf32, #tpu.memory_space<vmem>>
          %dma_start3A_995 = arith.constant 0 : i32
          %dma_start3A_996 = arith.constant 0 : i32
          %dma_start3A_997 = tpu.memref_slice %arg3[%squeeze3A_983, %dma_start3A_995, %dma_start3A_996] : memref<125000x8x32xf32, #tpu.memory_space<hbm>> -> memref<1x8x32xf32, #tpu.memory_space<hbm>>
          tpu.enqueue_dma source(%dma_start3A_997 : memref<1x8x32xf32, #tpu.memory_space<hbm>>) target(%dma_start3A_994 : memref<1x8x32xf32, #tpu.memory_space<vmem>>) target_semaphore(%arg12 : memref<!tpu.dma_semaphore, #tpu.memory_space<semaphore_mem>>)
          %slice3A_998 = vector.extract_strided_slice %get3A_933 {offsets = [4], sizes = [1], strides = [1]} : vector<16xi32> to vector<1xi32>
          %squeeze3A_999 = vector.extract %slice3A_998[0] : i32 from vector<1xi32>
          %dma_start3A_1000 = arith.constant 4 : i32
          %dma_start3A_1001 = arith.constant 0 : i32
          %dma_start3A_1002 = arith.constant 0 : i32
          %dma_start3A_1003 = tpu.memref_slice %arg10[%dma_start3A_1000, %dma_start3A_1001, %dma_start3A_1002] : memref<32x8x32xf32, #tpu.memory_space<vmem>> -> memref<1x8x32xf32, #tpu.memory_space<vmem>>
          %dma_start3A_1004 = arith.constant 0 : i32
          %dma_start3A_1005 = arith.constant 0 : i32
          %dma_start3A_1006 = tpu.memref_slice %arg3[%squeeze3A_999, %dma_start3A_1004, %dma_start3A_1005] : memref<125000x8x32xf32, #tpu.memory_space<hbm>> -> memref<1x8x32xf32, #tpu.memory_space<hbm>>
          %dma_start3A_1007 = arith.constant 4 : i32
          %dma_start3A_1008 = arith.constant 0 : i32
          %dma_start3A_1009 = arith.constant 0 : i32
          %dma_start3A_1010 = tpu.memref_slice %arg10[%dma_start3A_1007, %dma_start3A_1008, %dma_start3A_1009] : memref<32x8x32xf32, #tpu.memory_space<vmem>> -> memref<1x8x32xf32, #tpu.memory_space<vmem>>
          %dma_start3A_1011 = arith.constant 0 : i32
          %dma_start3A_1012 = arith.constant 0 : i32
          %dma_start3A_1013 = tpu.memref_slice %arg3[%squeeze3A_999, %dma_start3A_1011, %dma_start3A_1012] : memref<125000x8x32xf32, #tpu.memory_space<hbm>> -> memref<1x8x32xf32, #tpu.memory_space<hbm>>
          tpu.enqueue_dma source(%dma_start3A_1013 : memref<1x8x32xf32, #tpu.memory_space<hbm>>) target(%dma_start3A_1010 : memref<1x8x32xf32, #tpu.memory_space<vmem>>) target_semaphore(%arg12 : memref<!tpu.dma_semaphore, #tpu.memory_space<semaphore_mem>>)
          %slice3A_1014 = vector.extract_strided_slice %get3A_933 {offsets = [5], sizes = [1], strides = [1]} : vector<16xi32> to vector<1xi32>
          %squeeze3A_1015 = vector.extract %slice3A_1014[0] : i32 from vector<1xi32>
          %dma_start3A_1016 = arith.constant 5 : i32
          %dma_start3A_1017 = arith.constant 0 : i32
          %dma_start3A_1018 = arith.constant 0 : i32
          %dma_start3A_1019 = tpu.memref_slice %arg10[%dma_start3A_1016, %dma_start3A_1017, %dma_start3A_1018] : memref<32x8x32xf32, #tpu.memory_space<vmem>> -> memref<1x8x32xf32, #tpu.memory_space<vmem>>
          %dma_start3A_1020 = arith.constant 0 : i32
          %dma_start3A_1021 = arith.constant 0 : i32
          %dma_start3A_1022 = tpu.memref_slice %arg3[%squeeze3A_1015, %dma_start3A_1020, %dma_start3A_1021] : memref<125000x8x32xf32, #tpu.memory_space<hbm>> -> memref<1x8x32xf32, #tpu.memory_space<hbm>>
          %dma_start3A_1023 = arith.constant 5 : i32
          %dma_start3A_1024 = arith.constant 0 : i32
          %dma_start3A_1025 = arith.constant 0 : i32
          %dma_start3A_1026 = tpu.memref_slice %arg10[%dma_start3A_1023, %dma_start3A_1024, %dma_start3A_1025] : memref<32x8x32xf32, #tpu.memory_space<vmem>> -> memref<1x8x32xf32, #tpu.memory_space<vmem>>
          %dma_start3A_1027 = arith.constant 0 : i32
          %dma_start3A_1028 = arith.constant 0 : i32
          %dma_start3A_1029 = tpu.memref_slice %arg3[%squeeze3A_1015, %dma_start3A_1027, %dma_start3A_1028] : memref<125000x8x32xf32, #tpu.memory_space<hbm>> -> memref<1x8x32xf32, #tpu.memory_space<hbm>>
          tpu.enqueue_dma source(%dma_start3A_1029 : memref<1x8x32xf32, #tpu.memory_space<hbm>>) target(%dma_start3A_1026 : memref<1x8x32xf32, #tpu.memory_space<vmem>>) target_semaphore(%arg12 : memref<!tpu.dma_semaphore, #tpu.memory_space<semaphore_mem>>)
          %slice3A_1030 = vector.extract_strided_slice %get3A_933 {offsets = [6], sizes = [1], strides = [1]} : vector<16xi32> to vector<1xi32>
          %squeeze3A_1031 = vector.extract %slice3A_1030[0] : i32 from vector<1xi32>
          %dma_start3A_1032 = arith.constant 6 : i32
          %dma_start3A_1033 = arith.constant 0 : i32
          %dma_start3A_1034 = arith.constant 0 : i32
          %dma_start3A_1035 = tpu.memref_slice %arg10[%dma_start3A_1032, %dma_start3A_1033, %dma_start3A_1034] : memref<32x8x32xf32, #tpu.memory_space<vmem>> -> memref<1x8x32xf32, #tpu.memory_space<vmem>>
          %dma_start3A_1036 = arith.constant 0 : i32
          %dma_start3A_1037 = arith.constant 0 : i32
          %dma_start3A_1038 = tpu.memref_slice %arg3[%squeeze3A_1031, %dma_start3A_1036, %dma_start3A_1037] : memref<125000x8x32xf32, #tpu.memory_space<hbm>> -> memref<1x8x32xf32, #tpu.memory_space<hbm>>
          %dma_start3A_1039 = arith.constant 6 : i32
          %dma_start3A_1040 = arith.constant 0 : i32
          %dma_start3A_1041 = arith.constant 0 : i32
          %dma_start3A_1042 = tpu.memref_slice %arg10[%dma_start3A_1039, %dma_start3A_1040, %dma_start3A_1041] : memref<32x8x32xf32, #tpu.memory_space<vmem>> -> memref<1x8x32xf32, #tpu.memory_space<vmem>>
          %dma_start3A_1043 = arith.constant 0 : i32
          %dma_start3A_1044 = arith.constant 0 : i32
          %dma_start3A_1045 = tpu.memref_slice %arg3[%squeeze3A_1031, %dma_start3A_1043, %dma_start3A_1044] : memref<125000x8x32xf32, #tpu.memory_space<hbm>> -> memref<1x8x32xf32, #tpu.memory_space<hbm>>
          tpu.enqueue_dma source(%dma_start3A_1045 : memref<1x8x32xf32, #tpu.memory_space<hbm>>) target(%dma_start3A_1042 : memref<1x8x32xf32, #tpu.memory_space<vmem>>) target_semaphore(%arg12 : memref<!tpu.dma_semaphore, #tpu.memory_space<semaphore_mem>>)
          %slice3A_1046 = vector.extract_strided_slice %get3A_933 {offsets = [7], sizes = [1], strides = [1]} : vector<16xi32> to vector<1xi32>
          %squeeze3A_1047 = vector.extract %slice3A_1046[0] : i32 from vector<1xi32>
          %dma_start3A_1048 = arith.constant 7 : i32
          %dma_start3A_1049 = arith.constant 0 : i32
          %dma_start3A_1050 = arith.constant 0 : i32
          %dma_start3A_1051 = tpu.memref_slice %arg10[%dma_start3A_1048, %dma_start3A_1049, %dma_start3A_1050] : memref<32x8x32xf32, #tpu.memory_space<vmem>> -> memref<1x8x32xf32, #tpu.memory_space<vmem>>
          %dma_start3A_1052 = arith.constant 0 : i32
          %dma_start3A_1053 = arith.constant 0 : i32
          %dma_start3A_1054 = tpu.memref_slice %arg3[%squeeze3A_1047, %dma_start3A_1052, %dma_start3A_1053] : memref<125000x8x32xf32, #tpu.memory_space<hbm>> -> memref<1x8x32xf32, #tpu.memory_space<hbm>>
          %dma_start3A_1055 = arith.constant 7 : i32
          %dma_start3A_1056 = arith.constant 0 : i32
          %dma_start3A_1057 = arith.constant 0 : i32
          %dma_start3A_1058 = tpu.memref_slice %arg10[%dma_start3A_1055, %dma_start3A_1056, %dma_start3A_1057] : memref<32x8x32xf32, #tpu.memory_space<vmem>> -> memref<1x8x32xf32, #tpu.memory_space<vmem>>
          %dma_start3A_1059 = arith.constant 0 : i32
          %dma_start3A_1060 = arith.constant 0 : i32
          %dma_start3A_1061 = tpu.memref_slice %arg3[%squeeze3A_1047, %dma_start3A_1059, %dma_start3A_1060] : memref<125000x8x32xf32, #tpu.memory_space<hbm>> -> memref<1x8x32xf32, #tpu.memory_space<hbm>>
          tpu.enqueue_dma source(%dma_start3A_1061 : memref<1x8x32xf32, #tpu.memory_space<hbm>>) target(%dma_start3A_1058 : memref<1x8x32xf32, #tpu.memory_space<vmem>>) target_semaphore(%arg12 : memref<!tpu.dma_semaphore, #tpu.memory_space<semaphore_mem>>)
          %slice3A_1062 = vector.extract_strided_slice %get3A_933 {offsets = [8], sizes = [1], strides = [1]} : vector<16xi32> to vector<1xi32>
          %squeeze3A_1063 = vector.extract %slice3A_1062[0] : i32 from vector<1xi32>
          %dma_start3A_1064 = arith.constant 8 : i32
          %dma_start3A_1065 = arith.constant 0 : i32
          %dma_start3A_1066 = arith.constant 0 : i32
          %dma_start3A_1067 = tpu.memref_slice %arg10[%dma_start3A_1064, %dma_start3A_1065, %dma_start3A_1066] : memref<32x8x32xf32, #tpu.memory_space<vmem>> -> memref<1x8x32xf32, #tpu.memory_space<vmem>>
          %dma_start3A_1068 = arith.constant 0 : i32
          %dma_start3A_1069 = arith.constant 0 : i32
          %dma_start3A_1070 = tpu.memref_slice %arg3[%squeeze3A_1063, %dma_start3A_1068, %dma_start3A_1069] : memref<125000x8x32xf32, #tpu.memory_space<hbm>> -> memref<1x8x32xf32, #tpu.memory_space<hbm>>
          %dma_start3A_1071 = arith.constant 8 : i32
          %dma_start3A_1072 = arith.constant 0 : i32
          %dma_start3A_1073 = arith.constant 0 : i32
          %dma_start3A_1074 = tpu.memref_slice %arg10[%dma_start3A_1071, %dma_start3A_1072, %dma_start3A_1073] : memref<32x8x32xf32, #tpu.memory_space<vmem>> -> memref<1x8x32xf32, #tpu.memory_space<vmem>>
          %dma_start3A_1075 = arith.constant 0 : i32
          %dma_start3A_1076 = arith.constant 0 : i32
          %dma_start3A_1077 = tpu.memref_slice %arg3[%squeeze3A_1063, %dma_start3A_1075, %dma_start3A_1076] : memref<125000x8x32xf32, #tpu.memory_space<hbm>> -> memref<1x8x32xf32, #tpu.memory_space<hbm>>
          tpu.enqueue_dma source(%dma_start3A_1077 : memref<1x8x32xf32, #tpu.memory_space<hbm>>) target(%dma_start3A_1074 : memref<1x8x32xf32, #tpu.memory_space<vmem>>) target_semaphore(%arg12 : memref<!tpu.dma_semaphore, #tpu.memory_space<semaphore_mem>>)
          %slice3A_1078 = vector.extract_strided_slice %get3A_933 {offsets = [9], sizes = [1], strides = [1]} : vector<16xi32> to vector<1xi32>
          %squeeze3A_1079 = vector.extract %slice3A_1078[0] : i32 from vector<1xi32>
          %dma_start3A_1080 = arith.constant 9 : i32
          %dma_start3A_1081 = arith.constant 0 : i32
          %dma_start3A_1082 = arith.constant 0 : i32
          %dma_start3A_1083 = tpu.memref_slice %arg10[%dma_start3A_1080, %dma_start3A_1081, %dma_start3A_1082] : memref<32x8x32xf32, #tpu.memory_space<vmem>> -> memref<1x8x32xf32, #tpu.memory_space<vmem>>
          %dma_start3A_1084 = arith.constant 0 : i32
          %dma_start3A_1085 = arith.constant 0 : i32
          %dma_start3A_1086 = tpu.memref_slice %arg3[%squeeze3A_1079, %dma_start3A_1084, %dma_start3A_1085] : memref<125000x8x32xf32, #tpu.memory_space<hbm>> -> memref<1x8x32xf32, #tpu.memory_space<hbm>>
          %dma_start3A_1087 = arith.constant 9 : i32
          %dma_start3A_1088 = arith.constant 0 : i32
          %dma_start3A_1089 = arith.constant 0 : i32
          %dma_start3A_1090 = tpu.memref_slice %arg10[%dma_start3A_1087, %dma_start3A_1088, %dma_start3A_1089] : memref<32x8x32xf32, #tpu.memory_space<vmem>> -> memref<1x8x32xf32, #tpu.memory_space<vmem>>
          %dma_start3A_1091 = arith.constant 0 : i32
          %dma_start3A_1092 = arith.constant 0 : i32
          %dma_start3A_1093 = tpu.memref_slice %arg3[%squeeze3A_1079, %dma_start3A_1091, %dma_start3A_1092] : memref<125000x8x32xf32, #tpu.memory_space<hbm>> -> memref<1x8x32xf32, #tpu.memory_space<hbm>>
          tpu.enqueue_dma source(%dma_start3A_1093 : memref<1x8x32xf32, #tpu.memory_space<hbm>>) target(%dma_start3A_1090 : memref<1x8x32xf32, #tpu.memory_space<vmem>>) target_semaphore(%arg12 : memref<!tpu.dma_semaphore, #tpu.memory_space<semaphore_mem>>)
          %slice3A_1094 = vector.extract_strided_slice %get3A_933 {offsets = [10], sizes = [1], strides = [1]} : vector<16xi32> to vector<1xi32>
          %squeeze3A_1095 = vector.extract %slice3A_1094[0] : i32 from vector<1xi32>
          %dma_start3A_1096 = arith.constant 10 : i32
          %dma_start3A_1097 = arith.constant 0 : i32
          %dma_start3A_1098 = arith.constant 0 : i32
          %dma_start3A_1099 = tpu.memref_slice %arg10[%dma_start3A_1096, %dma_start3A_1097, %dma_start3A_1098] : memref<32x8x32xf32, #tpu.memory_space<vmem>> -> memref<1x8x32xf32, #tpu.memory_space<vmem>>
          %dma_start3A_1100 = arith.constant 0 : i32
          %dma_start3A_1101 = arith.constant 0 : i32
          %dma_start3A_1102 = tpu.memref_slice %arg3[%squeeze3A_1095, %dma_start3A_1100, %dma_start3A_1101] : memref<125000x8x32xf32, #tpu.memory_space<hbm>> -> memref<1x8x32xf32, #tpu.memory_space<hbm>>
          %dma_start3A_1103 = arith.constant 10 : i32
          %dma_start3A_1104 = arith.constant 0 : i32
          %dma_start3A_1105 = arith.constant 0 : i32
          %dma_start3A_1106 = tpu.memref_slice %arg10[%dma_start3A_1103, %dma_start3A_1104, %dma_start3A_1105] : memref<32x8x32xf32, #tpu.memory_space<vmem>> -> memref<1x8x32xf32, #tpu.memory_space<vmem>>
          %dma_start3A_1107 = arith.constant 0 : i32
          %dma_start3A_1108 = arith.constant 0 : i32
          %dma_start3A_1109 = tpu.memref_slice %arg3[%squeeze3A_1095, %dma_start3A_1107, %dma_start3A_1108] : memref<125000x8x32xf32, #tpu.memory_space<hbm>> -> memref<1x8x32xf32, #tpu.memory_space<hbm>>
          tpu.enqueue_dma source(%dma_start3A_1109 : memref<1x8x32xf32, #tpu.memory_space<hbm>>) target(%dma_start3A_1106 : memref<1x8x32xf32, #tpu.memory_space<vmem>>) target_semaphore(%arg12 : memref<!tpu.dma_semaphore, #tpu.memory_space<semaphore_mem>>)
          %slice3A_1110 = vector.extract_strided_slice %get3A_933 {offsets = [11], sizes = [1], strides = [1]} : vector<16xi32> to vector<1xi32>
          %squeeze3A_1111 = vector.extract %slice3A_1110[0] : i32 from vector<1xi32>
          %dma_start3A_1112 = arith.constant 11 : i32
          %dma_start3A_1113 = arith.constant 0 : i32
          %dma_start3A_1114 = arith.constant 0 : i32
          %dma_start3A_1115 = tpu.memref_slice %arg10[%dma_start3A_1112, %dma_start3A_1113, %dma_start3A_1114] : memref<32x8x32xf32, #tpu.memory_space<vmem>> -> memref<1x8x32xf32, #tpu.memory_space<vmem>>
          %dma_start3A_1116 = arith.constant 0 : i32
          %dma_start3A_1117 = arith.constant 0 : i32
          %dma_start3A_1118 = tpu.memref_slice %arg3[%squeeze3A_1111, %dma_start3A_1116, %dma_start3A_1117] : memref<125000x8x32xf32, #tpu.memory_space<hbm>> -> memref<1x8x32xf32, #tpu.memory_space<hbm>>
          %dma_start3A_1119 = arith.constant 11 : i32
          %dma_start3A_1120 = arith.constant 0 : i32
          %dma_start3A_1121 = arith.constant 0 : i32
          %dma_start3A_1122 = tpu.memref_slice %arg10[%dma_start3A_1119, %dma_start3A_1120, %dma_start3A_1121] : memref<32x8x32xf32, #tpu.memory_space<vmem>> -> memref<1x8x32xf32, #tpu.memory_space<vmem>>
          %dma_start3A_1123 = arith.constant 0 : i32
          %dma_start3A_1124 = arith.constant 0 : i32
          %dma_start3A_1125 = tpu.memref_slice %arg3[%squeeze3A_1111, %dma_start3A_1123, %dma_start3A_1124] : memref<125000x8x32xf32, #tpu.memory_space<hbm>> -> memref<1x8x32xf32, #tpu.memory_space<hbm>>
          tpu.enqueue_dma source(%dma_start3A_1125 : memref<1x8x32xf32, #tpu.memory_space<hbm>>) target(%dma_start3A_1122 : memref<1x8x32xf32, #tpu.memory_space<vmem>>) target_semaphore(%arg12 : memref<!tpu.dma_semaphore, #tpu.memory_space<semaphore_mem>>)
          %slice3A_1126 = vector.extract_strided_slice %get3A_933 {offsets = [12], sizes = [1], strides = [1]} : vector<16xi32> to vector<1xi32>
          %squeeze3A_1127 = vector.extract %slice3A_1126[0] : i32 from vector<1xi32>
          %dma_start3A_1128 = arith.constant 12 : i32
          %dma_start3A_1129 = arith.constant 0 : i32
          %dma_start3A_1130 = arith.constant 0 : i32
          %dma_start3A_1131 = tpu.memref_slice %arg10[%dma_start3A_1128, %dma_start3A_1129, %dma_start3A_1130] : memref<32x8x32xf32, #tpu.memory_space<vmem>> -> memref<1x8x32xf32, #tpu.memory_space<vmem>>
          %dma_start3A_1132 = arith.constant 0 : i32
          %dma_start3A_1133 = arith.constant 0 : i32
          %dma_start3A_1134 = tpu.memref_slice %arg3[%squeeze3A_1127, %dma_start3A_1132, %dma_start3A_1133] : memref<125000x8x32xf32, #tpu.memory_space<hbm>> -> memref<1x8x32xf32, #tpu.memory_space<hbm>>
          %dma_start3A_1135 = arith.constant 12 : i32
          %dma_start3A_1136 = arith.constant 0 : i32
          %dma_start3A_1137 = arith.constant 0 : i32
          %dma_start3A_1138 = tpu.memref_slice %arg10[%dma_start3A_1135, %dma_start3A_1136, %dma_start3A_1137] : memref<32x8x32xf32, #tpu.memory_space<vmem>> -> memref<1x8x32xf32, #tpu.memory_space<vmem>>
          %dma_start3A_1139 = arith.constant 0 : i32
          %dma_start3A_1140 = arith.constant 0 : i32
          %dma_start3A_1141 = tpu.memref_slice %arg3[%squeeze3A_1127, %dma_start3A_1139, %dma_start3A_1140] : memref<125000x8x32xf32, #tpu.memory_space<hbm>> -> memref<1x8x32xf32, #tpu.memory_space<hbm>>
          tpu.enqueue_dma source(%dma_start3A_1141 : memref<1x8x32xf32, #tpu.memory_space<hbm>>) target(%dma_start3A_1138 : memref<1x8x32xf32, #tpu.memory_space<vmem>>) target_semaphore(%arg12 : memref<!tpu.dma_semaphore, #tpu.memory_space<semaphore_mem>>)
          %slice3A_1142 = vector.extract_strided_slice %get3A_933 {offsets = [13], sizes = [1], strides = [1]} : vector<16xi32> to vector<1xi32>
          %squeeze3A_1143 = vector.extract %slice3A_1142[0] : i32 from vector<1xi32>
          %dma_start3A_1144 = arith.constant 13 : i32
          %dma_start3A_1145 = arith.constant 0 : i32
          %dma_start3A_1146 = arith.constant 0 : i32
          %dma_start3A_1147 = tpu.memref_slice %arg10[%dma_start3A_1144, %dma_start3A_1145, %dma_start3A_1146] : memref<32x8x32xf32, #tpu.memory_space<vmem>> -> memref<1x8x32xf32, #tpu.memory_space<vmem>>
          %dma_start3A_1148 = arith.constant 0 : i32
          %dma_start3A_1149 = arith.constant 0 : i32
          %dma_start3A_1150 = tpu.memref_slice %arg3[%squeeze3A_1143, %dma_start3A_1148, %dma_start3A_1149] : memref<125000x8x32xf32, #tpu.memory_space<hbm>> -> memref<1x8x32xf32, #tpu.memory_space<hbm>>
          %dma_start3A_1151 = arith.constant 13 : i32
          %dma_start3A_1152 = arith.constant 0 : i32
          %dma_start3A_1153 = arith.constant 0 : i32
          %dma_start3A_1154 = tpu.memref_slice %arg10[%dma_start3A_1151, %dma_start3A_1152, %dma_start3A_1153] : memref<32x8x32xf32, #tpu.memory_space<vmem>> -> memref<1x8x32xf32, #tpu.memory_space<vmem>>
          %dma_start3A_1155 = arith.constant 0 : i32
          %dma_start3A_1156 = arith.constant 0 : i32
          %dma_start3A_1157 = tpu.memref_slice %arg3[%squeeze3A_1143, %dma_start3A_1155, %dma_start3A_1156] : memref<125000x8x32xf32, #tpu.memory_space<hbm>> -> memref<1x8x32xf32, #tpu.memory_space<hbm>>
          tpu.enqueue_dma source(%dma_start3A_1157 : memref<1x8x32xf32, #tpu.memory_space<hbm>>) target(%dma_start3A_1154 : memref<1x8x32xf32, #tpu.memory_space<vmem>>) target_semaphore(%arg12 : memref<!tpu.dma_semaphore, #tpu.memory_space<semaphore_mem>>)
          %slice3A_1158 = vector.extract_strided_slice %get3A_933 {offsets = [14], sizes = [1], strides = [1]} : vector<16xi32> to vector<1xi32>
          %squeeze3A_1159 = vector.extract %slice3A_1158[0] : i32 from vector<1xi32>
          %dma_start3A_1160 = arith.constant 14 : i32
          %dma_start3A_1161 = arith.constant 0 : i32
          %dma_start3A_1162 = arith.constant 0 : i32
          %dma_start3A_1163 = tpu.memref_slice %arg10[%dma_start3A_1160, %dma_start3A_1161, %dma_start3A_1162] : memref<32x8x32xf32, #tpu.memory_space<vmem>> -> memref<1x8x32xf32, #tpu.memory_space<vmem>>
          %dma_start3A_1164 = arith.constant 0 : i32
          %dma_start3A_1165 = arith.constant 0 : i32
          %dma_start3A_1166 = tpu.memref_slice %arg3[%squeeze3A_1159, %dma_start3A_1164, %dma_start3A_1165] : memref<125000x8x32xf32, #tpu.memory_space<hbm>> -> memref<1x8x32xf32, #tpu.memory_space<hbm>>
          %dma_start3A_1167 = arith.constant 14 : i32
          %dma_start3A_1168 = arith.constant 0 : i32
          %dma_start3A_1169 = arith.constant 0 : i32
          %dma_start3A_1170 = tpu.memref_slice %arg10[%dma_start3A_1167, %dma_start3A_1168, %dma_start3A_1169] : memref<32x8x32xf32, #tpu.memory_space<vmem>> -> memref<1x8x32xf32, #tpu.memory_space<vmem>>
          %dma_start3A_1171 = arith.constant 0 : i32
          %dma_start3A_1172 = arith.constant 0 : i32
          %dma_start3A_1173 = tpu.memref_slice %arg3[%squeeze3A_1159, %dma_start3A_1171, %dma_start3A_1172] : memref<125000x8x32xf32, #tpu.memory_space<hbm>> -> memref<1x8x32xf32, #tpu.memory_space<hbm>>
          tpu.enqueue_dma source(%dma_start3A_1173 : memref<1x8x32xf32, #tpu.memory_space<hbm>>) target(%dma_start3A_1170 : memref<1x8x32xf32, #tpu.memory_space<vmem>>) target_semaphore(%arg12 : memref<!tpu.dma_semaphore, #tpu.memory_space<semaphore_mem>>)
          %slice3A_1174 = vector.extract_strided_slice %get3A_933 {offsets = [15], sizes = [1], strides = [1]} : vector<16xi32> to vector<1xi32>
          %squeeze3A_1175 = vector.extract %slice3A_1174[0] : i32 from vector<1xi32>
          %dma_start3A_1176 = arith.constant 15 : i32
          %dma_start3A_1177 = arith.constant 0 : i32
          %dma_start3A_1178 = arith.constant 0 : i32
          %dma_start3A_1179 = tpu.memref_slice %arg10[%dma_start3A_1176, %dma_start3A_1177, %dma_start3A_1178] : memref<32x8x32xf32, #tpu.memory_space<vmem>> -> memref<1x8x32xf32, #tpu.memory_space<vmem>>
          %dma_start3A_1180 = arith.constant 0 : i32
          %dma_start3A_1181 = arith.constant 0 : i32
          %dma_start3A_1182 = tpu.memref_slice %arg3[%squeeze3A_1175, %dma_start3A_1180, %dma_start3A_1181] : memref<125000x8x32xf32, #tpu.memory_space<hbm>> -> memref<1x8x32xf32, #tpu.memory_space<hbm>>
          %dma_start3A_1183 = arith.constant 15 : i32
          %dma_start3A_1184 = arith.constant 0 : i32
          %dma_start3A_1185 = arith.constant 0 : i32
          %dma_start3A_1186 = tpu.memref_slice %arg10[%dma_start3A_1183, %dma_start3A_1184, %dma_start3A_1185] : memref<32x8x32xf32, #tpu.memory_space<vmem>> -> memref<1x8x32xf32, #tpu.memory_space<vmem>>
          %dma_start3A_1187 = arith.constant 0 : i32
          %dma_start3A_1188 = arith.constant 0 : i32
          %dma_start3A_1189 = tpu.memref_slice %arg3[%squeeze3A_1175, %dma_start3A_1187, %dma_start3A_1188] : memref<125000x8x32xf32, #tpu.memory_space<hbm>> -> memref<1x8x32xf32, #tpu.memory_space<hbm>>
          tpu.enqueue_dma source(%dma_start3A_1189 : memref<1x8x32xf32, #tpu.memory_space<hbm>>) target(%dma_start3A_1186 : memref<1x8x32xf32, #tpu.memory_space<vmem>>) target_semaphore(%arg12 : memref<!tpu.dma_semaphore, #tpu.memory_space<semaphore_mem>>)
        }
      } else {
      }
      %rem3A = arith.constant 2 : i32
      %rem3A_912 = arith.remsi %scan3A_907, %rem3A : i32
      %clamp3A = arith.constant 0 : i32
      %clamp3A_913 = arith.constant 1 : i32
      %clamp3A_914 = arith.maxsi %rem3A_912, %clamp3A : i32
      %clamp3A_915 = arith.minsi %clamp3A_914, %clamp3A_913 : i32
      %cond3A_916 = arith.constant 0 : i32
      %cond3A_917 = arith.cmpi ne, %clamp3A_915, %cond3A_916 : i32
      scf.if %cond3A_917 {
        %dma_wait3A = arith.constant 16 : i32
        %dma_wait3A_918 = arith.constant 0 : i32
        %dma_wait3A_919 = arith.constant 0 : i32
        %dma_wait3A_920 = tpu.memref_slice %arg10[%dma_wait3A, %dma_wait3A_918, %dma_wait3A_919] : memref<32x8x32xf32, #tpu.memory_space<vmem>> -> memref<1x8x32xf32, #tpu.memory_space<vmem>>
        %dma_wait3A_921 = arith.constant 0 : i32
        %dma_wait3A_922 = arith.constant 0 : i32
        %dma_wait3A_923 = arith.constant 0 : i32
        %dma_wait3A_924 = tpu.memref_slice %arg3[%dma_wait3A_921, %dma_wait3A_922, %dma_wait3A_923] : memref<125000x8x32xf32, #tpu.memory_space<hbm>> -> memref<1x8x32xf32, #tpu.memory_space<hbm>>
        %dma_wait3A_925 = arith.constant 16 : i32
        %dma_wait3A_926 = arith.constant 0 : i32
        %dma_wait3A_927 = arith.constant 0 : i32
        %dma_wait3A_928 = tpu.memref_slice %arg10[%dma_wait3A_925, %dma_wait3A_926, %dma_wait3A_927] : memref<32x8x32xf32, #tpu.memory_space<vmem>> -> memref<1x8x32xf32, #tpu.memory_space<vmem>>
        %dma_wait3A_929 = arith.constant 0 : i32
        %dma_wait3A_930 = arith.constant 0 : i32
        %dma_wait3A_931 = arith.constant 0 : i32
        %dma_wait3A_932 = tpu.memref_slice %arg3[%dma_wait3A_929, %dma_wait3A_930, %dma_wait3A_931] : memref<125000x8x32xf32, #tpu.memory_space<hbm>> -> memref<1x8x32xf32, #tpu.memory_space<hbm>>
        tpu.wait_dma2 semaphore(%arg13 : memref<!tpu.dma_semaphore, #tpu.memory_space<semaphore_mem>>) src(%dma_wait3A_932 : memref<1x8x32xf32, #tpu.memory_space<hbm>>) dst(%dma_wait3A_928 : memref<1x8x32xf32, #tpu.memory_space<vmem>>)
        %dma_wait3A_933 = arith.constant 17 : i32
        %dma_wait3A_934 = arith.constant 0 : i32
        %dma_wait3A_935 = arith.constant 0 : i32
        %dma_wait3A_936 = tpu.memref_slice %arg10[%dma_wait3A_933, %dma_wait3A_934, %dma_wait3A_935] : memref<32x8x32xf32, #tpu.memory_space<vmem>> -> memref<1x8x32xf32, #tpu.memory_space<vmem>>
        %dma_wait3A_937 = arith.constant 0 : i32
        %dma_wait3A_938 = arith.constant 0 : i32
        %dma_wait3A_939 = arith.constant 0 : i32
        %dma_wait3A_940 = tpu.memref_slice %arg3[%dma_wait3A_937, %dma_wait3A_938, %dma_wait3A_939] : memref<125000x8x32xf32, #tpu.memory_space<hbm>> -> memref<1x8x32xf32, #tpu.memory_space<hbm>>
        %dma_wait3A_941 = arith.constant 17 : i32
        %dma_wait3A_942 = arith.constant 0 : i32
        %dma_wait3A_943 = arith.constant 0 : i32
        %dma_wait3A_944 = tpu.memref_slice %arg10[%dma_wait3A_941, %dma_wait3A_942, %dma_wait3A_943] : memref<32x8x32xf32, #tpu.memory_space<vmem>> -> memref<1x8x32xf32, #tpu.memory_space<vmem>>
        %dma_wait3A_945 = arith.constant 0 : i32
        %dma_wait3A_946 = arith.constant 0 : i32
        %dma_wait3A_947 = arith.constant 0 : i32
        %dma_wait3A_948 = tpu.memref_slice %arg3[%dma_wait3A_945, %dma_wait3A_946, %dma_wait3A_947] : memref<125000x8x32xf32, #tpu.memory_space<hbm>> -> memref<1x8x32xf32, #tpu.memory_space<hbm>>
        tpu.wait_dma2 semaphore(%arg13 : memref<!tpu.dma_semaphore, #tpu.memory_space<semaphore_mem>>) src(%dma_wait3A_948 : memref<1x8x32xf32, #tpu.memory_space<hbm>>) dst(%dma_wait3A_944 : memref<1x8x32xf32, #tpu.memory_space<vmem>>)
        %dma_wait3A_949 = arith.constant 18 : i32
        %dma_wait3A_950 = arith.constant 0 : i32
        %dma_wait3A_951 = arith.constant 0 : i32
        %dma_wait3A_952 = tpu.memref_slice %arg10[%dma_wait3A_949, %dma_wait3A_950, %dma_wait3A_951] : memref<32x8x32xf32, #tpu.memory_space<vmem>> -> memref<1x8x32xf32, #tpu.memory_space<vmem>>
        %dma_wait3A_953 = arith.constant 0 : i32
        %dma_wait3A_954 = arith.constant 0 : i32
        %dma_wait3A_955 = arith.constant 0 : i32
        %dma_wait3A_956 = tpu.memref_slice %arg3[%dma_wait3A_953, %dma_wait3A_954, %dma_wait3A_955] : memref<125000x8x32xf32, #tpu.memory_space<hbm>> -> memref<1x8x32xf32, #tpu.memory_space<hbm>>
        %dma_wait3A_957 = arith.constant 18 : i32
        %dma_wait3A_958 = arith.constant 0 : i32
        %dma_wait3A_959 = arith.constant 0 : i32
        %dma_wait3A_960 = tpu.memref_slice %arg10[%dma_wait3A_957, %dma_wait3A_958, %dma_wait3A_959] : memref<32x8x32xf32, #tpu.memory_space<vmem>> -> memref<1x8x32xf32, #tpu.memory_space<vmem>>
        %dma_wait3A_961 = arith.constant 0 : i32
        %dma_wait3A_962 = arith.constant 0 : i32
        %dma_wait3A_963 = arith.constant 0 : i32
        %dma_wait3A_964 = tpu.memref_slice %arg3[%dma_wait3A_961, %dma_wait3A_962, %dma_wait3A_963] : memref<125000x8x32xf32, #tpu.memory_space<hbm>> -> memref<1x8x32xf32, #tpu.memory_space<hbm>>
        tpu.wait_dma2 semaphore(%arg13 : memref<!tpu.dma_semaphore, #tpu.memory_space<semaphore_mem>>) src(%dma_wait3A_964 : memref<1x8x32xf32, #tpu.memory_space<hbm>>) dst(%dma_wait3A_960 : memref<1x8x32xf32, #tpu.memory_space<vmem>>)
        %dma_wait3A_965 = arith.constant 19 : i32
        %dma_wait3A_966 = arith.constant 0 : i32
        %dma_wait3A_967 = arith.constant 0 : i32
        %dma_wait3A_968 = tpu.memref_slice %arg10[%dma_wait3A_965, %dma_wait3A_966, %dma_wait3A_967] : memref<32x8x32xf32, #tpu.memory_space<vmem>> -> memref<1x8x32xf32, #tpu.memory_space<vmem>>
        %dma_wait3A_969 = arith.constant 0 : i32
        %dma_wait3A_970 = arith.constant 0 : i32
        %dma_wait3A_971 = arith.constant 0 : i32
        %dma_wait3A_972 = tpu.memref_slice %arg3[%dma_wait3A_969, %dma_wait3A_970, %dma_wait3A_971] : memref<125000x8x32xf32, #tpu.memory_space<hbm>> -> memref<1x8x32xf32, #tpu.memory_space<hbm>>
        %dma_wait3A_973 = arith.constant 19 : i32
        %dma_wait3A_974 = arith.constant 0 : i32
        %dma_wait3A_975 = arith.constant 0 : i32
        %dma_wait3A_976 = tpu.memref_slice %arg10[%dma_wait3A_973, %dma_wait3A_974, %dma_wait3A_975] : memref<32x8x32xf32, #tpu.memory_space<vmem>> -> memref<1x8x32xf32, #tpu.memory_space<vmem>>
        %dma_wait3A_977 = arith.constant 0 : i32
        %dma_wait3A_978 = arith.constant 0 : i32
        %dma_wait3A_979 = arith.constant 0 : i32
        %dma_wait3A_980 = tpu.memref_slice %arg3[%dma_wait3A_977, %dma_wait3A_978, %dma_wait3A_979] : memref<125000x8x32xf32, #tpu.memory_space<hbm>> -> memref<1x8x32xf32, #tpu.memory_space<hbm>>
        tpu.wait_dma2 semaphore(%arg13 : memref<!tpu.dma_semaphore, #tpu.memory_space<semaphore_mem>>) src(%dma_wait3A_980 : memref<1x8x32xf32, #tpu.memory_space<hbm>>) dst(%dma_wait3A_976 : memref<1x8x32xf32, #tpu.memory_space<vmem>>)
        %dma_wait3A_981 = arith.constant 20 : i32
        %dma_wait3A_982 = arith.constant 0 : i32
        %dma_wait3A_983 = arith.constant 0 : i32
        %dma_wait3A_984 = tpu.memref_slice %arg10[%dma_wait3A_981, %dma_wait3A_982, %dma_wait3A_983] : memref<32x8x32xf32, #tpu.memory_space<vmem>> -> memref<1x8x32xf32, #tpu.memory_space<vmem>>
        %dma_wait3A_985 = arith.constant 0 : i32
        %dma_wait3A_986 = arith.constant 0 : i32
        %dma_wait3A_987 = arith.constant 0 : i32
        %dma_wait3A_988 = tpu.memref_slice %arg3[%dma_wait3A_985, %dma_wait3A_986, %dma_wait3A_987] : memref<125000x8x32xf32, #tpu.memory_space<hbm>> -> memref<1x8x32xf32, #tpu.memory_space<hbm>>
        %dma_wait3A_989 = arith.constant 20 : i32
        %dma_wait3A_990 = arith.constant 0 : i32
        %dma_wait3A_991 = arith.constant 0 : i32
        %dma_wait3A_992 = tpu.memref_slice %arg10[%dma_wait3A_989, %dma_wait3A_990, %dma_wait3A_991] : memref<32x8x32xf32, #tpu.memory_space<vmem>> -> memref<1x8x32xf32, #tpu.memory_space<vmem>>
        %dma_wait3A_993 = arith.constant 0 : i32
        %dma_wait3A_994 = arith.constant 0 : i32
        %dma_wait3A_995 = arith.constant 0 : i32
        %dma_wait3A_996 = tpu.memref_slice %arg3[%dma_wait3A_993, %dma_wait3A_994, %dma_wait3A_995] : memref<125000x8x32xf32, #tpu.memory_space<hbm>> -> memref<1x8x32xf32, #tpu.memory_space<hbm>>
        tpu.wait_dma2 semaphore(%arg13 : memref<!tpu.dma_semaphore, #tpu.memory_space<semaphore_mem>>) src(%dma_wait3A_996 : memref<1x8x32xf32, #tpu.memory_space<hbm>>) dst(%dma_wait3A_992 : memref<1x8x32xf32, #tpu.memory_space<vmem>>)
        %dma_wait3A_997 = arith.constant 21 : i32
        %dma_wait3A_998 = arith.constant 0 : i32
        %dma_wait3A_999 = arith.constant 0 : i32
        %dma_wait3A_1000 = tpu.memref_slice %arg10[%dma_wait3A_997, %dma_wait3A_998, %dma_wait3A_999] : memref<32x8x32xf32, #tpu.memory_space<vmem>> -> memref<1x8x32xf32, #tpu.memory_space<vmem>>
        %dma_wait3A_1001 = arith.constant 0 : i32
        %dma_wait3A_1002 = arith.constant 0 : i32
        %dma_wait3A_1003 = arith.constant 0 : i32
        %dma_wait3A_1004 = tpu.memref_slice %arg3[%dma_wait3A_1001, %dma_wait3A_1002, %dma_wait3A_1003] : memref<125000x8x32xf32, #tpu.memory_space<hbm>> -> memref<1x8x32xf32, #tpu.memory_space<hbm>>
        %dma_wait3A_1005 = arith.constant 21 : i32
        %dma_wait3A_1006 = arith.constant 0 : i32
        %dma_wait3A_1007 = arith.constant 0 : i32
        %dma_wait3A_1008 = tpu.memref_slice %arg10[%dma_wait3A_1005, %dma_wait3A_1006, %dma_wait3A_1007] : memref<32x8x32xf32, #tpu.memory_space<vmem>> -> memref<1x8x32xf32, #tpu.memory_space<vmem>>
        %dma_wait3A_1009 = arith.constant 0 : i32
        %dma_wait3A_1010 = arith.constant 0 : i32
        %dma_wait3A_1011 = arith.constant 0 : i32
        %dma_wait3A_1012 = tpu.memref_slice %arg3[%dma_wait3A_1009, %dma_wait3A_1010, %dma_wait3A_1011] : memref<125000x8x32xf32, #tpu.memory_space<hbm>> -> memref<1x8x32xf32, #tpu.memory_space<hbm>>
        tpu.wait_dma2 semaphore(%arg13 : memref<!tpu.dma_semaphore, #tpu.memory_space<semaphore_mem>>) src(%dma_wait3A_1012 : memref<1x8x32xf32, #tpu.memory_space<hbm>>) dst(%dma_wait3A_1008 : memref<1x8x32xf32, #tpu.memory_space<vmem>>)
        %dma_wait3A_1013 = arith.constant 22 : i32
        %dma_wait3A_1014 = arith.constant 0 : i32
        %dma_wait3A_1015 = arith.constant 0 : i32
        %dma_wait3A_1016 = tpu.memref_slice %arg10[%dma_wait3A_1013, %dma_wait3A_1014, %dma_wait3A_1015] : memref<32x8x32xf32, #tpu.memory_space<vmem>> -> memref<1x8x32xf32, #tpu.memory_space<vmem>>
        %dma_wait3A_1017 = arith.constant 0 : i32
        %dma_wait3A_1018 = arith.constant 0 : i32
        %dma_wait3A_1019 = arith.constant 0 : i32
        %dma_wait3A_1020 = tpu.memref_slice %arg3[%dma_wait3A_1017, %dma_wait3A_1018, %dma_wait3A_1019] : memref<125000x8x32xf32, #tpu.memory_space<hbm>> -> memref<1x8x32xf32, #tpu.memory_space<hbm>>
        %dma_wait3A_1021 = arith.constant 22 : i32
        %dma_wait3A_1022 = arith.constant 0 : i32
        %dma_wait3A_1023 = arith.constant 0 : i32
        %dma_wait3A_1024 = tpu.memref_slice %arg10[%dma_wait3A_1021, %dma_wait3A_1022, %dma_wait3A_1023] : memref<32x8x32xf32, #tpu.memory_space<vmem>> -> memref<1x8x32xf32, #tpu.memory_space<vmem>>
        %dma_wait3A_1025 = arith.constant 0 : i32
        %dma_wait3A_1026 = arith.constant 0 : i32
        %dma_wait3A_1027 = arith.constant 0 : i32
        %dma_wait3A_1028 = tpu.memref_slice %arg3[%dma_wait3A_1025, %dma_wait3A_1026, %dma_wait3A_1027] : memref<125000x8x32xf32, #tpu.memory_space<hbm>> -> memref<1x8x32xf32, #tpu.memory_space<hbm>>
        tpu.wait_dma2 semaphore(%arg13 : memref<!tpu.dma_semaphore, #tpu.memory_space<semaphore_mem>>) src(%dma_wait3A_1028 : memref<1x8x32xf32, #tpu.memory_space<hbm>>) dst(%dma_wait3A_1024 : memref<1x8x32xf32, #tpu.memory_space<vmem>>)
        %dma_wait3A_1029 = arith.constant 23 : i32
        %dma_wait3A_1030 = arith.constant 0 : i32
        %dma_wait3A_1031 = arith.constant 0 : i32
        %dma_wait3A_1032 = tpu.memref_slice %arg10[%dma_wait3A_1029, %dma_wait3A_1030, %dma_wait3A_1031] : memref<32x8x32xf32, #tpu.memory_space<vmem>> -> memref<1x8x32xf32, #tpu.memory_space<vmem>>
        %dma_wait3A_1033 = arith.constant 0 : i32
        %dma_wait3A_1034 = arith.constant 0 : i32
        %dma_wait3A_1035 = arith.constant 0 : i32
        %dma_wait3A_1036 = tpu.memref_slice %arg3[%dma_wait3A_1033, %dma_wait3A_1034, %dma_wait3A_1035] : memref<125000x8x32xf32, #tpu.memory_space<hbm>> -> memref<1x8x32xf32, #tpu.memory_space<hbm>>
        %dma_wait3A_1037 = arith.constant 23 : i32
        %dma_wait3A_1038 = arith.constant 0 : i32
        %dma_wait3A_1039 = arith.constant 0 : i32
        %dma_wait3A_1040 = tpu.memref_slice %arg10[%dma_wait3A_1037, %dma_wait3A_1038, %dma_wait3A_1039] : memref<32x8x32xf32, #tpu.memory_space<vmem>> -> memref<1x8x32xf32, #tpu.memory_space<vmem>>
        %dma_wait3A_1041 = arith.constant 0 : i32
        %dma_wait3A_1042 = arith.constant 0 : i32
        %dma_wait3A_1043 = arith.constant 0 : i32
        %dma_wait3A_1044 = tpu.memref_slice %arg3[%dma_wait3A_1041, %dma_wait3A_1042, %dma_wait3A_1043] : memref<125000x8x32xf32, #tpu.memory_space<hbm>> -> memref<1x8x32xf32, #tpu.memory_space<hbm>>
        tpu.wait_dma2 semaphore(%arg13 : memref<!tpu.dma_semaphore, #tpu.memory_space<semaphore_mem>>) src(%dma_wait3A_1044 : memref<1x8x32xf32, #tpu.memory_space<hbm>>) dst(%dma_wait3A_1040 : memref<1x8x32xf32, #tpu.memory_space<vmem>>)
        %dma_wait3A_1045 = arith.constant 24 : i32
        %dma_wait3A_1046 = arith.constant 0 : i32
        %dma_wait3A_1047 = arith.constant 0 : i32
        %dma_wait3A_1048 = tpu.memref_slice %arg10[%dma_wait3A_1045, %dma_wait3A_1046, %dma_wait3A_1047] : memref<32x8x32xf32, #tpu.memory_space<vmem>> -> memref<1x8x32xf32, #tpu.memory_space<vmem>>
        %dma_wait3A_1049 = arith.constant 0 : i32
        %dma_wait3A_1050 = arith.constant 0 : i32
        %dma_wait3A_1051 = arith.constant 0 : i32
        %dma_wait3A_1052 = tpu.memref_slice %arg3[%dma_wait3A_1049, %dma_wait3A_1050, %dma_wait3A_1051] : memref<125000x8x32xf32, #tpu.memory_space<hbm>> -> memref<1x8x32xf32, #tpu.memory_space<hbm>>
        %dma_wait3A_1053 = arith.constant 24 : i32
        %dma_wait3A_1054 = arith.constant 0 : i32
        %dma_wait3A_1055 = arith.constant 0 : i32
        %dma_wait3A_1056 = tpu.memref_slice %arg10[%dma_wait3A_1053, %dma_wait3A_1054, %dma_wait3A_1055] : memref<32x8x32xf32, #tpu.memory_space<vmem>> -> memref<1x8x32xf32, #tpu.memory_space<vmem>>
        %dma_wait3A_1057 = arith.constant 0 : i32
        %dma_wait3A_1058 = arith.constant 0 : i32
        %dma_wait3A_1059 = arith.constant 0 : i32
        %dma_wait3A_1060 = tpu.memref_slice %arg3[%dma_wait3A_1057, %dma_wait3A_1058, %dma_wait3A_1059] : memref<125000x8x32xf32, #tpu.memory_space<hbm>> -> memref<1x8x32xf32, #tpu.memory_space<hbm>>
        tpu.wait_dma2 semaphore(%arg13 : memref<!tpu.dma_semaphore, #tpu.memory_space<semaphore_mem>>) src(%dma_wait3A_1060 : memref<1x8x32xf32, #tpu.memory_space<hbm>>) dst(%dma_wait3A_1056 : memref<1x8x32xf32, #tpu.memory_space<vmem>>)
        %dma_wait3A_1061 = arith.constant 25 : i32
        %dma_wait3A_1062 = arith.constant 0 : i32
        %dma_wait3A_1063 = arith.constant 0 : i32
        %dma_wait3A_1064 = tpu.memref_slice %arg10[%dma_wait3A_1061, %dma_wait3A_1062, %dma_wait3A_1063] : memref<32x8x32xf32, #tpu.memory_space<vmem>> -> memref<1x8x32xf32, #tpu.memory_space<vmem>>
        %dma_wait3A_1065 = arith.constant 0 : i32
        %dma_wait3A_1066 = arith.constant 0 : i32
        %dma_wait3A_1067 = arith.constant 0 : i32
        %dma_wait3A_1068 = tpu.memref_slice %arg3[%dma_wait3A_1065, %dma_wait3A_1066, %dma_wait3A_1067] : memref<125000x8x32xf32, #tpu.memory_space<hbm>> -> memref<1x8x32xf32, #tpu.memory_space<hbm>>
        %dma_wait3A_1069 = arith.constant 25 : i32
        %dma_wait3A_1070 = arith.constant 0 : i32
        %dma_wait3A_1071 = arith.constant 0 : i32
        %dma_wait3A_1072 = tpu.memref_slice %arg10[%dma_wait3A_1069, %dma_wait3A_1070, %dma_wait3A_1071] : memref<32x8x32xf32, #tpu.memory_space<vmem>> -> memref<1x8x32xf32, #tpu.memory_space<vmem>>
        %dma_wait3A_1073 = arith.constant 0 : i32
        %dma_wait3A_1074 = arith.constant 0 : i32
        %dma_wait3A_1075 = arith.constant 0 : i32
        %dma_wait3A_1076 = tpu.memref_slice %arg3[%dma_wait3A_1073, %dma_wait3A_1074, %dma_wait3A_1075] : memref<125000x8x32xf32, #tpu.memory_space<hbm>> -> memref<1x8x32xf32, #tpu.memory_space<hbm>>
        tpu.wait_dma2 semaphore(%arg13 : memref<!tpu.dma_semaphore, #tpu.memory_space<semaphore_mem>>) src(%dma_wait3A_1076 : memref<1x8x32xf32, #tpu.memory_space<hbm>>) dst(%dma_wait3A_1072 : memref<1x8x32xf32, #tpu.memory_space<vmem>>)
        %dma_wait3A_1077 = arith.constant 26 : i32
        %dma_wait3A_1078 = arith.constant 0 : i32
        %dma_wait3A_1079 = arith.constant 0 : i32
        %dma_wait3A_1080 = tpu.memref_slice %arg10[%dma_wait3A_1077, %dma_wait3A_1078, %dma_wait3A_1079] : memref<32x8x32xf32, #tpu.memory_space<vmem>> -> memref<1x8x32xf32, #tpu.memory_space<vmem>>
        %dma_wait3A_1081 = arith.constant 0 : i32
        %dma_wait3A_1082 = arith.constant 0 : i32
        %dma_wait3A_1083 = arith.constant 0 : i32
        %dma_wait3A_1084 = tpu.memref_slice %arg3[%dma_wait3A_1081, %dma_wait3A_1082, %dma_wait3A_1083] : memref<125000x8x32xf32, #tpu.memory_space<hbm>> -> memref<1x8x32xf32, #tpu.memory_space<hbm>>
        %dma_wait3A_1085 = arith.constant 26 : i32
        %dma_wait3A_1086 = arith.constant 0 : i32
        %dma_wait3A_1087 = arith.constant 0 : i32
        %dma_wait3A_1088 = tpu.memref_slice %arg10[%dma_wait3A_1085, %dma_wait3A_1086, %dma_wait3A_1087] : memref<32x8x32xf32, #tpu.memory_space<vmem>> -> memref<1x8x32xf32, #tpu.memory_space<vmem>>
        %dma_wait3A_1089 = arith.constant 0 : i32
        %dma_wait3A_1090 = arith.constant 0 : i32
        %dma_wait3A_1091 = arith.constant 0 : i32
        %dma_wait3A_1092 = tpu.memref_slice %arg3[%dma_wait3A_1089, %dma_wait3A_1090, %dma_wait3A_1091] : memref<125000x8x32xf32, #tpu.memory_space<hbm>> -> memref<1x8x32xf32, #tpu.memory_space<hbm>>
        tpu.wait_dma2 semaphore(%arg13 : memref<!tpu.dma_semaphore, #tpu.memory_space<semaphore_mem>>) src(%dma_wait3A_1092 : memref<1x8x32xf32, #tpu.memory_space<hbm>>) dst(%dma_wait3A_1088 : memref<1x8x32xf32, #tpu.memory_space<vmem>>)
        %dma_wait3A_1093 = arith.constant 27 : i32
        %dma_wait3A_1094 = arith.constant 0 : i32
        %dma_wait3A_1095 = arith.constant 0 : i32
        %dma_wait3A_1096 = tpu.memref_slice %arg10[%dma_wait3A_1093, %dma_wait3A_1094, %dma_wait3A_1095] : memref<32x8x32xf32, #tpu.memory_space<vmem>> -> memref<1x8x32xf32, #tpu.memory_space<vmem>>
        %dma_wait3A_1097 = arith.constant 0 : i32
        %dma_wait3A_1098 = arith.constant 0 : i32
        %dma_wait3A_1099 = arith.constant 0 : i32
        %dma_wait3A_1100 = tpu.memref_slice %arg3[%dma_wait3A_1097, %dma_wait3A_1098, %dma_wait3A_1099] : memref<125000x8x32xf32, #tpu.memory_space<hbm>> -> memref<1x8x32xf32, #tpu.memory_space<hbm>>
        %dma_wait3A_1101 = arith.constant 27 : i32
        %dma_wait3A_1102 = arith.constant 0 : i32
        %dma_wait3A_1103 = arith.constant 0 : i32
        %dma_wait3A_1104 = tpu.memref_slice %arg10[%dma_wait3A_1101, %dma_wait3A_1102, %dma_wait3A_1103] : memref<32x8x32xf32, #tpu.memory_space<vmem>> -> memref<1x8x32xf32, #tpu.memory_space<vmem>>
        %dma_wait3A_1105 = arith.constant 0 : i32
        %dma_wait3A_1106 = arith.constant 0 : i32
        %dma_wait3A_1107 = arith.constant 0 : i32
        %dma_wait3A_1108 = tpu.memref_slice %arg3[%dma_wait3A_1105, %dma_wait3A_1106, %dma_wait3A_1107] : memref<125000x8x32xf32, #tpu.memory_space<hbm>> -> memref<1x8x32xf32, #tpu.memory_space<hbm>>
        tpu.wait_dma2 semaphore(%arg13 : memref<!tpu.dma_semaphore, #tpu.memory_space<semaphore_mem>>) src(%dma_wait3A_1108 : memref<1x8x32xf32, #tpu.memory_space<hbm>>) dst(%dma_wait3A_1104 : memref<1x8x32xf32, #tpu.memory_space<vmem>>)
        %dma_wait3A_1109 = arith.constant 28 : i32
        %dma_wait3A_1110 = arith.constant 0 : i32
        %dma_wait3A_1111 = arith.constant 0 : i32
        %dma_wait3A_1112 = tpu.memref_slice %arg10[%dma_wait3A_1109, %dma_wait3A_1110, %dma_wait3A_1111] : memref<32x8x32xf32, #tpu.memory_space<vmem>> -> memref<1x8x32xf32, #tpu.memory_space<vmem>>
        %dma_wait3A_1113 = arith.constant 0 : i32
        %dma_wait3A_1114 = arith.constant 0 : i32
        %dma_wait3A_1115 = arith.constant 0 : i32
        %dma_wait3A_1116 = tpu.memref_slice %arg3[%dma_wait3A_1113, %dma_wait3A_1114, %dma_wait3A_1115] : memref<125000x8x32xf32, #tpu.memory_space<hbm>> -> memref<1x8x32xf32, #tpu.memory_space<hbm>>
        %dma_wait3A_1117 = arith.constant 28 : i32
        %dma_wait3A_1118 = arith.constant 0 : i32
        %dma_wait3A_1119 = arith.constant 0 : i32
        %dma_wait3A_1120 = tpu.memref_slice %arg10[%dma_wait3A_1117, %dma_wait3A_1118, %dma_wait3A_1119] : memref<32x8x32xf32, #tpu.memory_space<vmem>> -> memref<1x8x32xf32, #tpu.memory_space<vmem>>
        %dma_wait3A_1121 = arith.constant 0 : i32
        %dma_wait3A_1122 = arith.constant 0 : i32
        %dma_wait3A_1123 = arith.constant 0 : i32
        %dma_wait3A_1124 = tpu.memref_slice %arg3[%dma_wait3A_1121, %dma_wait3A_1122, %dma_wait3A_1123] : memref<125000x8x32xf32, #tpu.memory_space<hbm>> -> memref<1x8x32xf32, #tpu.memory_space<hbm>>
        tpu.wait_dma2 semaphore(%arg13 : memref<!tpu.dma_semaphore, #tpu.memory_space<semaphore_mem>>) src(%dma_wait3A_1124 : memref<1x8x32xf32, #tpu.memory_space<hbm>>) dst(%dma_wait3A_1120 : memref<1x8x32xf32, #tpu.memory_space<vmem>>)
        %dma_wait3A_1125 = arith.constant 29 : i32
        %dma_wait3A_1126 = arith.constant 0 : i32
        %dma_wait3A_1127 = arith.constant 0 : i32
        %dma_wait3A_1128 = tpu.memref_slice %arg10[%dma_wait3A_1125, %dma_wait3A_1126, %dma_wait3A_1127] : memref<32x8x32xf32, #tpu.memory_space<vmem>> -> memref<1x8x32xf32, #tpu.memory_space<vmem>>
        %dma_wait3A_1129 = arith.constant 0 : i32
        %dma_wait3A_1130 = arith.constant 0 : i32
        %dma_wait3A_1131 = arith.constant 0 : i32
        %dma_wait3A_1132 = tpu.memref_slice %arg3[%dma_wait3A_1129, %dma_wait3A_1130, %dma_wait3A_1131] : memref<125000x8x32xf32, #tpu.memory_space<hbm>> -> memref<1x8x32xf32, #tpu.memory_space<hbm>>
        %dma_wait3A_1133 = arith.constant 29 : i32
        %dma_wait3A_1134 = arith.constant 0 : i32
        %dma_wait3A_1135 = arith.constant 0 : i32
        %dma_wait3A_1136 = tpu.memref_slice %arg10[%dma_wait3A_1133, %dma_wait3A_1134, %dma_wait3A_1135] : memref<32x8x32xf32, #tpu.memory_space<vmem>> -> memref<1x8x32xf32, #tpu.memory_space<vmem>>
        %dma_wait3A_1137 = arith.constant 0 : i32
        %dma_wait3A_1138 = arith.constant 0 : i32
        %dma_wait3A_1139 = arith.constant 0 : i32
        %dma_wait3A_1140 = tpu.memref_slice %arg3[%dma_wait3A_1137, %dma_wait3A_1138, %dma_wait3A_1139] : memref<125000x8x32xf32, #tpu.memory_space<hbm>> -> memref<1x8x32xf32, #tpu.memory_space<hbm>>
        tpu.wait_dma2 semaphore(%arg13 : memref<!tpu.dma_semaphore, #tpu.memory_space<semaphore_mem>>) src(%dma_wait3A_1140 : memref<1x8x32xf32, #tpu.memory_space<hbm>>) dst(%dma_wait3A_1136 : memref<1x8x32xf32, #tpu.memory_space<vmem>>)
        %dma_wait3A_1141 = arith.constant 30 : i32
        %dma_wait3A_1142 = arith.constant 0 : i32
        %dma_wait3A_1143 = arith.constant 0 : i32
        %dma_wait3A_1144 = tpu.memref_slice %arg10[%dma_wait3A_1141, %dma_wait3A_1142, %dma_wait3A_1143] : memref<32x8x32xf32, #tpu.memory_space<vmem>> -> memref<1x8x32xf32, #tpu.memory_space<vmem>>
        %dma_wait3A_1145 = arith.constant 0 : i32
        %dma_wait3A_1146 = arith.constant 0 : i32
        %dma_wait3A_1147 = arith.constant 0 : i32
        %dma_wait3A_1148 = tpu.memref_slice %arg3[%dma_wait3A_1145, %dma_wait3A_1146, %dma_wait3A_1147] : memref<125000x8x32xf32, #tpu.memory_space<hbm>> -> memref<1x8x32xf32, #tpu.memory_space<hbm>>
        %dma_wait3A_1149 = arith.constant 30 : i32
        %dma_wait3A_1150 = arith.constant 0 : i32
        %dma_wait3A_1151 = arith.constant 0 : i32
        %dma_wait3A_1152 = tpu.memref_slice %arg10[%dma_wait3A_1149, %dma_wait3A_1150, %dma_wait3A_1151] : memref<32x8x32xf32, #tpu.memory_space<vmem>> -> memref<1x8x32xf32, #tpu.memory_space<vmem>>
        %dma_wait3A_1153 = arith.constant 0 : i32
        %dma_wait3A_1154 = arith.constant 0 : i32
        %dma_wait3A_1155 = arith.constant 0 : i32
        %dma_wait3A_1156 = tpu.memref_slice %arg3[%dma_wait3A_1153, %dma_wait3A_1154, %dma_wait3A_1155] : memref<125000x8x32xf32, #tpu.memory_space<hbm>> -> memref<1x8x32xf32, #tpu.memory_space<hbm>>
        tpu.wait_dma2 semaphore(%arg13 : memref<!tpu.dma_semaphore, #tpu.memory_space<semaphore_mem>>) src(%dma_wait3A_1156 : memref<1x8x32xf32, #tpu.memory_space<hbm>>) dst(%dma_wait3A_1152 : memref<1x8x32xf32, #tpu.memory_space<vmem>>)
        %dma_wait3A_1157 = arith.constant 31 : i32
        %dma_wait3A_1158 = arith.constant 0 : i32
        %dma_wait3A_1159 = arith.constant 0 : i32
        %dma_wait3A_1160 = tpu.memref_slice %arg10[%dma_wait3A_1157, %dma_wait3A_1158, %dma_wait3A_1159] : memref<32x8x32xf32, #tpu.memory_space<vmem>> -> memref<1x8x32xf32, #tpu.memory_space<vmem>>
        %dma_wait3A_1161 = arith.constant 0 : i32
        %dma_wait3A_1162 = arith.constant 0 : i32
        %dma_wait3A_1163 = arith.constant 0 : i32
        %dma_wait3A_1164 = tpu.memref_slice %arg3[%dma_wait3A_1161, %dma_wait3A_1162, %dma_wait3A_1163] : memref<125000x8x32xf32, #tpu.memory_space<hbm>> -> memref<1x8x32xf32, #tpu.memory_space<hbm>>
        %dma_wait3A_1165 = arith.constant 31 : i32
        %dma_wait3A_1166 = arith.constant 0 : i32
        %dma_wait3A_1167 = arith.constant 0 : i32
        %dma_wait3A_1168 = tpu.memref_slice %arg10[%dma_wait3A_1165, %dma_wait3A_1166, %dma_wait3A_1167] : memref<32x8x32xf32, #tpu.memory_space<vmem>> -> memref<1x8x32xf32, #tpu.memory_space<vmem>>
        %dma_wait3A_1169 = arith.constant 0 : i32
        %dma_wait3A_1170 = arith.constant 0 : i32
        %dma_wait3A_1171 = arith.constant 0 : i32
        %dma_wait3A_1172 = tpu.memref_slice %arg3[%dma_wait3A_1169, %dma_wait3A_1170, %dma_wait3A_1171] : memref<125000x8x32xf32, #tpu.memory_space<hbm>> -> memref<1x8x32xf32, #tpu.memory_space<hbm>>
        tpu.wait_dma2 semaphore(%arg13 : memref<!tpu.dma_semaphore, #tpu.memory_space<semaphore_mem>>) src(%dma_wait3A_1172 : memref<1x8x32xf32, #tpu.memory_space<hbm>>) dst(%dma_wait3A_1168 : memref<1x8x32xf32, #tpu.memory_space<vmem>>)
        %mul3A_1173 = arith.constant 16 : i32
        %mul3A_1174 = arith.muli %scan3A_907, %mul3A_1173 : i32
        %get3A_1175 = arith.index_cast %mul3A_1174 : i32 to index
        %get3A_1176 = tpu.vector_load %arg9[%get3A_1175] {strides = array<i32>} : memref<512xi32, #tpu.memory_space<vmem>>, vector<16xi32>,
        %broadcast_in_dim3A = arith.constant 16 : i32
        %broadcast_in_dim3A_1177 = vector.broadcast %broadcast_in_dim3A : i32 to vector<16xi32>
        %slice3A_1178 = vector.extract_strided_slice %get3A_1176 {offsets = [0], sizes = [1], strides = [1]} : vector<16xi32> to vector<1xi32>
        %squeeze3A_1179 = vector.extract %slice3A_1178[0] : i32 from vector<1xi32>
        %broadcast_in_dim3A_1180 = vector.broadcast %squeeze3A_1179 : i32 to vector<16xi32>
        %mul3A_1181 = arith.constant 16 : i32
        %mul3A_1182 = arith.muli %scan3A_907, %mul3A_1181 : i32
        %add3A_1183 = arith.constant 0 : i32
        %add3A_1184 = arith.addi %mul3A_1182, %add3A_1183 : i32
        %broadcast_in_dim3A_1185 = vector.broadcast %add3A_1184 : i32 to vector<16xi32>
        %gather3A = tpu.vector_load_idx %arg10[%broadcast_in_dim3A_1177, %broadcast_in_dim3A_1180, %iota3A] : memref<32x8x32xf32, #tpu.memory_space<vmem>>[vector<16xi32>, vector<16xi32>, vector<16xi32>], vector<16xf32>,
        %add3A_1186 = arith.constant 16 : i32
        %add3A_1187 = vector.broadcast %add3A_1186 : i32 to vector<16xi32>
        %add3A_1188 = arith.addi %iota3A, %add3A_1187 : vector<16xi32>
        %gather3A_1189 = tpu.vector_load_idx %arg10[%broadcast_in_dim3A_1177, %broadcast_in_dim3A_1180, %add3A_1188] : memref<32x8x32xf32, #tpu.memory_space<vmem>>[vector<16xi32>, vector<16xi32>, vector<16xi32>], vector<16xf32>,
        tpu.vector_store_idx %arg11[%broadcast_in_dim3A_1185, %iota3A], %gather3A : memref<512x32xf32, #tpu.memory_space<vmem>>[vector<16xi32>, vector<16xi32>], vector<16xf32>,
        %add3A_1190 = arith.constant 16 : i32
        %add3A_1191 = vector.broadcast %add3A_1190 : i32 to vector<16xi32>
        %add3A_1192 = arith.addi %iota3A, %add3A_1191 : vector<16xi32>
        tpu.vector_store_idx %arg11[%broadcast_in_dim3A_1185, %add3A_1192], %gather3A_1189 : memref<512x32xf32, #tpu.memory_space<vmem>>[vector<16xi32>, vector<16xi32>], vector<16xf32>,
        %broadcast_in_dim3A_1193 = arith.constant 17 : i32
        %broadcast_in_dim3A_1194 = vector.broadcast %broadcast_in_dim3A_1193 : i32 to vector<16xi32>
        %slice3A_1195 = vector.extract_strided_slice %get3A_1176 {offsets = [1], sizes = [1], strides = [1]} : vector<16xi32> to vector<1xi32>
        %squeeze3A_1196 = vector.extract %slice3A_1195[0] : i32 from vector<1xi32>
        %broadcast_in_dim3A_1197 = vector.broadcast %squeeze3A_1196 : i32 to vector<16xi32>
        %mul3A_1198 = arith.constant 16 : i32
        %mul3A_1199 = arith.muli %scan3A_907, %mul3A_1198 : i32
        %add3A_1200 = arith.constant 1 : i32
        %add3A_1201 = arith.addi %mul3A_1199, %add3A_1200 : i32
        %broadcast_in_dim3A_1202 = vector.broadcast %add3A_1201 : i32 to vector<16xi32>
        %gather3A_1203 = tpu.vector_load_idx %arg10[%broadcast_in_dim3A_1194, %broadcast_in_dim3A_1197, %iota3A] : memref<32x8x32xf32, #tpu.memory_space<vmem>>[vector<16xi32>, vector<16xi32>, vector<16xi32>], vector<16xf32>,
        %add3A_1204 = arith.constant 16 : i32
        %add3A_1205 = vector.broadcast %add3A_1204 : i32 to vector<16xi32>
        %add3A_1206 = arith.addi %iota3A, %add3A_1205 : vector<16xi32>
        %gather3A_1207 = tpu.vector_load_idx %arg10[%broadcast_in_dim3A_1194, %broadcast_in_dim3A_1197, %add3A_1206] : memref<32x8x32xf32, #tpu.memory_space<vmem>>[vector<16xi32>, vector<16xi32>, vector<16xi32>], vector<16xf32>,
        tpu.vector_store_idx %arg11[%broadcast_in_dim3A_1202, %iota3A], %gather3A_1203 : memref<512x32xf32, #tpu.memory_space<vmem>>[vector<16xi32>, vector<16xi32>], vector<16xf32>,
        %add3A_1208 = arith.constant 16 : i32
        %add3A_1209 = vector.broadcast %add3A_1208 : i32 to vector<16xi32>
        %add3A_1210 = arith.addi %iota3A, %add3A_1209 : vector<16xi32>
        tpu.vector_store_idx %arg11[%broadcast_in_dim3A_1202, %add3A_1210], %gather3A_1207 : memref<512x32xf32, #tpu.memory_space<vmem>>[vector<16xi32>, vector<16xi32>], vector<16xf32>,
        %broadcast_in_dim3A_1211 = arith.constant 18 : i32
        %broadcast_in_dim3A_1212 = vector.broadcast %broadcast_in_dim3A_1211 : i32 to vector<16xi32>
        %slice3A_1213 = vector.extract_strided_slice %get3A_1176 {offsets = [2], sizes = [1], strides = [1]} : vector<16xi32> to vector<1xi32>
        %squeeze3A_1214 = vector.extract %slice3A_1213[0] : i32 from vector<1xi32>
        %broadcast_in_dim3A_1215 = vector.broadcast %squeeze3A_1214 : i32 to vector<16xi32>
        %mul3A_1216 = arith.constant 16 : i32
        %mul3A_1217 = arith.muli %scan3A_907, %mul3A_1216 : i32
        %add3A_1218 = arith.constant 2 : i32
        %add3A_1219 = arith.addi %mul3A_1217, %add3A_1218 : i32
        %broadcast_in_dim3A_1220 = vector.broadcast %add3A_1219 : i32 to vector<16xi32>
        %gather3A_1221 = tpu.vector_load_idx %arg10[%broadcast_in_dim3A_1212, %broadcast_in_dim3A_1215, %iota3A] : memref<32x8x32xf32, #tpu.memory_space<vmem>>[vector<16xi32>, vector<16xi32>, vector<16xi32>], vector<16xf32>,
        %add3A_1222 = arith.constant 16 : i32
        %add3A_1223 = vector.broadcast %add3A_1222 : i32 to vector<16xi32>
        %add3A_1224 = arith.addi %iota3A, %add3A_1223 : vector<16xi32>
        %gather3A_1225 = tpu.vector_load_idx %arg10[%broadcast_in_dim3A_1212, %broadcast_in_dim3A_1215, %add3A_1224] : memref<32x8x32xf32, #tpu.memory_space<vmem>>[vector<16xi32>, vector<16xi32>, vector<16xi32>], vector<16xf32>,
        tpu.vector_store_idx %arg11[%broadcast_in_dim3A_1220, %iota3A], %gather3A_1221 : memref<512x32xf32, #tpu.memory_space<vmem>>[vector<16xi32>, vector<16xi32>], vector<16xf32>,
        %add3A_1226 = arith.constant 16 : i32
        %add3A_1227 = vector.broadcast %add3A_1226 : i32 to vector<16xi32>
        %add3A_1228 = arith.addi %iota3A, %add3A_1227 : vector<16xi32>
        tpu.vector_store_idx %arg11[%broadcast_in_dim3A_1220, %add3A_1228], %gather3A_1225 : memref<512x32xf32, #tpu.memory_space<vmem>>[vector<16xi32>, vector<16xi32>], vector<16xf32>,
        %broadcast_in_dim3A_1229 = arith.constant 19 : i32
        %broadcast_in_dim3A_1230 = vector.broadcast %broadcast_in_dim3A_1229 : i32 to vector<16xi32>
        %slice3A_1231 = vector.extract_strided_slice %get3A_1176 {offsets = [3], sizes = [1], strides = [1]} : vector<16xi32> to vector<1xi32>
        %squeeze3A_1232 = vector.extract %slice3A_1231[0] : i32 from vector<1xi32>
        %broadcast_in_dim3A_1233 = vector.broadcast %squeeze3A_1232 : i32 to vector<16xi32>
        %mul3A_1234 = arith.constant 16 : i32
        %mul3A_1235 = arith.muli %scan3A_907, %mul3A_1234 : i32
        %add3A_1236 = arith.constant 3 : i32
        %add3A_1237 = arith.addi %mul3A_1235, %add3A_1236 : i32
        %broadcast_in_dim3A_1238 = vector.broadcast %add3A_1237 : i32 to vector<16xi32>
        %gather3A_1239 = tpu.vector_load_idx %arg10[%broadcast_in_dim3A_1230, %broadcast_in_dim3A_1233, %iota3A] : memref<32x8x32xf32, #tpu.memory_space<vmem>>[vector<16xi32>, vector<16xi32>, vector<16xi32>], vector<16xf32>,
        %add3A_1240 = arith.constant 16 : i32
        %add3A_1241 = vector.broadcast %add3A_1240 : i32 to vector<16xi32>
        %add3A_1242 = arith.addi %iota3A, %add3A_1241 : vector<16xi32>
        %gather3A_1243 = tpu.vector_load_idx %arg10[%broadcast_in_dim3A_1230, %broadcast_in_dim3A_1233, %add3A_1242] : memref<32x8x32xf32, #tpu.memory_space<vmem>>[vector<16xi32>, vector<16xi32>, vector<16xi32>], vector<16xf32>,
        tpu.vector_store_idx %arg11[%broadcast_in_dim3A_1238, %iota3A], %gather3A_1239 : memref<512x32xf32, #tpu.memory_space<vmem>>[vector<16xi32>, vector<16xi32>], vector<16xf32>,
        %add3A_1244 = arith.constant 16 : i32
        %add3A_1245 = vector.broadcast %add3A_1244 : i32 to vector<16xi32>
        %add3A_1246 = arith.addi %iota3A, %add3A_1245 : vector<16xi32>
        tpu.vector_store_idx %arg11[%broadcast_in_dim3A_1238, %add3A_1246], %gather3A_1243 : memref<512x32xf32, #tpu.memory_space<vmem>>[vector<16xi32>, vector<16xi32>], vector<16xf32>,
        %broadcast_in_dim3A_1247 = arith.constant 20 : i32
        %broadcast_in_dim3A_1248 = vector.broadcast %broadcast_in_dim3A_1247 : i32 to vector<16xi32>
        %slice3A_1249 = vector.extract_strided_slice %get3A_1176 {offsets = [4], sizes = [1], strides = [1]} : vector<16xi32> to vector<1xi32>
        %squeeze3A_1250 = vector.extract %slice3A_1249[0] : i32 from vector<1xi32>
        %broadcast_in_dim3A_1251 = vector.broadcast %squeeze3A_1250 : i32 to vector<16xi32>
        %mul3A_1252 = arith.constant 16 : i32
        %mul3A_1253 = arith.muli %scan3A_907, %mul3A_1252 : i32
        %add3A_1254 = arith.constant 4 : i32
        %add3A_1255 = arith.addi %mul3A_1253, %add3A_1254 : i32
        %broadcast_in_dim3A_1256 = vector.broadcast %add3A_1255 : i32 to vector<16xi32>
        %gather3A_1257 = tpu.vector_load_idx %arg10[%broadcast_in_dim3A_1248, %broadcast_in_dim3A_1251, %iota3A] : memref<32x8x32xf32, #tpu.memory_space<vmem>>[vector<16xi32>, vector<16xi32>, vector<16xi32>], vector<16xf32>,
        %add3A_1258 = arith.constant 16 : i32
        %add3A_1259 = vector.broadcast %add3A_1258 : i32 to vector<16xi32>
        %add3A_1260 = arith.addi %iota3A, %add3A_1259 : vector<16xi32>
        %gather3A_1261 = tpu.vector_load_idx %arg10[%broadcast_in_dim3A_1248, %broadcast_in_dim3A_1251, %add3A_1260] : memref<32x8x32xf32, #tpu.memory_space<vmem>>[vector<16xi32>, vector<16xi32>, vector<16xi32>], vector<16xf32>,
        tpu.vector_store_idx %arg11[%broadcast_in_dim3A_1256, %iota3A], %gather3A_1257 : memref<512x32xf32, #tpu.memory_space<vmem>>[vector<16xi32>, vector<16xi32>], vector<16xf32>,
        %add3A_1262 = arith.constant 16 : i32
        %add3A_1263 = vector.broadcast %add3A_1262 : i32 to vector<16xi32>
        %add3A_1264 = arith.addi %iota3A, %add3A_1263 : vector<16xi32>
        tpu.vector_store_idx %arg11[%broadcast_in_dim3A_1256, %add3A_1264], %gather3A_1261 : memref<512x32xf32, #tpu.memory_space<vmem>>[vector<16xi32>, vector<16xi32>], vector<16xf32>,
        %broadcast_in_dim3A_1265 = arith.constant 21 : i32
        %broadcast_in_dim3A_1266 = vector.broadcast %broadcast_in_dim3A_1265 : i32 to vector<16xi32>
        %slice3A_1267 = vector.extract_strided_slice %get3A_1176 {offsets = [5], sizes = [1], strides = [1]} : vector<16xi32> to vector<1xi32>
        %squeeze3A_1268 = vector.extract %slice3A_1267[0] : i32 from vector<1xi32>
        %broadcast_in_dim3A_1269 = vector.broadcast %squeeze3A_1268 : i32 to vector<16xi32>
        %mul3A_1270 = arith.constant 16 : i32
        %mul3A_1271 = arith.muli %scan3A_907, %mul3A_1270 : i32
        %add3A_1272 = arith.constant 5 : i32
        %add3A_1273 = arith.addi %mul3A_1271, %add3A_1272 : i32
        %broadcast_in_dim3A_1274 = vector.broadcast %add3A_1273 : i32 to vector<16xi32>
        %gather3A_1275 = tpu.vector_load_idx %arg10[%broadcast_in_dim3A_1266, %broadcast_in_dim3A_1269, %iota3A] : memref<32x8x32xf32, #tpu.memory_space<vmem>>[vector<16xi32>, vector<16xi32>, vector<16xi32>], vector<16xf32>,
        %add3A_1276 = arith.constant 16 : i32
        %add3A_1277 = vector.broadcast %add3A_1276 : i32 to vector<16xi32>
        %add3A_1278 = arith.addi %iota3A, %add3A_1277 : vector<16xi32>
        %gather3A_1279 = tpu.vector_load_idx %arg10[%broadcast_in_dim3A_1266, %broadcast_in_dim3A_1269, %add3A_1278] : memref<32x8x32xf32, #tpu.memory_space<vmem>>[vector<16xi32>, vector<16xi32>, vector<16xi32>], vector<16xf32>,
        tpu.vector_store_idx %arg11[%broadcast_in_dim3A_1274, %iota3A], %gather3A_1275 : memref<512x32xf32, #tpu.memory_space<vmem>>[vector<16xi32>, vector<16xi32>], vector<16xf32>,
        %add3A_1280 = arith.constant 16 : i32
        %add3A_1281 = vector.broadcast %add3A_1280 : i32 to vector<16xi32>
        %add3A_1282 = arith.addi %iota3A, %add3A_1281 : vector<16xi32>
        tpu.vector_store_idx %arg11[%broadcast_in_dim3A_1274, %add3A_1282], %gather3A_1279 : memref<512x32xf32, #tpu.memory_space<vmem>>[vector<16xi32>, vector<16xi32>], vector<16xf32>,
        %broadcast_in_dim3A_1283 = arith.constant 22 : i32
        %broadcast_in_dim3A_1284 = vector.broadcast %broadcast_in_dim3A_1283 : i32 to vector<16xi32>
        %slice3A_1285 = vector.extract_strided_slice %get3A_1176 {offsets = [6], sizes = [1], strides = [1]} : vector<16xi32> to vector<1xi32>
        %squeeze3A_1286 = vector.extract %slice3A_1285[0] : i32 from vector<1xi32>
        %broadcast_in_dim3A_1287 = vector.broadcast %squeeze3A_1286 : i32 to vector<16xi32>
        %mul3A_1288 = arith.constant 16 : i32
        %mul3A_1289 = arith.muli %scan3A_907, %mul3A_1288 : i32
        %add3A_1290 = arith.constant 6 : i32
        %add3A_1291 = arith.addi %mul3A_1289, %add3A_1290 : i32
        %broadcast_in_dim3A_1292 = vector.broadcast %add3A_1291 : i32 to vector<16xi32>
        %gather3A_1293 = tpu.vector_load_idx %arg10[%broadcast_in_dim3A_1284, %broadcast_in_dim3A_1287, %iota3A] : memref<32x8x32xf32, #tpu.memory_space<vmem>>[vector<16xi32>, vector<16xi32>, vector<16xi32>], vector<16xf32>,
        %add3A_1294 = arith.constant 16 : i32
        %add3A_1295 = vector.broadcast %add3A_1294 : i32 to vector<16xi32>
        %add3A_1296 = arith.addi %iota3A, %add3A_1295 : vector<16xi32>
        %gather3A_1297 = tpu.vector_load_idx %arg10[%broadcast_in_dim3A_1284, %broadcast_in_dim3A_1287, %add3A_1296] : memref<32x8x32xf32, #tpu.memory_space<vmem>>[vector<16xi32>, vector<16xi32>, vector<16xi32>], vector<16xf32>,
        tpu.vector_store_idx %arg11[%broadcast_in_dim3A_1292, %iota3A], %gather3A_1293 : memref<512x32xf32, #tpu.memory_space<vmem>>[vector<16xi32>, vector<16xi32>], vector<16xf32>,
        %add3A_1298 = arith.constant 16 : i32
        %add3A_1299 = vector.broadcast %add3A_1298 : i32 to vector<16xi32>
        %add3A_1300 = arith.addi %iota3A, %add3A_1299 : vector<16xi32>
        tpu.vector_store_idx %arg11[%broadcast_in_dim3A_1292, %add3A_1300], %gather3A_1297 : memref<512x32xf32, #tpu.memory_space<vmem>>[vector<16xi32>, vector<16xi32>], vector<16xf32>,
        %broadcast_in_dim3A_1301 = arith.constant 23 : i32
        %broadcast_in_dim3A_1302 = vector.broadcast %broadcast_in_dim3A_1301 : i32 to vector<16xi32>
        %slice3A_1303 = vector.extract_strided_slice %get3A_1176 {offsets = [7], sizes = [1], strides = [1]} : vector<16xi32> to vector<1xi32>
        %squeeze3A_1304 = vector.extract %slice3A_1303[0] : i32 from vector<1xi32>
        %broadcast_in_dim3A_1305 = vector.broadcast %squeeze3A_1304 : i32 to vector<16xi32>
        %mul3A_1306 = arith.constant 16 : i32
        %mul3A_1307 = arith.muli %scan3A_907, %mul3A_1306 : i32
        %add3A_1308 = arith.constant 7 : i32
        %add3A_1309 = arith.addi %mul3A_1307, %add3A_1308 : i32
        %broadcast_in_dim3A_1310 = vector.broadcast %add3A_1309 : i32 to vector<16xi32>
        %gather3A_1311 = tpu.vector_load_idx %arg10[%broadcast_in_dim3A_1302, %broadcast_in_dim3A_1305, %iota3A] : memref<32x8x32xf32, #tpu.memory_space<vmem>>[vector<16xi32>, vector<16xi32>, vector<16xi32>], vector<16xf32>,
        %add3A_1312 = arith.constant 16 : i32
        %add3A_1313 = vector.broadcast %add3A_1312 : i32 to vector<16xi32>
        %add3A_1314 = arith.addi %iota3A, %add3A_1313 : vector<16xi32>
        %gather3A_1315 = tpu.vector_load_idx %arg10[%broadcast_in_dim3A_1302, %broadcast_in_dim3A_1305, %add3A_1314] : memref<32x8x32xf32, #tpu.memory_space<vmem>>[vector<16xi32>, vector<16xi32>, vector<16xi32>], vector<16xf32>,
        tpu.vector_store_idx %arg11[%broadcast_in_dim3A_1310, %iota3A], %gather3A_1311 : memref<512x32xf32, #tpu.memory_space<vmem>>[vector<16xi32>, vector<16xi32>], vector<16xf32>,
        %add3A_1316 = arith.constant 16 : i32
        %add3A_1317 = vector.broadcast %add3A_1316 : i32 to vector<16xi32>
        %add3A_1318 = arith.addi %iota3A, %add3A_1317 : vector<16xi32>
        tpu.vector_store_idx %arg11[%broadcast_in_dim3A_1310, %add3A_1318], %gather3A_1315 : memref<512x32xf32, #tpu.memory_space<vmem>>[vector<16xi32>, vector<16xi32>], vector<16xf32>,
        %broadcast_in_dim3A_1319 = arith.constant 24 : i32
        %broadcast_in_dim3A_1320 = vector.broadcast %broadcast_in_dim3A_1319 : i32 to vector<16xi32>
        %slice3A_1321 = vector.extract_strided_slice %get3A_1176 {offsets = [8], sizes = [1], strides = [1]} : vector<16xi32> to vector<1xi32>
        %squeeze3A_1322 = vector.extract %slice3A_1321[0] : i32 from vector<1xi32>
        %broadcast_in_dim3A_1323 = vector.broadcast %squeeze3A_1322 : i32 to vector<16xi32>
        %mul3A_1324 = arith.constant 16 : i32
        %mul3A_1325 = arith.muli %scan3A_907, %mul3A_1324 : i32
        %add3A_1326 = arith.constant 8 : i32
        %add3A_1327 = arith.addi %mul3A_1325, %add3A_1326 : i32
        %broadcast_in_dim3A_1328 = vector.broadcast %add3A_1327 : i32 to vector<16xi32>
        %gather3A_1329 = tpu.vector_load_idx %arg10[%broadcast_in_dim3A_1320, %broadcast_in_dim3A_1323, %iota3A] : memref<32x8x32xf32, #tpu.memory_space<vmem>>[vector<16xi32>, vector<16xi32>, vector<16xi32>], vector<16xf32>,
        %add3A_1330 = arith.constant 16 : i32
        %add3A_1331 = vector.broadcast %add3A_1330 : i32 to vector<16xi32>
        %add3A_1332 = arith.addi %iota3A, %add3A_1331 : vector<16xi32>
        %gather3A_1333 = tpu.vector_load_idx %arg10[%broadcast_in_dim3A_1320, %broadcast_in_dim3A_1323, %add3A_1332] : memref<32x8x32xf32, #tpu.memory_space<vmem>>[vector<16xi32>, vector<16xi32>, vector<16xi32>], vector<16xf32>,
        tpu.vector_store_idx %arg11[%broadcast_in_dim3A_1328, %iota3A], %gather3A_1329 : memref<512x32xf32, #tpu.memory_space<vmem>>[vector<16xi32>, vector<16xi32>], vector<16xf32>,
        %add3A_1334 = arith.constant 16 : i32
        %add3A_1335 = vector.broadcast %add3A_1334 : i32 to vector<16xi32>
        %add3A_1336 = arith.addi %iota3A, %add3A_1335 : vector<16xi32>
        tpu.vector_store_idx %arg11[%broadcast_in_dim3A_1328, %add3A_1336], %gather3A_1333 : memref<512x32xf32, #tpu.memory_space<vmem>>[vector<16xi32>, vector<16xi32>], vector<16xf32>,
        %broadcast_in_dim3A_1337 = arith.constant 25 : i32
        %broadcast_in_dim3A_1338 = vector.broadcast %broadcast_in_dim3A_1337 : i32 to vector<16xi32>
        %slice3A_1339 = vector.extract_strided_slice %get3A_1176 {offsets = [9], sizes = [1], strides = [1]} : vector<16xi32> to vector<1xi32>
        %squeeze3A_1340 = vector.extract %slice3A_1339[0] : i32 from vector<1xi32>
        %broadcast_in_dim3A_1341 = vector.broadcast %squeeze3A_1340 : i32 to vector<16xi32>
        %mul3A_1342 = arith.constant 16 : i32
        %mul3A_1343 = arith.muli %scan3A_907, %mul3A_1342 : i32
        %add3A_1344 = arith.constant 9 : i32
        %add3A_1345 = arith.addi %mul3A_1343, %add3A_1344 : i32
        %broadcast_in_dim3A_1346 = vector.broadcast %add3A_1345 : i32 to vector<16xi32>
        %gather3A_1347 = tpu.vector_load_idx %arg10[%broadcast_in_dim3A_1338, %broadcast_in_dim3A_1341, %iota3A] : memref<32x8x32xf32, #tpu.memory_space<vmem>>[vector<16xi32>, vector<16xi32>, vector<16xi32>], vector<16xf32>,
        %add3A_1348 = arith.constant 16 : i32
        %add3A_1349 = vector.broadcast %add3A_1348 : i32 to vector<16xi32>
        %add3A_1350 = arith.addi %iota3A, %add3A_1349 : vector<16xi32>
        %gather3A_1351 = tpu.vector_load_idx %arg10[%broadcast_in_dim3A_1338, %broadcast_in_dim3A_1341, %add3A_1350] : memref<32x8x32xf32, #tpu.memory_space<vmem>>[vector<16xi32>, vector<16xi32>, vector<16xi32>], vector<16xf32>,
        tpu.vector_store_idx %arg11[%broadcast_in_dim3A_1346, %iota3A], %gather3A_1347 : memref<512x32xf32, #tpu.memory_space<vmem>>[vector<16xi32>, vector<16xi32>], vector<16xf32>,
        %add3A_1352 = arith.constant 16 : i32
        %add3A_1353 = vector.broadcast %add3A_1352 : i32 to vector<16xi32>
        %add3A_1354 = arith.addi %iota3A, %add3A_1353 : vector<16xi32>
        tpu.vector_store_idx %arg11[%broadcast_in_dim3A_1346, %add3A_1354], %gather3A_1351 : memref<512x32xf32, #tpu.memory_space<vmem>>[vector<16xi32>, vector<16xi32>], vector<16xf32>,
        %broadcast_in_dim3A_1355 = arith.constant 26 : i32
        %broadcast_in_dim3A_1356 = vector.broadcast %broadcast_in_dim3A_1355 : i32 to vector<16xi32>
        %slice3A_1357 = vector.extract_strided_slice %get3A_1176 {offsets = [10], sizes = [1], strides = [1]} : vector<16xi32> to vector<1xi32>
        %squeeze3A_1358 = vector.extract %slice3A_1357[0] : i32 from vector<1xi32>
        %broadcast_in_dim3A_1359 = vector.broadcast %squeeze3A_1358 : i32 to vector<16xi32>
        %mul3A_1360 = arith.constant 16 : i32
        %mul3A_1361 = arith.muli %scan3A_907, %mul3A_1360 : i32
        %add3A_1362 = arith.constant 10 : i32
        %add3A_1363 = arith.addi %mul3A_1361, %add3A_1362 : i32
        %broadcast_in_dim3A_1364 = vector.broadcast %add3A_1363 : i32 to vector<16xi32>
        %gather3A_1365 = tpu.vector_load_idx %arg10[%broadcast_in_dim3A_1356, %broadcast_in_dim3A_1359, %iota3A] : memref<32x8x32xf32, #tpu.memory_space<vmem>>[vector<16xi32>, vector<16xi32>, vector<16xi32>], vector<16xf32>,
        %add3A_1366 = arith.constant 16 : i32
        %add3A_1367 = vector.broadcast %add3A_1366 : i32 to vector<16xi32>
        %add3A_1368 = arith.addi %iota3A, %add3A_1367 : vector<16xi32>
        %gather3A_1369 = tpu.vector_load_idx %arg10[%broadcast_in_dim3A_1356, %broadcast_in_dim3A_1359, %add3A_1368] : memref<32x8x32xf32, #tpu.memory_space<vmem>>[vector<16xi32>, vector<16xi32>, vector<16xi32>], vector<16xf32>,
        tpu.vector_store_idx %arg11[%broadcast_in_dim3A_1364, %iota3A], %gather3A_1365 : memref<512x32xf32, #tpu.memory_space<vmem>>[vector<16xi32>, vector<16xi32>], vector<16xf32>,
        %add3A_1370 = arith.constant 16 : i32
        %add3A_1371 = vector.broadcast %add3A_1370 : i32 to vector<16xi32>
        %add3A_1372 = arith.addi %iota3A, %add3A_1371 : vector<16xi32>
        tpu.vector_store_idx %arg11[%broadcast_in_dim3A_1364, %add3A_1372], %gather3A_1369 : memref<512x32xf32, #tpu.memory_space<vmem>>[vector<16xi32>, vector<16xi32>], vector<16xf32>,
        %broadcast_in_dim3A_1373 = arith.constant 27 : i32
        %broadcast_in_dim3A_1374 = vector.broadcast %broadcast_in_dim3A_1373 : i32 to vector<16xi32>
        %slice3A_1375 = vector.extract_strided_slice %get3A_1176 {offsets = [11], sizes = [1], strides = [1]} : vector<16xi32> to vector<1xi32>
        %squeeze3A_1376 = vector.extract %slice3A_1375[0] : i32 from vector<1xi32>
        %broadcast_in_dim3A_1377 = vector.broadcast %squeeze3A_1376 : i32 to vector<16xi32>
        %mul3A_1378 = arith.constant 16 : i32
        %mul3A_1379 = arith.muli %scan3A_907, %mul3A_1378 : i32
        %add3A_1380 = arith.constant 11 : i32
        %add3A_1381 = arith.addi %mul3A_1379, %add3A_1380 : i32
        %broadcast_in_dim3A_1382 = vector.broadcast %add3A_1381 : i32 to vector<16xi32>
        %gather3A_1383 = tpu.vector_load_idx %arg10[%broadcast_in_dim3A_1374, %broadcast_in_dim3A_1377, %iota3A] : memref<32x8x32xf32, #tpu.memory_space<vmem>>[vector<16xi32>, vector<16xi32>, vector<16xi32>], vector<16xf32>,
        %add3A_1384 = arith.constant 16 : i32
        %add3A_1385 = vector.broadcast %add3A_1384 : i32 to vector<16xi32>
        %add3A_1386 = arith.addi %iota3A, %add3A_1385 : vector<16xi32>
        %gather3A_1387 = tpu.vector_load_idx %arg10[%broadcast_in_dim3A_1374, %broadcast_in_dim3A_1377, %add3A_1386] : memref<32x8x32xf32, #tpu.memory_space<vmem>>[vector<16xi32>, vector<16xi32>, vector<16xi32>], vector<16xf32>,
        tpu.vector_store_idx %arg11[%broadcast_in_dim3A_1382, %iota3A], %gather3A_1383 : memref<512x32xf32, #tpu.memory_space<vmem>>[vector<16xi32>, vector<16xi32>], vector<16xf32>,
        %add3A_1388 = arith.constant 16 : i32
        %add3A_1389 = vector.broadcast %add3A_1388 : i32 to vector<16xi32>
        %add3A_1390 = arith.addi %iota3A, %add3A_1389 : vector<16xi32>
        tpu.vector_store_idx %arg11[%broadcast_in_dim3A_1382, %add3A_1390], %gather3A_1387 : memref<512x32xf32, #tpu.memory_space<vmem>>[vector<16xi32>, vector<16xi32>], vector<16xf32>,
        %broadcast_in_dim3A_1391 = arith.constant 28 : i32
        %broadcast_in_dim3A_1392 = vector.broadcast %broadcast_in_dim3A_1391 : i32 to vector<16xi32>
        %slice3A_1393 = vector.extract_strided_slice %get3A_1176 {offsets = [12], sizes = [1], strides = [1]} : vector<16xi32> to vector<1xi32>
        %squeeze3A_1394 = vector.extract %slice3A_1393[0] : i32 from vector<1xi32>
        %broadcast_in_dim3A_1395 = vector.broadcast %squeeze3A_1394 : i32 to vector<16xi32>
        %mul3A_1396 = arith.constant 16 : i32
        %mul3A_1397 = arith.muli %scan3A_907, %mul3A_1396 : i32
        %add3A_1398 = arith.constant 12 : i32
        %add3A_1399 = arith.addi %mul3A_1397, %add3A_1398 : i32
        %broadcast_in_dim3A_1400 = vector.broadcast %add3A_1399 : i32 to vector<16xi32>
        %gather3A_1401 = tpu.vector_load_idx %arg10[%broadcast_in_dim3A_1392, %broadcast_in_dim3A_1395, %iota3A] : memref<32x8x32xf32, #tpu.memory_space<vmem>>[vector<16xi32>, vector<16xi32>, vector<16xi32>], vector<16xf32>,
        %add3A_1402 = arith.constant 16 : i32
        %add3A_1403 = vector.broadcast %add3A_1402 : i32 to vector<16xi32>
        %add3A_1404 = arith.addi %iota3A, %add3A_1403 : vector<16xi32>
        %gather3A_1405 = tpu.vector_load_idx %arg10[%broadcast_in_dim3A_1392, %broadcast_in_dim3A_1395, %add3A_1404] : memref<32x8x32xf32, #tpu.memory_space<vmem>>[vector<16xi32>, vector<16xi32>, vector<16xi32>], vector<16xf32>,
        tpu.vector_store_idx %arg11[%broadcast_in_dim3A_1400, %iota3A], %gather3A_1401 : memref<512x32xf32, #tpu.memory_space<vmem>>[vector<16xi32>, vector<16xi32>], vector<16xf32>,
        %add3A_1406 = arith.constant 16 : i32
        %add3A_1407 = vector.broadcast %add3A_1406 : i32 to vector<16xi32>
        %add3A_1408 = arith.addi %iota3A, %add3A_1407 : vector<16xi32>
        tpu.vector_store_idx %arg11[%broadcast_in_dim3A_1400, %add3A_1408], %gather3A_1405 : memref<512x32xf32, #tpu.memory_space<vmem>>[vector<16xi32>, vector<16xi32>], vector<16xf32>,
        %broadcast_in_dim3A_1409 = arith.constant 29 : i32
        %broadcast_in_dim3A_1410 = vector.broadcast %broadcast_in_dim3A_1409 : i32 to vector<16xi32>
        %slice3A_1411 = vector.extract_strided_slice %get3A_1176 {offsets = [13], sizes = [1], strides = [1]} : vector<16xi32> to vector<1xi32>
        %squeeze3A_1412 = vector.extract %slice3A_1411[0] : i32 from vector<1xi32>
        %broadcast_in_dim3A_1413 = vector.broadcast %squeeze3A_1412 : i32 to vector<16xi32>
        %mul3A_1414 = arith.constant 16 : i32
        %mul3A_1415 = arith.muli %scan3A_907, %mul3A_1414 : i32
        %add3A_1416 = arith.constant 13 : i32
        %add3A_1417 = arith.addi %mul3A_1415, %add3A_1416 : i32
        %broadcast_in_dim3A_1418 = vector.broadcast %add3A_1417 : i32 to vector<16xi32>
        %gather3A_1419 = tpu.vector_load_idx %arg10[%broadcast_in_dim3A_1410, %broadcast_in_dim3A_1413, %iota3A] : memref<32x8x32xf32, #tpu.memory_space<vmem>>[vector<16xi32>, vector<16xi32>, vector<16xi32>], vector<16xf32>,
        %add3A_1420 = arith.constant 16 : i32
        %add3A_1421 = vector.broadcast %add3A_1420 : i32 to vector<16xi32>
        %add3A_1422 = arith.addi %iota3A, %add3A_1421 : vector<16xi32>
        %gather3A_1423 = tpu.vector_load_idx %arg10[%broadcast_in_dim3A_1410, %broadcast_in_dim3A_1413, %add3A_1422] : memref<32x8x32xf32, #tpu.memory_space<vmem>>[vector<16xi32>, vector<16xi32>, vector<16xi32>], vector<16xf32>,
        tpu.vector_store_idx %arg11[%broadcast_in_dim3A_1418, %iota3A], %gather3A_1419 : memref<512x32xf32, #tpu.memory_space<vmem>>[vector<16xi32>, vector<16xi32>], vector<16xf32>,
        %add3A_1424 = arith.constant 16 : i32
        %add3A_1425 = vector.broadcast %add3A_1424 : i32 to vector<16xi32>
        %add3A_1426 = arith.addi %iota3A, %add3A_1425 : vector<16xi32>
        tpu.vector_store_idx %arg11[%broadcast_in_dim3A_1418, %add3A_1426], %gather3A_1423 : memref<512x32xf32, #tpu.memory_space<vmem>>[vector<16xi32>, vector<16xi32>], vector<16xf32>,
        %broadcast_in_dim3A_1427 = arith.constant 30 : i32
        %broadcast_in_dim3A_1428 = vector.broadcast %broadcast_in_dim3A_1427 : i32 to vector<16xi32>
        %slice3A_1429 = vector.extract_strided_slice %get3A_1176 {offsets = [14], sizes = [1], strides = [1]} : vector<16xi32> to vector<1xi32>
        %squeeze3A_1430 = vector.extract %slice3A_1429[0] : i32 from vector<1xi32>
        %broadcast_in_dim3A_1431 = vector.broadcast %squeeze3A_1430 : i32 to vector<16xi32>
        %mul3A_1432 = arith.constant 16 : i32
        %mul3A_1433 = arith.muli %scan3A_907, %mul3A_1432 : i32
        %add3A_1434 = arith.constant 14 : i32
        %add3A_1435 = arith.addi %mul3A_1433, %add3A_1434 : i32
        %broadcast_in_dim3A_1436 = vector.broadcast %add3A_1435 : i32 to vector<16xi32>
        %gather3A_1437 = tpu.vector_load_idx %arg10[%broadcast_in_dim3A_1428, %broadcast_in_dim3A_1431, %iota3A] : memref<32x8x32xf32, #tpu.memory_space<vmem>>[vector<16xi32>, vector<16xi32>, vector<16xi32>], vector<16xf32>,
        %add3A_1438 = arith.constant 16 : i32
        %add3A_1439 = vector.broadcast %add3A_1438 : i32 to vector<16xi32>
        %add3A_1440 = arith.addi %iota3A, %add3A_1439 : vector<16xi32>
        %gather3A_1441 = tpu.vector_load_idx %arg10[%broadcast_in_dim3A_1428, %broadcast_in_dim3A_1431, %add3A_1440] : memref<32x8x32xf32, #tpu.memory_space<vmem>>[vector<16xi32>, vector<16xi32>, vector<16xi32>], vector<16xf32>,
        tpu.vector_store_idx %arg11[%broadcast_in_dim3A_1436, %iota3A], %gather3A_1437 : memref<512x32xf32, #tpu.memory_space<vmem>>[vector<16xi32>, vector<16xi32>], vector<16xf32>,
        %add3A_1442 = arith.constant 16 : i32
        %add3A_1443 = vector.broadcast %add3A_1442 : i32 to vector<16xi32>
        %add3A_1444 = arith.addi %iota3A, %add3A_1443 : vector<16xi32>
        tpu.vector_store_idx %arg11[%broadcast_in_dim3A_1436, %add3A_1444], %gather3A_1441 : memref<512x32xf32, #tpu.memory_space<vmem>>[vector<16xi32>, vector<16xi32>], vector<16xf32>,
        %broadcast_in_dim3A_1445 = arith.constant 31 : i32
        %broadcast_in_dim3A_1446 = vector.broadcast %broadcast_in_dim3A_1445 : i32 to vector<16xi32>
        %slice3A_1447 = vector.extract_strided_slice %get3A_1176 {offsets = [15], sizes = [1], strides = [1]} : vector<16xi32> to vector<1xi32>
        %squeeze3A_1448 = vector.extract %slice3A_1447[0] : i32 from vector<1xi32>
        %broadcast_in_dim3A_1449 = vector.broadcast %squeeze3A_1448 : i32 to vector<16xi32>
        %mul3A_1450 = arith.constant 16 : i32
        %mul3A_1451 = arith.muli %scan3A_907, %mul3A_1450 : i32
        %add3A_1452 = arith.constant 15 : i32
        %add3A_1453 = arith.addi %mul3A_1451, %add3A_1452 : i32
        %broadcast_in_dim3A_1454 = vector.broadcast %add3A_1453 : i32 to vector<16xi32>
        %gather3A_1455 = tpu.vector_load_idx %arg10[%broadcast_in_dim3A_1446, %broadcast_in_dim3A_1449, %iota3A] : memref<32x8x32xf32, #tpu.memory_space<vmem>>[vector<16xi32>, vector<16xi32>, vector<16xi32>], vector<16xf32>,
        %add3A_1456 = arith.constant 16 : i32
        %add3A_1457 = vector.broadcast %add3A_1456 : i32 to vector<16xi32>
        %add3A_1458 = arith.addi %iota3A, %add3A_1457 : vector<16xi32>
        %gather3A_1459 = tpu.vector_load_idx %arg10[%broadcast_in_dim3A_1446, %broadcast_in_dim3A_1449, %add3A_1458] : memref<32x8x32xf32, #tpu.memory_space<vmem>>[vector<16xi32>, vector<16xi32>, vector<16xi32>], vector<16xf32>,
        tpu.vector_store_idx %arg11[%broadcast_in_dim3A_1454, %iota3A], %gather3A_1455 : memref<512x32xf32, #tpu.memory_space<vmem>>[vector<16xi32>, vector<16xi32>], vector<16xf32>,
        %add3A_1460 = arith.constant 16 : i32
        %add3A_1461 = vector.broadcast %add3A_1460 : i32 to vector<16xi32>
        %add3A_1462 = arith.addi %iota3A, %add3A_1461 : vector<16xi32>
        tpu.vector_store_idx %arg11[%broadcast_in_dim3A_1454, %add3A_1462], %gather3A_1459 : memref<512x32xf32, #tpu.memory_space<vmem>>[vector<16xi32>, vector<16xi32>], vector<16xf32>,
      } else {
        %dma_wait3A = arith.constant 0 : i32
        %dma_wait3A_918 = arith.constant 0 : i32
        %dma_wait3A_919 = arith.constant 0 : i32
        %dma_wait3A_920 = tpu.memref_slice %arg10[%dma_wait3A, %dma_wait3A_918, %dma_wait3A_919] : memref<32x8x32xf32, #tpu.memory_space<vmem>> -> memref<1x8x32xf32, #tpu.memory_space<vmem>>
        %dma_wait3A_921 = arith.constant 0 : i32
        %dma_wait3A_922 = arith.constant 0 : i32
        %dma_wait3A_923 = arith.constant 0 : i32
        %dma_wait3A_924 = tpu.memref_slice %arg3[%dma_wait3A_921, %dma_wait3A_922, %dma_wait3A_923] : memref<125000x8x32xf32, #tpu.memory_space<hbm>> -> memref<1x8x32xf32, #tpu.memory_space<hbm>>
        %dma_wait3A_925 = arith.constant 0 : i32
        %dma_wait3A_926 = arith.constant 0 : i32
        %dma_wait3A_927 = arith.constant 0 : i32
        %dma_wait3A_928 = tpu.memref_slice %arg10[%dma_wait3A_925, %dma_wait3A_926, %dma_wait3A_927] : memref<32x8x32xf32, #tpu.memory_space<vmem>> -> memref<1x8x32xf32, #tpu.memory_space<vmem>>
        %dma_wait3A_929 = arith.constant 0 : i32
        %dma_wait3A_930 = arith.constant 0 : i32
        %dma_wait3A_931 = arith.constant 0 : i32
        %dma_wait3A_932 = tpu.memref_slice %arg3[%dma_wait3A_929, %dma_wait3A_930, %dma_wait3A_931] : memref<125000x8x32xf32, #tpu.memory_space<hbm>> -> memref<1x8x32xf32, #tpu.memory_space<hbm>>
        tpu.wait_dma2 semaphore(%arg12 : memref<!tpu.dma_semaphore, #tpu.memory_space<semaphore_mem>>) src(%dma_wait3A_932 : memref<1x8x32xf32, #tpu.memory_space<hbm>>) dst(%dma_wait3A_928 : memref<1x8x32xf32, #tpu.memory_space<vmem>>)
        %dma_wait3A_933 = arith.constant 1 : i32
        %dma_wait3A_934 = arith.constant 0 : i32
        %dma_wait3A_935 = arith.constant 0 : i32
        %dma_wait3A_936 = tpu.memref_slice %arg10[%dma_wait3A_933, %dma_wait3A_934, %dma_wait3A_935] : memref<32x8x32xf32, #tpu.memory_space<vmem>> -> memref<1x8x32xf32, #tpu.memory_space<vmem>>
        %dma_wait3A_937 = arith.constant 0 : i32
        %dma_wait3A_938 = arith.constant 0 : i32
        %dma_wait3A_939 = arith.constant 0 : i32
        %dma_wait3A_940 = tpu.memref_slice %arg3[%dma_wait3A_937, %dma_wait3A_938, %dma_wait3A_939] : memref<125000x8x32xf32, #tpu.memory_space<hbm>> -> memref<1x8x32xf32, #tpu.memory_space<hbm>>
        %dma_wait3A_941 = arith.constant 1 : i32
        %dma_wait3A_942 = arith.constant 0 : i32
        %dma_wait3A_943 = arith.constant 0 : i32
        %dma_wait3A_944 = tpu.memref_slice %arg10[%dma_wait3A_941, %dma_wait3A_942, %dma_wait3A_943] : memref<32x8x32xf32, #tpu.memory_space<vmem>> -> memref<1x8x32xf32, #tpu.memory_space<vmem>>
        %dma_wait3A_945 = arith.constant 0 : i32
        %dma_wait3A_946 = arith.constant 0 : i32
        %dma_wait3A_947 = arith.constant 0 : i32
        %dma_wait3A_948 = tpu.memref_slice %arg3[%dma_wait3A_945, %dma_wait3A_946, %dma_wait3A_947] : memref<125000x8x32xf32, #tpu.memory_space<hbm>> -> memref<1x8x32xf32, #tpu.memory_space<hbm>>
        tpu.wait_dma2 semaphore(%arg12 : memref<!tpu.dma_semaphore, #tpu.memory_space<semaphore_mem>>) src(%dma_wait3A_948 : memref<1x8x32xf32, #tpu.memory_space<hbm>>) dst(%dma_wait3A_944 : memref<1x8x32xf32, #tpu.memory_space<vmem>>)
        %dma_wait3A_949 = arith.constant 2 : i32
        %dma_wait3A_950 = arith.constant 0 : i32
        %dma_wait3A_951 = arith.constant 0 : i32
        %dma_wait3A_952 = tpu.memref_slice %arg10[%dma_wait3A_949, %dma_wait3A_950, %dma_wait3A_951] : memref<32x8x32xf32, #tpu.memory_space<vmem>> -> memref<1x8x32xf32, #tpu.memory_space<vmem>>
        %dma_wait3A_953 = arith.constant 0 : i32
        %dma_wait3A_954 = arith.constant 0 : i32
        %dma_wait3A_955 = arith.constant 0 : i32
        %dma_wait3A_956 = tpu.memref_slice %arg3[%dma_wait3A_953, %dma_wait3A_954, %dma_wait3A_955] : memref<125000x8x32xf32, #tpu.memory_space<hbm>> -> memref<1x8x32xf32, #tpu.memory_space<hbm>>
        %dma_wait3A_957 = arith.constant 2 : i32
        %dma_wait3A_958 = arith.constant 0 : i32
        %dma_wait3A_959 = arith.constant 0 : i32
        %dma_wait3A_960 = tpu.memref_slice %arg10[%dma_wait3A_957, %dma_wait3A_958, %dma_wait3A_959] : memref<32x8x32xf32, #tpu.memory_space<vmem>> -> memref<1x8x32xf32, #tpu.memory_space<vmem>>
        %dma_wait3A_961 = arith.constant 0 : i32
        %dma_wait3A_962 = arith.constant 0 : i32
        %dma_wait3A_963 = arith.constant 0 : i32
        %dma_wait3A_964 = tpu.memref_slice %arg3[%dma_wait3A_961, %dma_wait3A_962, %dma_wait3A_963] : memref<125000x8x32xf32, #tpu.memory_space<hbm>> -> memref<1x8x32xf32, #tpu.memory_space<hbm>>
        tpu.wait_dma2 semaphore(%arg12 : memref<!tpu.dma_semaphore, #tpu.memory_space<semaphore_mem>>) src(%dma_wait3A_964 : memref<1x8x32xf32, #tpu.memory_space<hbm>>) dst(%dma_wait3A_960 : memref<1x8x32xf32, #tpu.memory_space<vmem>>)
        %dma_wait3A_965 = arith.constant 3 : i32
        %dma_wait3A_966 = arith.constant 0 : i32
        %dma_wait3A_967 = arith.constant 0 : i32
        %dma_wait3A_968 = tpu.memref_slice %arg10[%dma_wait3A_965, %dma_wait3A_966, %dma_wait3A_967] : memref<32x8x32xf32, #tpu.memory_space<vmem>> -> memref<1x8x32xf32, #tpu.memory_space<vmem>>
        %dma_wait3A_969 = arith.constant 0 : i32
        %dma_wait3A_970 = arith.constant 0 : i32
        %dma_wait3A_971 = arith.constant 0 : i32
        %dma_wait3A_972 = tpu.memref_slice %arg3[%dma_wait3A_969, %dma_wait3A_970, %dma_wait3A_971] : memref<125000x8x32xf32, #tpu.memory_space<hbm>> -> memref<1x8x32xf32, #tpu.memory_space<hbm>>
        %dma_wait3A_973 = arith.constant 3 : i32
        %dma_wait3A_974 = arith.constant 0 : i32
        %dma_wait3A_975 = arith.constant 0 : i32
        %dma_wait3A_976 = tpu.memref_slice %arg10[%dma_wait3A_973, %dma_wait3A_974, %dma_wait3A_975] : memref<32x8x32xf32, #tpu.memory_space<vmem>> -> memref<1x8x32xf32, #tpu.memory_space<vmem>>
        %dma_wait3A_977 = arith.constant 0 : i32
        %dma_wait3A_978 = arith.constant 0 : i32
        %dma_wait3A_979 = arith.constant 0 : i32
        %dma_wait3A_980 = tpu.memref_slice %arg3[%dma_wait3A_977, %dma_wait3A_978, %dma_wait3A_979] : memref<125000x8x32xf32, #tpu.memory_space<hbm>> -> memref<1x8x32xf32, #tpu.memory_space<hbm>>
        tpu.wait_dma2 semaphore(%arg12 : memref<!tpu.dma_semaphore, #tpu.memory_space<semaphore_mem>>) src(%dma_wait3A_980 : memref<1x8x32xf32, #tpu.memory_space<hbm>>) dst(%dma_wait3A_976 : memref<1x8x32xf32, #tpu.memory_space<vmem>>)
        %dma_wait3A_981 = arith.constant 4 : i32
        %dma_wait3A_982 = arith.constant 0 : i32
        %dma_wait3A_983 = arith.constant 0 : i32
        %dma_wait3A_984 = tpu.memref_slice %arg10[%dma_wait3A_981, %dma_wait3A_982, %dma_wait3A_983] : memref<32x8x32xf32, #tpu.memory_space<vmem>> -> memref<1x8x32xf32, #tpu.memory_space<vmem>>
        %dma_wait3A_985 = arith.constant 0 : i32
        %dma_wait3A_986 = arith.constant 0 : i32
        %dma_wait3A_987 = arith.constant 0 : i32
        %dma_wait3A_988 = tpu.memref_slice %arg3[%dma_wait3A_985, %dma_wait3A_986, %dma_wait3A_987] : memref<125000x8x32xf32, #tpu.memory_space<hbm>> -> memref<1x8x32xf32, #tpu.memory_space<hbm>>
        %dma_wait3A_989 = arith.constant 4 : i32
        %dma_wait3A_990 = arith.constant 0 : i32
        %dma_wait3A_991 = arith.constant 0 : i32
        %dma_wait3A_992 = tpu.memref_slice %arg10[%dma_wait3A_989, %dma_wait3A_990, %dma_wait3A_991] : memref<32x8x32xf32, #tpu.memory_space<vmem>> -> memref<1x8x32xf32, #tpu.memory_space<vmem>>
        %dma_wait3A_993 = arith.constant 0 : i32
        %dma_wait3A_994 = arith.constant 0 : i32
        %dma_wait3A_995 = arith.constant 0 : i32
        %dma_wait3A_996 = tpu.memref_slice %arg3[%dma_wait3A_993, %dma_wait3A_994, %dma_wait3A_995] : memref<125000x8x32xf32, #tpu.memory_space<hbm>> -> memref<1x8x32xf32, #tpu.memory_space<hbm>>
        tpu.wait_dma2 semaphore(%arg12 : memref<!tpu.dma_semaphore, #tpu.memory_space<semaphore_mem>>) src(%dma_wait3A_996 : memref<1x8x32xf32, #tpu.memory_space<hbm>>) dst(%dma_wait3A_992 : memref<1x8x32xf32, #tpu.memory_space<vmem>>)
        %dma_wait3A_997 = arith.constant 5 : i32
        %dma_wait3A_998 = arith.constant 0 : i32
        %dma_wait3A_999 = arith.constant 0 : i32
        %dma_wait3A_1000 = tpu.memref_slice %arg10[%dma_wait3A_997, %dma_wait3A_998, %dma_wait3A_999] : memref<32x8x32xf32, #tpu.memory_space<vmem>> -> memref<1x8x32xf32, #tpu.memory_space<vmem>>
        %dma_wait3A_1001 = arith.constant 0 : i32
        %dma_wait3A_1002 = arith.constant 0 : i32
        %dma_wait3A_1003 = arith.constant 0 : i32
        %dma_wait3A_1004 = tpu.memref_slice %arg3[%dma_wait3A_1001, %dma_wait3A_1002, %dma_wait3A_1003] : memref<125000x8x32xf32, #tpu.memory_space<hbm>> -> memref<1x8x32xf32, #tpu.memory_space<hbm>>
        %dma_wait3A_1005 = arith.constant 5 : i32
        %dma_wait3A_1006 = arith.constant 0 : i32
        %dma_wait3A_1007 = arith.constant 0 : i32
        %dma_wait3A_1008 = tpu.memref_slice %arg10[%dma_wait3A_1005, %dma_wait3A_1006, %dma_wait3A_1007] : memref<32x8x32xf32, #tpu.memory_space<vmem>> -> memref<1x8x32xf32, #tpu.memory_space<vmem>>
        %dma_wait3A_1009 = arith.constant 0 : i32
        %dma_wait3A_1010 = arith.constant 0 : i32
        %dma_wait3A_1011 = arith.constant 0 : i32
        %dma_wait3A_1012 = tpu.memref_slice %arg3[%dma_wait3A_1009, %dma_wait3A_1010, %dma_wait3A_1011] : memref<125000x8x32xf32, #tpu.memory_space<hbm>> -> memref<1x8x32xf32, #tpu.memory_space<hbm>>
        tpu.wait_dma2 semaphore(%arg12 : memref<!tpu.dma_semaphore, #tpu.memory_space<semaphore_mem>>) src(%dma_wait3A_1012 : memref<1x8x32xf32, #tpu.memory_space<hbm>>) dst(%dma_wait3A_1008 : memref<1x8x32xf32, #tpu.memory_space<vmem>>)
        %dma_wait3A_1013 = arith.constant 6 : i32
        %dma_wait3A_1014 = arith.constant 0 : i32
        %dma_wait3A_1015 = arith.constant 0 : i32
        %dma_wait3A_1016 = tpu.memref_slice %arg10[%dma_wait3A_1013, %dma_wait3A_1014, %dma_wait3A_1015] : memref<32x8x32xf32, #tpu.memory_space<vmem>> -> memref<1x8x32xf32, #tpu.memory_space<vmem>>
        %dma_wait3A_1017 = arith.constant 0 : i32
        %dma_wait3A_1018 = arith.constant 0 : i32
        %dma_wait3A_1019 = arith.constant 0 : i32
        %dma_wait3A_1020 = tpu.memref_slice %arg3[%dma_wait3A_1017, %dma_wait3A_1018, %dma_wait3A_1019] : memref<125000x8x32xf32, #tpu.memory_space<hbm>> -> memref<1x8x32xf32, #tpu.memory_space<hbm>>
        %dma_wait3A_1021 = arith.constant 6 : i32
        %dma_wait3A_1022 = arith.constant 0 : i32
        %dma_wait3A_1023 = arith.constant 0 : i32
        %dma_wait3A_1024 = tpu.memref_slice %arg10[%dma_wait3A_1021, %dma_wait3A_1022, %dma_wait3A_1023] : memref<32x8x32xf32, #tpu.memory_space<vmem>> -> memref<1x8x32xf32, #tpu.memory_space<vmem>>
        %dma_wait3A_1025 = arith.constant 0 : i32
        %dma_wait3A_1026 = arith.constant 0 : i32
        %dma_wait3A_1027 = arith.constant 0 : i32
        %dma_wait3A_1028 = tpu.memref_slice %arg3[%dma_wait3A_1025, %dma_wait3A_1026, %dma_wait3A_1027] : memref<125000x8x32xf32, #tpu.memory_space<hbm>> -> memref<1x8x32xf32, #tpu.memory_space<hbm>>
        tpu.wait_dma2 semaphore(%arg12 : memref<!tpu.dma_semaphore, #tpu.memory_space<semaphore_mem>>) src(%dma_wait3A_1028 : memref<1x8x32xf32, #tpu.memory_space<hbm>>) dst(%dma_wait3A_1024 : memref<1x8x32xf32, #tpu.memory_space<vmem>>)
        %dma_wait3A_1029 = arith.constant 7 : i32
        %dma_wait3A_1030 = arith.constant 0 : i32
        %dma_wait3A_1031 = arith.constant 0 : i32
        %dma_wait3A_1032 = tpu.memref_slice %arg10[%dma_wait3A_1029, %dma_wait3A_1030, %dma_wait3A_1031] : memref<32x8x32xf32, #tpu.memory_space<vmem>> -> memref<1x8x32xf32, #tpu.memory_space<vmem>>
        %dma_wait3A_1033 = arith.constant 0 : i32
        %dma_wait3A_1034 = arith.constant 0 : i32
        %dma_wait3A_1035 = arith.constant 0 : i32
        %dma_wait3A_1036 = tpu.memref_slice %arg3[%dma_wait3A_1033, %dma_wait3A_1034, %dma_wait3A_1035] : memref<125000x8x32xf32, #tpu.memory_space<hbm>> -> memref<1x8x32xf32, #tpu.memory_space<hbm>>
        %dma_wait3A_1037 = arith.constant 7 : i32
        %dma_wait3A_1038 = arith.constant 0 : i32
        %dma_wait3A_1039 = arith.constant 0 : i32
        %dma_wait3A_1040 = tpu.memref_slice %arg10[%dma_wait3A_1037, %dma_wait3A_1038, %dma_wait3A_1039] : memref<32x8x32xf32, #tpu.memory_space<vmem>> -> memref<1x8x32xf32, #tpu.memory_space<vmem>>
        %dma_wait3A_1041 = arith.constant 0 : i32
        %dma_wait3A_1042 = arith.constant 0 : i32
        %dma_wait3A_1043 = arith.constant 0 : i32
        %dma_wait3A_1044 = tpu.memref_slice %arg3[%dma_wait3A_1041, %dma_wait3A_1042, %dma_wait3A_1043] : memref<125000x8x32xf32, #tpu.memory_space<hbm>> -> memref<1x8x32xf32, #tpu.memory_space<hbm>>
        tpu.wait_dma2 semaphore(%arg12 : memref<!tpu.dma_semaphore, #tpu.memory_space<semaphore_mem>>) src(%dma_wait3A_1044 : memref<1x8x32xf32, #tpu.memory_space<hbm>>) dst(%dma_wait3A_1040 : memref<1x8x32xf32, #tpu.memory_space<vmem>>)
        %dma_wait3A_1045 = arith.constant 8 : i32
        %dma_wait3A_1046 = arith.constant 0 : i32
        %dma_wait3A_1047 = arith.constant 0 : i32
        %dma_wait3A_1048 = tpu.memref_slice %arg10[%dma_wait3A_1045, %dma_wait3A_1046, %dma_wait3A_1047] : memref<32x8x32xf32, #tpu.memory_space<vmem>> -> memref<1x8x32xf32, #tpu.memory_space<vmem>>
        %dma_wait3A_1049 = arith.constant 0 : i32
        %dma_wait3A_1050 = arith.constant 0 : i32
        %dma_wait3A_1051 = arith.constant 0 : i32
        %dma_wait3A_1052 = tpu.memref_slice %arg3[%dma_wait3A_1049, %dma_wait3A_1050, %dma_wait3A_1051] : memref<125000x8x32xf32, #tpu.memory_space<hbm>> -> memref<1x8x32xf32, #tpu.memory_space<hbm>>
        %dma_wait3A_1053 = arith.constant 8 : i32
        %dma_wait3A_1054 = arith.constant 0 : i32
        %dma_wait3A_1055 = arith.constant 0 : i32
        %dma_wait3A_1056 = tpu.memref_slice %arg10[%dma_wait3A_1053, %dma_wait3A_1054, %dma_wait3A_1055] : memref<32x8x32xf32, #tpu.memory_space<vmem>> -> memref<1x8x32xf32, #tpu.memory_space<vmem>>
        %dma_wait3A_1057 = arith.constant 0 : i32
        %dma_wait3A_1058 = arith.constant 0 : i32
        %dma_wait3A_1059 = arith.constant 0 : i32
        %dma_wait3A_1060 = tpu.memref_slice %arg3[%dma_wait3A_1057, %dma_wait3A_1058, %dma_wait3A_1059] : memref<125000x8x32xf32, #tpu.memory_space<hbm>> -> memref<1x8x32xf32, #tpu.memory_space<hbm>>
        tpu.wait_dma2 semaphore(%arg12 : memref<!tpu.dma_semaphore, #tpu.memory_space<semaphore_mem>>) src(%dma_wait3A_1060 : memref<1x8x32xf32, #tpu.memory_space<hbm>>) dst(%dma_wait3A_1056 : memref<1x8x32xf32, #tpu.memory_space<vmem>>)
        %dma_wait3A_1061 = arith.constant 9 : i32
        %dma_wait3A_1062 = arith.constant 0 : i32
        %dma_wait3A_1063 = arith.constant 0 : i32
        %dma_wait3A_1064 = tpu.memref_slice %arg10[%dma_wait3A_1061, %dma_wait3A_1062, %dma_wait3A_1063] : memref<32x8x32xf32, #tpu.memory_space<vmem>> -> memref<1x8x32xf32, #tpu.memory_space<vmem>>
        %dma_wait3A_1065 = arith.constant 0 : i32
        %dma_wait3A_1066 = arith.constant 0 : i32
        %dma_wait3A_1067 = arith.constant 0 : i32
        %dma_wait3A_1068 = tpu.memref_slice %arg3[%dma_wait3A_1065, %dma_wait3A_1066, %dma_wait3A_1067] : memref<125000x8x32xf32, #tpu.memory_space<hbm>> -> memref<1x8x32xf32, #tpu.memory_space<hbm>>
        %dma_wait3A_1069 = arith.constant 9 : i32
        %dma_wait3A_1070 = arith.constant 0 : i32
        %dma_wait3A_1071 = arith.constant 0 : i32
        %dma_wait3A_1072 = tpu.memref_slice %arg10[%dma_wait3A_1069, %dma_wait3A_1070, %dma_wait3A_1071] : memref<32x8x32xf32, #tpu.memory_space<vmem>> -> memref<1x8x32xf32, #tpu.memory_space<vmem>>
        %dma_wait3A_1073 = arith.constant 0 : i32
        %dma_wait3A_1074 = arith.constant 0 : i32
        %dma_wait3A_1075 = arith.constant 0 : i32
        %dma_wait3A_1076 = tpu.memref_slice %arg3[%dma_wait3A_1073, %dma_wait3A_1074, %dma_wait3A_1075] : memref<125000x8x32xf32, #tpu.memory_space<hbm>> -> memref<1x8x32xf32, #tpu.memory_space<hbm>>
        tpu.wait_dma2 semaphore(%arg12 : memref<!tpu.dma_semaphore, #tpu.memory_space<semaphore_mem>>) src(%dma_wait3A_1076 : memref<1x8x32xf32, #tpu.memory_space<hbm>>) dst(%dma_wait3A_1072 : memref<1x8x32xf32, #tpu.memory_space<vmem>>)
        %dma_wait3A_1077 = arith.constant 10 : i32
        %dma_wait3A_1078 = arith.constant 0 : i32
        %dma_wait3A_1079 = arith.constant 0 : i32
        %dma_wait3A_1080 = tpu.memref_slice %arg10[%dma_wait3A_1077, %dma_wait3A_1078, %dma_wait3A_1079] : memref<32x8x32xf32, #tpu.memory_space<vmem>> -> memref<1x8x32xf32, #tpu.memory_space<vmem>>
        %dma_wait3A_1081 = arith.constant 0 : i32
        %dma_wait3A_1082 = arith.constant 0 : i32
        %dma_wait3A_1083 = arith.constant 0 : i32
        %dma_wait3A_1084 = tpu.memref_slice %arg3[%dma_wait3A_1081, %dma_wait3A_1082, %dma_wait3A_1083] : memref<125000x8x32xf32, #tpu.memory_space<hbm>> -> memref<1x8x32xf32, #tpu.memory_space<hbm>>
        %dma_wait3A_1085 = arith.constant 10 : i32
        %dma_wait3A_1086 = arith.constant 0 : i32
        %dma_wait3A_1087 = arith.constant 0 : i32
        %dma_wait3A_1088 = tpu.memref_slice %arg10[%dma_wait3A_1085, %dma_wait3A_1086, %dma_wait3A_1087] : memref<32x8x32xf32, #tpu.memory_space<vmem>> -> memref<1x8x32xf32, #tpu.memory_space<vmem>>
        %dma_wait3A_1089 = arith.constant 0 : i32
        %dma_wait3A_1090 = arith.constant 0 : i32
        %dma_wait3A_1091 = arith.constant 0 : i32
        %dma_wait3A_1092 = tpu.memref_slice %arg3[%dma_wait3A_1089, %dma_wait3A_1090, %dma_wait3A_1091] : memref<125000x8x32xf32, #tpu.memory_space<hbm>> -> memref<1x8x32xf32, #tpu.memory_space<hbm>>
        tpu.wait_dma2 semaphore(%arg12 : memref<!tpu.dma_semaphore, #tpu.memory_space<semaphore_mem>>) src(%dma_wait3A_1092 : memref<1x8x32xf32, #tpu.memory_space<hbm>>) dst(%dma_wait3A_1088 : memref<1x8x32xf32, #tpu.memory_space<vmem>>)
        %dma_wait3A_1093 = arith.constant 11 : i32
        %dma_wait3A_1094 = arith.constant 0 : i32
        %dma_wait3A_1095 = arith.constant 0 : i32
        %dma_wait3A_1096 = tpu.memref_slice %arg10[%dma_wait3A_1093, %dma_wait3A_1094, %dma_wait3A_1095] : memref<32x8x32xf32, #tpu.memory_space<vmem>> -> memref<1x8x32xf32, #tpu.memory_space<vmem>>
        %dma_wait3A_1097 = arith.constant 0 : i32
        %dma_wait3A_1098 = arith.constant 0 : i32
        %dma_wait3A_1099 = arith.constant 0 : i32
        %dma_wait3A_1100 = tpu.memref_slice %arg3[%dma_wait3A_1097, %dma_wait3A_1098, %dma_wait3A_1099] : memref<125000x8x32xf32, #tpu.memory_space<hbm>> -> memref<1x8x32xf32, #tpu.memory_space<hbm>>
        %dma_wait3A_1101 = arith.constant 11 : i32
        %dma_wait3A_1102 = arith.constant 0 : i32
        %dma_wait3A_1103 = arith.constant 0 : i32
        %dma_wait3A_1104 = tpu.memref_slice %arg10[%dma_wait3A_1101, %dma_wait3A_1102, %dma_wait3A_1103] : memref<32x8x32xf32, #tpu.memory_space<vmem>> -> memref<1x8x32xf32, #tpu.memory_space<vmem>>
        %dma_wait3A_1105 = arith.constant 0 : i32
        %dma_wait3A_1106 = arith.constant 0 : i32
        %dma_wait3A_1107 = arith.constant 0 : i32
        %dma_wait3A_1108 = tpu.memref_slice %arg3[%dma_wait3A_1105, %dma_wait3A_1106, %dma_wait3A_1107] : memref<125000x8x32xf32, #tpu.memory_space<hbm>> -> memref<1x8x32xf32, #tpu.memory_space<hbm>>
        tpu.wait_dma2 semaphore(%arg12 : memref<!tpu.dma_semaphore, #tpu.memory_space<semaphore_mem>>) src(%dma_wait3A_1108 : memref<1x8x32xf32, #tpu.memory_space<hbm>>) dst(%dma_wait3A_1104 : memref<1x8x32xf32, #tpu.memory_space<vmem>>)
        %dma_wait3A_1109 = arith.constant 12 : i32
        %dma_wait3A_1110 = arith.constant 0 : i32
        %dma_wait3A_1111 = arith.constant 0 : i32
        %dma_wait3A_1112 = tpu.memref_slice %arg10[%dma_wait3A_1109, %dma_wait3A_1110, %dma_wait3A_1111] : memref<32x8x32xf32, #tpu.memory_space<vmem>> -> memref<1x8x32xf32, #tpu.memory_space<vmem>>
        %dma_wait3A_1113 = arith.constant 0 : i32
        %dma_wait3A_1114 = arith.constant 0 : i32
        %dma_wait3A_1115 = arith.constant 0 : i32
        %dma_wait3A_1116 = tpu.memref_slice %arg3[%dma_wait3A_1113, %dma_wait3A_1114, %dma_wait3A_1115] : memref<125000x8x32xf32, #tpu.memory_space<hbm>> -> memref<1x8x32xf32, #tpu.memory_space<hbm>>
        %dma_wait3A_1117 = arith.constant 12 : i32
        %dma_wait3A_1118 = arith.constant 0 : i32
        %dma_wait3A_1119 = arith.constant 0 : i32
        %dma_wait3A_1120 = tpu.memref_slice %arg10[%dma_wait3A_1117, %dma_wait3A_1118, %dma_wait3A_1119] : memref<32x8x32xf32, #tpu.memory_space<vmem>> -> memref<1x8x32xf32, #tpu.memory_space<vmem>>
        %dma_wait3A_1121 = arith.constant 0 : i32
        %dma_wait3A_1122 = arith.constant 0 : i32
        %dma_wait3A_1123 = arith.constant 0 : i32
        %dma_wait3A_1124 = tpu.memref_slice %arg3[%dma_wait3A_1121, %dma_wait3A_1122, %dma_wait3A_1123] : memref<125000x8x32xf32, #tpu.memory_space<hbm>> -> memref<1x8x32xf32, #tpu.memory_space<hbm>>
        tpu.wait_dma2 semaphore(%arg12 : memref<!tpu.dma_semaphore, #tpu.memory_space<semaphore_mem>>) src(%dma_wait3A_1124 : memref<1x8x32xf32, #tpu.memory_space<hbm>>) dst(%dma_wait3A_1120 : memref<1x8x32xf32, #tpu.memory_space<vmem>>)
        %dma_wait3A_1125 = arith.constant 13 : i32
        %dma_wait3A_1126 = arith.constant 0 : i32
        %dma_wait3A_1127 = arith.constant 0 : i32
        %dma_wait3A_1128 = tpu.memref_slice %arg10[%dma_wait3A_1125, %dma_wait3A_1126, %dma_wait3A_1127] : memref<32x8x32xf32, #tpu.memory_space<vmem>> -> memref<1x8x32xf32, #tpu.memory_space<vmem>>
        %dma_wait3A_1129 = arith.constant 0 : i32
        %dma_wait3A_1130 = arith.constant 0 : i32
        %dma_wait3A_1131 = arith.constant 0 : i32
        %dma_wait3A_1132 = tpu.memref_slice %arg3[%dma_wait3A_1129, %dma_wait3A_1130, %dma_wait3A_1131] : memref<125000x8x32xf32, #tpu.memory_space<hbm>> -> memref<1x8x32xf32, #tpu.memory_space<hbm>>
        %dma_wait3A_1133 = arith.constant 13 : i32
        %dma_wait3A_1134 = arith.constant 0 : i32
        %dma_wait3A_1135 = arith.constant 0 : i32
        %dma_wait3A_1136 = tpu.memref_slice %arg10[%dma_wait3A_1133, %dma_wait3A_1134, %dma_wait3A_1135] : memref<32x8x32xf32, #tpu.memory_space<vmem>> -> memref<1x8x32xf32, #tpu.memory_space<vmem>>
        %dma_wait3A_1137 = arith.constant 0 : i32
        %dma_wait3A_1138 = arith.constant 0 : i32
        %dma_wait3A_1139 = arith.constant 0 : i32
        %dma_wait3A_1140 = tpu.memref_slice %arg3[%dma_wait3A_1137, %dma_wait3A_1138, %dma_wait3A_1139] : memref<125000x8x32xf32, #tpu.memory_space<hbm>> -> memref<1x8x32xf32, #tpu.memory_space<hbm>>
        tpu.wait_dma2 semaphore(%arg12 : memref<!tpu.dma_semaphore, #tpu.memory_space<semaphore_mem>>) src(%dma_wait3A_1140 : memref<1x8x32xf32, #tpu.memory_space<hbm>>) dst(%dma_wait3A_1136 : memref<1x8x32xf32, #tpu.memory_space<vmem>>)
        %dma_wait3A_1141 = arith.constant 14 : i32
        %dma_wait3A_1142 = arith.constant 0 : i32
        %dma_wait3A_1143 = arith.constant 0 : i32
        %dma_wait3A_1144 = tpu.memref_slice %arg10[%dma_wait3A_1141, %dma_wait3A_1142, %dma_wait3A_1143] : memref<32x8x32xf32, #tpu.memory_space<vmem>> -> memref<1x8x32xf32, #tpu.memory_space<vmem>>
        %dma_wait3A_1145 = arith.constant 0 : i32
        %dma_wait3A_1146 = arith.constant 0 : i32
        %dma_wait3A_1147 = arith.constant 0 : i32
        %dma_wait3A_1148 = tpu.memref_slice %arg3[%dma_wait3A_1145, %dma_wait3A_1146, %dma_wait3A_1147] : memref<125000x8x32xf32, #tpu.memory_space<hbm>> -> memref<1x8x32xf32, #tpu.memory_space<hbm>>
        %dma_wait3A_1149 = arith.constant 14 : i32
        %dma_wait3A_1150 = arith.constant 0 : i32
        %dma_wait3A_1151 = arith.constant 0 : i32
        %dma_wait3A_1152 = tpu.memref_slice %arg10[%dma_wait3A_1149, %dma_wait3A_1150, %dma_wait3A_1151] : memref<32x8x32xf32, #tpu.memory_space<vmem>> -> memref<1x8x32xf32, #tpu.memory_space<vmem>>
        %dma_wait3A_1153 = arith.constant 0 : i32
        %dma_wait3A_1154 = arith.constant 0 : i32
        %dma_wait3A_1155 = arith.constant 0 : i32
        %dma_wait3A_1156 = tpu.memref_slice %arg3[%dma_wait3A_1153, %dma_wait3A_1154, %dma_wait3A_1155] : memref<125000x8x32xf32, #tpu.memory_space<hbm>> -> memref<1x8x32xf32, #tpu.memory_space<hbm>>
        tpu.wait_dma2 semaphore(%arg12 : memref<!tpu.dma_semaphore, #tpu.memory_space<semaphore_mem>>) src(%dma_wait3A_1156 : memref<1x8x32xf32, #tpu.memory_space<hbm>>) dst(%dma_wait3A_1152 : memref<1x8x32xf32, #tpu.memory_space<vmem>>)
        %dma_wait3A_1157 = arith.constant 15 : i32
        %dma_wait3A_1158 = arith.constant 0 : i32
        %dma_wait3A_1159 = arith.constant 0 : i32
        %dma_wait3A_1160 = tpu.memref_slice %arg10[%dma_wait3A_1157, %dma_wait3A_1158, %dma_wait3A_1159] : memref<32x8x32xf32, #tpu.memory_space<vmem>> -> memref<1x8x32xf32, #tpu.memory_space<vmem>>
        %dma_wait3A_1161 = arith.constant 0 : i32
        %dma_wait3A_1162 = arith.constant 0 : i32
        %dma_wait3A_1163 = arith.constant 0 : i32
        %dma_wait3A_1164 = tpu.memref_slice %arg3[%dma_wait3A_1161, %dma_wait3A_1162, %dma_wait3A_1163] : memref<125000x8x32xf32, #tpu.memory_space<hbm>> -> memref<1x8x32xf32, #tpu.memory_space<hbm>>
        %dma_wait3A_1165 = arith.constant 15 : i32
        %dma_wait3A_1166 = arith.constant 0 : i32
        %dma_wait3A_1167 = arith.constant 0 : i32
        %dma_wait3A_1168 = tpu.memref_slice %arg10[%dma_wait3A_1165, %dma_wait3A_1166, %dma_wait3A_1167] : memref<32x8x32xf32, #tpu.memory_space<vmem>> -> memref<1x8x32xf32, #tpu.memory_space<vmem>>
        %dma_wait3A_1169 = arith.constant 0 : i32
        %dma_wait3A_1170 = arith.constant 0 : i32
        %dma_wait3A_1171 = arith.constant 0 : i32
        %dma_wait3A_1172 = tpu.memref_slice %arg3[%dma_wait3A_1169, %dma_wait3A_1170, %dma_wait3A_1171] : memref<125000x8x32xf32, #tpu.memory_space<hbm>> -> memref<1x8x32xf32, #tpu.memory_space<hbm>>
        tpu.wait_dma2 semaphore(%arg12 : memref<!tpu.dma_semaphore, #tpu.memory_space<semaphore_mem>>) src(%dma_wait3A_1172 : memref<1x8x32xf32, #tpu.memory_space<hbm>>) dst(%dma_wait3A_1168 : memref<1x8x32xf32, #tpu.memory_space<vmem>>)
        %mul3A_1173 = arith.constant 16 : i32
        %mul3A_1174 = arith.muli %scan3A_907, %mul3A_1173 : i32
        %get3A_1175 = arith.index_cast %mul3A_1174 : i32 to index
        %get3A_1176 = tpu.vector_load %arg9[%get3A_1175] {strides = array<i32>} : memref<512xi32, #tpu.memory_space<vmem>>, vector<16xi32>,
        %broadcast_in_dim3A = arith.constant 0 : i32
        %broadcast_in_dim3A_1177 = vector.broadcast %broadcast_in_dim3A : i32 to vector<16xi32>
        %slice3A_1178 = vector.extract_strided_slice %get3A_1176 {offsets = [0], sizes = [1], strides = [1]} : vector<16xi32> to vector<1xi32>
        %squeeze3A_1179 = vector.extract %slice3A_1178[0] : i32 from vector<1xi32>
        %broadcast_in_dim3A_1180 = vector.broadcast %squeeze3A_1179 : i32 to vector<16xi32>
        %mul3A_1181 = arith.constant 16 : i32
        %mul3A_1182 = arith.muli %scan3A_907, %mul3A_1181 : i32
        %add3A_1183 = arith.constant 0 : i32
        %add3A_1184 = arith.addi %mul3A_1182, %add3A_1183 : i32
        %broadcast_in_dim3A_1185 = vector.broadcast %add3A_1184 : i32 to vector<16xi32>
        %gather3A = tpu.vector_load_idx %arg10[%broadcast_in_dim3A_1177, %broadcast_in_dim3A_1180, %iota3A] : memref<32x8x32xf32, #tpu.memory_space<vmem>>[vector<16xi32>, vector<16xi32>, vector<16xi32>], vector<16xf32>,
        %add3A_1186 = arith.constant 16 : i32
        %add3A_1187 = vector.broadcast %add3A_1186 : i32 to vector<16xi32>
        %add3A_1188 = arith.addi %iota3A, %add3A_1187 : vector<16xi32>
        %gather3A_1189 = tpu.vector_load_idx %arg10[%broadcast_in_dim3A_1177, %broadcast_in_dim3A_1180, %add3A_1188] : memref<32x8x32xf32, #tpu.memory_space<vmem>>[vector<16xi32>, vector<16xi32>, vector<16xi32>], vector<16xf32>,
        tpu.vector_store_idx %arg11[%broadcast_in_dim3A_1185, %iota3A], %gather3A : memref<512x32xf32, #tpu.memory_space<vmem>>[vector<16xi32>, vector<16xi32>], vector<16xf32>,
        %add3A_1190 = arith.constant 16 : i32
        %add3A_1191 = vector.broadcast %add3A_1190 : i32 to vector<16xi32>
        %add3A_1192 = arith.addi %iota3A, %add3A_1191 : vector<16xi32>
        tpu.vector_store_idx %arg11[%broadcast_in_dim3A_1185, %add3A_1192], %gather3A_1189 : memref<512x32xf32, #tpu.memory_space<vmem>>[vector<16xi32>, vector<16xi32>], vector<16xf32>,
        %broadcast_in_dim3A_1193 = arith.constant 1 : i32
        %broadcast_in_dim3A_1194 = vector.broadcast %broadcast_in_dim3A_1193 : i32 to vector<16xi32>
        %slice3A_1195 = vector.extract_strided_slice %get3A_1176 {offsets = [1], sizes = [1], strides = [1]} : vector<16xi32> to vector<1xi32>
        %squeeze3A_1196 = vector.extract %slice3A_1195[0] : i32 from vector<1xi32>
        %broadcast_in_dim3A_1197 = vector.broadcast %squeeze3A_1196 : i32 to vector<16xi32>
        %mul3A_1198 = arith.constant 16 : i32
        %mul3A_1199 = arith.muli %scan3A_907, %mul3A_1198 : i32
        %add3A_1200 = arith.constant 1 : i32
        %add3A_1201 = arith.addi %mul3A_1199, %add3A_1200 : i32
        %broadcast_in_dim3A_1202 = vector.broadcast %add3A_1201 : i32 to vector<16xi32>
        %gather3A_1203 = tpu.vector_load_idx %arg10[%broadcast_in_dim3A_1194, %broadcast_in_dim3A_1197, %iota3A] : memref<32x8x32xf32, #tpu.memory_space<vmem>>[vector<16xi32>, vector<16xi32>, vector<16xi32>], vector<16xf32>,
        %add3A_1204 = arith.constant 16 : i32
        %add3A_1205 = vector.broadcast %add3A_1204 : i32 to vector<16xi32>
        %add3A_1206 = arith.addi %iota3A, %add3A_1205 : vector<16xi32>
        %gather3A_1207 = tpu.vector_load_idx %arg10[%broadcast_in_dim3A_1194, %broadcast_in_dim3A_1197, %add3A_1206] : memref<32x8x32xf32, #tpu.memory_space<vmem>>[vector<16xi32>, vector<16xi32>, vector<16xi32>], vector<16xf32>,
        tpu.vector_store_idx %arg11[%broadcast_in_dim3A_1202, %iota3A], %gather3A_1203 : memref<512x32xf32, #tpu.memory_space<vmem>>[vector<16xi32>, vector<16xi32>], vector<16xf32>,
        %add3A_1208 = arith.constant 16 : i32
        %add3A_1209 = vector.broadcast %add3A_1208 : i32 to vector<16xi32>
        %add3A_1210 = arith.addi %iota3A, %add3A_1209 : vector<16xi32>
        tpu.vector_store_idx %arg11[%broadcast_in_dim3A_1202, %add3A_1210], %gather3A_1207 : memref<512x32xf32, #tpu.memory_space<vmem>>[vector<16xi32>, vector<16xi32>], vector<16xf32>,
        %broadcast_in_dim3A_1211 = arith.constant 2 : i32
        %broadcast_in_dim3A_1212 = vector.broadcast %broadcast_in_dim3A_1211 : i32 to vector<16xi32>
        %slice3A_1213 = vector.extract_strided_slice %get3A_1176 {offsets = [2], sizes = [1], strides = [1]} : vector<16xi32> to vector<1xi32>
        %squeeze3A_1214 = vector.extract %slice3A_1213[0] : i32 from vector<1xi32>
        %broadcast_in_dim3A_1215 = vector.broadcast %squeeze3A_1214 : i32 to vector<16xi32>
        %mul3A_1216 = arith.constant 16 : i32
        %mul3A_1217 = arith.muli %scan3A_907, %mul3A_1216 : i32
        %add3A_1218 = arith.constant 2 : i32
        %add3A_1219 = arith.addi %mul3A_1217, %add3A_1218 : i32
        %broadcast_in_dim3A_1220 = vector.broadcast %add3A_1219 : i32 to vector<16xi32>
        %gather3A_1221 = tpu.vector_load_idx %arg10[%broadcast_in_dim3A_1212, %broadcast_in_dim3A_1215, %iota3A] : memref<32x8x32xf32, #tpu.memory_space<vmem>>[vector<16xi32>, vector<16xi32>, vector<16xi32>], vector<16xf32>,
        %add3A_1222 = arith.constant 16 : i32
        %add3A_1223 = vector.broadcast %add3A_1222 : i32 to vector<16xi32>
        %add3A_1224 = arith.addi %iota3A, %add3A_1223 : vector<16xi32>
        %gather3A_1225 = tpu.vector_load_idx %arg10[%broadcast_in_dim3A_1212, %broadcast_in_dim3A_1215, %add3A_1224] : memref<32x8x32xf32, #tpu.memory_space<vmem>>[vector<16xi32>, vector<16xi32>, vector<16xi32>], vector<16xf32>,
        tpu.vector_store_idx %arg11[%broadcast_in_dim3A_1220, %iota3A], %gather3A_1221 : memref<512x32xf32, #tpu.memory_space<vmem>>[vector<16xi32>, vector<16xi32>], vector<16xf32>,
        %add3A_1226 = arith.constant 16 : i32
        %add3A_1227 = vector.broadcast %add3A_1226 : i32 to vector<16xi32>
        %add3A_1228 = arith.addi %iota3A, %add3A_1227 : vector<16xi32>
        tpu.vector_store_idx %arg11[%broadcast_in_dim3A_1220, %add3A_1228], %gather3A_1225 : memref<512x32xf32, #tpu.memory_space<vmem>>[vector<16xi32>, vector<16xi32>], vector<16xf32>,
        %broadcast_in_dim3A_1229 = arith.constant 3 : i32
        %broadcast_in_dim3A_1230 = vector.broadcast %broadcast_in_dim3A_1229 : i32 to vector<16xi32>
        %slice3A_1231 = vector.extract_strided_slice %get3A_1176 {offsets = [3], sizes = [1], strides = [1]} : vector<16xi32> to vector<1xi32>
        %squeeze3A_1232 = vector.extract %slice3A_1231[0] : i32 from vector<1xi32>
        %broadcast_in_dim3A_1233 = vector.broadcast %squeeze3A_1232 : i32 to vector<16xi32>
        %mul3A_1234 = arith.constant 16 : i32
        %mul3A_1235 = arith.muli %scan3A_907, %mul3A_1234 : i32
        %add3A_1236 = arith.constant 3 : i32
        %add3A_1237 = arith.addi %mul3A_1235, %add3A_1236 : i32
        %broadcast_in_dim3A_1238 = vector.broadcast %add3A_1237 : i32 to vector<16xi32>
        %gather3A_1239 = tpu.vector_load_idx %arg10[%broadcast_in_dim3A_1230, %broadcast_in_dim3A_1233, %iota3A] : memref<32x8x32xf32, #tpu.memory_space<vmem>>[vector<16xi32>, vector<16xi32>, vector<16xi32>], vector<16xf32>,
        %add3A_1240 = arith.constant 16 : i32
        %add3A_1241 = vector.broadcast %add3A_1240 : i32 to vector<16xi32>
        %add3A_1242 = arith.addi %iota3A, %add3A_1241 : vector<16xi32>
        %gather3A_1243 = tpu.vector_load_idx %arg10[%broadcast_in_dim3A_1230, %broadcast_in_dim3A_1233, %add3A_1242] : memref<32x8x32xf32, #tpu.memory_space<vmem>>[vector<16xi32>, vector<16xi32>, vector<16xi32>], vector<16xf32>,
        tpu.vector_store_idx %arg11[%broadcast_in_dim3A_1238, %iota3A], %gather3A_1239 : memref<512x32xf32, #tpu.memory_space<vmem>>[vector<16xi32>, vector<16xi32>], vector<16xf32>,
        %add3A_1244 = arith.constant 16 : i32
        %add3A_1245 = vector.broadcast %add3A_1244 : i32 to vector<16xi32>
        %add3A_1246 = arith.addi %iota3A, %add3A_1245 : vector<16xi32>
        tpu.vector_store_idx %arg11[%broadcast_in_dim3A_1238, %add3A_1246], %gather3A_1243 : memref<512x32xf32, #tpu.memory_space<vmem>>[vector<16xi32>, vector<16xi32>], vector<16xf32>,
        %broadcast_in_dim3A_1247 = arith.constant 4 : i32
        %broadcast_in_dim3A_1248 = vector.broadcast %broadcast_in_dim3A_1247 : i32 to vector<16xi32>
        %slice3A_1249 = vector.extract_strided_slice %get3A_1176 {offsets = [4], sizes = [1], strides = [1]} : vector<16xi32> to vector<1xi32>
        %squeeze3A_1250 = vector.extract %slice3A_1249[0] : i32 from vector<1xi32>
        %broadcast_in_dim3A_1251 = vector.broadcast %squeeze3A_1250 : i32 to vector<16xi32>
        %mul3A_1252 = arith.constant 16 : i32
        %mul3A_1253 = arith.muli %scan3A_907, %mul3A_1252 : i32
        %add3A_1254 = arith.constant 4 : i32
        %add3A_1255 = arith.addi %mul3A_1253, %add3A_1254 : i32
        %broadcast_in_dim3A_1256 = vector.broadcast %add3A_1255 : i32 to vector<16xi32>
        %gather3A_1257 = tpu.vector_load_idx %arg10[%broadcast_in_dim3A_1248, %broadcast_in_dim3A_1251, %iota3A] : memref<32x8x32xf32, #tpu.memory_space<vmem>>[vector<16xi32>, vector<16xi32>, vector<16xi32>], vector<16xf32>,
        %add3A_1258 = arith.constant 16 : i32
        %add3A_1259 = vector.broadcast %add3A_1258 : i32 to vector<16xi32>
        %add3A_1260 = arith.addi %iota3A, %add3A_1259 : vector<16xi32>
        %gather3A_1261 = tpu.vector_load_idx %arg10[%broadcast_in_dim3A_1248, %broadcast_in_dim3A_1251, %add3A_1260] : memref<32x8x32xf32, #tpu.memory_space<vmem>>[vector<16xi32>, vector<16xi32>, vector<16xi32>], vector<16xf32>,
        tpu.vector_store_idx %arg11[%broadcast_in_dim3A_1256, %iota3A], %gather3A_1257 : memref<512x32xf32, #tpu.memory_space<vmem>>[vector<16xi32>, vector<16xi32>], vector<16xf32>,
        %add3A_1262 = arith.constant 16 : i32
        %add3A_1263 = vector.broadcast %add3A_1262 : i32 to vector<16xi32>
        %add3A_1264 = arith.addi %iota3A, %add3A_1263 : vector<16xi32>
        tpu.vector_store_idx %arg11[%broadcast_in_dim3A_1256, %add3A_1264], %gather3A_1261 : memref<512x32xf32, #tpu.memory_space<vmem>>[vector<16xi32>, vector<16xi32>], vector<16xf32>,
        %broadcast_in_dim3A_1265 = arith.constant 5 : i32
        %broadcast_in_dim3A_1266 = vector.broadcast %broadcast_in_dim3A_1265 : i32 to vector<16xi32>
        %slice3A_1267 = vector.extract_strided_slice %get3A_1176 {offsets = [5], sizes = [1], strides = [1]} : vector<16xi32> to vector<1xi32>
        %squeeze3A_1268 = vector.extract %slice3A_1267[0] : i32 from vector<1xi32>
        %broadcast_in_dim3A_1269 = vector.broadcast %squeeze3A_1268 : i32 to vector<16xi32>
        %mul3A_1270 = arith.constant 16 : i32
        %mul3A_1271 = arith.muli %scan3A_907, %mul3A_1270 : i32
        %add3A_1272 = arith.constant 5 : i32
        %add3A_1273 = arith.addi %mul3A_1271, %add3A_1272 : i32
        %broadcast_in_dim3A_1274 = vector.broadcast %add3A_1273 : i32 to vector<16xi32>
        %gather3A_1275 = tpu.vector_load_idx %arg10[%broadcast_in_dim3A_1266, %broadcast_in_dim3A_1269, %iota3A] : memref<32x8x32xf32, #tpu.memory_space<vmem>>[vector<16xi32>, vector<16xi32>, vector<16xi32>], vector<16xf32>,
        %add3A_1276 = arith.constant 16 : i32
        %add3A_1277 = vector.broadcast %add3A_1276 : i32 to vector<16xi32>
        %add3A_1278 = arith.addi %iota3A, %add3A_1277 : vector<16xi32>
        %gather3A_1279 = tpu.vector_load_idx %arg10[%broadcast_in_dim3A_1266, %broadcast_in_dim3A_1269, %add3A_1278] : memref<32x8x32xf32, #tpu.memory_space<vmem>>[vector<16xi32>, vector<16xi32>, vector<16xi32>], vector<16xf32>,
        tpu.vector_store_idx %arg11[%broadcast_in_dim3A_1274, %iota3A], %gather3A_1275 : memref<512x32xf32, #tpu.memory_space<vmem>>[vector<16xi32>, vector<16xi32>], vector<16xf32>,
        %add3A_1280 = arith.constant 16 : i32
        %add3A_1281 = vector.broadcast %add3A_1280 : i32 to vector<16xi32>
        %add3A_1282 = arith.addi %iota3A, %add3A_1281 : vector<16xi32>
        tpu.vector_store_idx %arg11[%broadcast_in_dim3A_1274, %add3A_1282], %gather3A_1279 : memref<512x32xf32, #tpu.memory_space<vmem>>[vector<16xi32>, vector<16xi32>], vector<16xf32>,
        %broadcast_in_dim3A_1283 = arith.constant 6 : i32
        %broadcast_in_dim3A_1284 = vector.broadcast %broadcast_in_dim3A_1283 : i32 to vector<16xi32>
        %slice3A_1285 = vector.extract_strided_slice %get3A_1176 {offsets = [6], sizes = [1], strides = [1]} : vector<16xi32> to vector<1xi32>
        %squeeze3A_1286 = vector.extract %slice3A_1285[0] : i32 from vector<1xi32>
        %broadcast_in_dim3A_1287 = vector.broadcast %squeeze3A_1286 : i32 to vector<16xi32>
        %mul3A_1288 = arith.constant 16 : i32
        %mul3A_1289 = arith.muli %scan3A_907, %mul3A_1288 : i32
        %add3A_1290 = arith.constant 6 : i32
        %add3A_1291 = arith.addi %mul3A_1289, %add3A_1290 : i32
        %broadcast_in_dim3A_1292 = vector.broadcast %add3A_1291 : i32 to vector<16xi32>
        %gather3A_1293 = tpu.vector_load_idx %arg10[%broadcast_in_dim3A_1284, %broadcast_in_dim3A_1287, %iota3A] : memref<32x8x32xf32, #tpu.memory_space<vmem>>[vector<16xi32>, vector<16xi32>, vector<16xi32>], vector<16xf32>,
        %add3A_1294 = arith.constant 16 : i32
        %add3A_1295 = vector.broadcast %add3A_1294 : i32 to vector<16xi32>
        %add3A_1296 = arith.addi %iota3A, %add3A_1295 : vector<16xi32>
        %gather3A_1297 = tpu.vector_load_idx %arg10[%broadcast_in_dim3A_1284, %broadcast_in_dim3A_1287, %add3A_1296] : memref<32x8x32xf32, #tpu.memory_space<vmem>>[vector<16xi32>, vector<16xi32>, vector<16xi32>], vector<16xf32>,
        tpu.vector_store_idx %arg11[%broadcast_in_dim3A_1292, %iota3A], %gather3A_1293 : memref<512x32xf32, #tpu.memory_space<vmem>>[vector<16xi32>, vector<16xi32>], vector<16xf32>,
        %add3A_1298 = arith.constant 16 : i32
        %add3A_1299 = vector.broadcast %add3A_1298 : i32 to vector<16xi32>
        %add3A_1300 = arith.addi %iota3A, %add3A_1299 : vector<16xi32>
        tpu.vector_store_idx %arg11[%broadcast_in_dim3A_1292, %add3A_1300], %gather3A_1297 : memref<512x32xf32, #tpu.memory_space<vmem>>[vector<16xi32>, vector<16xi32>], vector<16xf32>,
        %broadcast_in_dim3A_1301 = arith.constant 7 : i32
        %broadcast_in_dim3A_1302 = vector.broadcast %broadcast_in_dim3A_1301 : i32 to vector<16xi32>
        %slice3A_1303 = vector.extract_strided_slice %get3A_1176 {offsets = [7], sizes = [1], strides = [1]} : vector<16xi32> to vector<1xi32>
        %squeeze3A_1304 = vector.extract %slice3A_1303[0] : i32 from vector<1xi32>
        %broadcast_in_dim3A_1305 = vector.broadcast %squeeze3A_1304 : i32 to vector<16xi32>
        %mul3A_1306 = arith.constant 16 : i32
        %mul3A_1307 = arith.muli %scan3A_907, %mul3A_1306 : i32
        %add3A_1308 = arith.constant 7 : i32
        %add3A_1309 = arith.addi %mul3A_1307, %add3A_1308 : i32
        %broadcast_in_dim3A_1310 = vector.broadcast %add3A_1309 : i32 to vector<16xi32>
        %gather3A_1311 = tpu.vector_load_idx %arg10[%broadcast_in_dim3A_1302, %broadcast_in_dim3A_1305, %iota3A] : memref<32x8x32xf32, #tpu.memory_space<vmem>>[vector<16xi32>, vector<16xi32>, vector<16xi32>], vector<16xf32>,
        %add3A_1312 = arith.constant 16 : i32
        %add3A_1313 = vector.broadcast %add3A_1312 : i32 to vector<16xi32>
        %add3A_1314 = arith.addi %iota3A, %add3A_1313 : vector<16xi32>
        %gather3A_1315 = tpu.vector_load_idx %arg10[%broadcast_in_dim3A_1302, %broadcast_in_dim3A_1305, %add3A_1314] : memref<32x8x32xf32, #tpu.memory_space<vmem>>[vector<16xi32>, vector<16xi32>, vector<16xi32>], vector<16xf32>,
        tpu.vector_store_idx %arg11[%broadcast_in_dim3A_1310, %iota3A], %gather3A_1311 : memref<512x32xf32, #tpu.memory_space<vmem>>[vector<16xi32>, vector<16xi32>], vector<16xf32>,
        %add3A_1316 = arith.constant 16 : i32
        %add3A_1317 = vector.broadcast %add3A_1316 : i32 to vector<16xi32>
        %add3A_1318 = arith.addi %iota3A, %add3A_1317 : vector<16xi32>
        tpu.vector_store_idx %arg11[%broadcast_in_dim3A_1310, %add3A_1318], %gather3A_1315 : memref<512x32xf32, #tpu.memory_space<vmem>>[vector<16xi32>, vector<16xi32>], vector<16xf32>,
        %broadcast_in_dim3A_1319 = arith.constant 8 : i32
        %broadcast_in_dim3A_1320 = vector.broadcast %broadcast_in_dim3A_1319 : i32 to vector<16xi32>
        %slice3A_1321 = vector.extract_strided_slice %get3A_1176 {offsets = [8], sizes = [1], strides = [1]} : vector<16xi32> to vector<1xi32>
        %squeeze3A_1322 = vector.extract %slice3A_1321[0] : i32 from vector<1xi32>
        %broadcast_in_dim3A_1323 = vector.broadcast %squeeze3A_1322 : i32 to vector<16xi32>
        %mul3A_1324 = arith.constant 16 : i32
        %mul3A_1325 = arith.muli %scan3A_907, %mul3A_1324 : i32
        %add3A_1326 = arith.constant 8 : i32
        %add3A_1327 = arith.addi %mul3A_1325, %add3A_1326 : i32
        %broadcast_in_dim3A_1328 = vector.broadcast %add3A_1327 : i32 to vector<16xi32>
        %gather3A_1329 = tpu.vector_load_idx %arg10[%broadcast_in_dim3A_1320, %broadcast_in_dim3A_1323, %iota3A] : memref<32x8x32xf32, #tpu.memory_space<vmem>>[vector<16xi32>, vector<16xi32>, vector<16xi32>], vector<16xf32>,
        %add3A_1330 = arith.constant 16 : i32
        %add3A_1331 = vector.broadcast %add3A_1330 : i32 to vector<16xi32>
        %add3A_1332 = arith.addi %iota3A, %add3A_1331 : vector<16xi32>
        %gather3A_1333 = tpu.vector_load_idx %arg10[%broadcast_in_dim3A_1320, %broadcast_in_dim3A_1323, %add3A_1332] : memref<32x8x32xf32, #tpu.memory_space<vmem>>[vector<16xi32>, vector<16xi32>, vector<16xi32>], vector<16xf32>,
        tpu.vector_store_idx %arg11[%broadcast_in_dim3A_1328, %iota3A], %gather3A_1329 : memref<512x32xf32, #tpu.memory_space<vmem>>[vector<16xi32>, vector<16xi32>], vector<16xf32>,
        %add3A_1334 = arith.constant 16 : i32
        %add3A_1335 = vector.broadcast %add3A_1334 : i32 to vector<16xi32>
        %add3A_1336 = arith.addi %iota3A, %add3A_1335 : vector<16xi32>
        tpu.vector_store_idx %arg11[%broadcast_in_dim3A_1328, %add3A_1336], %gather3A_1333 : memref<512x32xf32, #tpu.memory_space<vmem>>[vector<16xi32>, vector<16xi32>], vector<16xf32>,
        %broadcast_in_dim3A_1337 = arith.constant 9 : i32
        %broadcast_in_dim3A_1338 = vector.broadcast %broadcast_in_dim3A_1337 : i32 to vector<16xi32>
        %slice3A_1339 = vector.extract_strided_slice %get3A_1176 {offsets = [9], sizes = [1], strides = [1]} : vector<16xi32> to vector<1xi32>
        %squeeze3A_1340 = vector.extract %slice3A_1339[0] : i32 from vector<1xi32>
        %broadcast_in_dim3A_1341 = vector.broadcast %squeeze3A_1340 : i32 to vector<16xi32>
        %mul3A_1342 = arith.constant 16 : i32
        %mul3A_1343 = arith.muli %scan3A_907, %mul3A_1342 : i32
        %add3A_1344 = arith.constant 9 : i32
        %add3A_1345 = arith.addi %mul3A_1343, %add3A_1344 : i32
        %broadcast_in_dim3A_1346 = vector.broadcast %add3A_1345 : i32 to vector<16xi32>
        %gather3A_1347 = tpu.vector_load_idx %arg10[%broadcast_in_dim3A_1338, %broadcast_in_dim3A_1341, %iota3A] : memref<32x8x32xf32, #tpu.memory_space<vmem>>[vector<16xi32>, vector<16xi32>, vector<16xi32>], vector<16xf32>,
        %add3A_1348 = arith.constant 16 : i32
        %add3A_1349 = vector.broadcast %add3A_1348 : i32 to vector<16xi32>
        %add3A_1350 = arith.addi %iota3A, %add3A_1349 : vector<16xi32>
        %gather3A_1351 = tpu.vector_load_idx %arg10[%broadcast_in_dim3A_1338, %broadcast_in_dim3A_1341, %add3A_1350] : memref<32x8x32xf32, #tpu.memory_space<vmem>>[vector<16xi32>, vector<16xi32>, vector<16xi32>], vector<16xf32>,
        tpu.vector_store_idx %arg11[%broadcast_in_dim3A_1346, %iota3A], %gather3A_1347 : memref<512x32xf32, #tpu.memory_space<vmem>>[vector<16xi32>, vector<16xi32>], vector<16xf32>,
        %add3A_1352 = arith.constant 16 : i32
        %add3A_1353 = vector.broadcast %add3A_1352 : i32 to vector<16xi32>
        %add3A_1354 = arith.addi %iota3A, %add3A_1353 : vector<16xi32>
        tpu.vector_store_idx %arg11[%broadcast_in_dim3A_1346, %add3A_1354], %gather3A_1351 : memref<512x32xf32, #tpu.memory_space<vmem>>[vector<16xi32>, vector<16xi32>], vector<16xf32>,
        %broadcast_in_dim3A_1355 = arith.constant 10 : i32
        %broadcast_in_dim3A_1356 = vector.broadcast %broadcast_in_dim3A_1355 : i32 to vector<16xi32>
        %slice3A_1357 = vector.extract_strided_slice %get3A_1176 {offsets = [10], sizes = [1], strides = [1]} : vector<16xi32> to vector<1xi32>
        %squeeze3A_1358 = vector.extract %slice3A_1357[0] : i32 from vector<1xi32>
        %broadcast_in_dim3A_1359 = vector.broadcast %squeeze3A_1358 : i32 to vector<16xi32>
        %mul3A_1360 = arith.constant 16 : i32
        %mul3A_1361 = arith.muli %scan3A_907, %mul3A_1360 : i32
        %add3A_1362 = arith.constant 10 : i32
        %add3A_1363 = arith.addi %mul3A_1361, %add3A_1362 : i32
        %broadcast_in_dim3A_1364 = vector.broadcast %add3A_1363 : i32 to vector<16xi32>
        %gather3A_1365 = tpu.vector_load_idx %arg10[%broadcast_in_dim3A_1356, %broadcast_in_dim3A_1359, %iota3A] : memref<32x8x32xf32, #tpu.memory_space<vmem>>[vector<16xi32>, vector<16xi32>, vector<16xi32>], vector<16xf32>,
        %add3A_1366 = arith.constant 16 : i32
        %add3A_1367 = vector.broadcast %add3A_1366 : i32 to vector<16xi32>
        %add3A_1368 = arith.addi %iota3A, %add3A_1367 : vector<16xi32>
        %gather3A_1369 = tpu.vector_load_idx %arg10[%broadcast_in_dim3A_1356, %broadcast_in_dim3A_1359, %add3A_1368] : memref<32x8x32xf32, #tpu.memory_space<vmem>>[vector<16xi32>, vector<16xi32>, vector<16xi32>], vector<16xf32>,
        tpu.vector_store_idx %arg11[%broadcast_in_dim3A_1364, %iota3A], %gather3A_1365 : memref<512x32xf32, #tpu.memory_space<vmem>>[vector<16xi32>, vector<16xi32>], vector<16xf32>,
        %add3A_1370 = arith.constant 16 : i32
        %add3A_1371 = vector.broadcast %add3A_1370 : i32 to vector<16xi32>
        %add3A_1372 = arith.addi %iota3A, %add3A_1371 : vector<16xi32>
        tpu.vector_store_idx %arg11[%broadcast_in_dim3A_1364, %add3A_1372], %gather3A_1369 : memref<512x32xf32, #tpu.memory_space<vmem>>[vector<16xi32>, vector<16xi32>], vector<16xf32>,
        %broadcast_in_dim3A_1373 = arith.constant 11 : i32
        %broadcast_in_dim3A_1374 = vector.broadcast %broadcast_in_dim3A_1373 : i32 to vector<16xi32>
        %slice3A_1375 = vector.extract_strided_slice %get3A_1176 {offsets = [11], sizes = [1], strides = [1]} : vector<16xi32> to vector<1xi32>
        %squeeze3A_1376 = vector.extract %slice3A_1375[0] : i32 from vector<1xi32>
        %broadcast_in_dim3A_1377 = vector.broadcast %squeeze3A_1376 : i32 to vector<16xi32>
        %mul3A_1378 = arith.constant 16 : i32
        %mul3A_1379 = arith.muli %scan3A_907, %mul3A_1378 : i32
        %add3A_1380 = arith.constant 11 : i32
        %add3A_1381 = arith.addi %mul3A_1379, %add3A_1380 : i32
        %broadcast_in_dim3A_1382 = vector.broadcast %add3A_1381 : i32 to vector<16xi32>
        %gather3A_1383 = tpu.vector_load_idx %arg10[%broadcast_in_dim3A_1374, %broadcast_in_dim3A_1377, %iota3A] : memref<32x8x32xf32, #tpu.memory_space<vmem>>[vector<16xi32>, vector<16xi32>, vector<16xi32>], vector<16xf32>,
        %add3A_1384 = arith.constant 16 : i32
        %add3A_1385 = vector.broadcast %add3A_1384 : i32 to vector<16xi32>
        %add3A_1386 = arith.addi %iota3A, %add3A_1385 : vector<16xi32>
        %gather3A_1387 = tpu.vector_load_idx %arg10[%broadcast_in_dim3A_1374, %broadcast_in_dim3A_1377, %add3A_1386] : memref<32x8x32xf32, #tpu.memory_space<vmem>>[vector<16xi32>, vector<16xi32>, vector<16xi32>], vector<16xf32>,
        tpu.vector_store_idx %arg11[%broadcast_in_dim3A_1382, %iota3A], %gather3A_1383 : memref<512x32xf32, #tpu.memory_space<vmem>>[vector<16xi32>, vector<16xi32>], vector<16xf32>,
        %add3A_1388 = arith.constant 16 : i32
        %add3A_1389 = vector.broadcast %add3A_1388 : i32 to vector<16xi32>
        %add3A_1390 = arith.addi %iota3A, %add3A_1389 : vector<16xi32>
        tpu.vector_store_idx %arg11[%broadcast_in_dim3A_1382, %add3A_1390], %gather3A_1387 : memref<512x32xf32, #tpu.memory_space<vmem>>[vector<16xi32>, vector<16xi32>], vector<16xf32>,
        %broadcast_in_dim3A_1391 = arith.constant 12 : i32
        %broadcast_in_dim3A_1392 = vector.broadcast %broadcast_in_dim3A_1391 : i32 to vector<16xi32>
        %slice3A_1393 = vector.extract_strided_slice %get3A_1176 {offsets = [12], sizes = [1], strides = [1]} : vector<16xi32> to vector<1xi32>
        %squeeze3A_1394 = vector.extract %slice3A_1393[0] : i32 from vector<1xi32>
        %broadcast_in_dim3A_1395 = vector.broadcast %squeeze3A_1394 : i32 to vector<16xi32>
        %mul3A_1396 = arith.constant 16 : i32
        %mul3A_1397 = arith.muli %scan3A_907, %mul3A_1396 : i32
        %add3A_1398 = arith.constant 12 : i32
        %add3A_1399 = arith.addi %mul3A_1397, %add3A_1398 : i32
        %broadcast_in_dim3A_1400 = vector.broadcast %add3A_1399 : i32 to vector<16xi32>
        %gather3A_1401 = tpu.vector_load_idx %arg10[%broadcast_in_dim3A_1392, %broadcast_in_dim3A_1395, %iota3A] : memref<32x8x32xf32, #tpu.memory_space<vmem>>[vector<16xi32>, vector<16xi32>, vector<16xi32>], vector<16xf32>,
        %add3A_1402 = arith.constant 16 : i32
        %add3A_1403 = vector.broadcast %add3A_1402 : i32 to vector<16xi32>
        %add3A_1404 = arith.addi %iota3A, %add3A_1403 : vector<16xi32>
        %gather3A_1405 = tpu.vector_load_idx %arg10[%broadcast_in_dim3A_1392, %broadcast_in_dim3A_1395, %add3A_1404] : memref<32x8x32xf32, #tpu.memory_space<vmem>>[vector<16xi32>, vector<16xi32>, vector<16xi32>], vector<16xf32>,
        tpu.vector_store_idx %arg11[%broadcast_in_dim3A_1400, %iota3A], %gather3A_1401 : memref<512x32xf32, #tpu.memory_space<vmem>>[vector<16xi32>, vector<16xi32>], vector<16xf32>,
        %add3A_1406 = arith.constant 16 : i32
        %add3A_1407 = vector.broadcast %add3A_1406 : i32 to vector<16xi32>
        %add3A_1408 = arith.addi %iota3A, %add3A_1407 : vector<16xi32>
        tpu.vector_store_idx %arg11[%broadcast_in_dim3A_1400, %add3A_1408], %gather3A_1405 : memref<512x32xf32, #tpu.memory_space<vmem>>[vector<16xi32>, vector<16xi32>], vector<16xf32>,
        %broadcast_in_dim3A_1409 = arith.constant 13 : i32
        %broadcast_in_dim3A_1410 = vector.broadcast %broadcast_in_dim3A_1409 : i32 to vector<16xi32>
        %slice3A_1411 = vector.extract_strided_slice %get3A_1176 {offsets = [13], sizes = [1], strides = [1]} : vector<16xi32> to vector<1xi32>
        %squeeze3A_1412 = vector.extract %slice3A_1411[0] : i32 from vector<1xi32>
        %broadcast_in_dim3A_1413 = vector.broadcast %squeeze3A_1412 : i32 to vector<16xi32>
        %mul3A_1414 = arith.constant 16 : i32
        %mul3A_1415 = arith.muli %scan3A_907, %mul3A_1414 : i32
        %add3A_1416 = arith.constant 13 : i32
        %add3A_1417 = arith.addi %mul3A_1415, %add3A_1416 : i32
        %broadcast_in_dim3A_1418 = vector.broadcast %add3A_1417 : i32 to vector<16xi32>
        %gather3A_1419 = tpu.vector_load_idx %arg10[%broadcast_in_dim3A_1410, %broadcast_in_dim3A_1413, %iota3A] : memref<32x8x32xf32, #tpu.memory_space<vmem>>[vector<16xi32>, vector<16xi32>, vector<16xi32>], vector<16xf32>,
        %add3A_1420 = arith.constant 16 : i32
        %add3A_1421 = vector.broadcast %add3A_1420 : i32 to vector<16xi32>
        %add3A_1422 = arith.addi %iota3A, %add3A_1421 : vector<16xi32>
        %gather3A_1423 = tpu.vector_load_idx %arg10[%broadcast_in_dim3A_1410, %broadcast_in_dim3A_1413, %add3A_1422] : memref<32x8x32xf32, #tpu.memory_space<vmem>>[vector<16xi32>, vector<16xi32>, vector<16xi32>], vector<16xf32>,
        tpu.vector_store_idx %arg11[%broadcast_in_dim3A_1418, %iota3A], %gather3A_1419 : memref<512x32xf32, #tpu.memory_space<vmem>>[vector<16xi32>, vector<16xi32>], vector<16xf32>,
        %add3A_1424 = arith.constant 16 : i32
        %add3A_1425 = vector.broadcast %add3A_1424 : i32 to vector<16xi32>
        %add3A_1426 = arith.addi %iota3A, %add3A_1425 : vector<16xi32>
        tpu.vector_store_idx %arg11[%broadcast_in_dim3A_1418, %add3A_1426], %gather3A_1423 : memref<512x32xf32, #tpu.memory_space<vmem>>[vector<16xi32>, vector<16xi32>], vector<16xf32>,
        %broadcast_in_dim3A_1427 = arith.constant 14 : i32
        %broadcast_in_dim3A_1428 = vector.broadcast %broadcast_in_dim3A_1427 : i32 to vector<16xi32>
        %slice3A_1429 = vector.extract_strided_slice %get3A_1176 {offsets = [14], sizes = [1], strides = [1]} : vector<16xi32> to vector<1xi32>
        %squeeze3A_1430 = vector.extract %slice3A_1429[0] : i32 from vector<1xi32>
        %broadcast_in_dim3A_1431 = vector.broadcast %squeeze3A_1430 : i32 to vector<16xi32>
        %mul3A_1432 = arith.constant 16 : i32
        %mul3A_1433 = arith.muli %scan3A_907, %mul3A_1432 : i32
        %add3A_1434 = arith.constant 14 : i32
        %add3A_1435 = arith.addi %mul3A_1433, %add3A_1434 : i32
        %broadcast_in_dim3A_1436 = vector.broadcast %add3A_1435 : i32 to vector<16xi32>
        %gather3A_1437 = tpu.vector_load_idx %arg10[%broadcast_in_dim3A_1428, %broadcast_in_dim3A_1431, %iota3A] : memref<32x8x32xf32, #tpu.memory_space<vmem>>[vector<16xi32>, vector<16xi32>, vector<16xi32>], vector<16xf32>,
        %add3A_1438 = arith.constant 16 : i32
        %add3A_1439 = vector.broadcast %add3A_1438 : i32 to vector<16xi32>
        %add3A_1440 = arith.addi %iota3A, %add3A_1439 : vector<16xi32>
        %gather3A_1441 = tpu.vector_load_idx %arg10[%broadcast_in_dim3A_1428, %broadcast_in_dim3A_1431, %add3A_1440] : memref<32x8x32xf32, #tpu.memory_space<vmem>>[vector<16xi32>, vector<16xi32>, vector<16xi32>], vector<16xf32>,
        tpu.vector_store_idx %arg11[%broadcast_in_dim3A_1436, %iota3A], %gather3A_1437 : memref<512x32xf32, #tpu.memory_space<vmem>>[vector<16xi32>, vector<16xi32>], vector<16xf32>,
        %add3A_1442 = arith.constant 16 : i32
        %add3A_1443 = vector.broadcast %add3A_1442 : i32 to vector<16xi32>
        %add3A_1444 = arith.addi %iota3A, %add3A_1443 : vector<16xi32>
        tpu.vector_store_idx %arg11[%broadcast_in_dim3A_1436, %add3A_1444], %gather3A_1441 : memref<512x32xf32, #tpu.memory_space<vmem>>[vector<16xi32>, vector<16xi32>], vector<16xf32>,
        %broadcast_in_dim3A_1445 = arith.constant 15 : i32
        %broadcast_in_dim3A_1446 = vector.broadcast %broadcast_in_dim3A_1445 : i32 to vector<16xi32>
        %slice3A_1447 = vector.extract_strided_slice %get3A_1176 {offsets = [15], sizes = [1], strides = [1]} : vector<16xi32> to vector<1xi32>
        %squeeze3A_1448 = vector.extract %slice3A_1447[0] : i32 from vector<1xi32>
        %broadcast_in_dim3A_1449 = vector.broadcast %squeeze3A_1448 : i32 to vector<16xi32>
        %mul3A_1450 = arith.constant 16 : i32
        %mul3A_1451 = arith.muli %scan3A_907, %mul3A_1450 : i32
        %add3A_1452 = arith.constant 15 : i32
        %add3A_1453 = arith.addi %mul3A_1451, %add3A_1452 : i32
        %broadcast_in_dim3A_1454 = vector.broadcast %add3A_1453 : i32 to vector<16xi32>
        %gather3A_1455 = tpu.vector_load_idx %arg10[%broadcast_in_dim3A_1446, %broadcast_in_dim3A_1449, %iota3A] : memref<32x8x32xf32, #tpu.memory_space<vmem>>[vector<16xi32>, vector<16xi32>, vector<16xi32>], vector<16xf32>,
        %add3A_1456 = arith.constant 16 : i32
        %add3A_1457 = vector.broadcast %add3A_1456 : i32 to vector<16xi32>
        %add3A_1458 = arith.addi %iota3A, %add3A_1457 : vector<16xi32>
        %gather3A_1459 = tpu.vector_load_idx %arg10[%broadcast_in_dim3A_1446, %broadcast_in_dim3A_1449, %add3A_1458] : memref<32x8x32xf32, #tpu.memory_space<vmem>>[vector<16xi32>, vector<16xi32>, vector<16xi32>], vector<16xf32>,
        tpu.vector_store_idx %arg11[%broadcast_in_dim3A_1454, %iota3A], %gather3A_1455 : memref<512x32xf32, #tpu.memory_space<vmem>>[vector<16xi32>, vector<16xi32>], vector<16xf32>,
        %add3A_1460 = arith.constant 16 : i32
        %add3A_1461 = vector.broadcast %add3A_1460 : i32 to vector<16xi32>
        %add3A_1462 = arith.addi %iota3A, %add3A_1461 : vector<16xi32>
        tpu.vector_store_idx %arg11[%broadcast_in_dim3A_1454, %add3A_1462], %gather3A_1459 : memref<512x32xf32, #tpu.memory_space<vmem>>[vector<16xi32>, vector<16xi32>], vector<16xf32>,
      }
    }
    %scan3A_642 = arith.constant 32 : i32
    "tpu.region"() ({
      %run_scoped3A = tpu.sem_alloc : memref<!tpu.dma_semaphore, #tpu.memory_space<semaphore_mem>>
      %dma_start3A_907 = arith.constant 0 : i32
      %dma_start3A_908 = tpu.memref_slice %arg5[%mul3A_2, %dma_start3A_907] : memref<16384x32xf32, #tpu.memory_space<hbm>> -> memref<512x32xf32, #tpu.memory_space<hbm>>
      %dma_start3A_909 = arith.constant 0 : i32
      %dma_start3A_910 = tpu.memref_slice %arg5[%mul3A_2, %dma_start3A_909] : memref<16384x32xf32, #tpu.memory_space<hbm>> -> memref<512x32xf32, #tpu.memory_space<hbm>>
      tpu.enqueue_dma source(%arg11 : memref<512x32xf32, #tpu.memory_space<vmem>>) target(%dma_start3A_910 : memref<512x32xf32, #tpu.memory_space<hbm>>) target_semaphore(%run_scoped3A : memref<!tpu.dma_semaphore, #tpu.memory_space<semaphore_mem>>)
      %dma_wait3A = arith.constant 0 : i32
      %dma_wait3A_911 = tpu.memref_slice %arg5[%mul3A_2, %dma_wait3A] : memref<16384x32xf32, #tpu.memory_space<hbm>> -> memref<512x32xf32, #tpu.memory_space<hbm>>
      %dma_wait3A_912 = arith.constant 0 : i32
      %dma_wait3A_913 = tpu.memref_slice %arg5[%mul3A_2, %dma_wait3A_912] : memref<16384x32xf32, #tpu.memory_space<hbm>> -> memref<512x32xf32, #tpu.memory_space<hbm>>
      tpu.wait_dma2 semaphore(%run_scoped3A : memref<!tpu.dma_semaphore, #tpu.memory_space<semaphore_mem>>) src(%arg11 : memref<512x32xf32, #tpu.memory_space<vmem>>) dst(%dma_wait3A_913 : memref<512x32xf32, #tpu.memory_space<hbm>>)
      tpu.yield
    }) : () -> ()
    %get3A_643 = arith.constant 0 : index
    %get3A_644 = tpu.vector_load %arg8[%get3A_643] {strides = array<i32>} : memref<512xi32, #tpu.memory_space<vmem>>, vector<16xi32>,
    %slice3A_645 = vector.extract_strided_slice %get3A_644 {offsets = [0], sizes = [1], strides = [1]} : vector<16xi32> to vector<1xi32>
    %squeeze3A_646 = vector.extract %slice3A_645[0] : i32 from vector<1xi32>
    %dma_start3A_647 = arith.constant 0 : i32
    %dma_start3A_648 = arith.constant 0 : i32
    %dma_start3A_649 = arith.constant 0 : i32
    %dma_start3A_650 = tpu.memref_slice %arg10[%dma_start3A_647, %dma_start3A_648, %dma_start3A_649] : memref<32x8x32xf32, #tpu.memory_space<vmem>> -> memref<1x8x32xf32, #tpu.memory_space<vmem>>
    %dma_start3A_651 = arith.constant 0 : i32
    %dma_start3A_652 = arith.constant 0 : i32
    %dma_start3A_653 = tpu.memref_slice %arg4[%squeeze3A_646, %dma_start3A_651, %dma_start3A_652] : memref<125000x8x32xf32, #tpu.memory_space<hbm>> -> memref<1x8x32xf32, #tpu.memory_space<hbm>>
    %dma_start3A_654 = arith.constant 0 : i32
    %dma_start3A_655 = arith.constant 0 : i32
    %dma_start3A_656 = arith.constant 0 : i32
    %dma_start3A_657 = tpu.memref_slice %arg10[%dma_start3A_654, %dma_start3A_655, %dma_start3A_656] : memref<32x8x32xf32, #tpu.memory_space<vmem>> -> memref<1x8x32xf32, #tpu.memory_space<vmem>>
    %dma_start3A_658 = arith.constant 0 : i32
    %dma_start3A_659 = arith.constant 0 : i32
    %dma_start3A_660 = tpu.memref_slice %arg4[%squeeze3A_646, %dma_start3A_658, %dma_start3A_659] : memref<125000x8x32xf32, #tpu.memory_space<hbm>> -> memref<1x8x32xf32, #tpu.memory_space<hbm>>
    tpu.enqueue_dma source(%dma_start3A_660 : memref<1x8x32xf32, #tpu.memory_space<hbm>>) target(%dma_start3A_657 : memref<1x8x32xf32, #tpu.memory_space<vmem>>) target_semaphore(%arg12 : memref<!tpu.dma_semaphore, #tpu.memory_space<semaphore_mem>>)
    %slice3A_661 = vector.extract_strided_slice %get3A_644 {offsets = [1], sizes = [1], strides = [1]} : vector<16xi32> to vector<1xi32>
    %squeeze3A_662 = vector.extract %slice3A_661[0] : i32 from vector<1xi32>
    %dma_start3A_663 = arith.constant 1 : i32
    %dma_start3A_664 = arith.constant 0 : i32
    %dma_start3A_665 = arith.constant 0 : i32
    %dma_start3A_666 = tpu.memref_slice %arg10[%dma_start3A_663, %dma_start3A_664, %dma_start3A_665] : memref<32x8x32xf32, #tpu.memory_space<vmem>> -> memref<1x8x32xf32, #tpu.memory_space<vmem>>
    %dma_start3A_667 = arith.constant 0 : i32
    %dma_start3A_668 = arith.constant 0 : i32
    %dma_start3A_669 = tpu.memref_slice %arg4[%squeeze3A_662, %dma_start3A_667, %dma_start3A_668] : memref<125000x8x32xf32, #tpu.memory_space<hbm>> -> memref<1x8x32xf32, #tpu.memory_space<hbm>>
    %dma_start3A_670 = arith.constant 1 : i32
    %dma_start3A_671 = arith.constant 0 : i32
    %dma_start3A_672 = arith.constant 0 : i32
    %dma_start3A_673 = tpu.memref_slice %arg10[%dma_start3A_670, %dma_start3A_671, %dma_start3A_672] : memref<32x8x32xf32, #tpu.memory_space<vmem>> -> memref<1x8x32xf32, #tpu.memory_space<vmem>>
    %dma_start3A_674 = arith.constant 0 : i32
    %dma_start3A_675 = arith.constant 0 : i32
    %dma_start3A_676 = tpu.memref_slice %arg4[%squeeze3A_662, %dma_start3A_674, %dma_start3A_675] : memref<125000x8x32xf32, #tpu.memory_space<hbm>> -> memref<1x8x32xf32, #tpu.memory_space<hbm>>
    tpu.enqueue_dma source(%dma_start3A_676 : memref<1x8x32xf32, #tpu.memory_space<hbm>>) target(%dma_start3A_673 : memref<1x8x32xf32, #tpu.memory_space<vmem>>) target_semaphore(%arg12 : memref<!tpu.dma_semaphore, #tpu.memory_space<semaphore_mem>>)
    %slice3A_677 = vector.extract_strided_slice %get3A_644 {offsets = [2], sizes = [1], strides = [1]} : vector<16xi32> to vector<1xi32>
    %squeeze3A_678 = vector.extract %slice3A_677[0] : i32 from vector<1xi32>
    %dma_start3A_679 = arith.constant 2 : i32
    %dma_start3A_680 = arith.constant 0 : i32
    %dma_start3A_681 = arith.constant 0 : i32
    %dma_start3A_682 = tpu.memref_slice %arg10[%dma_start3A_679, %dma_start3A_680, %dma_start3A_681] : memref<32x8x32xf32, #tpu.memory_space<vmem>> -> memref<1x8x32xf32, #tpu.memory_space<vmem>>
    %dma_start3A_683 = arith.constant 0 : i32
    %dma_start3A_684 = arith.constant 0 : i32
    %dma_start3A_685 = tpu.memref_slice %arg4[%squeeze3A_678, %dma_start3A_683, %dma_start3A_684] : memref<125000x8x32xf32, #tpu.memory_space<hbm>> -> memref<1x8x32xf32, #tpu.memory_space<hbm>>
    %dma_start3A_686 = arith.constant 2 : i32
    %dma_start3A_687 = arith.constant 0 : i32
    %dma_start3A_688 = arith.constant 0 : i32
    %dma_start3A_689 = tpu.memref_slice %arg10[%dma_start3A_686, %dma_start3A_687, %dma_start3A_688] : memref<32x8x32xf32, #tpu.memory_space<vmem>> -> memref<1x8x32xf32, #tpu.memory_space<vmem>>
    %dma_start3A_690 = arith.constant 0 : i32
    %dma_start3A_691 = arith.constant 0 : i32
    %dma_start3A_692 = tpu.memref_slice %arg4[%squeeze3A_678, %dma_start3A_690, %dma_start3A_691] : memref<125000x8x32xf32, #tpu.memory_space<hbm>> -> memref<1x8x32xf32, #tpu.memory_space<hbm>>
    tpu.enqueue_dma source(%dma_start3A_692 : memref<1x8x32xf32, #tpu.memory_space<hbm>>) target(%dma_start3A_689 : memref<1x8x32xf32, #tpu.memory_space<vmem>>) target_semaphore(%arg12 : memref<!tpu.dma_semaphore, #tpu.memory_space<semaphore_mem>>)
    %slice3A_693 = vector.extract_strided_slice %get3A_644 {offsets = [3], sizes = [1], strides = [1]} : vector<16xi32> to vector<1xi32>
    %squeeze3A_694 = vector.extract %slice3A_693[0] : i32 from vector<1xi32>
    %dma_start3A_695 = arith.constant 3 : i32
    %dma_start3A_696 = arith.constant 0 : i32
    %dma_start3A_697 = arith.constant 0 : i32
    %dma_start3A_698 = tpu.memref_slice %arg10[%dma_start3A_695, %dma_start3A_696, %dma_start3A_697] : memref<32x8x32xf32, #tpu.memory_space<vmem>> -> memref<1x8x32xf32, #tpu.memory_space<vmem>>
    %dma_start3A_699 = arith.constant 0 : i32
    %dma_start3A_700 = arith.constant 0 : i32
    %dma_start3A_701 = tpu.memref_slice %arg4[%squeeze3A_694, %dma_start3A_699, %dma_start3A_700] : memref<125000x8x32xf32, #tpu.memory_space<hbm>> -> memref<1x8x32xf32, #tpu.memory_space<hbm>>
    %dma_start3A_702 = arith.constant 3 : i32
    %dma_start3A_703 = arith.constant 0 : i32
    %dma_start3A_704 = arith.constant 0 : i32
    %dma_start3A_705 = tpu.memref_slice %arg10[%dma_start3A_702, %dma_start3A_703, %dma_start3A_704] : memref<32x8x32xf32, #tpu.memory_space<vmem>> -> memref<1x8x32xf32, #tpu.memory_space<vmem>>
    %dma_start3A_706 = arith.constant 0 : i32
    %dma_start3A_707 = arith.constant 0 : i32
    %dma_start3A_708 = tpu.memref_slice %arg4[%squeeze3A_694, %dma_start3A_706, %dma_start3A_707] : memref<125000x8x32xf32, #tpu.memory_space<hbm>> -> memref<1x8x32xf32, #tpu.memory_space<hbm>>
    tpu.enqueue_dma source(%dma_start3A_708 : memref<1x8x32xf32, #tpu.memory_space<hbm>>) target(%dma_start3A_705 : memref<1x8x32xf32, #tpu.memory_space<vmem>>) target_semaphore(%arg12 : memref<!tpu.dma_semaphore, #tpu.memory_space<semaphore_mem>>)
    %slice3A_709 = vector.extract_strided_slice %get3A_644 {offsets = [4], sizes = [1], strides = [1]} : vector<16xi32> to vector<1xi32>
    %squeeze3A_710 = vector.extract %slice3A_709[0] : i32 from vector<1xi32>
    %dma_start3A_711 = arith.constant 4 : i32
    %dma_start3A_712 = arith.constant 0 : i32
    %dma_start3A_713 = arith.constant 0 : i32
    %dma_start3A_714 = tpu.memref_slice %arg10[%dma_start3A_711, %dma_start3A_712, %dma_start3A_713] : memref<32x8x32xf32, #tpu.memory_space<vmem>> -> memref<1x8x32xf32, #tpu.memory_space<vmem>>
    %dma_start3A_715 = arith.constant 0 : i32
    %dma_start3A_716 = arith.constant 0 : i32
    %dma_start3A_717 = tpu.memref_slice %arg4[%squeeze3A_710, %dma_start3A_715, %dma_start3A_716] : memref<125000x8x32xf32, #tpu.memory_space<hbm>> -> memref<1x8x32xf32, #tpu.memory_space<hbm>>
    %dma_start3A_718 = arith.constant 4 : i32
    %dma_start3A_719 = arith.constant 0 : i32
    %dma_start3A_720 = arith.constant 0 : i32
    %dma_start3A_721 = tpu.memref_slice %arg10[%dma_start3A_718, %dma_start3A_719, %dma_start3A_720] : memref<32x8x32xf32, #tpu.memory_space<vmem>> -> memref<1x8x32xf32, #tpu.memory_space<vmem>>
    %dma_start3A_722 = arith.constant 0 : i32
    %dma_start3A_723 = arith.constant 0 : i32
    %dma_start3A_724 = tpu.memref_slice %arg4[%squeeze3A_710, %dma_start3A_722, %dma_start3A_723] : memref<125000x8x32xf32, #tpu.memory_space<hbm>> -> memref<1x8x32xf32, #tpu.memory_space<hbm>>
    tpu.enqueue_dma source(%dma_start3A_724 : memref<1x8x32xf32, #tpu.memory_space<hbm>>) target(%dma_start3A_721 : memref<1x8x32xf32, #tpu.memory_space<vmem>>) target_semaphore(%arg12 : memref<!tpu.dma_semaphore, #tpu.memory_space<semaphore_mem>>)
    %slice3A_725 = vector.extract_strided_slice %get3A_644 {offsets = [5], sizes = [1], strides = [1]} : vector<16xi32> to vector<1xi32>
    %squeeze3A_726 = vector.extract %slice3A_725[0] : i32 from vector<1xi32>
    %dma_start3A_727 = arith.constant 5 : i32
    %dma_start3A_728 = arith.constant 0 : i32
    %dma_start3A_729 = arith.constant 0 : i32
    %dma_start3A_730 = tpu.memref_slice %arg10[%dma_start3A_727, %dma_start3A_728, %dma_start3A_729] : memref<32x8x32xf32, #tpu.memory_space<vmem>> -> memref<1x8x32xf32, #tpu.memory_space<vmem>>
    %dma_start3A_731 = arith.constant 0 : i32
    %dma_start3A_732 = arith.constant 0 : i32
    %dma_start3A_733 = tpu.memref_slice %arg4[%squeeze3A_726, %dma_start3A_731, %dma_start3A_732] : memref<125000x8x32xf32, #tpu.memory_space<hbm>> -> memref<1x8x32xf32, #tpu.memory_space<hbm>>
    %dma_start3A_734 = arith.constant 5 : i32
    %dma_start3A_735 = arith.constant 0 : i32
    %dma_start3A_736 = arith.constant 0 : i32
    %dma_start3A_737 = tpu.memref_slice %arg10[%dma_start3A_734, %dma_start3A_735, %dma_start3A_736] : memref<32x8x32xf32, #tpu.memory_space<vmem>> -> memref<1x8x32xf32, #tpu.memory_space<vmem>>
    %dma_start3A_738 = arith.constant 0 : i32
    %dma_start3A_739 = arith.constant 0 : i32
    %dma_start3A_740 = tpu.memref_slice %arg4[%squeeze3A_726, %dma_start3A_738, %dma_start3A_739] : memref<125000x8x32xf32, #tpu.memory_space<hbm>> -> memref<1x8x32xf32, #tpu.memory_space<hbm>>
    tpu.enqueue_dma source(%dma_start3A_740 : memref<1x8x32xf32, #tpu.memory_space<hbm>>) target(%dma_start3A_737 : memref<1x8x32xf32, #tpu.memory_space<vmem>>) target_semaphore(%arg12 : memref<!tpu.dma_semaphore, #tpu.memory_space<semaphore_mem>>)
    %slice3A_741 = vector.extract_strided_slice %get3A_644 {offsets = [6], sizes = [1], strides = [1]} : vector<16xi32> to vector<1xi32>
    %squeeze3A_742 = vector.extract %slice3A_741[0] : i32 from vector<1xi32>
    %dma_start3A_743 = arith.constant 6 : i32
    %dma_start3A_744 = arith.constant 0 : i32
    %dma_start3A_745 = arith.constant 0 : i32
    %dma_start3A_746 = tpu.memref_slice %arg10[%dma_start3A_743, %dma_start3A_744, %dma_start3A_745] : memref<32x8x32xf32, #tpu.memory_space<vmem>> -> memref<1x8x32xf32, #tpu.memory_space<vmem>>
    %dma_start3A_747 = arith.constant 0 : i32
    %dma_start3A_748 = arith.constant 0 : i32
    %dma_start3A_749 = tpu.memref_slice %arg4[%squeeze3A_742, %dma_start3A_747, %dma_start3A_748] : memref<125000x8x32xf32, #tpu.memory_space<hbm>> -> memref<1x8x32xf32, #tpu.memory_space<hbm>>
    %dma_start3A_750 = arith.constant 6 : i32
    %dma_start3A_751 = arith.constant 0 : i32
    %dma_start3A_752 = arith.constant 0 : i32
    %dma_start3A_753 = tpu.memref_slice %arg10[%dma_start3A_750, %dma_start3A_751, %dma_start3A_752] : memref<32x8x32xf32, #tpu.memory_space<vmem>> -> memref<1x8x32xf32, #tpu.memory_space<vmem>>
    %dma_start3A_754 = arith.constant 0 : i32
    %dma_start3A_755 = arith.constant 0 : i32
    %dma_start3A_756 = tpu.memref_slice %arg4[%squeeze3A_742, %dma_start3A_754, %dma_start3A_755] : memref<125000x8x32xf32, #tpu.memory_space<hbm>> -> memref<1x8x32xf32, #tpu.memory_space<hbm>>
    tpu.enqueue_dma source(%dma_start3A_756 : memref<1x8x32xf32, #tpu.memory_space<hbm>>) target(%dma_start3A_753 : memref<1x8x32xf32, #tpu.memory_space<vmem>>) target_semaphore(%arg12 : memref<!tpu.dma_semaphore, #tpu.memory_space<semaphore_mem>>)
    %slice3A_757 = vector.extract_strided_slice %get3A_644 {offsets = [7], sizes = [1], strides = [1]} : vector<16xi32> to vector<1xi32>
    %squeeze3A_758 = vector.extract %slice3A_757[0] : i32 from vector<1xi32>
    %dma_start3A_759 = arith.constant 7 : i32
    %dma_start3A_760 = arith.constant 0 : i32
    %dma_start3A_761 = arith.constant 0 : i32
    %dma_start3A_762 = tpu.memref_slice %arg10[%dma_start3A_759, %dma_start3A_760, %dma_start3A_761] : memref<32x8x32xf32, #tpu.memory_space<vmem>> -> memref<1x8x32xf32, #tpu.memory_space<vmem>>
    %dma_start3A_763 = arith.constant 0 : i32
    %dma_start3A_764 = arith.constant 0 : i32
    %dma_start3A_765 = tpu.memref_slice %arg4[%squeeze3A_758, %dma_start3A_763, %dma_start3A_764] : memref<125000x8x32xf32, #tpu.memory_space<hbm>> -> memref<1x8x32xf32, #tpu.memory_space<hbm>>
    %dma_start3A_766 = arith.constant 7 : i32
    %dma_start3A_767 = arith.constant 0 : i32
    %dma_start3A_768 = arith.constant 0 : i32
    %dma_start3A_769 = tpu.memref_slice %arg10[%dma_start3A_766, %dma_start3A_767, %dma_start3A_768] : memref<32x8x32xf32, #tpu.memory_space<vmem>> -> memref<1x8x32xf32, #tpu.memory_space<vmem>>
    %dma_start3A_770 = arith.constant 0 : i32
    %dma_start3A_771 = arith.constant 0 : i32
    %dma_start3A_772 = tpu.memref_slice %arg4[%squeeze3A_758, %dma_start3A_770, %dma_start3A_771] : memref<125000x8x32xf32, #tpu.memory_space<hbm>> -> memref<1x8x32xf32, #tpu.memory_space<hbm>>
    tpu.enqueue_dma source(%dma_start3A_772 : memref<1x8x32xf32, #tpu.memory_space<hbm>>) target(%dma_start3A_769 : memref<1x8x32xf32, #tpu.memory_space<vmem>>) target_semaphore(%arg12 : memref<!tpu.dma_semaphore, #tpu.memory_space<semaphore_mem>>)
    %slice3A_773 = vector.extract_strided_slice %get3A_644 {offsets = [8], sizes = [1], strides = [1]} : vector<16xi32> to vector<1xi32>
    %squeeze3A_774 = vector.extract %slice3A_773[0] : i32 from vector<1xi32>
    %dma_start3A_775 = arith.constant 8 : i32
    %dma_start3A_776 = arith.constant 0 : i32
    %dma_start3A_777 = arith.constant 0 : i32
    %dma_start3A_778 = tpu.memref_slice %arg10[%dma_start3A_775, %dma_start3A_776, %dma_start3A_777] : memref<32x8x32xf32, #tpu.memory_space<vmem>> -> memref<1x8x32xf32, #tpu.memory_space<vmem>>
    %dma_start3A_779 = arith.constant 0 : i32
    %dma_start3A_780 = arith.constant 0 : i32
    %dma_start3A_781 = tpu.memref_slice %arg4[%squeeze3A_774, %dma_start3A_779, %dma_start3A_780] : memref<125000x8x32xf32, #tpu.memory_space<hbm>> -> memref<1x8x32xf32, #tpu.memory_space<hbm>>
    %dma_start3A_782 = arith.constant 8 : i32
    %dma_start3A_783 = arith.constant 0 : i32
    %dma_start3A_784 = arith.constant 0 : i32
    %dma_start3A_785 = tpu.memref_slice %arg10[%dma_start3A_782, %dma_start3A_783, %dma_start3A_784] : memref<32x8x32xf32, #tpu.memory_space<vmem>> -> memref<1x8x32xf32, #tpu.memory_space<vmem>>
    %dma_start3A_786 = arith.constant 0 : i32
    %dma_start3A_787 = arith.constant 0 : i32
    %dma_start3A_788 = tpu.memref_slice %arg4[%squeeze3A_774, %dma_start3A_786, %dma_start3A_787] : memref<125000x8x32xf32, #tpu.memory_space<hbm>> -> memref<1x8x32xf32, #tpu.memory_space<hbm>>
    tpu.enqueue_dma source(%dma_start3A_788 : memref<1x8x32xf32, #tpu.memory_space<hbm>>) target(%dma_start3A_785 : memref<1x8x32xf32, #tpu.memory_space<vmem>>) target_semaphore(%arg12 : memref<!tpu.dma_semaphore, #tpu.memory_space<semaphore_mem>>)
    %slice3A_789 = vector.extract_strided_slice %get3A_644 {offsets = [9], sizes = [1], strides = [1]} : vector<16xi32> to vector<1xi32>
    %squeeze3A_790 = vector.extract %slice3A_789[0] : i32 from vector<1xi32>
    %dma_start3A_791 = arith.constant 9 : i32
    %dma_start3A_792 = arith.constant 0 : i32
    %dma_start3A_793 = arith.constant 0 : i32
    %dma_start3A_794 = tpu.memref_slice %arg10[%dma_start3A_791, %dma_start3A_792, %dma_start3A_793] : memref<32x8x32xf32, #tpu.memory_space<vmem>> -> memref<1x8x32xf32, #tpu.memory_space<vmem>>
    %dma_start3A_795 = arith.constant 0 : i32
    %dma_start3A_796 = arith.constant 0 : i32
    %dma_start3A_797 = tpu.memref_slice %arg4[%squeeze3A_790, %dma_start3A_795, %dma_start3A_796] : memref<125000x8x32xf32, #tpu.memory_space<hbm>> -> memref<1x8x32xf32, #tpu.memory_space<hbm>>
    %dma_start3A_798 = arith.constant 9 : i32
    %dma_start3A_799 = arith.constant 0 : i32
    %dma_start3A_800 = arith.constant 0 : i32
    %dma_start3A_801 = tpu.memref_slice %arg10[%dma_start3A_798, %dma_start3A_799, %dma_start3A_800] : memref<32x8x32xf32, #tpu.memory_space<vmem>> -> memref<1x8x32xf32, #tpu.memory_space<vmem>>
    %dma_start3A_802 = arith.constant 0 : i32
    %dma_start3A_803 = arith.constant 0 : i32
    %dma_start3A_804 = tpu.memref_slice %arg4[%squeeze3A_790, %dma_start3A_802, %dma_start3A_803] : memref<125000x8x32xf32, #tpu.memory_space<hbm>> -> memref<1x8x32xf32, #tpu.memory_space<hbm>>
    tpu.enqueue_dma source(%dma_start3A_804 : memref<1x8x32xf32, #tpu.memory_space<hbm>>) target(%dma_start3A_801 : memref<1x8x32xf32, #tpu.memory_space<vmem>>) target_semaphore(%arg12 : memref<!tpu.dma_semaphore, #tpu.memory_space<semaphore_mem>>)
    %slice3A_805 = vector.extract_strided_slice %get3A_644 {offsets = [10], sizes = [1], strides = [1]} : vector<16xi32> to vector<1xi32>
    %squeeze3A_806 = vector.extract %slice3A_805[0] : i32 from vector<1xi32>
    %dma_start3A_807 = arith.constant 10 : i32
    %dma_start3A_808 = arith.constant 0 : i32
    %dma_start3A_809 = arith.constant 0 : i32
    %dma_start3A_810 = tpu.memref_slice %arg10[%dma_start3A_807, %dma_start3A_808, %dma_start3A_809] : memref<32x8x32xf32, #tpu.memory_space<vmem>> -> memref<1x8x32xf32, #tpu.memory_space<vmem>>
    %dma_start3A_811 = arith.constant 0 : i32
    %dma_start3A_812 = arith.constant 0 : i32
    %dma_start3A_813 = tpu.memref_slice %arg4[%squeeze3A_806, %dma_start3A_811, %dma_start3A_812] : memref<125000x8x32xf32, #tpu.memory_space<hbm>> -> memref<1x8x32xf32, #tpu.memory_space<hbm>>
    %dma_start3A_814 = arith.constant 10 : i32
    %dma_start3A_815 = arith.constant 0 : i32
    %dma_start3A_816 = arith.constant 0 : i32
    %dma_start3A_817 = tpu.memref_slice %arg10[%dma_start3A_814, %dma_start3A_815, %dma_start3A_816] : memref<32x8x32xf32, #tpu.memory_space<vmem>> -> memref<1x8x32xf32, #tpu.memory_space<vmem>>
    %dma_start3A_818 = arith.constant 0 : i32
    %dma_start3A_819 = arith.constant 0 : i32
    %dma_start3A_820 = tpu.memref_slice %arg4[%squeeze3A_806, %dma_start3A_818, %dma_start3A_819] : memref<125000x8x32xf32, #tpu.memory_space<hbm>> -> memref<1x8x32xf32, #tpu.memory_space<hbm>>
    tpu.enqueue_dma source(%dma_start3A_820 : memref<1x8x32xf32, #tpu.memory_space<hbm>>) target(%dma_start3A_817 : memref<1x8x32xf32, #tpu.memory_space<vmem>>) target_semaphore(%arg12 : memref<!tpu.dma_semaphore, #tpu.memory_space<semaphore_mem>>)
    %slice3A_821 = vector.extract_strided_slice %get3A_644 {offsets = [11], sizes = [1], strides = [1]} : vector<16xi32> to vector<1xi32>
    %squeeze3A_822 = vector.extract %slice3A_821[0] : i32 from vector<1xi32>
    %dma_start3A_823 = arith.constant 11 : i32
    %dma_start3A_824 = arith.constant 0 : i32
    %dma_start3A_825 = arith.constant 0 : i32
    %dma_start3A_826 = tpu.memref_slice %arg10[%dma_start3A_823, %dma_start3A_824, %dma_start3A_825] : memref<32x8x32xf32, #tpu.memory_space<vmem>> -> memref<1x8x32xf32, #tpu.memory_space<vmem>>
    %dma_start3A_827 = arith.constant 0 : i32
    %dma_start3A_828 = arith.constant 0 : i32
    %dma_start3A_829 = tpu.memref_slice %arg4[%squeeze3A_822, %dma_start3A_827, %dma_start3A_828] : memref<125000x8x32xf32, #tpu.memory_space<hbm>> -> memref<1x8x32xf32, #tpu.memory_space<hbm>>
    %dma_start3A_830 = arith.constant 11 : i32
    %dma_start3A_831 = arith.constant 0 : i32
    %dma_start3A_832 = arith.constant 0 : i32
    %dma_start3A_833 = tpu.memref_slice %arg10[%dma_start3A_830, %dma_start3A_831, %dma_start3A_832] : memref<32x8x32xf32, #tpu.memory_space<vmem>> -> memref<1x8x32xf32, #tpu.memory_space<vmem>>
    %dma_start3A_834 = arith.constant 0 : i32
    %dma_start3A_835 = arith.constant 0 : i32
    %dma_start3A_836 = tpu.memref_slice %arg4[%squeeze3A_822, %dma_start3A_834, %dma_start3A_835] : memref<125000x8x32xf32, #tpu.memory_space<hbm>> -> memref<1x8x32xf32, #tpu.memory_space<hbm>>
    tpu.enqueue_dma source(%dma_start3A_836 : memref<1x8x32xf32, #tpu.memory_space<hbm>>) target(%dma_start3A_833 : memref<1x8x32xf32, #tpu.memory_space<vmem>>) target_semaphore(%arg12 : memref<!tpu.dma_semaphore, #tpu.memory_space<semaphore_mem>>)
    %slice3A_837 = vector.extract_strided_slice %get3A_644 {offsets = [12], sizes = [1], strides = [1]} : vector<16xi32> to vector<1xi32>
    %squeeze3A_838 = vector.extract %slice3A_837[0] : i32 from vector<1xi32>
    %dma_start3A_839 = arith.constant 12 : i32
    %dma_start3A_840 = arith.constant 0 : i32
    %dma_start3A_841 = arith.constant 0 : i32
    %dma_start3A_842 = tpu.memref_slice %arg10[%dma_start3A_839, %dma_start3A_840, %dma_start3A_841] : memref<32x8x32xf32, #tpu.memory_space<vmem>> -> memref<1x8x32xf32, #tpu.memory_space<vmem>>
    %dma_start3A_843 = arith.constant 0 : i32
    %dma_start3A_844 = arith.constant 0 : i32
    %dma_start3A_845 = tpu.memref_slice %arg4[%squeeze3A_838, %dma_start3A_843, %dma_start3A_844] : memref<125000x8x32xf32, #tpu.memory_space<hbm>> -> memref<1x8x32xf32, #tpu.memory_space<hbm>>
    %dma_start3A_846 = arith.constant 12 : i32
    %dma_start3A_847 = arith.constant 0 : i32
    %dma_start3A_848 = arith.constant 0 : i32
    %dma_start3A_849 = tpu.memref_slice %arg10[%dma_start3A_846, %dma_start3A_847, %dma_start3A_848] : memref<32x8x32xf32, #tpu.memory_space<vmem>> -> memref<1x8x32xf32, #tpu.memory_space<vmem>>
    %dma_start3A_850 = arith.constant 0 : i32
    %dma_start3A_851 = arith.constant 0 : i32
    %dma_start3A_852 = tpu.memref_slice %arg4[%squeeze3A_838, %dma_start3A_850, %dma_start3A_851] : memref<125000x8x32xf32, #tpu.memory_space<hbm>> -> memref<1x8x32xf32, #tpu.memory_space<hbm>>
    tpu.enqueue_dma source(%dma_start3A_852 : memref<1x8x32xf32, #tpu.memory_space<hbm>>) target(%dma_start3A_849 : memref<1x8x32xf32, #tpu.memory_space<vmem>>) target_semaphore(%arg12 : memref<!tpu.dma_semaphore, #tpu.memory_space<semaphore_mem>>)
    %slice3A_853 = vector.extract_strided_slice %get3A_644 {offsets = [13], sizes = [1], strides = [1]} : vector<16xi32> to vector<1xi32>
    %squeeze3A_854 = vector.extract %slice3A_853[0] : i32 from vector<1xi32>
    %dma_start3A_855 = arith.constant 13 : i32
    %dma_start3A_856 = arith.constant 0 : i32
    %dma_start3A_857 = arith.constant 0 : i32
    %dma_start3A_858 = tpu.memref_slice %arg10[%dma_start3A_855, %dma_start3A_856, %dma_start3A_857] : memref<32x8x32xf32, #tpu.memory_space<vmem>> -> memref<1x8x32xf32, #tpu.memory_space<vmem>>
    %dma_start3A_859 = arith.constant 0 : i32
    %dma_start3A_860 = arith.constant 0 : i32
    %dma_start3A_861 = tpu.memref_slice %arg4[%squeeze3A_854, %dma_start3A_859, %dma_start3A_860] : memref<125000x8x32xf32, #tpu.memory_space<hbm>> -> memref<1x8x32xf32, #tpu.memory_space<hbm>>
    %dma_start3A_862 = arith.constant 13 : i32
    %dma_start3A_863 = arith.constant 0 : i32
    %dma_start3A_864 = arith.constant 0 : i32
    %dma_start3A_865 = tpu.memref_slice %arg10[%dma_start3A_862, %dma_start3A_863, %dma_start3A_864] : memref<32x8x32xf32, #tpu.memory_space<vmem>> -> memref<1x8x32xf32, #tpu.memory_space<vmem>>
    %dma_start3A_866 = arith.constant 0 : i32
    %dma_start3A_867 = arith.constant 0 : i32
    %dma_start3A_868 = tpu.memref_slice %arg4[%squeeze3A_854, %dma_start3A_866, %dma_start3A_867] : memref<125000x8x32xf32, #tpu.memory_space<hbm>> -> memref<1x8x32xf32, #tpu.memory_space<hbm>>
    tpu.enqueue_dma source(%dma_start3A_868 : memref<1x8x32xf32, #tpu.memory_space<hbm>>) target(%dma_start3A_865 : memref<1x8x32xf32, #tpu.memory_space<vmem>>) target_semaphore(%arg12 : memref<!tpu.dma_semaphore, #tpu.memory_space<semaphore_mem>>)
    %slice3A_869 = vector.extract_strided_slice %get3A_644 {offsets = [14], sizes = [1], strides = [1]} : vector<16xi32> to vector<1xi32>
    %squeeze3A_870 = vector.extract %slice3A_869[0] : i32 from vector<1xi32>
    %dma_start3A_871 = arith.constant 14 : i32
    %dma_start3A_872 = arith.constant 0 : i32
    %dma_start3A_873 = arith.constant 0 : i32
    %dma_start3A_874 = tpu.memref_slice %arg10[%dma_start3A_871, %dma_start3A_872, %dma_start3A_873] : memref<32x8x32xf32, #tpu.memory_space<vmem>> -> memref<1x8x32xf32, #tpu.memory_space<vmem>>
    %dma_start3A_875 = arith.constant 0 : i32
    %dma_start3A_876 = arith.constant 0 : i32
    %dma_start3A_877 = tpu.memref_slice %arg4[%squeeze3A_870, %dma_start3A_875, %dma_start3A_876] : memref<125000x8x32xf32, #tpu.memory_space<hbm>> -> memref<1x8x32xf32, #tpu.memory_space<hbm>>
    %dma_start3A_878 = arith.constant 14 : i32
    %dma_start3A_879 = arith.constant 0 : i32
    %dma_start3A_880 = arith.constant 0 : i32
    %dma_start3A_881 = tpu.memref_slice %arg10[%dma_start3A_878, %dma_start3A_879, %dma_start3A_880] : memref<32x8x32xf32, #tpu.memory_space<vmem>> -> memref<1x8x32xf32, #tpu.memory_space<vmem>>
    %dma_start3A_882 = arith.constant 0 : i32
    %dma_start3A_883 = arith.constant 0 : i32
    %dma_start3A_884 = tpu.memref_slice %arg4[%squeeze3A_870, %dma_start3A_882, %dma_start3A_883] : memref<125000x8x32xf32, #tpu.memory_space<hbm>> -> memref<1x8x32xf32, #tpu.memory_space<hbm>>
    tpu.enqueue_dma source(%dma_start3A_884 : memref<1x8x32xf32, #tpu.memory_space<hbm>>) target(%dma_start3A_881 : memref<1x8x32xf32, #tpu.memory_space<vmem>>) target_semaphore(%arg12 : memref<!tpu.dma_semaphore, #tpu.memory_space<semaphore_mem>>)
    %slice3A_885 = vector.extract_strided_slice %get3A_644 {offsets = [15], sizes = [1], strides = [1]} : vector<16xi32> to vector<1xi32>
    %squeeze3A_886 = vector.extract %slice3A_885[0] : i32 from vector<1xi32>
    %dma_start3A_887 = arith.constant 15 : i32
    %dma_start3A_888 = arith.constant 0 : i32
    %dma_start3A_889 = arith.constant 0 : i32
    %dma_start3A_890 = tpu.memref_slice %arg10[%dma_start3A_887, %dma_start3A_888, %dma_start3A_889] : memref<32x8x32xf32, #tpu.memory_space<vmem>> -> memref<1x8x32xf32, #tpu.memory_space<vmem>>
    %dma_start3A_891 = arith.constant 0 : i32
    %dma_start3A_892 = arith.constant 0 : i32
    %dma_start3A_893 = tpu.memref_slice %arg4[%squeeze3A_886, %dma_start3A_891, %dma_start3A_892] : memref<125000x8x32xf32, #tpu.memory_space<hbm>> -> memref<1x8x32xf32, #tpu.memory_space<hbm>>
    %dma_start3A_894 = arith.constant 15 : i32
    %dma_start3A_895 = arith.constant 0 : i32
    %dma_start3A_896 = arith.constant 0 : i32
    %dma_start3A_897 = tpu.memref_slice %arg10[%dma_start3A_894, %dma_start3A_895, %dma_start3A_896] : memref<32x8x32xf32, #tpu.memory_space<vmem>> -> memref<1x8x32xf32, #tpu.memory_space<vmem>>
    %dma_start3A_898 = arith.constant 0 : i32
    %dma_start3A_899 = arith.constant 0 : i32
    %dma_start3A_900 = tpu.memref_slice %arg4[%squeeze3A_886, %dma_start3A_898, %dma_start3A_899] : memref<125000x8x32xf32, #tpu.memory_space<hbm>> -> memref<1x8x32xf32, #tpu.memory_space<hbm>>
    tpu.enqueue_dma source(%dma_start3A_900 : memref<1x8x32xf32, #tpu.memory_space<hbm>>) target(%dma_start3A_897 : memref<1x8x32xf32, #tpu.memory_space<vmem>>) target_semaphore(%arg12 : memref<!tpu.dma_semaphore, #tpu.memory_space<semaphore_mem>>)
    %scan3A_901 = arith.constant 0 : i32
    %scan3A_902 = arith.constant 0 : i32
    %scan3A_903 = arith.constant 32 : i32
    %scan3A_904 = arith.addi %scan3A_902, %scan3A_903 : i32
    %scan3A_905 = arith.constant 1 : i32
    scf.for %scan3A_907 = %scan3A_902 to %scan3A_904 step %scan3A_905  : i32 {
      %add3A_908 = arith.constant 1 : i32
      %add3A_909 = arith.addi %scan3A_907, %add3A_908 : i32
      %lt3A = arith.constant 32 : i32
      %lt3A_910 = arith.cmpi slt, %add3A_909, %lt3A : i32
      %convert_element_type3A = arith.extui %lt3A_910 : i1 to i32
      %cond3A = arith.constant 0 : i32
      %cond3A_911 = arith.cmpi ne, %convert_element_type3A, %cond3A : i32
      scf.if %cond3A_911 {
        %add3A_918 = arith.constant 1 : i32
        %add3A_919 = arith.addi %scan3A_907, %add3A_918 : i32
        %rem3A_920 = arith.constant 2 : i32
        %rem3A_921 = arith.remsi %add3A_919, %rem3A_920 : i32
        %clamp3A_922 = arith.constant 0 : i32
        %clamp3A_923 = arith.constant 1 : i32
        %clamp3A_924 = arith.maxsi %rem3A_921, %clamp3A_922 : i32
        %clamp3A_925 = arith.minsi %clamp3A_924, %clamp3A_923 : i32
        %cond3A_926 = arith.constant 0 : i32
        %cond3A_927 = arith.cmpi ne, %clamp3A_925, %cond3A_926 : i32
        scf.if %cond3A_927 {
          %add3A_928 = arith.constant 1 : i32
          %add3A_929 = arith.addi %scan3A_907, %add3A_928 : i32
          %mul3A_930 = arith.constant 16 : i32
          %mul3A_931 = arith.muli %add3A_929, %mul3A_930 : i32
          %get3A_932 = arith.index_cast %mul3A_931 : i32 to index
          %get3A_933 = tpu.vector_load %arg8[%get3A_932] {strides = array<i32>} : memref<512xi32, #tpu.memory_space<vmem>>, vector<16xi32>,
          %slice3A_934 = vector.extract_strided_slice %get3A_933 {offsets = [0], sizes = [1], strides = [1]} : vector<16xi32> to vector<1xi32>
          %squeeze3A_935 = vector.extract %slice3A_934[0] : i32 from vector<1xi32>
          %dma_start3A_936 = arith.constant 16 : i32
          %dma_start3A_937 = arith.constant 0 : i32
          %dma_start3A_938 = arith.constant 0 : i32
          %dma_start3A_939 = tpu.memref_slice %arg10[%dma_start3A_936, %dma_start3A_937, %dma_start3A_938] : memref<32x8x32xf32, #tpu.memory_space<vmem>> -> memref<1x8x32xf32, #tpu.memory_space<vmem>>
          %dma_start3A_940 = arith.constant 0 : i32
          %dma_start3A_941 = arith.constant 0 : i32
          %dma_start3A_942 = tpu.memref_slice %arg4[%squeeze3A_935, %dma_start3A_940, %dma_start3A_941] : memref<125000x8x32xf32, #tpu.memory_space<hbm>> -> memref<1x8x32xf32, #tpu.memory_space<hbm>>
          %dma_start3A_943 = arith.constant 16 : i32
          %dma_start3A_944 = arith.constant 0 : i32
          %dma_start3A_945 = arith.constant 0 : i32
          %dma_start3A_946 = tpu.memref_slice %arg10[%dma_start3A_943, %dma_start3A_944, %dma_start3A_945] : memref<32x8x32xf32, #tpu.memory_space<vmem>> -> memref<1x8x32xf32, #tpu.memory_space<vmem>>
          %dma_start3A_947 = arith.constant 0 : i32
          %dma_start3A_948 = arith.constant 0 : i32
          %dma_start3A_949 = tpu.memref_slice %arg4[%squeeze3A_935, %dma_start3A_947, %dma_start3A_948] : memref<125000x8x32xf32, #tpu.memory_space<hbm>> -> memref<1x8x32xf32, #tpu.memory_space<hbm>>
          tpu.enqueue_dma source(%dma_start3A_949 : memref<1x8x32xf32, #tpu.memory_space<hbm>>) target(%dma_start3A_946 : memref<1x8x32xf32, #tpu.memory_space<vmem>>) target_semaphore(%arg13 : memref<!tpu.dma_semaphore, #tpu.memory_space<semaphore_mem>>)
          %slice3A_950 = vector.extract_strided_slice %get3A_933 {offsets = [1], sizes = [1], strides = [1]} : vector<16xi32> to vector<1xi32>
          %squeeze3A_951 = vector.extract %slice3A_950[0] : i32 from vector<1xi32>
          %dma_start3A_952 = arith.constant 17 : i32
          %dma_start3A_953 = arith.constant 0 : i32
          %dma_start3A_954 = arith.constant 0 : i32
          %dma_start3A_955 = tpu.memref_slice %arg10[%dma_start3A_952, %dma_start3A_953, %dma_start3A_954] : memref<32x8x32xf32, #tpu.memory_space<vmem>> -> memref<1x8x32xf32, #tpu.memory_space<vmem>>
          %dma_start3A_956 = arith.constant 0 : i32
          %dma_start3A_957 = arith.constant 0 : i32
          %dma_start3A_958 = tpu.memref_slice %arg4[%squeeze3A_951, %dma_start3A_956, %dma_start3A_957] : memref<125000x8x32xf32, #tpu.memory_space<hbm>> -> memref<1x8x32xf32, #tpu.memory_space<hbm>>
          %dma_start3A_959 = arith.constant 17 : i32
          %dma_start3A_960 = arith.constant 0 : i32
          %dma_start3A_961 = arith.constant 0 : i32
          %dma_start3A_962 = tpu.memref_slice %arg10[%dma_start3A_959, %dma_start3A_960, %dma_start3A_961] : memref<32x8x32xf32, #tpu.memory_space<vmem>> -> memref<1x8x32xf32, #tpu.memory_space<vmem>>
          %dma_start3A_963 = arith.constant 0 : i32
          %dma_start3A_964 = arith.constant 0 : i32
          %dma_start3A_965 = tpu.memref_slice %arg4[%squeeze3A_951, %dma_start3A_963, %dma_start3A_964] : memref<125000x8x32xf32, #tpu.memory_space<hbm>> -> memref<1x8x32xf32, #tpu.memory_space<hbm>>
          tpu.enqueue_dma source(%dma_start3A_965 : memref<1x8x32xf32, #tpu.memory_space<hbm>>) target(%dma_start3A_962 : memref<1x8x32xf32, #tpu.memory_space<vmem>>) target_semaphore(%arg13 : memref<!tpu.dma_semaphore, #tpu.memory_space<semaphore_mem>>)
          %slice3A_966 = vector.extract_strided_slice %get3A_933 {offsets = [2], sizes = [1], strides = [1]} : vector<16xi32> to vector<1xi32>
          %squeeze3A_967 = vector.extract %slice3A_966[0] : i32 from vector<1xi32>
          %dma_start3A_968 = arith.constant 18 : i32
          %dma_start3A_969 = arith.constant 0 : i32
          %dma_start3A_970 = arith.constant 0 : i32
          %dma_start3A_971 = tpu.memref_slice %arg10[%dma_start3A_968, %dma_start3A_969, %dma_start3A_970] : memref<32x8x32xf32, #tpu.memory_space<vmem>> -> memref<1x8x32xf32, #tpu.memory_space<vmem>>
          %dma_start3A_972 = arith.constant 0 : i32
          %dma_start3A_973 = arith.constant 0 : i32
          %dma_start3A_974 = tpu.memref_slice %arg4[%squeeze3A_967, %dma_start3A_972, %dma_start3A_973] : memref<125000x8x32xf32, #tpu.memory_space<hbm>> -> memref<1x8x32xf32, #tpu.memory_space<hbm>>
          %dma_start3A_975 = arith.constant 18 : i32
          %dma_start3A_976 = arith.constant 0 : i32
          %dma_start3A_977 = arith.constant 0 : i32
          %dma_start3A_978 = tpu.memref_slice %arg10[%dma_start3A_975, %dma_start3A_976, %dma_start3A_977] : memref<32x8x32xf32, #tpu.memory_space<vmem>> -> memref<1x8x32xf32, #tpu.memory_space<vmem>>
          %dma_start3A_979 = arith.constant 0 : i32
          %dma_start3A_980 = arith.constant 0 : i32
          %dma_start3A_981 = tpu.memref_slice %arg4[%squeeze3A_967, %dma_start3A_979, %dma_start3A_980] : memref<125000x8x32xf32, #tpu.memory_space<hbm>> -> memref<1x8x32xf32, #tpu.memory_space<hbm>>
          tpu.enqueue_dma source(%dma_start3A_981 : memref<1x8x32xf32, #tpu.memory_space<hbm>>) target(%dma_start3A_978 : memref<1x8x32xf32, #tpu.memory_space<vmem>>) target_semaphore(%arg13 : memref<!tpu.dma_semaphore, #tpu.memory_space<semaphore_mem>>)
          %slice3A_982 = vector.extract_strided_slice %get3A_933 {offsets = [3], sizes = [1], strides = [1]} : vector<16xi32> to vector<1xi32>
          %squeeze3A_983 = vector.extract %slice3A_982[0] : i32 from vector<1xi32>
          %dma_start3A_984 = arith.constant 19 : i32
          %dma_start3A_985 = arith.constant 0 : i32
          %dma_start3A_986 = arith.constant 0 : i32
          %dma_start3A_987 = tpu.memref_slice %arg10[%dma_start3A_984, %dma_start3A_985, %dma_start3A_986] : memref<32x8x32xf32, #tpu.memory_space<vmem>> -> memref<1x8x32xf32, #tpu.memory_space<vmem>>
          %dma_start3A_988 = arith.constant 0 : i32
          %dma_start3A_989 = arith.constant 0 : i32
          %dma_start3A_990 = tpu.memref_slice %arg4[%squeeze3A_983, %dma_start3A_988, %dma_start3A_989] : memref<125000x8x32xf32, #tpu.memory_space<hbm>> -> memref<1x8x32xf32, #tpu.memory_space<hbm>>
          %dma_start3A_991 = arith.constant 19 : i32
          %dma_start3A_992 = arith.constant 0 : i32
          %dma_start3A_993 = arith.constant 0 : i32
          %dma_start3A_994 = tpu.memref_slice %arg10[%dma_start3A_991, %dma_start3A_992, %dma_start3A_993] : memref<32x8x32xf32, #tpu.memory_space<vmem>> -> memref<1x8x32xf32, #tpu.memory_space<vmem>>
          %dma_start3A_995 = arith.constant 0 : i32
          %dma_start3A_996 = arith.constant 0 : i32
          %dma_start3A_997 = tpu.memref_slice %arg4[%squeeze3A_983, %dma_start3A_995, %dma_start3A_996] : memref<125000x8x32xf32, #tpu.memory_space<hbm>> -> memref<1x8x32xf32, #tpu.memory_space<hbm>>
          tpu.enqueue_dma source(%dma_start3A_997 : memref<1x8x32xf32, #tpu.memory_space<hbm>>) target(%dma_start3A_994 : memref<1x8x32xf32, #tpu.memory_space<vmem>>) target_semaphore(%arg13 : memref<!tpu.dma_semaphore, #tpu.memory_space<semaphore_mem>>)
          %slice3A_998 = vector.extract_strided_slice %get3A_933 {offsets = [4], sizes = [1], strides = [1]} : vector<16xi32> to vector<1xi32>
          %squeeze3A_999 = vector.extract %slice3A_998[0] : i32 from vector<1xi32>
          %dma_start3A_1000 = arith.constant 20 : i32
          %dma_start3A_1001 = arith.constant 0 : i32
          %dma_start3A_1002 = arith.constant 0 : i32
          %dma_start3A_1003 = tpu.memref_slice %arg10[%dma_start3A_1000, %dma_start3A_1001, %dma_start3A_1002] : memref<32x8x32xf32, #tpu.memory_space<vmem>> -> memref<1x8x32xf32, #tpu.memory_space<vmem>>
          %dma_start3A_1004 = arith.constant 0 : i32
          %dma_start3A_1005 = arith.constant 0 : i32
          %dma_start3A_1006 = tpu.memref_slice %arg4[%squeeze3A_999, %dma_start3A_1004, %dma_start3A_1005] : memref<125000x8x32xf32, #tpu.memory_space<hbm>> -> memref<1x8x32xf32, #tpu.memory_space<hbm>>
          %dma_start3A_1007 = arith.constant 20 : i32
          %dma_start3A_1008 = arith.constant 0 : i32
          %dma_start3A_1009 = arith.constant 0 : i32
          %dma_start3A_1010 = tpu.memref_slice %arg10[%dma_start3A_1007, %dma_start3A_1008, %dma_start3A_1009] : memref<32x8x32xf32, #tpu.memory_space<vmem>> -> memref<1x8x32xf32, #tpu.memory_space<vmem>>
          %dma_start3A_1011 = arith.constant 0 : i32
          %dma_start3A_1012 = arith.constant 0 : i32
          %dma_start3A_1013 = tpu.memref_slice %arg4[%squeeze3A_999, %dma_start3A_1011, %dma_start3A_1012] : memref<125000x8x32xf32, #tpu.memory_space<hbm>> -> memref<1x8x32xf32, #tpu.memory_space<hbm>>
          tpu.enqueue_dma source(%dma_start3A_1013 : memref<1x8x32xf32, #tpu.memory_space<hbm>>) target(%dma_start3A_1010 : memref<1x8x32xf32, #tpu.memory_space<vmem>>) target_semaphore(%arg13 : memref<!tpu.dma_semaphore, #tpu.memory_space<semaphore_mem>>)
          %slice3A_1014 = vector.extract_strided_slice %get3A_933 {offsets = [5], sizes = [1], strides = [1]} : vector<16xi32> to vector<1xi32>
          %squeeze3A_1015 = vector.extract %slice3A_1014[0] : i32 from vector<1xi32>
          %dma_start3A_1016 = arith.constant 21 : i32
          %dma_start3A_1017 = arith.constant 0 : i32
          %dma_start3A_1018 = arith.constant 0 : i32
          %dma_start3A_1019 = tpu.memref_slice %arg10[%dma_start3A_1016, %dma_start3A_1017, %dma_start3A_1018] : memref<32x8x32xf32, #tpu.memory_space<vmem>> -> memref<1x8x32xf32, #tpu.memory_space<vmem>>
          %dma_start3A_1020 = arith.constant 0 : i32
          %dma_start3A_1021 = arith.constant 0 : i32
          %dma_start3A_1022 = tpu.memref_slice %arg4[%squeeze3A_1015, %dma_start3A_1020, %dma_start3A_1021] : memref<125000x8x32xf32, #tpu.memory_space<hbm>> -> memref<1x8x32xf32, #tpu.memory_space<hbm>>
          %dma_start3A_1023 = arith.constant 21 : i32
          %dma_start3A_1024 = arith.constant 0 : i32
          %dma_start3A_1025 = arith.constant 0 : i32
          %dma_start3A_1026 = tpu.memref_slice %arg10[%dma_start3A_1023, %dma_start3A_1024, %dma_start3A_1025] : memref<32x8x32xf32, #tpu.memory_space<vmem>> -> memref<1x8x32xf32, #tpu.memory_space<vmem>>
          %dma_start3A_1027 = arith.constant 0 : i32
          %dma_start3A_1028 = arith.constant 0 : i32
          %dma_start3A_1029 = tpu.memref_slice %arg4[%squeeze3A_1015, %dma_start3A_1027, %dma_start3A_1028] : memref<125000x8x32xf32, #tpu.memory_space<hbm>> -> memref<1x8x32xf32, #tpu.memory_space<hbm>>
          tpu.enqueue_dma source(%dma_start3A_1029 : memref<1x8x32xf32, #tpu.memory_space<hbm>>) target(%dma_start3A_1026 : memref<1x8x32xf32, #tpu.memory_space<vmem>>) target_semaphore(%arg13 : memref<!tpu.dma_semaphore, #tpu.memory_space<semaphore_mem>>)
          %slice3A_1030 = vector.extract_strided_slice %get3A_933 {offsets = [6], sizes = [1], strides = [1]} : vector<16xi32> to vector<1xi32>
          %squeeze3A_1031 = vector.extract %slice3A_1030[0] : i32 from vector<1xi32>
          %dma_start3A_1032 = arith.constant 22 : i32
          %dma_start3A_1033 = arith.constant 0 : i32
          %dma_start3A_1034 = arith.constant 0 : i32
          %dma_start3A_1035 = tpu.memref_slice %arg10[%dma_start3A_1032, %dma_start3A_1033, %dma_start3A_1034] : memref<32x8x32xf32, #tpu.memory_space<vmem>> -> memref<1x8x32xf32, #tpu.memory_space<vmem>>
          %dma_start3A_1036 = arith.constant 0 : i32
          %dma_start3A_1037 = arith.constant 0 : i32
          %dma_start3A_1038 = tpu.memref_slice %arg4[%squeeze3A_1031, %dma_start3A_1036, %dma_start3A_1037] : memref<125000x8x32xf32, #tpu.memory_space<hbm>> -> memref<1x8x32xf32, #tpu.memory_space<hbm>>
          %dma_start3A_1039 = arith.constant 22 : i32
          %dma_start3A_1040 = arith.constant 0 : i32
          %dma_start3A_1041 = arith.constant 0 : i32
          %dma_start3A_1042 = tpu.memref_slice %arg10[%dma_start3A_1039, %dma_start3A_1040, %dma_start3A_1041] : memref<32x8x32xf32, #tpu.memory_space<vmem>> -> memref<1x8x32xf32, #tpu.memory_space<vmem>>
          %dma_start3A_1043 = arith.constant 0 : i32
          %dma_start3A_1044 = arith.constant 0 : i32
          %dma_start3A_1045 = tpu.memref_slice %arg4[%squeeze3A_1031, %dma_start3A_1043, %dma_start3A_1044] : memref<125000x8x32xf32, #tpu.memory_space<hbm>> -> memref<1x8x32xf32, #tpu.memory_space<hbm>>
          tpu.enqueue_dma source(%dma_start3A_1045 : memref<1x8x32xf32, #tpu.memory_space<hbm>>) target(%dma_start3A_1042 : memref<1x8x32xf32, #tpu.memory_space<vmem>>) target_semaphore(%arg13 : memref<!tpu.dma_semaphore, #tpu.memory_space<semaphore_mem>>)
          %slice3A_1046 = vector.extract_strided_slice %get3A_933 {offsets = [7], sizes = [1], strides = [1]} : vector<16xi32> to vector<1xi32>
          %squeeze3A_1047 = vector.extract %slice3A_1046[0] : i32 from vector<1xi32>
          %dma_start3A_1048 = arith.constant 23 : i32
          %dma_start3A_1049 = arith.constant 0 : i32
          %dma_start3A_1050 = arith.constant 0 : i32
          %dma_start3A_1051 = tpu.memref_slice %arg10[%dma_start3A_1048, %dma_start3A_1049, %dma_start3A_1050] : memref<32x8x32xf32, #tpu.memory_space<vmem>> -> memref<1x8x32xf32, #tpu.memory_space<vmem>>
          %dma_start3A_1052 = arith.constant 0 : i32
          %dma_start3A_1053 = arith.constant 0 : i32
          %dma_start3A_1054 = tpu.memref_slice %arg4[%squeeze3A_1047, %dma_start3A_1052, %dma_start3A_1053] : memref<125000x8x32xf32, #tpu.memory_space<hbm>> -> memref<1x8x32xf32, #tpu.memory_space<hbm>>
          %dma_start3A_1055 = arith.constant 23 : i32
          %dma_start3A_1056 = arith.constant 0 : i32
          %dma_start3A_1057 = arith.constant 0 : i32
          %dma_start3A_1058 = tpu.memref_slice %arg10[%dma_start3A_1055, %dma_start3A_1056, %dma_start3A_1057] : memref<32x8x32xf32, #tpu.memory_space<vmem>> -> memref<1x8x32xf32, #tpu.memory_space<vmem>>
          %dma_start3A_1059 = arith.constant 0 : i32
          %dma_start3A_1060 = arith.constant 0 : i32
          %dma_start3A_1061 = tpu.memref_slice %arg4[%squeeze3A_1047, %dma_start3A_1059, %dma_start3A_1060] : memref<125000x8x32xf32, #tpu.memory_space<hbm>> -> memref<1x8x32xf32, #tpu.memory_space<hbm>>
          tpu.enqueue_dma source(%dma_start3A_1061 : memref<1x8x32xf32, #tpu.memory_space<hbm>>) target(%dma_start3A_1058 : memref<1x8x32xf32, #tpu.memory_space<vmem>>) target_semaphore(%arg13 : memref<!tpu.dma_semaphore, #tpu.memory_space<semaphore_mem>>)
          %slice3A_1062 = vector.extract_strided_slice %get3A_933 {offsets = [8], sizes = [1], strides = [1]} : vector<16xi32> to vector<1xi32>
          %squeeze3A_1063 = vector.extract %slice3A_1062[0] : i32 from vector<1xi32>
          %dma_start3A_1064 = arith.constant 24 : i32
          %dma_start3A_1065 = arith.constant 0 : i32
          %dma_start3A_1066 = arith.constant 0 : i32
          %dma_start3A_1067 = tpu.memref_slice %arg10[%dma_start3A_1064, %dma_start3A_1065, %dma_start3A_1066] : memref<32x8x32xf32, #tpu.memory_space<vmem>> -> memref<1x8x32xf32, #tpu.memory_space<vmem>>
          %dma_start3A_1068 = arith.constant 0 : i32
          %dma_start3A_1069 = arith.constant 0 : i32
          %dma_start3A_1070 = tpu.memref_slice %arg4[%squeeze3A_1063, %dma_start3A_1068, %dma_start3A_1069] : memref<125000x8x32xf32, #tpu.memory_space<hbm>> -> memref<1x8x32xf32, #tpu.memory_space<hbm>>
          %dma_start3A_1071 = arith.constant 24 : i32
          %dma_start3A_1072 = arith.constant 0 : i32
          %dma_start3A_1073 = arith.constant 0 : i32
          %dma_start3A_1074 = tpu.memref_slice %arg10[%dma_start3A_1071, %dma_start3A_1072, %dma_start3A_1073] : memref<32x8x32xf32, #tpu.memory_space<vmem>> -> memref<1x8x32xf32, #tpu.memory_space<vmem>>
          %dma_start3A_1075 = arith.constant 0 : i32
          %dma_start3A_1076 = arith.constant 0 : i32
          %dma_start3A_1077 = tpu.memref_slice %arg4[%squeeze3A_1063, %dma_start3A_1075, %dma_start3A_1076] : memref<125000x8x32xf32, #tpu.memory_space<hbm>> -> memref<1x8x32xf32, #tpu.memory_space<hbm>>
          tpu.enqueue_dma source(%dma_start3A_1077 : memref<1x8x32xf32, #tpu.memory_space<hbm>>) target(%dma_start3A_1074 : memref<1x8x32xf32, #tpu.memory_space<vmem>>) target_semaphore(%arg13 : memref<!tpu.dma_semaphore, #tpu.memory_space<semaphore_mem>>)
          %slice3A_1078 = vector.extract_strided_slice %get3A_933 {offsets = [9], sizes = [1], strides = [1]} : vector<16xi32> to vector<1xi32>
          %squeeze3A_1079 = vector.extract %slice3A_1078[0] : i32 from vector<1xi32>
          %dma_start3A_1080 = arith.constant 25 : i32
          %dma_start3A_1081 = arith.constant 0 : i32
          %dma_start3A_1082 = arith.constant 0 : i32
          %dma_start3A_1083 = tpu.memref_slice %arg10[%dma_start3A_1080, %dma_start3A_1081, %dma_start3A_1082] : memref<32x8x32xf32, #tpu.memory_space<vmem>> -> memref<1x8x32xf32, #tpu.memory_space<vmem>>
          %dma_start3A_1084 = arith.constant 0 : i32
          %dma_start3A_1085 = arith.constant 0 : i32
          %dma_start3A_1086 = tpu.memref_slice %arg4[%squeeze3A_1079, %dma_start3A_1084, %dma_start3A_1085] : memref<125000x8x32xf32, #tpu.memory_space<hbm>> -> memref<1x8x32xf32, #tpu.memory_space<hbm>>
          %dma_start3A_1087 = arith.constant 25 : i32
          %dma_start3A_1088 = arith.constant 0 : i32
          %dma_start3A_1089 = arith.constant 0 : i32
          %dma_start3A_1090 = tpu.memref_slice %arg10[%dma_start3A_1087, %dma_start3A_1088, %dma_start3A_1089] : memref<32x8x32xf32, #tpu.memory_space<vmem>> -> memref<1x8x32xf32, #tpu.memory_space<vmem>>
          %dma_start3A_1091 = arith.constant 0 : i32
          %dma_start3A_1092 = arith.constant 0 : i32
          %dma_start3A_1093 = tpu.memref_slice %arg4[%squeeze3A_1079, %dma_start3A_1091, %dma_start3A_1092] : memref<125000x8x32xf32, #tpu.memory_space<hbm>> -> memref<1x8x32xf32, #tpu.memory_space<hbm>>
          tpu.enqueue_dma source(%dma_start3A_1093 : memref<1x8x32xf32, #tpu.memory_space<hbm>>) target(%dma_start3A_1090 : memref<1x8x32xf32, #tpu.memory_space<vmem>>) target_semaphore(%arg13 : memref<!tpu.dma_semaphore, #tpu.memory_space<semaphore_mem>>)
          %slice3A_1094 = vector.extract_strided_slice %get3A_933 {offsets = [10], sizes = [1], strides = [1]} : vector<16xi32> to vector<1xi32>
          %squeeze3A_1095 = vector.extract %slice3A_1094[0] : i32 from vector<1xi32>
          %dma_start3A_1096 = arith.constant 26 : i32
          %dma_start3A_1097 = arith.constant 0 : i32
          %dma_start3A_1098 = arith.constant 0 : i32
          %dma_start3A_1099 = tpu.memref_slice %arg10[%dma_start3A_1096, %dma_start3A_1097, %dma_start3A_1098] : memref<32x8x32xf32, #tpu.memory_space<vmem>> -> memref<1x8x32xf32, #tpu.memory_space<vmem>>
          %dma_start3A_1100 = arith.constant 0 : i32
          %dma_start3A_1101 = arith.constant 0 : i32
          %dma_start3A_1102 = tpu.memref_slice %arg4[%squeeze3A_1095, %dma_start3A_1100, %dma_start3A_1101] : memref<125000x8x32xf32, #tpu.memory_space<hbm>> -> memref<1x8x32xf32, #tpu.memory_space<hbm>>
          %dma_start3A_1103 = arith.constant 26 : i32
          %dma_start3A_1104 = arith.constant 0 : i32
          %dma_start3A_1105 = arith.constant 0 : i32
          %dma_start3A_1106 = tpu.memref_slice %arg10[%dma_start3A_1103, %dma_start3A_1104, %dma_start3A_1105] : memref<32x8x32xf32, #tpu.memory_space<vmem>> -> memref<1x8x32xf32, #tpu.memory_space<vmem>>
          %dma_start3A_1107 = arith.constant 0 : i32
          %dma_start3A_1108 = arith.constant 0 : i32
          %dma_start3A_1109 = tpu.memref_slice %arg4[%squeeze3A_1095, %dma_start3A_1107, %dma_start3A_1108] : memref<125000x8x32xf32, #tpu.memory_space<hbm>> -> memref<1x8x32xf32, #tpu.memory_space<hbm>>
          tpu.enqueue_dma source(%dma_start3A_1109 : memref<1x8x32xf32, #tpu.memory_space<hbm>>) target(%dma_start3A_1106 : memref<1x8x32xf32, #tpu.memory_space<vmem>>) target_semaphore(%arg13 : memref<!tpu.dma_semaphore, #tpu.memory_space<semaphore_mem>>)
          %slice3A_1110 = vector.extract_strided_slice %get3A_933 {offsets = [11], sizes = [1], strides = [1]} : vector<16xi32> to vector<1xi32>
          %squeeze3A_1111 = vector.extract %slice3A_1110[0] : i32 from vector<1xi32>
          %dma_start3A_1112 = arith.constant 27 : i32
          %dma_start3A_1113 = arith.constant 0 : i32
          %dma_start3A_1114 = arith.constant 0 : i32
          %dma_start3A_1115 = tpu.memref_slice %arg10[%dma_start3A_1112, %dma_start3A_1113, %dma_start3A_1114] : memref<32x8x32xf32, #tpu.memory_space<vmem>> -> memref<1x8x32xf32, #tpu.memory_space<vmem>>
          %dma_start3A_1116 = arith.constant 0 : i32
          %dma_start3A_1117 = arith.constant 0 : i32
          %dma_start3A_1118 = tpu.memref_slice %arg4[%squeeze3A_1111, %dma_start3A_1116, %dma_start3A_1117] : memref<125000x8x32xf32, #tpu.memory_space<hbm>> -> memref<1x8x32xf32, #tpu.memory_space<hbm>>
          %dma_start3A_1119 = arith.constant 27 : i32
          %dma_start3A_1120 = arith.constant 0 : i32
          %dma_start3A_1121 = arith.constant 0 : i32
          %dma_start3A_1122 = tpu.memref_slice %arg10[%dma_start3A_1119, %dma_start3A_1120, %dma_start3A_1121] : memref<32x8x32xf32, #tpu.memory_space<vmem>> -> memref<1x8x32xf32, #tpu.memory_space<vmem>>
          %dma_start3A_1123 = arith.constant 0 : i32
          %dma_start3A_1124 = arith.constant 0 : i32
          %dma_start3A_1125 = tpu.memref_slice %arg4[%squeeze3A_1111, %dma_start3A_1123, %dma_start3A_1124] : memref<125000x8x32xf32, #tpu.memory_space<hbm>> -> memref<1x8x32xf32, #tpu.memory_space<hbm>>
          tpu.enqueue_dma source(%dma_start3A_1125 : memref<1x8x32xf32, #tpu.memory_space<hbm>>) target(%dma_start3A_1122 : memref<1x8x32xf32, #tpu.memory_space<vmem>>) target_semaphore(%arg13 : memref<!tpu.dma_semaphore, #tpu.memory_space<semaphore_mem>>)
          %slice3A_1126 = vector.extract_strided_slice %get3A_933 {offsets = [12], sizes = [1], strides = [1]} : vector<16xi32> to vector<1xi32>
          %squeeze3A_1127 = vector.extract %slice3A_1126[0] : i32 from vector<1xi32>
          %dma_start3A_1128 = arith.constant 28 : i32
          %dma_start3A_1129 = arith.constant 0 : i32
          %dma_start3A_1130 = arith.constant 0 : i32
          %dma_start3A_1131 = tpu.memref_slice %arg10[%dma_start3A_1128, %dma_start3A_1129, %dma_start3A_1130] : memref<32x8x32xf32, #tpu.memory_space<vmem>> -> memref<1x8x32xf32, #tpu.memory_space<vmem>>
          %dma_start3A_1132 = arith.constant 0 : i32
          %dma_start3A_1133 = arith.constant 0 : i32
          %dma_start3A_1134 = tpu.memref_slice %arg4[%squeeze3A_1127, %dma_start3A_1132, %dma_start3A_1133] : memref<125000x8x32xf32, #tpu.memory_space<hbm>> -> memref<1x8x32xf32, #tpu.memory_space<hbm>>
          %dma_start3A_1135 = arith.constant 28 : i32
          %dma_start3A_1136 = arith.constant 0 : i32
          %dma_start3A_1137 = arith.constant 0 : i32
          %dma_start3A_1138 = tpu.memref_slice %arg10[%dma_start3A_1135, %dma_start3A_1136, %dma_start3A_1137] : memref<32x8x32xf32, #tpu.memory_space<vmem>> -> memref<1x8x32xf32, #tpu.memory_space<vmem>>
          %dma_start3A_1139 = arith.constant 0 : i32
          %dma_start3A_1140 = arith.constant 0 : i32
          %dma_start3A_1141 = tpu.memref_slice %arg4[%squeeze3A_1127, %dma_start3A_1139, %dma_start3A_1140] : memref<125000x8x32xf32, #tpu.memory_space<hbm>> -> memref<1x8x32xf32, #tpu.memory_space<hbm>>
          tpu.enqueue_dma source(%dma_start3A_1141 : memref<1x8x32xf32, #tpu.memory_space<hbm>>) target(%dma_start3A_1138 : memref<1x8x32xf32, #tpu.memory_space<vmem>>) target_semaphore(%arg13 : memref<!tpu.dma_semaphore, #tpu.memory_space<semaphore_mem>>)
          %slice3A_1142 = vector.extract_strided_slice %get3A_933 {offsets = [13], sizes = [1], strides = [1]} : vector<16xi32> to vector<1xi32>
          %squeeze3A_1143 = vector.extract %slice3A_1142[0] : i32 from vector<1xi32>
          %dma_start3A_1144 = arith.constant 29 : i32
          %dma_start3A_1145 = arith.constant 0 : i32
          %dma_start3A_1146 = arith.constant 0 : i32
          %dma_start3A_1147 = tpu.memref_slice %arg10[%dma_start3A_1144, %dma_start3A_1145, %dma_start3A_1146] : memref<32x8x32xf32, #tpu.memory_space<vmem>> -> memref<1x8x32xf32, #tpu.memory_space<vmem>>
          %dma_start3A_1148 = arith.constant 0 : i32
          %dma_start3A_1149 = arith.constant 0 : i32
          %dma_start3A_1150 = tpu.memref_slice %arg4[%squeeze3A_1143, %dma_start3A_1148, %dma_start3A_1149] : memref<125000x8x32xf32, #tpu.memory_space<hbm>> -> memref<1x8x32xf32, #tpu.memory_space<hbm>>
          %dma_start3A_1151 = arith.constant 29 : i32
          %dma_start3A_1152 = arith.constant 0 : i32
          %dma_start3A_1153 = arith.constant 0 : i32
          %dma_start3A_1154 = tpu.memref_slice %arg10[%dma_start3A_1151, %dma_start3A_1152, %dma_start3A_1153] : memref<32x8x32xf32, #tpu.memory_space<vmem>> -> memref<1x8x32xf32, #tpu.memory_space<vmem>>
          %dma_start3A_1155 = arith.constant 0 : i32
          %dma_start3A_1156 = arith.constant 0 : i32
          %dma_start3A_1157 = tpu.memref_slice %arg4[%squeeze3A_1143, %dma_start3A_1155, %dma_start3A_1156] : memref<125000x8x32xf32, #tpu.memory_space<hbm>> -> memref<1x8x32xf32, #tpu.memory_space<hbm>>
          tpu.enqueue_dma source(%dma_start3A_1157 : memref<1x8x32xf32, #tpu.memory_space<hbm>>) target(%dma_start3A_1154 : memref<1x8x32xf32, #tpu.memory_space<vmem>>) target_semaphore(%arg13 : memref<!tpu.dma_semaphore, #tpu.memory_space<semaphore_mem>>)
          %slice3A_1158 = vector.extract_strided_slice %get3A_933 {offsets = [14], sizes = [1], strides = [1]} : vector<16xi32> to vector<1xi32>
          %squeeze3A_1159 = vector.extract %slice3A_1158[0] : i32 from vector<1xi32>
          %dma_start3A_1160 = arith.constant 30 : i32
          %dma_start3A_1161 = arith.constant 0 : i32
          %dma_start3A_1162 = arith.constant 0 : i32
          %dma_start3A_1163 = tpu.memref_slice %arg10[%dma_start3A_1160, %dma_start3A_1161, %dma_start3A_1162] : memref<32x8x32xf32, #tpu.memory_space<vmem>> -> memref<1x8x32xf32, #tpu.memory_space<vmem>>
          %dma_start3A_1164 = arith.constant 0 : i32
          %dma_start3A_1165 = arith.constant 0 : i32
          %dma_start3A_1166 = tpu.memref_slice %arg4[%squeeze3A_1159, %dma_start3A_1164, %dma_start3A_1165] : memref<125000x8x32xf32, #tpu.memory_space<hbm>> -> memref<1x8x32xf32, #tpu.memory_space<hbm>>
          %dma_start3A_1167 = arith.constant 30 : i32
          %dma_start3A_1168 = arith.constant 0 : i32
          %dma_start3A_1169 = arith.constant 0 : i32
          %dma_start3A_1170 = tpu.memref_slice %arg10[%dma_start3A_1167, %dma_start3A_1168, %dma_start3A_1169] : memref<32x8x32xf32, #tpu.memory_space<vmem>> -> memref<1x8x32xf32, #tpu.memory_space<vmem>>
          %dma_start3A_1171 = arith.constant 0 : i32
          %dma_start3A_1172 = arith.constant 0 : i32
          %dma_start3A_1173 = tpu.memref_slice %arg4[%squeeze3A_1159, %dma_start3A_1171, %dma_start3A_1172] : memref<125000x8x32xf32, #tpu.memory_space<hbm>> -> memref<1x8x32xf32, #tpu.memory_space<hbm>>
          tpu.enqueue_dma source(%dma_start3A_1173 : memref<1x8x32xf32, #tpu.memory_space<hbm>>) target(%dma_start3A_1170 : memref<1x8x32xf32, #tpu.memory_space<vmem>>) target_semaphore(%arg13 : memref<!tpu.dma_semaphore, #tpu.memory_space<semaphore_mem>>)
          %slice3A_1174 = vector.extract_strided_slice %get3A_933 {offsets = [15], sizes = [1], strides = [1]} : vector<16xi32> to vector<1xi32>
          %squeeze3A_1175 = vector.extract %slice3A_1174[0] : i32 from vector<1xi32>
          %dma_start3A_1176 = arith.constant 31 : i32
          %dma_start3A_1177 = arith.constant 0 : i32
          %dma_start3A_1178 = arith.constant 0 : i32
          %dma_start3A_1179 = tpu.memref_slice %arg10[%dma_start3A_1176, %dma_start3A_1177, %dma_start3A_1178] : memref<32x8x32xf32, #tpu.memory_space<vmem>> -> memref<1x8x32xf32, #tpu.memory_space<vmem>>
          %dma_start3A_1180 = arith.constant 0 : i32
          %dma_start3A_1181 = arith.constant 0 : i32
          %dma_start3A_1182 = tpu.memref_slice %arg4[%squeeze3A_1175, %dma_start3A_1180, %dma_start3A_1181] : memref<125000x8x32xf32, #tpu.memory_space<hbm>> -> memref<1x8x32xf32, #tpu.memory_space<hbm>>
          %dma_start3A_1183 = arith.constant 31 : i32
          %dma_start3A_1184 = arith.constant 0 : i32
          %dma_start3A_1185 = arith.constant 0 : i32
          %dma_start3A_1186 = tpu.memref_slice %arg10[%dma_start3A_1183, %dma_start3A_1184, %dma_start3A_1185] : memref<32x8x32xf32, #tpu.memory_space<vmem>> -> memref<1x8x32xf32, #tpu.memory_space<vmem>>
          %dma_start3A_1187 = arith.constant 0 : i32
          %dma_start3A_1188 = arith.constant 0 : i32
          %dma_start3A_1189 = tpu.memref_slice %arg4[%squeeze3A_1175, %dma_start3A_1187, %dma_start3A_1188] : memref<125000x8x32xf32, #tpu.memory_space<hbm>> -> memref<1x8x32xf32, #tpu.memory_space<hbm>>
          tpu.enqueue_dma source(%dma_start3A_1189 : memref<1x8x32xf32, #tpu.memory_space<hbm>>) target(%dma_start3A_1186 : memref<1x8x32xf32, #tpu.memory_space<vmem>>) target_semaphore(%arg13 : memref<!tpu.dma_semaphore, #tpu.memory_space<semaphore_mem>>)
        } else {
          %add3A_928 = arith.constant 1 : i32
          %add3A_929 = arith.addi %scan3A_907, %add3A_928 : i32
          %mul3A_930 = arith.constant 16 : i32
          %mul3A_931 = arith.muli %add3A_929, %mul3A_930 : i32
          %get3A_932 = arith.index_cast %mul3A_931 : i32 to index
          %get3A_933 = tpu.vector_load %arg8[%get3A_932] {strides = array<i32>} : memref<512xi32, #tpu.memory_space<vmem>>, vector<16xi32>,
          %slice3A_934 = vector.extract_strided_slice %get3A_933 {offsets = [0], sizes = [1], strides = [1]} : vector<16xi32> to vector<1xi32>
          %squeeze3A_935 = vector.extract %slice3A_934[0] : i32 from vector<1xi32>
          %dma_start3A_936 = arith.constant 0 : i32
          %dma_start3A_937 = arith.constant 0 : i32
          %dma_start3A_938 = arith.constant 0 : i32
          %dma_start3A_939 = tpu.memref_slice %arg10[%dma_start3A_936, %dma_start3A_937, %dma_start3A_938] : memref<32x8x32xf32, #tpu.memory_space<vmem>> -> memref<1x8x32xf32, #tpu.memory_space<vmem>>
          %dma_start3A_940 = arith.constant 0 : i32
          %dma_start3A_941 = arith.constant 0 : i32
          %dma_start3A_942 = tpu.memref_slice %arg4[%squeeze3A_935, %dma_start3A_940, %dma_start3A_941] : memref<125000x8x32xf32, #tpu.memory_space<hbm>> -> memref<1x8x32xf32, #tpu.memory_space<hbm>>
          %dma_start3A_943 = arith.constant 0 : i32
          %dma_start3A_944 = arith.constant 0 : i32
          %dma_start3A_945 = arith.constant 0 : i32
          %dma_start3A_946 = tpu.memref_slice %arg10[%dma_start3A_943, %dma_start3A_944, %dma_start3A_945] : memref<32x8x32xf32, #tpu.memory_space<vmem>> -> memref<1x8x32xf32, #tpu.memory_space<vmem>>
          %dma_start3A_947 = arith.constant 0 : i32
          %dma_start3A_948 = arith.constant 0 : i32
          %dma_start3A_949 = tpu.memref_slice %arg4[%squeeze3A_935, %dma_start3A_947, %dma_start3A_948] : memref<125000x8x32xf32, #tpu.memory_space<hbm>> -> memref<1x8x32xf32, #tpu.memory_space<hbm>>
          tpu.enqueue_dma source(%dma_start3A_949 : memref<1x8x32xf32, #tpu.memory_space<hbm>>) target(%dma_start3A_946 : memref<1x8x32xf32, #tpu.memory_space<vmem>>) target_semaphore(%arg12 : memref<!tpu.dma_semaphore, #tpu.memory_space<semaphore_mem>>)
          %slice3A_950 = vector.extract_strided_slice %get3A_933 {offsets = [1], sizes = [1], strides = [1]} : vector<16xi32> to vector<1xi32>
          %squeeze3A_951 = vector.extract %slice3A_950[0] : i32 from vector<1xi32>
          %dma_start3A_952 = arith.constant 1 : i32
          %dma_start3A_953 = arith.constant 0 : i32
          %dma_start3A_954 = arith.constant 0 : i32
          %dma_start3A_955 = tpu.memref_slice %arg10[%dma_start3A_952, %dma_start3A_953, %dma_start3A_954] : memref<32x8x32xf32, #tpu.memory_space<vmem>> -> memref<1x8x32xf32, #tpu.memory_space<vmem>>
          %dma_start3A_956 = arith.constant 0 : i32
          %dma_start3A_957 = arith.constant 0 : i32
          %dma_start3A_958 = tpu.memref_slice %arg4[%squeeze3A_951, %dma_start3A_956, %dma_start3A_957] : memref<125000x8x32xf32, #tpu.memory_space<hbm>> -> memref<1x8x32xf32, #tpu.memory_space<hbm>>
          %dma_start3A_959 = arith.constant 1 : i32
          %dma_start3A_960 = arith.constant 0 : i32
          %dma_start3A_961 = arith.constant 0 : i32
          %dma_start3A_962 = tpu.memref_slice %arg10[%dma_start3A_959, %dma_start3A_960, %dma_start3A_961] : memref<32x8x32xf32, #tpu.memory_space<vmem>> -> memref<1x8x32xf32, #tpu.memory_space<vmem>>
          %dma_start3A_963 = arith.constant 0 : i32
          %dma_start3A_964 = arith.constant 0 : i32
          %dma_start3A_965 = tpu.memref_slice %arg4[%squeeze3A_951, %dma_start3A_963, %dma_start3A_964] : memref<125000x8x32xf32, #tpu.memory_space<hbm>> -> memref<1x8x32xf32, #tpu.memory_space<hbm>>
          tpu.enqueue_dma source(%dma_start3A_965 : memref<1x8x32xf32, #tpu.memory_space<hbm>>) target(%dma_start3A_962 : memref<1x8x32xf32, #tpu.memory_space<vmem>>) target_semaphore(%arg12 : memref<!tpu.dma_semaphore, #tpu.memory_space<semaphore_mem>>)
          %slice3A_966 = vector.extract_strided_slice %get3A_933 {offsets = [2], sizes = [1], strides = [1]} : vector<16xi32> to vector<1xi32>
          %squeeze3A_967 = vector.extract %slice3A_966[0] : i32 from vector<1xi32>
          %dma_start3A_968 = arith.constant 2 : i32
          %dma_start3A_969 = arith.constant 0 : i32
          %dma_start3A_970 = arith.constant 0 : i32
          %dma_start3A_971 = tpu.memref_slice %arg10[%dma_start3A_968, %dma_start3A_969, %dma_start3A_970] : memref<32x8x32xf32, #tpu.memory_space<vmem>> -> memref<1x8x32xf32, #tpu.memory_space<vmem>>
          %dma_start3A_972 = arith.constant 0 : i32
          %dma_start3A_973 = arith.constant 0 : i32
          %dma_start3A_974 = tpu.memref_slice %arg4[%squeeze3A_967, %dma_start3A_972, %dma_start3A_973] : memref<125000x8x32xf32, #tpu.memory_space<hbm>> -> memref<1x8x32xf32, #tpu.memory_space<hbm>>
          %dma_start3A_975 = arith.constant 2 : i32
          %dma_start3A_976 = arith.constant 0 : i32
          %dma_start3A_977 = arith.constant 0 : i32
          %dma_start3A_978 = tpu.memref_slice %arg10[%dma_start3A_975, %dma_start3A_976, %dma_start3A_977] : memref<32x8x32xf32, #tpu.memory_space<vmem>> -> memref<1x8x32xf32, #tpu.memory_space<vmem>>
          %dma_start3A_979 = arith.constant 0 : i32
          %dma_start3A_980 = arith.constant 0 : i32
          %dma_start3A_981 = tpu.memref_slice %arg4[%squeeze3A_967, %dma_start3A_979, %dma_start3A_980] : memref<125000x8x32xf32, #tpu.memory_space<hbm>> -> memref<1x8x32xf32, #tpu.memory_space<hbm>>
          tpu.enqueue_dma source(%dma_start3A_981 : memref<1x8x32xf32, #tpu.memory_space<hbm>>) target(%dma_start3A_978 : memref<1x8x32xf32, #tpu.memory_space<vmem>>) target_semaphore(%arg12 : memref<!tpu.dma_semaphore, #tpu.memory_space<semaphore_mem>>)
          %slice3A_982 = vector.extract_strided_slice %get3A_933 {offsets = [3], sizes = [1], strides = [1]} : vector<16xi32> to vector<1xi32>
          %squeeze3A_983 = vector.extract %slice3A_982[0] : i32 from vector<1xi32>
          %dma_start3A_984 = arith.constant 3 : i32
          %dma_start3A_985 = arith.constant 0 : i32
          %dma_start3A_986 = arith.constant 0 : i32
          %dma_start3A_987 = tpu.memref_slice %arg10[%dma_start3A_984, %dma_start3A_985, %dma_start3A_986] : memref<32x8x32xf32, #tpu.memory_space<vmem>> -> memref<1x8x32xf32, #tpu.memory_space<vmem>>
          %dma_start3A_988 = arith.constant 0 : i32
          %dma_start3A_989 = arith.constant 0 : i32
          %dma_start3A_990 = tpu.memref_slice %arg4[%squeeze3A_983, %dma_start3A_988, %dma_start3A_989] : memref<125000x8x32xf32, #tpu.memory_space<hbm>> -> memref<1x8x32xf32, #tpu.memory_space<hbm>>
          %dma_start3A_991 = arith.constant 3 : i32
          %dma_start3A_992 = arith.constant 0 : i32
          %dma_start3A_993 = arith.constant 0 : i32
          %dma_start3A_994 = tpu.memref_slice %arg10[%dma_start3A_991, %dma_start3A_992, %dma_start3A_993] : memref<32x8x32xf32, #tpu.memory_space<vmem>> -> memref<1x8x32xf32, #tpu.memory_space<vmem>>
          %dma_start3A_995 = arith.constant 0 : i32
          %dma_start3A_996 = arith.constant 0 : i32
          %dma_start3A_997 = tpu.memref_slice %arg4[%squeeze3A_983, %dma_start3A_995, %dma_start3A_996] : memref<125000x8x32xf32, #tpu.memory_space<hbm>> -> memref<1x8x32xf32, #tpu.memory_space<hbm>>
          tpu.enqueue_dma source(%dma_start3A_997 : memref<1x8x32xf32, #tpu.memory_space<hbm>>) target(%dma_start3A_994 : memref<1x8x32xf32, #tpu.memory_space<vmem>>) target_semaphore(%arg12 : memref<!tpu.dma_semaphore, #tpu.memory_space<semaphore_mem>>)
          %slice3A_998 = vector.extract_strided_slice %get3A_933 {offsets = [4], sizes = [1], strides = [1]} : vector<16xi32> to vector<1xi32>
          %squeeze3A_999 = vector.extract %slice3A_998[0] : i32 from vector<1xi32>
          %dma_start3A_1000 = arith.constant 4 : i32
          %dma_start3A_1001 = arith.constant 0 : i32
          %dma_start3A_1002 = arith.constant 0 : i32
          %dma_start3A_1003 = tpu.memref_slice %arg10[%dma_start3A_1000, %dma_start3A_1001, %dma_start3A_1002] : memref<32x8x32xf32, #tpu.memory_space<vmem>> -> memref<1x8x32xf32, #tpu.memory_space<vmem>>
          %dma_start3A_1004 = arith.constant 0 : i32
          %dma_start3A_1005 = arith.constant 0 : i32
          %dma_start3A_1006 = tpu.memref_slice %arg4[%squeeze3A_999, %dma_start3A_1004, %dma_start3A_1005] : memref<125000x8x32xf32, #tpu.memory_space<hbm>> -> memref<1x8x32xf32, #tpu.memory_space<hbm>>
          %dma_start3A_1007 = arith.constant 4 : i32
          %dma_start3A_1008 = arith.constant 0 : i32
          %dma_start3A_1009 = arith.constant 0 : i32
          %dma_start3A_1010 = tpu.memref_slice %arg10[%dma_start3A_1007, %dma_start3A_1008, %dma_start3A_1009] : memref<32x8x32xf32, #tpu.memory_space<vmem>> -> memref<1x8x32xf32, #tpu.memory_space<vmem>>
          %dma_start3A_1011 = arith.constant 0 : i32
          %dma_start3A_1012 = arith.constant 0 : i32
          %dma_start3A_1013 = tpu.memref_slice %arg4[%squeeze3A_999, %dma_start3A_1011, %dma_start3A_1012] : memref<125000x8x32xf32, #tpu.memory_space<hbm>> -> memref<1x8x32xf32, #tpu.memory_space<hbm>>
          tpu.enqueue_dma source(%dma_start3A_1013 : memref<1x8x32xf32, #tpu.memory_space<hbm>>) target(%dma_start3A_1010 : memref<1x8x32xf32, #tpu.memory_space<vmem>>) target_semaphore(%arg12 : memref<!tpu.dma_semaphore, #tpu.memory_space<semaphore_mem>>)
          %slice3A_1014 = vector.extract_strided_slice %get3A_933 {offsets = [5], sizes = [1], strides = [1]} : vector<16xi32> to vector<1xi32>
          %squeeze3A_1015 = vector.extract %slice3A_1014[0] : i32 from vector<1xi32>
          %dma_start3A_1016 = arith.constant 5 : i32
          %dma_start3A_1017 = arith.constant 0 : i32
          %dma_start3A_1018 = arith.constant 0 : i32
          %dma_start3A_1019 = tpu.memref_slice %arg10[%dma_start3A_1016, %dma_start3A_1017, %dma_start3A_1018] : memref<32x8x32xf32, #tpu.memory_space<vmem>> -> memref<1x8x32xf32, #tpu.memory_space<vmem>>
          %dma_start3A_1020 = arith.constant 0 : i32
          %dma_start3A_1021 = arith.constant 0 : i32
          %dma_start3A_1022 = tpu.memref_slice %arg4[%squeeze3A_1015, %dma_start3A_1020, %dma_start3A_1021] : memref<125000x8x32xf32, #tpu.memory_space<hbm>> -> memref<1x8x32xf32, #tpu.memory_space<hbm>>
          %dma_start3A_1023 = arith.constant 5 : i32
          %dma_start3A_1024 = arith.constant 0 : i32
          %dma_start3A_1025 = arith.constant 0 : i32
          %dma_start3A_1026 = tpu.memref_slice %arg10[%dma_start3A_1023, %dma_start3A_1024, %dma_start3A_1025] : memref<32x8x32xf32, #tpu.memory_space<vmem>> -> memref<1x8x32xf32, #tpu.memory_space<vmem>>
          %dma_start3A_1027 = arith.constant 0 : i32
          %dma_start3A_1028 = arith.constant 0 : i32
          %dma_start3A_1029 = tpu.memref_slice %arg4[%squeeze3A_1015, %dma_start3A_1027, %dma_start3A_1028] : memref<125000x8x32xf32, #tpu.memory_space<hbm>> -> memref<1x8x32xf32, #tpu.memory_space<hbm>>
          tpu.enqueue_dma source(%dma_start3A_1029 : memref<1x8x32xf32, #tpu.memory_space<hbm>>) target(%dma_start3A_1026 : memref<1x8x32xf32, #tpu.memory_space<vmem>>) target_semaphore(%arg12 : memref<!tpu.dma_semaphore, #tpu.memory_space<semaphore_mem>>)
          %slice3A_1030 = vector.extract_strided_slice %get3A_933 {offsets = [6], sizes = [1], strides = [1]} : vector<16xi32> to vector<1xi32>
          %squeeze3A_1031 = vector.extract %slice3A_1030[0] : i32 from vector<1xi32>
          %dma_start3A_1032 = arith.constant 6 : i32
          %dma_start3A_1033 = arith.constant 0 : i32
          %dma_start3A_1034 = arith.constant 0 : i32
          %dma_start3A_1035 = tpu.memref_slice %arg10[%dma_start3A_1032, %dma_start3A_1033, %dma_start3A_1034] : memref<32x8x32xf32, #tpu.memory_space<vmem>> -> memref<1x8x32xf32, #tpu.memory_space<vmem>>
          %dma_start3A_1036 = arith.constant 0 : i32
          %dma_start3A_1037 = arith.constant 0 : i32
          %dma_start3A_1038 = tpu.memref_slice %arg4[%squeeze3A_1031, %dma_start3A_1036, %dma_start3A_1037] : memref<125000x8x32xf32, #tpu.memory_space<hbm>> -> memref<1x8x32xf32, #tpu.memory_space<hbm>>
          %dma_start3A_1039 = arith.constant 6 : i32
          %dma_start3A_1040 = arith.constant 0 : i32
          %dma_start3A_1041 = arith.constant 0 : i32
          %dma_start3A_1042 = tpu.memref_slice %arg10[%dma_start3A_1039, %dma_start3A_1040, %dma_start3A_1041] : memref<32x8x32xf32, #tpu.memory_space<vmem>> -> memref<1x8x32xf32, #tpu.memory_space<vmem>>
          %dma_start3A_1043 = arith.constant 0 : i32
          %dma_start3A_1044 = arith.constant 0 : i32
          %dma_start3A_1045 = tpu.memref_slice %arg4[%squeeze3A_1031, %dma_start3A_1043, %dma_start3A_1044] : memref<125000x8x32xf32, #tpu.memory_space<hbm>> -> memref<1x8x32xf32, #tpu.memory_space<hbm>>
          tpu.enqueue_dma source(%dma_start3A_1045 : memref<1x8x32xf32, #tpu.memory_space<hbm>>) target(%dma_start3A_1042 : memref<1x8x32xf32, #tpu.memory_space<vmem>>) target_semaphore(%arg12 : memref<!tpu.dma_semaphore, #tpu.memory_space<semaphore_mem>>)
          %slice3A_1046 = vector.extract_strided_slice %get3A_933 {offsets = [7], sizes = [1], strides = [1]} : vector<16xi32> to vector<1xi32>
          %squeeze3A_1047 = vector.extract %slice3A_1046[0] : i32 from vector<1xi32>
          %dma_start3A_1048 = arith.constant 7 : i32
          %dma_start3A_1049 = arith.constant 0 : i32
          %dma_start3A_1050 = arith.constant 0 : i32
          %dma_start3A_1051 = tpu.memref_slice %arg10[%dma_start3A_1048, %dma_start3A_1049, %dma_start3A_1050] : memref<32x8x32xf32, #tpu.memory_space<vmem>> -> memref<1x8x32xf32, #tpu.memory_space<vmem>>
          %dma_start3A_1052 = arith.constant 0 : i32
          %dma_start3A_1053 = arith.constant 0 : i32
          %dma_start3A_1054 = tpu.memref_slice %arg4[%squeeze3A_1047, %dma_start3A_1052, %dma_start3A_1053] : memref<125000x8x32xf32, #tpu.memory_space<hbm>> -> memref<1x8x32xf32, #tpu.memory_space<hbm>>
          %dma_start3A_1055 = arith.constant 7 : i32
          %dma_start3A_1056 = arith.constant 0 : i32
          %dma_start3A_1057 = arith.constant 0 : i32
          %dma_start3A_1058 = tpu.memref_slice %arg10[%dma_start3A_1055, %dma_start3A_1056, %dma_start3A_1057] : memref<32x8x32xf32, #tpu.memory_space<vmem>> -> memref<1x8x32xf32, #tpu.memory_space<vmem>>
          %dma_start3A_1059 = arith.constant 0 : i32
          %dma_start3A_1060 = arith.constant 0 : i32
          %dma_start3A_1061 = tpu.memref_slice %arg4[%squeeze3A_1047, %dma_start3A_1059, %dma_start3A_1060] : memref<125000x8x32xf32, #tpu.memory_space<hbm>> -> memref<1x8x32xf32, #tpu.memory_space<hbm>>
          tpu.enqueue_dma source(%dma_start3A_1061 : memref<1x8x32xf32, #tpu.memory_space<hbm>>) target(%dma_start3A_1058 : memref<1x8x32xf32, #tpu.memory_space<vmem>>) target_semaphore(%arg12 : memref<!tpu.dma_semaphore, #tpu.memory_space<semaphore_mem>>)
          %slice3A_1062 = vector.extract_strided_slice %get3A_933 {offsets = [8], sizes = [1], strides = [1]} : vector<16xi32> to vector<1xi32>
          %squeeze3A_1063 = vector.extract %slice3A_1062[0] : i32 from vector<1xi32>
          %dma_start3A_1064 = arith.constant 8 : i32
          %dma_start3A_1065 = arith.constant 0 : i32
          %dma_start3A_1066 = arith.constant 0 : i32
          %dma_start3A_1067 = tpu.memref_slice %arg10[%dma_start3A_1064, %dma_start3A_1065, %dma_start3A_1066] : memref<32x8x32xf32, #tpu.memory_space<vmem>> -> memref<1x8x32xf32, #tpu.memory_space<vmem>>
          %dma_start3A_1068 = arith.constant 0 : i32
          %dma_start3A_1069 = arith.constant 0 : i32
          %dma_start3A_1070 = tpu.memref_slice %arg4[%squeeze3A_1063, %dma_start3A_1068, %dma_start3A_1069] : memref<125000x8x32xf32, #tpu.memory_space<hbm>> -> memref<1x8x32xf32, #tpu.memory_space<hbm>>
          %dma_start3A_1071 = arith.constant 8 : i32
          %dma_start3A_1072 = arith.constant 0 : i32
          %dma_start3A_1073 = arith.constant 0 : i32
          %dma_start3A_1074 = tpu.memref_slice %arg10[%dma_start3A_1071, %dma_start3A_1072, %dma_start3A_1073] : memref<32x8x32xf32, #tpu.memory_space<vmem>> -> memref<1x8x32xf32, #tpu.memory_space<vmem>>
          %dma_start3A_1075 = arith.constant 0 : i32
          %dma_start3A_1076 = arith.constant 0 : i32
          %dma_start3A_1077 = tpu.memref_slice %arg4[%squeeze3A_1063, %dma_start3A_1075, %dma_start3A_1076] : memref<125000x8x32xf32, #tpu.memory_space<hbm>> -> memref<1x8x32xf32, #tpu.memory_space<hbm>>
          tpu.enqueue_dma source(%dma_start3A_1077 : memref<1x8x32xf32, #tpu.memory_space<hbm>>) target(%dma_start3A_1074 : memref<1x8x32xf32, #tpu.memory_space<vmem>>) target_semaphore(%arg12 : memref<!tpu.dma_semaphore, #tpu.memory_space<semaphore_mem>>)
          %slice3A_1078 = vector.extract_strided_slice %get3A_933 {offsets = [9], sizes = [1], strides = [1]} : vector<16xi32> to vector<1xi32>
          %squeeze3A_1079 = vector.extract %slice3A_1078[0] : i32 from vector<1xi32>
          %dma_start3A_1080 = arith.constant 9 : i32
          %dma_start3A_1081 = arith.constant 0 : i32
          %dma_start3A_1082 = arith.constant 0 : i32
          %dma_start3A_1083 = tpu.memref_slice %arg10[%dma_start3A_1080, %dma_start3A_1081, %dma_start3A_1082] : memref<32x8x32xf32, #tpu.memory_space<vmem>> -> memref<1x8x32xf32, #tpu.memory_space<vmem>>
          %dma_start3A_1084 = arith.constant 0 : i32
          %dma_start3A_1085 = arith.constant 0 : i32
          %dma_start3A_1086 = tpu.memref_slice %arg4[%squeeze3A_1079, %dma_start3A_1084, %dma_start3A_1085] : memref<125000x8x32xf32, #tpu.memory_space<hbm>> -> memref<1x8x32xf32, #tpu.memory_space<hbm>>
          %dma_start3A_1087 = arith.constant 9 : i32
          %dma_start3A_1088 = arith.constant 0 : i32
          %dma_start3A_1089 = arith.constant 0 : i32
          %dma_start3A_1090 = tpu.memref_slice %arg10[%dma_start3A_1087, %dma_start3A_1088, %dma_start3A_1089] : memref<32x8x32xf32, #tpu.memory_space<vmem>> -> memref<1x8x32xf32, #tpu.memory_space<vmem>>
          %dma_start3A_1091 = arith.constant 0 : i32
          %dma_start3A_1092 = arith.constant 0 : i32
          %dma_start3A_1093 = tpu.memref_slice %arg4[%squeeze3A_1079, %dma_start3A_1091, %dma_start3A_1092] : memref<125000x8x32xf32, #tpu.memory_space<hbm>> -> memref<1x8x32xf32, #tpu.memory_space<hbm>>
          tpu.enqueue_dma source(%dma_start3A_1093 : memref<1x8x32xf32, #tpu.memory_space<hbm>>) target(%dma_start3A_1090 : memref<1x8x32xf32, #tpu.memory_space<vmem>>) target_semaphore(%arg12 : memref<!tpu.dma_semaphore, #tpu.memory_space<semaphore_mem>>)
          %slice3A_1094 = vector.extract_strided_slice %get3A_933 {offsets = [10], sizes = [1], strides = [1]} : vector<16xi32> to vector<1xi32>
          %squeeze3A_1095 = vector.extract %slice3A_1094[0] : i32 from vector<1xi32>
          %dma_start3A_1096 = arith.constant 10 : i32
          %dma_start3A_1097 = arith.constant 0 : i32
          %dma_start3A_1098 = arith.constant 0 : i32
          %dma_start3A_1099 = tpu.memref_slice %arg10[%dma_start3A_1096, %dma_start3A_1097, %dma_start3A_1098] : memref<32x8x32xf32, #tpu.memory_space<vmem>> -> memref<1x8x32xf32, #tpu.memory_space<vmem>>
          %dma_start3A_1100 = arith.constant 0 : i32
          %dma_start3A_1101 = arith.constant 0 : i32
          %dma_start3A_1102 = tpu.memref_slice %arg4[%squeeze3A_1095, %dma_start3A_1100, %dma_start3A_1101] : memref<125000x8x32xf32, #tpu.memory_space<hbm>> -> memref<1x8x32xf32, #tpu.memory_space<hbm>>
          %dma_start3A_1103 = arith.constant 10 : i32
          %dma_start3A_1104 = arith.constant 0 : i32
          %dma_start3A_1105 = arith.constant 0 : i32
          %dma_start3A_1106 = tpu.memref_slice %arg10[%dma_start3A_1103, %dma_start3A_1104, %dma_start3A_1105] : memref<32x8x32xf32, #tpu.memory_space<vmem>> -> memref<1x8x32xf32, #tpu.memory_space<vmem>>
          %dma_start3A_1107 = arith.constant 0 : i32
          %dma_start3A_1108 = arith.constant 0 : i32
          %dma_start3A_1109 = tpu.memref_slice %arg4[%squeeze3A_1095, %dma_start3A_1107, %dma_start3A_1108] : memref<125000x8x32xf32, #tpu.memory_space<hbm>> -> memref<1x8x32xf32, #tpu.memory_space<hbm>>
          tpu.enqueue_dma source(%dma_start3A_1109 : memref<1x8x32xf32, #tpu.memory_space<hbm>>) target(%dma_start3A_1106 : memref<1x8x32xf32, #tpu.memory_space<vmem>>) target_semaphore(%arg12 : memref<!tpu.dma_semaphore, #tpu.memory_space<semaphore_mem>>)
          %slice3A_1110 = vector.extract_strided_slice %get3A_933 {offsets = [11], sizes = [1], strides = [1]} : vector<16xi32> to vector<1xi32>
          %squeeze3A_1111 = vector.extract %slice3A_1110[0] : i32 from vector<1xi32>
          %dma_start3A_1112 = arith.constant 11 : i32
          %dma_start3A_1113 = arith.constant 0 : i32
          %dma_start3A_1114 = arith.constant 0 : i32
          %dma_start3A_1115 = tpu.memref_slice %arg10[%dma_start3A_1112, %dma_start3A_1113, %dma_start3A_1114] : memref<32x8x32xf32, #tpu.memory_space<vmem>> -> memref<1x8x32xf32, #tpu.memory_space<vmem>>
          %dma_start3A_1116 = arith.constant 0 : i32
          %dma_start3A_1117 = arith.constant 0 : i32
          %dma_start3A_1118 = tpu.memref_slice %arg4[%squeeze3A_1111, %dma_start3A_1116, %dma_start3A_1117] : memref<125000x8x32xf32, #tpu.memory_space<hbm>> -> memref<1x8x32xf32, #tpu.memory_space<hbm>>
          %dma_start3A_1119 = arith.constant 11 : i32
          %dma_start3A_1120 = arith.constant 0 : i32
          %dma_start3A_1121 = arith.constant 0 : i32
          %dma_start3A_1122 = tpu.memref_slice %arg10[%dma_start3A_1119, %dma_start3A_1120, %dma_start3A_1121] : memref<32x8x32xf32, #tpu.memory_space<vmem>> -> memref<1x8x32xf32, #tpu.memory_space<vmem>>
          %dma_start3A_1123 = arith.constant 0 : i32
          %dma_start3A_1124 = arith.constant 0 : i32
          %dma_start3A_1125 = tpu.memref_slice %arg4[%squeeze3A_1111, %dma_start3A_1123, %dma_start3A_1124] : memref<125000x8x32xf32, #tpu.memory_space<hbm>> -> memref<1x8x32xf32, #tpu.memory_space<hbm>>
          tpu.enqueue_dma source(%dma_start3A_1125 : memref<1x8x32xf32, #tpu.memory_space<hbm>>) target(%dma_start3A_1122 : memref<1x8x32xf32, #tpu.memory_space<vmem>>) target_semaphore(%arg12 : memref<!tpu.dma_semaphore, #tpu.memory_space<semaphore_mem>>)
          %slice3A_1126 = vector.extract_strided_slice %get3A_933 {offsets = [12], sizes = [1], strides = [1]} : vector<16xi32> to vector<1xi32>
          %squeeze3A_1127 = vector.extract %slice3A_1126[0] : i32 from vector<1xi32>
          %dma_start3A_1128 = arith.constant 12 : i32
          %dma_start3A_1129 = arith.constant 0 : i32
          %dma_start3A_1130 = arith.constant 0 : i32
          %dma_start3A_1131 = tpu.memref_slice %arg10[%dma_start3A_1128, %dma_start3A_1129, %dma_start3A_1130] : memref<32x8x32xf32, #tpu.memory_space<vmem>> -> memref<1x8x32xf32, #tpu.memory_space<vmem>>
          %dma_start3A_1132 = arith.constant 0 : i32
          %dma_start3A_1133 = arith.constant 0 : i32
          %dma_start3A_1134 = tpu.memref_slice %arg4[%squeeze3A_1127, %dma_start3A_1132, %dma_start3A_1133] : memref<125000x8x32xf32, #tpu.memory_space<hbm>> -> memref<1x8x32xf32, #tpu.memory_space<hbm>>
          %dma_start3A_1135 = arith.constant 12 : i32
          %dma_start3A_1136 = arith.constant 0 : i32
          %dma_start3A_1137 = arith.constant 0 : i32
          %dma_start3A_1138 = tpu.memref_slice %arg10[%dma_start3A_1135, %dma_start3A_1136, %dma_start3A_1137] : memref<32x8x32xf32, #tpu.memory_space<vmem>> -> memref<1x8x32xf32, #tpu.memory_space<vmem>>
          %dma_start3A_1139 = arith.constant 0 : i32
          %dma_start3A_1140 = arith.constant 0 : i32
          %dma_start3A_1141 = tpu.memref_slice %arg4[%squeeze3A_1127, %dma_start3A_1139, %dma_start3A_1140] : memref<125000x8x32xf32, #tpu.memory_space<hbm>> -> memref<1x8x32xf32, #tpu.memory_space<hbm>>
          tpu.enqueue_dma source(%dma_start3A_1141 : memref<1x8x32xf32, #tpu.memory_space<hbm>>) target(%dma_start3A_1138 : memref<1x8x32xf32, #tpu.memory_space<vmem>>) target_semaphore(%arg12 : memref<!tpu.dma_semaphore, #tpu.memory_space<semaphore_mem>>)
          %slice3A_1142 = vector.extract_strided_slice %get3A_933 {offsets = [13], sizes = [1], strides = [1]} : vector<16xi32> to vector<1xi32>
          %squeeze3A_1143 = vector.extract %slice3A_1142[0] : i32 from vector<1xi32>
          %dma_start3A_1144 = arith.constant 13 : i32
          %dma_start3A_1145 = arith.constant 0 : i32
          %dma_start3A_1146 = arith.constant 0 : i32
          %dma_start3A_1147 = tpu.memref_slice %arg10[%dma_start3A_1144, %dma_start3A_1145, %dma_start3A_1146] : memref<32x8x32xf32, #tpu.memory_space<vmem>> -> memref<1x8x32xf32, #tpu.memory_space<vmem>>
          %dma_start3A_1148 = arith.constant 0 : i32
          %dma_start3A_1149 = arith.constant 0 : i32
          %dma_start3A_1150 = tpu.memref_slice %arg4[%squeeze3A_1143, %dma_start3A_1148, %dma_start3A_1149] : memref<125000x8x32xf32, #tpu.memory_space<hbm>> -> memref<1x8x32xf32, #tpu.memory_space<hbm>>
          %dma_start3A_1151 = arith.constant 13 : i32
          %dma_start3A_1152 = arith.constant 0 : i32
          %dma_start3A_1153 = arith.constant 0 : i32
          %dma_start3A_1154 = tpu.memref_slice %arg10[%dma_start3A_1151, %dma_start3A_1152, %dma_start3A_1153] : memref<32x8x32xf32, #tpu.memory_space<vmem>> -> memref<1x8x32xf32, #tpu.memory_space<vmem>>
          %dma_start3A_1155 = arith.constant 0 : i32
          %dma_start3A_1156 = arith.constant 0 : i32
          %dma_start3A_1157 = tpu.memref_slice %arg4[%squeeze3A_1143, %dma_start3A_1155, %dma_start3A_1156] : memref<125000x8x32xf32, #tpu.memory_space<hbm>> -> memref<1x8x32xf32, #tpu.memory_space<hbm>>
          tpu.enqueue_dma source(%dma_start3A_1157 : memref<1x8x32xf32, #tpu.memory_space<hbm>>) target(%dma_start3A_1154 : memref<1x8x32xf32, #tpu.memory_space<vmem>>) target_semaphore(%arg12 : memref<!tpu.dma_semaphore, #tpu.memory_space<semaphore_mem>>)
          %slice3A_1158 = vector.extract_strided_slice %get3A_933 {offsets = [14], sizes = [1], strides = [1]} : vector<16xi32> to vector<1xi32>
          %squeeze3A_1159 = vector.extract %slice3A_1158[0] : i32 from vector<1xi32>
          %dma_start3A_1160 = arith.constant 14 : i32
          %dma_start3A_1161 = arith.constant 0 : i32
          %dma_start3A_1162 = arith.constant 0 : i32
          %dma_start3A_1163 = tpu.memref_slice %arg10[%dma_start3A_1160, %dma_start3A_1161, %dma_start3A_1162] : memref<32x8x32xf32, #tpu.memory_space<vmem>> -> memref<1x8x32xf32, #tpu.memory_space<vmem>>
          %dma_start3A_1164 = arith.constant 0 : i32
          %dma_start3A_1165 = arith.constant 0 : i32
          %dma_start3A_1166 = tpu.memref_slice %arg4[%squeeze3A_1159, %dma_start3A_1164, %dma_start3A_1165] : memref<125000x8x32xf32, #tpu.memory_space<hbm>> -> memref<1x8x32xf32, #tpu.memory_space<hbm>>
          %dma_start3A_1167 = arith.constant 14 : i32
          %dma_start3A_1168 = arith.constant 0 : i32
          %dma_start3A_1169 = arith.constant 0 : i32
          %dma_start3A_1170 = tpu.memref_slice %arg10[%dma_start3A_1167, %dma_start3A_1168, %dma_start3A_1169] : memref<32x8x32xf32, #tpu.memory_space<vmem>> -> memref<1x8x32xf32, #tpu.memory_space<vmem>>
          %dma_start3A_1171 = arith.constant 0 : i32
          %dma_start3A_1172 = arith.constant 0 : i32
          %dma_start3A_1173 = tpu.memref_slice %arg4[%squeeze3A_1159, %dma_start3A_1171, %dma_start3A_1172] : memref<125000x8x32xf32, #tpu.memory_space<hbm>> -> memref<1x8x32xf32, #tpu.memory_space<hbm>>
          tpu.enqueue_dma source(%dma_start3A_1173 : memref<1x8x32xf32, #tpu.memory_space<hbm>>) target(%dma_start3A_1170 : memref<1x8x32xf32, #tpu.memory_space<vmem>>) target_semaphore(%arg12 : memref<!tpu.dma_semaphore, #tpu.memory_space<semaphore_mem>>)
          %slice3A_1174 = vector.extract_strided_slice %get3A_933 {offsets = [15], sizes = [1], strides = [1]} : vector<16xi32> to vector<1xi32>
          %squeeze3A_1175 = vector.extract %slice3A_1174[0] : i32 from vector<1xi32>
          %dma_start3A_1176 = arith.constant 15 : i32
          %dma_start3A_1177 = arith.constant 0 : i32
          %dma_start3A_1178 = arith.constant 0 : i32
          %dma_start3A_1179 = tpu.memref_slice %arg10[%dma_start3A_1176, %dma_start3A_1177, %dma_start3A_1178] : memref<32x8x32xf32, #tpu.memory_space<vmem>> -> memref<1x8x32xf32, #tpu.memory_space<vmem>>
          %dma_start3A_1180 = arith.constant 0 : i32
          %dma_start3A_1181 = arith.constant 0 : i32
          %dma_start3A_1182 = tpu.memref_slice %arg4[%squeeze3A_1175, %dma_start3A_1180, %dma_start3A_1181] : memref<125000x8x32xf32, #tpu.memory_space<hbm>> -> memref<1x8x32xf32, #tpu.memory_space<hbm>>
          %dma_start3A_1183 = arith.constant 15 : i32
          %dma_start3A_1184 = arith.constant 0 : i32
          %dma_start3A_1185 = arith.constant 0 : i32
          %dma_start3A_1186 = tpu.memref_slice %arg10[%dma_start3A_1183, %dma_start3A_1184, %dma_start3A_1185] : memref<32x8x32xf32, #tpu.memory_space<vmem>> -> memref<1x8x32xf32, #tpu.memory_space<vmem>>
          %dma_start3A_1187 = arith.constant 0 : i32
          %dma_start3A_1188 = arith.constant 0 : i32
          %dma_start3A_1189 = tpu.memref_slice %arg4[%squeeze3A_1175, %dma_start3A_1187, %dma_start3A_1188] : memref<125000x8x32xf32, #tpu.memory_space<hbm>> -> memref<1x8x32xf32, #tpu.memory_space<hbm>>
          tpu.enqueue_dma source(%dma_start3A_1189 : memref<1x8x32xf32, #tpu.memory_space<hbm>>) target(%dma_start3A_1186 : memref<1x8x32xf32, #tpu.memory_space<vmem>>) target_semaphore(%arg12 : memref<!tpu.dma_semaphore, #tpu.memory_space<semaphore_mem>>)
        }
      } else {
      }
      %rem3A = arith.constant 2 : i32
      %rem3A_912 = arith.remsi %scan3A_907, %rem3A : i32
      %clamp3A = arith.constant 0 : i32
      %clamp3A_913 = arith.constant 1 : i32
      %clamp3A_914 = arith.maxsi %rem3A_912, %clamp3A : i32
      %clamp3A_915 = arith.minsi %clamp3A_914, %clamp3A_913 : i32
      %cond3A_916 = arith.constant 0 : i32
      %cond3A_917 = arith.cmpi ne, %clamp3A_915, %cond3A_916 : i32
      scf.if %cond3A_917 {
        %dma_wait3A = arith.constant 16 : i32
        %dma_wait3A_918 = arith.constant 0 : i32
        %dma_wait3A_919 = arith.constant 0 : i32
        %dma_wait3A_920 = tpu.memref_slice %arg10[%dma_wait3A, %dma_wait3A_918, %dma_wait3A_919] : memref<32x8x32xf32, #tpu.memory_space<vmem>> -> memref<1x8x32xf32, #tpu.memory_space<vmem>>
        %dma_wait3A_921 = arith.constant 0 : i32
        %dma_wait3A_922 = arith.constant 0 : i32
        %dma_wait3A_923 = arith.constant 0 : i32
        %dma_wait3A_924 = tpu.memref_slice %arg4[%dma_wait3A_921, %dma_wait3A_922, %dma_wait3A_923] : memref<125000x8x32xf32, #tpu.memory_space<hbm>> -> memref<1x8x32xf32, #tpu.memory_space<hbm>>
        %dma_wait3A_925 = arith.constant 16 : i32
        %dma_wait3A_926 = arith.constant 0 : i32
        %dma_wait3A_927 = arith.constant 0 : i32
        %dma_wait3A_928 = tpu.memref_slice %arg10[%dma_wait3A_925, %dma_wait3A_926, %dma_wait3A_927] : memref<32x8x32xf32, #tpu.memory_space<vmem>> -> memref<1x8x32xf32, #tpu.memory_space<vmem>>
        %dma_wait3A_929 = arith.constant 0 : i32
        %dma_wait3A_930 = arith.constant 0 : i32
        %dma_wait3A_931 = arith.constant 0 : i32
        %dma_wait3A_932 = tpu.memref_slice %arg4[%dma_wait3A_929, %dma_wait3A_930, %dma_wait3A_931] : memref<125000x8x32xf32, #tpu.memory_space<hbm>> -> memref<1x8x32xf32, #tpu.memory_space<hbm>>
        tpu.wait_dma2 semaphore(%arg13 : memref<!tpu.dma_semaphore, #tpu.memory_space<semaphore_mem>>) src(%dma_wait3A_932 : memref<1x8x32xf32, #tpu.memory_space<hbm>>) dst(%dma_wait3A_928 : memref<1x8x32xf32, #tpu.memory_space<vmem>>)
        %dma_wait3A_933 = arith.constant 17 : i32
        %dma_wait3A_934 = arith.constant 0 : i32
        %dma_wait3A_935 = arith.constant 0 : i32
        %dma_wait3A_936 = tpu.memref_slice %arg10[%dma_wait3A_933, %dma_wait3A_934, %dma_wait3A_935] : memref<32x8x32xf32, #tpu.memory_space<vmem>> -> memref<1x8x32xf32, #tpu.memory_space<vmem>>
        %dma_wait3A_937 = arith.constant 0 : i32
        %dma_wait3A_938 = arith.constant 0 : i32
        %dma_wait3A_939 = arith.constant 0 : i32
        %dma_wait3A_940 = tpu.memref_slice %arg4[%dma_wait3A_937, %dma_wait3A_938, %dma_wait3A_939] : memref<125000x8x32xf32, #tpu.memory_space<hbm>> -> memref<1x8x32xf32, #tpu.memory_space<hbm>>
        %dma_wait3A_941 = arith.constant 17 : i32
        %dma_wait3A_942 = arith.constant 0 : i32
        %dma_wait3A_943 = arith.constant 0 : i32
        %dma_wait3A_944 = tpu.memref_slice %arg10[%dma_wait3A_941, %dma_wait3A_942, %dma_wait3A_943] : memref<32x8x32xf32, #tpu.memory_space<vmem>> -> memref<1x8x32xf32, #tpu.memory_space<vmem>>
        %dma_wait3A_945 = arith.constant 0 : i32
        %dma_wait3A_946 = arith.constant 0 : i32
        %dma_wait3A_947 = arith.constant 0 : i32
        %dma_wait3A_948 = tpu.memref_slice %arg4[%dma_wait3A_945, %dma_wait3A_946, %dma_wait3A_947] : memref<125000x8x32xf32, #tpu.memory_space<hbm>> -> memref<1x8x32xf32, #tpu.memory_space<hbm>>
        tpu.wait_dma2 semaphore(%arg13 : memref<!tpu.dma_semaphore, #tpu.memory_space<semaphore_mem>>) src(%dma_wait3A_948 : memref<1x8x32xf32, #tpu.memory_space<hbm>>) dst(%dma_wait3A_944 : memref<1x8x32xf32, #tpu.memory_space<vmem>>)
        %dma_wait3A_949 = arith.constant 18 : i32
        %dma_wait3A_950 = arith.constant 0 : i32
        %dma_wait3A_951 = arith.constant 0 : i32
        %dma_wait3A_952 = tpu.memref_slice %arg10[%dma_wait3A_949, %dma_wait3A_950, %dma_wait3A_951] : memref<32x8x32xf32, #tpu.memory_space<vmem>> -> memref<1x8x32xf32, #tpu.memory_space<vmem>>
        %dma_wait3A_953 = arith.constant 0 : i32
        %dma_wait3A_954 = arith.constant 0 : i32
        %dma_wait3A_955 = arith.constant 0 : i32
        %dma_wait3A_956 = tpu.memref_slice %arg4[%dma_wait3A_953, %dma_wait3A_954, %dma_wait3A_955] : memref<125000x8x32xf32, #tpu.memory_space<hbm>> -> memref<1x8x32xf32, #tpu.memory_space<hbm>>
        %dma_wait3A_957 = arith.constant 18 : i32
        %dma_wait3A_958 = arith.constant 0 : i32
        %dma_wait3A_959 = arith.constant 0 : i32
        %dma_wait3A_960 = tpu.memref_slice %arg10[%dma_wait3A_957, %dma_wait3A_958, %dma_wait3A_959] : memref<32x8x32xf32, #tpu.memory_space<vmem>> -> memref<1x8x32xf32, #tpu.memory_space<vmem>>
        %dma_wait3A_961 = arith.constant 0 : i32
        %dma_wait3A_962 = arith.constant 0 : i32
        %dma_wait3A_963 = arith.constant 0 : i32
        %dma_wait3A_964 = tpu.memref_slice %arg4[%dma_wait3A_961, %dma_wait3A_962, %dma_wait3A_963] : memref<125000x8x32xf32, #tpu.memory_space<hbm>> -> memref<1x8x32xf32, #tpu.memory_space<hbm>>
        tpu.wait_dma2 semaphore(%arg13 : memref<!tpu.dma_semaphore, #tpu.memory_space<semaphore_mem>>) src(%dma_wait3A_964 : memref<1x8x32xf32, #tpu.memory_space<hbm>>) dst(%dma_wait3A_960 : memref<1x8x32xf32, #tpu.memory_space<vmem>>)
        %dma_wait3A_965 = arith.constant 19 : i32
        %dma_wait3A_966 = arith.constant 0 : i32
        %dma_wait3A_967 = arith.constant 0 : i32
        %dma_wait3A_968 = tpu.memref_slice %arg10[%dma_wait3A_965, %dma_wait3A_966, %dma_wait3A_967] : memref<32x8x32xf32, #tpu.memory_space<vmem>> -> memref<1x8x32xf32, #tpu.memory_space<vmem>>
        %dma_wait3A_969 = arith.constant 0 : i32
        %dma_wait3A_970 = arith.constant 0 : i32
        %dma_wait3A_971 = arith.constant 0 : i32
        %dma_wait3A_972 = tpu.memref_slice %arg4[%dma_wait3A_969, %dma_wait3A_970, %dma_wait3A_971] : memref<125000x8x32xf32, #tpu.memory_space<hbm>> -> memref<1x8x32xf32, #tpu.memory_space<hbm>>
        %dma_wait3A_973 = arith.constant 19 : i32
        %dma_wait3A_974 = arith.constant 0 : i32
        %dma_wait3A_975 = arith.constant 0 : i32
        %dma_wait3A_976 = tpu.memref_slice %arg10[%dma_wait3A_973, %dma_wait3A_974, %dma_wait3A_975] : memref<32x8x32xf32, #tpu.memory_space<vmem>> -> memref<1x8x32xf32, #tpu.memory_space<vmem>>
        %dma_wait3A_977 = arith.constant 0 : i32
        %dma_wait3A_978 = arith.constant 0 : i32
        %dma_wait3A_979 = arith.constant 0 : i32
        %dma_wait3A_980 = tpu.memref_slice %arg4[%dma_wait3A_977, %dma_wait3A_978, %dma_wait3A_979] : memref<125000x8x32xf32, #tpu.memory_space<hbm>> -> memref<1x8x32xf32, #tpu.memory_space<hbm>>
        tpu.wait_dma2 semaphore(%arg13 : memref<!tpu.dma_semaphore, #tpu.memory_space<semaphore_mem>>) src(%dma_wait3A_980 : memref<1x8x32xf32, #tpu.memory_space<hbm>>) dst(%dma_wait3A_976 : memref<1x8x32xf32, #tpu.memory_space<vmem>>)
        %dma_wait3A_981 = arith.constant 20 : i32
        %dma_wait3A_982 = arith.constant 0 : i32
        %dma_wait3A_983 = arith.constant 0 : i32
        %dma_wait3A_984 = tpu.memref_slice %arg10[%dma_wait3A_981, %dma_wait3A_982, %dma_wait3A_983] : memref<32x8x32xf32, #tpu.memory_space<vmem>> -> memref<1x8x32xf32, #tpu.memory_space<vmem>>
        %dma_wait3A_985 = arith.constant 0 : i32
        %dma_wait3A_986 = arith.constant 0 : i32
        %dma_wait3A_987 = arith.constant 0 : i32
        %dma_wait3A_988 = tpu.memref_slice %arg4[%dma_wait3A_985, %dma_wait3A_986, %dma_wait3A_987] : memref<125000x8x32xf32, #tpu.memory_space<hbm>> -> memref<1x8x32xf32, #tpu.memory_space<hbm>>
        %dma_wait3A_989 = arith.constant 20 : i32
        %dma_wait3A_990 = arith.constant 0 : i32
        %dma_wait3A_991 = arith.constant 0 : i32
        %dma_wait3A_992 = tpu.memref_slice %arg10[%dma_wait3A_989, %dma_wait3A_990, %dma_wait3A_991] : memref<32x8x32xf32, #tpu.memory_space<vmem>> -> memref<1x8x32xf32, #tpu.memory_space<vmem>>
        %dma_wait3A_993 = arith.constant 0 : i32
        %dma_wait3A_994 = arith.constant 0 : i32
        %dma_wait3A_995 = arith.constant 0 : i32
        %dma_wait3A_996 = tpu.memref_slice %arg4[%dma_wait3A_993, %dma_wait3A_994, %dma_wait3A_995] : memref<125000x8x32xf32, #tpu.memory_space<hbm>> -> memref<1x8x32xf32, #tpu.memory_space<hbm>>
        tpu.wait_dma2 semaphore(%arg13 : memref<!tpu.dma_semaphore, #tpu.memory_space<semaphore_mem>>) src(%dma_wait3A_996 : memref<1x8x32xf32, #tpu.memory_space<hbm>>) dst(%dma_wait3A_992 : memref<1x8x32xf32, #tpu.memory_space<vmem>>)
        %dma_wait3A_997 = arith.constant 21 : i32
        %dma_wait3A_998 = arith.constant 0 : i32
        %dma_wait3A_999 = arith.constant 0 : i32
        %dma_wait3A_1000 = tpu.memref_slice %arg10[%dma_wait3A_997, %dma_wait3A_998, %dma_wait3A_999] : memref<32x8x32xf32, #tpu.memory_space<vmem>> -> memref<1x8x32xf32, #tpu.memory_space<vmem>>
        %dma_wait3A_1001 = arith.constant 0 : i32
        %dma_wait3A_1002 = arith.constant 0 : i32
        %dma_wait3A_1003 = arith.constant 0 : i32
        %dma_wait3A_1004 = tpu.memref_slice %arg4[%dma_wait3A_1001, %dma_wait3A_1002, %dma_wait3A_1003] : memref<125000x8x32xf32, #tpu.memory_space<hbm>> -> memref<1x8x32xf32, #tpu.memory_space<hbm>>
        %dma_wait3A_1005 = arith.constant 21 : i32
        %dma_wait3A_1006 = arith.constant 0 : i32
        %dma_wait3A_1007 = arith.constant 0 : i32
        %dma_wait3A_1008 = tpu.memref_slice %arg10[%dma_wait3A_1005, %dma_wait3A_1006, %dma_wait3A_1007] : memref<32x8x32xf32, #tpu.memory_space<vmem>> -> memref<1x8x32xf32, #tpu.memory_space<vmem>>
        %dma_wait3A_1009 = arith.constant 0 : i32
        %dma_wait3A_1010 = arith.constant 0 : i32
        %dma_wait3A_1011 = arith.constant 0 : i32
        %dma_wait3A_1012 = tpu.memref_slice %arg4[%dma_wait3A_1009, %dma_wait3A_1010, %dma_wait3A_1011] : memref<125000x8x32xf32, #tpu.memory_space<hbm>> -> memref<1x8x32xf32, #tpu.memory_space<hbm>>
        tpu.wait_dma2 semaphore(%arg13 : memref<!tpu.dma_semaphore, #tpu.memory_space<semaphore_mem>>) src(%dma_wait3A_1012 : memref<1x8x32xf32, #tpu.memory_space<hbm>>) dst(%dma_wait3A_1008 : memref<1x8x32xf32, #tpu.memory_space<vmem>>)
        %dma_wait3A_1013 = arith.constant 22 : i32
        %dma_wait3A_1014 = arith.constant 0 : i32
        %dma_wait3A_1015 = arith.constant 0 : i32
        %dma_wait3A_1016 = tpu.memref_slice %arg10[%dma_wait3A_1013, %dma_wait3A_1014, %dma_wait3A_1015] : memref<32x8x32xf32, #tpu.memory_space<vmem>> -> memref<1x8x32xf32, #tpu.memory_space<vmem>>
        %dma_wait3A_1017 = arith.constant 0 : i32
        %dma_wait3A_1018 = arith.constant 0 : i32
        %dma_wait3A_1019 = arith.constant 0 : i32
        %dma_wait3A_1020 = tpu.memref_slice %arg4[%dma_wait3A_1017, %dma_wait3A_1018, %dma_wait3A_1019] : memref<125000x8x32xf32, #tpu.memory_space<hbm>> -> memref<1x8x32xf32, #tpu.memory_space<hbm>>
        %dma_wait3A_1021 = arith.constant 22 : i32
        %dma_wait3A_1022 = arith.constant 0 : i32
        %dma_wait3A_1023 = arith.constant 0 : i32
        %dma_wait3A_1024 = tpu.memref_slice %arg10[%dma_wait3A_1021, %dma_wait3A_1022, %dma_wait3A_1023] : memref<32x8x32xf32, #tpu.memory_space<vmem>> -> memref<1x8x32xf32, #tpu.memory_space<vmem>>
        %dma_wait3A_1025 = arith.constant 0 : i32
        %dma_wait3A_1026 = arith.constant 0 : i32
        %dma_wait3A_1027 = arith.constant 0 : i32
        %dma_wait3A_1028 = tpu.memref_slice %arg4[%dma_wait3A_1025, %dma_wait3A_1026, %dma_wait3A_1027] : memref<125000x8x32xf32, #tpu.memory_space<hbm>> -> memref<1x8x32xf32, #tpu.memory_space<hbm>>
        tpu.wait_dma2 semaphore(%arg13 : memref<!tpu.dma_semaphore, #tpu.memory_space<semaphore_mem>>) src(%dma_wait3A_1028 : memref<1x8x32xf32, #tpu.memory_space<hbm>>) dst(%dma_wait3A_1024 : memref<1x8x32xf32, #tpu.memory_space<vmem>>)
        %dma_wait3A_1029 = arith.constant 23 : i32
        %dma_wait3A_1030 = arith.constant 0 : i32
        %dma_wait3A_1031 = arith.constant 0 : i32
        %dma_wait3A_1032 = tpu.memref_slice %arg10[%dma_wait3A_1029, %dma_wait3A_1030, %dma_wait3A_1031] : memref<32x8x32xf32, #tpu.memory_space<vmem>> -> memref<1x8x32xf32, #tpu.memory_space<vmem>>
        %dma_wait3A_1033 = arith.constant 0 : i32
        %dma_wait3A_1034 = arith.constant 0 : i32
        %dma_wait3A_1035 = arith.constant 0 : i32
        %dma_wait3A_1036 = tpu.memref_slice %arg4[%dma_wait3A_1033, %dma_wait3A_1034, %dma_wait3A_1035] : memref<125000x8x32xf32, #tpu.memory_space<hbm>> -> memref<1x8x32xf32, #tpu.memory_space<hbm>>
        %dma_wait3A_1037 = arith.constant 23 : i32
        %dma_wait3A_1038 = arith.constant 0 : i32
        %dma_wait3A_1039 = arith.constant 0 : i32
        %dma_wait3A_1040 = tpu.memref_slice %arg10[%dma_wait3A_1037, %dma_wait3A_1038, %dma_wait3A_1039] : memref<32x8x32xf32, #tpu.memory_space<vmem>> -> memref<1x8x32xf32, #tpu.memory_space<vmem>>
        %dma_wait3A_1041 = arith.constant 0 : i32
        %dma_wait3A_1042 = arith.constant 0 : i32
        %dma_wait3A_1043 = arith.constant 0 : i32
        %dma_wait3A_1044 = tpu.memref_slice %arg4[%dma_wait3A_1041, %dma_wait3A_1042, %dma_wait3A_1043] : memref<125000x8x32xf32, #tpu.memory_space<hbm>> -> memref<1x8x32xf32, #tpu.memory_space<hbm>>
        tpu.wait_dma2 semaphore(%arg13 : memref<!tpu.dma_semaphore, #tpu.memory_space<semaphore_mem>>) src(%dma_wait3A_1044 : memref<1x8x32xf32, #tpu.memory_space<hbm>>) dst(%dma_wait3A_1040 : memref<1x8x32xf32, #tpu.memory_space<vmem>>)
        %dma_wait3A_1045 = arith.constant 24 : i32
        %dma_wait3A_1046 = arith.constant 0 : i32
        %dma_wait3A_1047 = arith.constant 0 : i32
        %dma_wait3A_1048 = tpu.memref_slice %arg10[%dma_wait3A_1045, %dma_wait3A_1046, %dma_wait3A_1047] : memref<32x8x32xf32, #tpu.memory_space<vmem>> -> memref<1x8x32xf32, #tpu.memory_space<vmem>>
        %dma_wait3A_1049 = arith.constant 0 : i32
        %dma_wait3A_1050 = arith.constant 0 : i32
        %dma_wait3A_1051 = arith.constant 0 : i32
        %dma_wait3A_1052 = tpu.memref_slice %arg4[%dma_wait3A_1049, %dma_wait3A_1050, %dma_wait3A_1051] : memref<125000x8x32xf32, #tpu.memory_space<hbm>> -> memref<1x8x32xf32, #tpu.memory_space<hbm>>
        %dma_wait3A_1053 = arith.constant 24 : i32
        %dma_wait3A_1054 = arith.constant 0 : i32
        %dma_wait3A_1055 = arith.constant 0 : i32
        %dma_wait3A_1056 = tpu.memref_slice %arg10[%dma_wait3A_1053, %dma_wait3A_1054, %dma_wait3A_1055] : memref<32x8x32xf32, #tpu.memory_space<vmem>> -> memref<1x8x32xf32, #tpu.memory_space<vmem>>
        %dma_wait3A_1057 = arith.constant 0 : i32
        %dma_wait3A_1058 = arith.constant 0 : i32
        %dma_wait3A_1059 = arith.constant 0 : i32
        %dma_wait3A_1060 = tpu.memref_slice %arg4[%dma_wait3A_1057, %dma_wait3A_1058, %dma_wait3A_1059] : memref<125000x8x32xf32, #tpu.memory_space<hbm>> -> memref<1x8x32xf32, #tpu.memory_space<hbm>>
        tpu.wait_dma2 semaphore(%arg13 : memref<!tpu.dma_semaphore, #tpu.memory_space<semaphore_mem>>) src(%dma_wait3A_1060 : memref<1x8x32xf32, #tpu.memory_space<hbm>>) dst(%dma_wait3A_1056 : memref<1x8x32xf32, #tpu.memory_space<vmem>>)
        %dma_wait3A_1061 = arith.constant 25 : i32
        %dma_wait3A_1062 = arith.constant 0 : i32
        %dma_wait3A_1063 = arith.constant 0 : i32
        %dma_wait3A_1064 = tpu.memref_slice %arg10[%dma_wait3A_1061, %dma_wait3A_1062, %dma_wait3A_1063] : memref<32x8x32xf32, #tpu.memory_space<vmem>> -> memref<1x8x32xf32, #tpu.memory_space<vmem>>
        %dma_wait3A_1065 = arith.constant 0 : i32
        %dma_wait3A_1066 = arith.constant 0 : i32
        %dma_wait3A_1067 = arith.constant 0 : i32
        %dma_wait3A_1068 = tpu.memref_slice %arg4[%dma_wait3A_1065, %dma_wait3A_1066, %dma_wait3A_1067] : memref<125000x8x32xf32, #tpu.memory_space<hbm>> -> memref<1x8x32xf32, #tpu.memory_space<hbm>>
        %dma_wait3A_1069 = arith.constant 25 : i32
        %dma_wait3A_1070 = arith.constant 0 : i32
        %dma_wait3A_1071 = arith.constant 0 : i32
        %dma_wait3A_1072 = tpu.memref_slice %arg10[%dma_wait3A_1069, %dma_wait3A_1070, %dma_wait3A_1071] : memref<32x8x32xf32, #tpu.memory_space<vmem>> -> memref<1x8x32xf32, #tpu.memory_space<vmem>>
        %dma_wait3A_1073 = arith.constant 0 : i32
        %dma_wait3A_1074 = arith.constant 0 : i32
        %dma_wait3A_1075 = arith.constant 0 : i32
        %dma_wait3A_1076 = tpu.memref_slice %arg4[%dma_wait3A_1073, %dma_wait3A_1074, %dma_wait3A_1075] : memref<125000x8x32xf32, #tpu.memory_space<hbm>> -> memref<1x8x32xf32, #tpu.memory_space<hbm>>
        tpu.wait_dma2 semaphore(%arg13 : memref<!tpu.dma_semaphore, #tpu.memory_space<semaphore_mem>>) src(%dma_wait3A_1076 : memref<1x8x32xf32, #tpu.memory_space<hbm>>) dst(%dma_wait3A_1072 : memref<1x8x32xf32, #tpu.memory_space<vmem>>)
        %dma_wait3A_1077 = arith.constant 26 : i32
        %dma_wait3A_1078 = arith.constant 0 : i32
        %dma_wait3A_1079 = arith.constant 0 : i32
        %dma_wait3A_1080 = tpu.memref_slice %arg10[%dma_wait3A_1077, %dma_wait3A_1078, %dma_wait3A_1079] : memref<32x8x32xf32, #tpu.memory_space<vmem>> -> memref<1x8x32xf32, #tpu.memory_space<vmem>>
        %dma_wait3A_1081 = arith.constant 0 : i32
        %dma_wait3A_1082 = arith.constant 0 : i32
        %dma_wait3A_1083 = arith.constant 0 : i32
        %dma_wait3A_1084 = tpu.memref_slice %arg4[%dma_wait3A_1081, %dma_wait3A_1082, %dma_wait3A_1083] : memref<125000x8x32xf32, #tpu.memory_space<hbm>> -> memref<1x8x32xf32, #tpu.memory_space<hbm>>
        %dma_wait3A_1085 = arith.constant 26 : i32
        %dma_wait3A_1086 = arith.constant 0 : i32
        %dma_wait3A_1087 = arith.constant 0 : i32
        %dma_wait3A_1088 = tpu.memref_slice %arg10[%dma_wait3A_1085, %dma_wait3A_1086, %dma_wait3A_1087] : memref<32x8x32xf32, #tpu.memory_space<vmem>> -> memref<1x8x32xf32, #tpu.memory_space<vmem>>
        %dma_wait3A_1089 = arith.constant 0 : i32
        %dma_wait3A_1090 = arith.constant 0 : i32
        %dma_wait3A_1091 = arith.constant 0 : i32
        %dma_wait3A_1092 = tpu.memref_slice %arg4[%dma_wait3A_1089, %dma_wait3A_1090, %dma_wait3A_1091] : memref<125000x8x32xf32, #tpu.memory_space<hbm>> -> memref<1x8x32xf32, #tpu.memory_space<hbm>>
        tpu.wait_dma2 semaphore(%arg13 : memref<!tpu.dma_semaphore, #tpu.memory_space<semaphore_mem>>) src(%dma_wait3A_1092 : memref<1x8x32xf32, #tpu.memory_space<hbm>>) dst(%dma_wait3A_1088 : memref<1x8x32xf32, #tpu.memory_space<vmem>>)
        %dma_wait3A_1093 = arith.constant 27 : i32
        %dma_wait3A_1094 = arith.constant 0 : i32
        %dma_wait3A_1095 = arith.constant 0 : i32
        %dma_wait3A_1096 = tpu.memref_slice %arg10[%dma_wait3A_1093, %dma_wait3A_1094, %dma_wait3A_1095] : memref<32x8x32xf32, #tpu.memory_space<vmem>> -> memref<1x8x32xf32, #tpu.memory_space<vmem>>
        %dma_wait3A_1097 = arith.constant 0 : i32
        %dma_wait3A_1098 = arith.constant 0 : i32
        %dma_wait3A_1099 = arith.constant 0 : i32
        %dma_wait3A_1100 = tpu.memref_slice %arg4[%dma_wait3A_1097, %dma_wait3A_1098, %dma_wait3A_1099] : memref<125000x8x32xf32, #tpu.memory_space<hbm>> -> memref<1x8x32xf32, #tpu.memory_space<hbm>>
        %dma_wait3A_1101 = arith.constant 27 : i32
        %dma_wait3A_1102 = arith.constant 0 : i32
        %dma_wait3A_1103 = arith.constant 0 : i32
        %dma_wait3A_1104 = tpu.memref_slice %arg10[%dma_wait3A_1101, %dma_wait3A_1102, %dma_wait3A_1103] : memref<32x8x32xf32, #tpu.memory_space<vmem>> -> memref<1x8x32xf32, #tpu.memory_space<vmem>>
        %dma_wait3A_1105 = arith.constant 0 : i32
        %dma_wait3A_1106 = arith.constant 0 : i32
        %dma_wait3A_1107 = arith.constant 0 : i32
        %dma_wait3A_1108 = tpu.memref_slice %arg4[%dma_wait3A_1105, %dma_wait3A_1106, %dma_wait3A_1107] : memref<125000x8x32xf32, #tpu.memory_space<hbm>> -> memref<1x8x32xf32, #tpu.memory_space<hbm>>
        tpu.wait_dma2 semaphore(%arg13 : memref<!tpu.dma_semaphore, #tpu.memory_space<semaphore_mem>>) src(%dma_wait3A_1108 : memref<1x8x32xf32, #tpu.memory_space<hbm>>) dst(%dma_wait3A_1104 : memref<1x8x32xf32, #tpu.memory_space<vmem>>)
        %dma_wait3A_1109 = arith.constant 28 : i32
        %dma_wait3A_1110 = arith.constant 0 : i32
        %dma_wait3A_1111 = arith.constant 0 : i32
        %dma_wait3A_1112 = tpu.memref_slice %arg10[%dma_wait3A_1109, %dma_wait3A_1110, %dma_wait3A_1111] : memref<32x8x32xf32, #tpu.memory_space<vmem>> -> memref<1x8x32xf32, #tpu.memory_space<vmem>>
        %dma_wait3A_1113 = arith.constant 0 : i32
        %dma_wait3A_1114 = arith.constant 0 : i32
        %dma_wait3A_1115 = arith.constant 0 : i32
        %dma_wait3A_1116 = tpu.memref_slice %arg4[%dma_wait3A_1113, %dma_wait3A_1114, %dma_wait3A_1115] : memref<125000x8x32xf32, #tpu.memory_space<hbm>> -> memref<1x8x32xf32, #tpu.memory_space<hbm>>
        %dma_wait3A_1117 = arith.constant 28 : i32
        %dma_wait3A_1118 = arith.constant 0 : i32
        %dma_wait3A_1119 = arith.constant 0 : i32
        %dma_wait3A_1120 = tpu.memref_slice %arg10[%dma_wait3A_1117, %dma_wait3A_1118, %dma_wait3A_1119] : memref<32x8x32xf32, #tpu.memory_space<vmem>> -> memref<1x8x32xf32, #tpu.memory_space<vmem>>
        %dma_wait3A_1121 = arith.constant 0 : i32
        %dma_wait3A_1122 = arith.constant 0 : i32
        %dma_wait3A_1123 = arith.constant 0 : i32
        %dma_wait3A_1124 = tpu.memref_slice %arg4[%dma_wait3A_1121, %dma_wait3A_1122, %dma_wait3A_1123] : memref<125000x8x32xf32, #tpu.memory_space<hbm>> -> memref<1x8x32xf32, #tpu.memory_space<hbm>>
        tpu.wait_dma2 semaphore(%arg13 : memref<!tpu.dma_semaphore, #tpu.memory_space<semaphore_mem>>) src(%dma_wait3A_1124 : memref<1x8x32xf32, #tpu.memory_space<hbm>>) dst(%dma_wait3A_1120 : memref<1x8x32xf32, #tpu.memory_space<vmem>>)
        %dma_wait3A_1125 = arith.constant 29 : i32
        %dma_wait3A_1126 = arith.constant 0 : i32
        %dma_wait3A_1127 = arith.constant 0 : i32
        %dma_wait3A_1128 = tpu.memref_slice %arg10[%dma_wait3A_1125, %dma_wait3A_1126, %dma_wait3A_1127] : memref<32x8x32xf32, #tpu.memory_space<vmem>> -> memref<1x8x32xf32, #tpu.memory_space<vmem>>
        %dma_wait3A_1129 = arith.constant 0 : i32
        %dma_wait3A_1130 = arith.constant 0 : i32
        %dma_wait3A_1131 = arith.constant 0 : i32
        %dma_wait3A_1132 = tpu.memref_slice %arg4[%dma_wait3A_1129, %dma_wait3A_1130, %dma_wait3A_1131] : memref<125000x8x32xf32, #tpu.memory_space<hbm>> -> memref<1x8x32xf32, #tpu.memory_space<hbm>>
        %dma_wait3A_1133 = arith.constant 29 : i32
        %dma_wait3A_1134 = arith.constant 0 : i32
        %dma_wait3A_1135 = arith.constant 0 : i32
        %dma_wait3A_1136 = tpu.memref_slice %arg10[%dma_wait3A_1133, %dma_wait3A_1134, %dma_wait3A_1135] : memref<32x8x32xf32, #tpu.memory_space<vmem>> -> memref<1x8x32xf32, #tpu.memory_space<vmem>>
        %dma_wait3A_1137 = arith.constant 0 : i32
        %dma_wait3A_1138 = arith.constant 0 : i32
        %dma_wait3A_1139 = arith.constant 0 : i32
        %dma_wait3A_1140 = tpu.memref_slice %arg4[%dma_wait3A_1137, %dma_wait3A_1138, %dma_wait3A_1139] : memref<125000x8x32xf32, #tpu.memory_space<hbm>> -> memref<1x8x32xf32, #tpu.memory_space<hbm>>
        tpu.wait_dma2 semaphore(%arg13 : memref<!tpu.dma_semaphore, #tpu.memory_space<semaphore_mem>>) src(%dma_wait3A_1140 : memref<1x8x32xf32, #tpu.memory_space<hbm>>) dst(%dma_wait3A_1136 : memref<1x8x32xf32, #tpu.memory_space<vmem>>)
        %dma_wait3A_1141 = arith.constant 30 : i32
        %dma_wait3A_1142 = arith.constant 0 : i32
        %dma_wait3A_1143 = arith.constant 0 : i32
        %dma_wait3A_1144 = tpu.memref_slice %arg10[%dma_wait3A_1141, %dma_wait3A_1142, %dma_wait3A_1143] : memref<32x8x32xf32, #tpu.memory_space<vmem>> -> memref<1x8x32xf32, #tpu.memory_space<vmem>>
        %dma_wait3A_1145 = arith.constant 0 : i32
        %dma_wait3A_1146 = arith.constant 0 : i32
        %dma_wait3A_1147 = arith.constant 0 : i32
        %dma_wait3A_1148 = tpu.memref_slice %arg4[%dma_wait3A_1145, %dma_wait3A_1146, %dma_wait3A_1147] : memref<125000x8x32xf32, #tpu.memory_space<hbm>> -> memref<1x8x32xf32, #tpu.memory_space<hbm>>
        %dma_wait3A_1149 = arith.constant 30 : i32
        %dma_wait3A_1150 = arith.constant 0 : i32
        %dma_wait3A_1151 = arith.constant 0 : i32
        %dma_wait3A_1152 = tpu.memref_slice %arg10[%dma_wait3A_1149, %dma_wait3A_1150, %dma_wait3A_1151] : memref<32x8x32xf32, #tpu.memory_space<vmem>> -> memref<1x8x32xf32, #tpu.memory_space<vmem>>
        %dma_wait3A_1153 = arith.constant 0 : i32
        %dma_wait3A_1154 = arith.constant 0 : i32
        %dma_wait3A_1155 = arith.constant 0 : i32
        %dma_wait3A_1156 = tpu.memref_slice %arg4[%dma_wait3A_1153, %dma_wait3A_1154, %dma_wait3A_1155] : memref<125000x8x32xf32, #tpu.memory_space<hbm>> -> memref<1x8x32xf32, #tpu.memory_space<hbm>>
        tpu.wait_dma2 semaphore(%arg13 : memref<!tpu.dma_semaphore, #tpu.memory_space<semaphore_mem>>) src(%dma_wait3A_1156 : memref<1x8x32xf32, #tpu.memory_space<hbm>>) dst(%dma_wait3A_1152 : memref<1x8x32xf32, #tpu.memory_space<vmem>>)
        %dma_wait3A_1157 = arith.constant 31 : i32
        %dma_wait3A_1158 = arith.constant 0 : i32
        %dma_wait3A_1159 = arith.constant 0 : i32
        %dma_wait3A_1160 = tpu.memref_slice %arg10[%dma_wait3A_1157, %dma_wait3A_1158, %dma_wait3A_1159] : memref<32x8x32xf32, #tpu.memory_space<vmem>> -> memref<1x8x32xf32, #tpu.memory_space<vmem>>
        %dma_wait3A_1161 = arith.constant 0 : i32
        %dma_wait3A_1162 = arith.constant 0 : i32
        %dma_wait3A_1163 = arith.constant 0 : i32
        %dma_wait3A_1164 = tpu.memref_slice %arg4[%dma_wait3A_1161, %dma_wait3A_1162, %dma_wait3A_1163] : memref<125000x8x32xf32, #tpu.memory_space<hbm>> -> memref<1x8x32xf32, #tpu.memory_space<hbm>>
        %dma_wait3A_1165 = arith.constant 31 : i32
        %dma_wait3A_1166 = arith.constant 0 : i32
        %dma_wait3A_1167 = arith.constant 0 : i32
        %dma_wait3A_1168 = tpu.memref_slice %arg10[%dma_wait3A_1165, %dma_wait3A_1166, %dma_wait3A_1167] : memref<32x8x32xf32, #tpu.memory_space<vmem>> -> memref<1x8x32xf32, #tpu.memory_space<vmem>>
        %dma_wait3A_1169 = arith.constant 0 : i32
        %dma_wait3A_1170 = arith.constant 0 : i32
        %dma_wait3A_1171 = arith.constant 0 : i32
        %dma_wait3A_1172 = tpu.memref_slice %arg4[%dma_wait3A_1169, %dma_wait3A_1170, %dma_wait3A_1171] : memref<125000x8x32xf32, #tpu.memory_space<hbm>> -> memref<1x8x32xf32, #tpu.memory_space<hbm>>
        tpu.wait_dma2 semaphore(%arg13 : memref<!tpu.dma_semaphore, #tpu.memory_space<semaphore_mem>>) src(%dma_wait3A_1172 : memref<1x8x32xf32, #tpu.memory_space<hbm>>) dst(%dma_wait3A_1168 : memref<1x8x32xf32, #tpu.memory_space<vmem>>)
        %mul3A_1173 = arith.constant 16 : i32
        %mul3A_1174 = arith.muli %scan3A_907, %mul3A_1173 : i32
        %get3A_1175 = arith.index_cast %mul3A_1174 : i32 to index
        %get3A_1176 = tpu.vector_load %arg9[%get3A_1175] {strides = array<i32>} : memref<512xi32, #tpu.memory_space<vmem>>, vector<16xi32>,
        %broadcast_in_dim3A = arith.constant 16 : i32
        %broadcast_in_dim3A_1177 = vector.broadcast %broadcast_in_dim3A : i32 to vector<16xi32>
        %slice3A_1178 = vector.extract_strided_slice %get3A_1176 {offsets = [0], sizes = [1], strides = [1]} : vector<16xi32> to vector<1xi32>
        %squeeze3A_1179 = vector.extract %slice3A_1178[0] : i32 from vector<1xi32>
        %broadcast_in_dim3A_1180 = vector.broadcast %squeeze3A_1179 : i32 to vector<16xi32>
        %mul3A_1181 = arith.constant 16 : i32
        %mul3A_1182 = arith.muli %scan3A_907, %mul3A_1181 : i32
        %add3A_1183 = arith.constant 0 : i32
        %add3A_1184 = arith.addi %mul3A_1182, %add3A_1183 : i32
        %broadcast_in_dim3A_1185 = vector.broadcast %add3A_1184 : i32 to vector<16xi32>
        %gather3A = tpu.vector_load_idx %arg10[%broadcast_in_dim3A_1177, %broadcast_in_dim3A_1180, %iota3A] : memref<32x8x32xf32, #tpu.memory_space<vmem>>[vector<16xi32>, vector<16xi32>, vector<16xi32>], vector<16xf32>,
        %add3A_1186 = arith.constant 16 : i32
        %add3A_1187 = vector.broadcast %add3A_1186 : i32 to vector<16xi32>
        %add3A_1188 = arith.addi %iota3A, %add3A_1187 : vector<16xi32>
        %gather3A_1189 = tpu.vector_load_idx %arg10[%broadcast_in_dim3A_1177, %broadcast_in_dim3A_1180, %add3A_1188] : memref<32x8x32xf32, #tpu.memory_space<vmem>>[vector<16xi32>, vector<16xi32>, vector<16xi32>], vector<16xf32>,
        tpu.vector_store_idx %arg11[%broadcast_in_dim3A_1185, %iota3A], %gather3A : memref<512x32xf32, #tpu.memory_space<vmem>>[vector<16xi32>, vector<16xi32>], vector<16xf32>,
        %add3A_1190 = arith.constant 16 : i32
        %add3A_1191 = vector.broadcast %add3A_1190 : i32 to vector<16xi32>
        %add3A_1192 = arith.addi %iota3A, %add3A_1191 : vector<16xi32>
        tpu.vector_store_idx %arg11[%broadcast_in_dim3A_1185, %add3A_1192], %gather3A_1189 : memref<512x32xf32, #tpu.memory_space<vmem>>[vector<16xi32>, vector<16xi32>], vector<16xf32>,
        %broadcast_in_dim3A_1193 = arith.constant 17 : i32
        %broadcast_in_dim3A_1194 = vector.broadcast %broadcast_in_dim3A_1193 : i32 to vector<16xi32>
        %slice3A_1195 = vector.extract_strided_slice %get3A_1176 {offsets = [1], sizes = [1], strides = [1]} : vector<16xi32> to vector<1xi32>
        %squeeze3A_1196 = vector.extract %slice3A_1195[0] : i32 from vector<1xi32>
        %broadcast_in_dim3A_1197 = vector.broadcast %squeeze3A_1196 : i32 to vector<16xi32>
        %mul3A_1198 = arith.constant 16 : i32
        %mul3A_1199 = arith.muli %scan3A_907, %mul3A_1198 : i32
        %add3A_1200 = arith.constant 1 : i32
        %add3A_1201 = arith.addi %mul3A_1199, %add3A_1200 : i32
        %broadcast_in_dim3A_1202 = vector.broadcast %add3A_1201 : i32 to vector<16xi32>
        %gather3A_1203 = tpu.vector_load_idx %arg10[%broadcast_in_dim3A_1194, %broadcast_in_dim3A_1197, %iota3A] : memref<32x8x32xf32, #tpu.memory_space<vmem>>[vector<16xi32>, vector<16xi32>, vector<16xi32>], vector<16xf32>,
        %add3A_1204 = arith.constant 16 : i32
        %add3A_1205 = vector.broadcast %add3A_1204 : i32 to vector<16xi32>
        %add3A_1206 = arith.addi %iota3A, %add3A_1205 : vector<16xi32>
        %gather3A_1207 = tpu.vector_load_idx %arg10[%broadcast_in_dim3A_1194, %broadcast_in_dim3A_1197, %add3A_1206] : memref<32x8x32xf32, #tpu.memory_space<vmem>>[vector<16xi32>, vector<16xi32>, vector<16xi32>], vector<16xf32>,
        tpu.vector_store_idx %arg11[%broadcast_in_dim3A_1202, %iota3A], %gather3A_1203 : memref<512x32xf32, #tpu.memory_space<vmem>>[vector<16xi32>, vector<16xi32>], vector<16xf32>,
        %add3A_1208 = arith.constant 16 : i32
        %add3A_1209 = vector.broadcast %add3A_1208 : i32 to vector<16xi32>
        %add3A_1210 = arith.addi %iota3A, %add3A_1209 : vector<16xi32>
        tpu.vector_store_idx %arg11[%broadcast_in_dim3A_1202, %add3A_1210], %gather3A_1207 : memref<512x32xf32, #tpu.memory_space<vmem>>[vector<16xi32>, vector<16xi32>], vector<16xf32>,
        %broadcast_in_dim3A_1211 = arith.constant 18 : i32
        %broadcast_in_dim3A_1212 = vector.broadcast %broadcast_in_dim3A_1211 : i32 to vector<16xi32>
        %slice3A_1213 = vector.extract_strided_slice %get3A_1176 {offsets = [2], sizes = [1], strides = [1]} : vector<16xi32> to vector<1xi32>
        %squeeze3A_1214 = vector.extract %slice3A_1213[0] : i32 from vector<1xi32>
        %broadcast_in_dim3A_1215 = vector.broadcast %squeeze3A_1214 : i32 to vector<16xi32>
        %mul3A_1216 = arith.constant 16 : i32
        %mul3A_1217 = arith.muli %scan3A_907, %mul3A_1216 : i32
        %add3A_1218 = arith.constant 2 : i32
        %add3A_1219 = arith.addi %mul3A_1217, %add3A_1218 : i32
        %broadcast_in_dim3A_1220 = vector.broadcast %add3A_1219 : i32 to vector<16xi32>
        %gather3A_1221 = tpu.vector_load_idx %arg10[%broadcast_in_dim3A_1212, %broadcast_in_dim3A_1215, %iota3A] : memref<32x8x32xf32, #tpu.memory_space<vmem>>[vector<16xi32>, vector<16xi32>, vector<16xi32>], vector<16xf32>,
        %add3A_1222 = arith.constant 16 : i32
        %add3A_1223 = vector.broadcast %add3A_1222 : i32 to vector<16xi32>
        %add3A_1224 = arith.addi %iota3A, %add3A_1223 : vector<16xi32>
        %gather3A_1225 = tpu.vector_load_idx %arg10[%broadcast_in_dim3A_1212, %broadcast_in_dim3A_1215, %add3A_1224] : memref<32x8x32xf32, #tpu.memory_space<vmem>>[vector<16xi32>, vector<16xi32>, vector<16xi32>], vector<16xf32>,
        tpu.vector_store_idx %arg11[%broadcast_in_dim3A_1220, %iota3A], %gather3A_1221 : memref<512x32xf32, #tpu.memory_space<vmem>>[vector<16xi32>, vector<16xi32>], vector<16xf32>,
        %add3A_1226 = arith.constant 16 : i32
        %add3A_1227 = vector.broadcast %add3A_1226 : i32 to vector<16xi32>
        %add3A_1228 = arith.addi %iota3A, %add3A_1227 : vector<16xi32>
        tpu.vector_store_idx %arg11[%broadcast_in_dim3A_1220, %add3A_1228], %gather3A_1225 : memref<512x32xf32, #tpu.memory_space<vmem>>[vector<16xi32>, vector<16xi32>], vector<16xf32>,
        %broadcast_in_dim3A_1229 = arith.constant 19 : i32
        %broadcast_in_dim3A_1230 = vector.broadcast %broadcast_in_dim3A_1229 : i32 to vector<16xi32>
        %slice3A_1231 = vector.extract_strided_slice %get3A_1176 {offsets = [3], sizes = [1], strides = [1]} : vector<16xi32> to vector<1xi32>
        %squeeze3A_1232 = vector.extract %slice3A_1231[0] : i32 from vector<1xi32>
        %broadcast_in_dim3A_1233 = vector.broadcast %squeeze3A_1232 : i32 to vector<16xi32>
        %mul3A_1234 = arith.constant 16 : i32
        %mul3A_1235 = arith.muli %scan3A_907, %mul3A_1234 : i32
        %add3A_1236 = arith.constant 3 : i32
        %add3A_1237 = arith.addi %mul3A_1235, %add3A_1236 : i32
        %broadcast_in_dim3A_1238 = vector.broadcast %add3A_1237 : i32 to vector<16xi32>
        %gather3A_1239 = tpu.vector_load_idx %arg10[%broadcast_in_dim3A_1230, %broadcast_in_dim3A_1233, %iota3A] : memref<32x8x32xf32, #tpu.memory_space<vmem>>[vector<16xi32>, vector<16xi32>, vector<16xi32>], vector<16xf32>,
        %add3A_1240 = arith.constant 16 : i32
        %add3A_1241 = vector.broadcast %add3A_1240 : i32 to vector<16xi32>
        %add3A_1242 = arith.addi %iota3A, %add3A_1241 : vector<16xi32>
        %gather3A_1243 = tpu.vector_load_idx %arg10[%broadcast_in_dim3A_1230, %broadcast_in_dim3A_1233, %add3A_1242] : memref<32x8x32xf32, #tpu.memory_space<vmem>>[vector<16xi32>, vector<16xi32>, vector<16xi32>], vector<16xf32>,
        tpu.vector_store_idx %arg11[%broadcast_in_dim3A_1238, %iota3A], %gather3A_1239 : memref<512x32xf32, #tpu.memory_space<vmem>>[vector<16xi32>, vector<16xi32>], vector<16xf32>,
        %add3A_1244 = arith.constant 16 : i32
        %add3A_1245 = vector.broadcast %add3A_1244 : i32 to vector<16xi32>
        %add3A_1246 = arith.addi %iota3A, %add3A_1245 : vector<16xi32>
        tpu.vector_store_idx %arg11[%broadcast_in_dim3A_1238, %add3A_1246], %gather3A_1243 : memref<512x32xf32, #tpu.memory_space<vmem>>[vector<16xi32>, vector<16xi32>], vector<16xf32>,
        %broadcast_in_dim3A_1247 = arith.constant 20 : i32
        %broadcast_in_dim3A_1248 = vector.broadcast %broadcast_in_dim3A_1247 : i32 to vector<16xi32>
        %slice3A_1249 = vector.extract_strided_slice %get3A_1176 {offsets = [4], sizes = [1], strides = [1]} : vector<16xi32> to vector<1xi32>
        %squeeze3A_1250 = vector.extract %slice3A_1249[0] : i32 from vector<1xi32>
        %broadcast_in_dim3A_1251 = vector.broadcast %squeeze3A_1250 : i32 to vector<16xi32>
        %mul3A_1252 = arith.constant 16 : i32
        %mul3A_1253 = arith.muli %scan3A_907, %mul3A_1252 : i32
        %add3A_1254 = arith.constant 4 : i32
        %add3A_1255 = arith.addi %mul3A_1253, %add3A_1254 : i32
        %broadcast_in_dim3A_1256 = vector.broadcast %add3A_1255 : i32 to vector<16xi32>
        %gather3A_1257 = tpu.vector_load_idx %arg10[%broadcast_in_dim3A_1248, %broadcast_in_dim3A_1251, %iota3A] : memref<32x8x32xf32, #tpu.memory_space<vmem>>[vector<16xi32>, vector<16xi32>, vector<16xi32>], vector<16xf32>,
        %add3A_1258 = arith.constant 16 : i32
        %add3A_1259 = vector.broadcast %add3A_1258 : i32 to vector<16xi32>
        %add3A_1260 = arith.addi %iota3A, %add3A_1259 : vector<16xi32>
        %gather3A_1261 = tpu.vector_load_idx %arg10[%broadcast_in_dim3A_1248, %broadcast_in_dim3A_1251, %add3A_1260] : memref<32x8x32xf32, #tpu.memory_space<vmem>>[vector<16xi32>, vector<16xi32>, vector<16xi32>], vector<16xf32>,
        tpu.vector_store_idx %arg11[%broadcast_in_dim3A_1256, %iota3A], %gather3A_1257 : memref<512x32xf32, #tpu.memory_space<vmem>>[vector<16xi32>, vector<16xi32>], vector<16xf32>,
        %add3A_1262 = arith.constant 16 : i32
        %add3A_1263 = vector.broadcast %add3A_1262 : i32 to vector<16xi32>
        %add3A_1264 = arith.addi %iota3A, %add3A_1263 : vector<16xi32>
        tpu.vector_store_idx %arg11[%broadcast_in_dim3A_1256, %add3A_1264], %gather3A_1261 : memref<512x32xf32, #tpu.memory_space<vmem>>[vector<16xi32>, vector<16xi32>], vector<16xf32>,
        %broadcast_in_dim3A_1265 = arith.constant 21 : i32
        %broadcast_in_dim3A_1266 = vector.broadcast %broadcast_in_dim3A_1265 : i32 to vector<16xi32>
        %slice3A_1267 = vector.extract_strided_slice %get3A_1176 {offsets = [5], sizes = [1], strides = [1]} : vector<16xi32> to vector<1xi32>
        %squeeze3A_1268 = vector.extract %slice3A_1267[0] : i32 from vector<1xi32>
        %broadcast_in_dim3A_1269 = vector.broadcast %squeeze3A_1268 : i32 to vector<16xi32>
        %mul3A_1270 = arith.constant 16 : i32
        %mul3A_1271 = arith.muli %scan3A_907, %mul3A_1270 : i32
        %add3A_1272 = arith.constant 5 : i32
        %add3A_1273 = arith.addi %mul3A_1271, %add3A_1272 : i32
        %broadcast_in_dim3A_1274 = vector.broadcast %add3A_1273 : i32 to vector<16xi32>
        %gather3A_1275 = tpu.vector_load_idx %arg10[%broadcast_in_dim3A_1266, %broadcast_in_dim3A_1269, %iota3A] : memref<32x8x32xf32, #tpu.memory_space<vmem>>[vector<16xi32>, vector<16xi32>, vector<16xi32>], vector<16xf32>,
        %add3A_1276 = arith.constant 16 : i32
        %add3A_1277 = vector.broadcast %add3A_1276 : i32 to vector<16xi32>
        %add3A_1278 = arith.addi %iota3A, %add3A_1277 : vector<16xi32>
        %gather3A_1279 = tpu.vector_load_idx %arg10[%broadcast_in_dim3A_1266, %broadcast_in_dim3A_1269, %add3A_1278] : memref<32x8x32xf32, #tpu.memory_space<vmem>>[vector<16xi32>, vector<16xi32>, vector<16xi32>], vector<16xf32>,
        tpu.vector_store_idx %arg11[%broadcast_in_dim3A_1274, %iota3A], %gather3A_1275 : memref<512x32xf32, #tpu.memory_space<vmem>>[vector<16xi32>, vector<16xi32>], vector<16xf32>,
        %add3A_1280 = arith.constant 16 : i32
        %add3A_1281 = vector.broadcast %add3A_1280 : i32 to vector<16xi32>
        %add3A_1282 = arith.addi %iota3A, %add3A_1281 : vector<16xi32>
        tpu.vector_store_idx %arg11[%broadcast_in_dim3A_1274, %add3A_1282], %gather3A_1279 : memref<512x32xf32, #tpu.memory_space<vmem>>[vector<16xi32>, vector<16xi32>], vector<16xf32>,
        %broadcast_in_dim3A_1283 = arith.constant 22 : i32
        %broadcast_in_dim3A_1284 = vector.broadcast %broadcast_in_dim3A_1283 : i32 to vector<16xi32>
        %slice3A_1285 = vector.extract_strided_slice %get3A_1176 {offsets = [6], sizes = [1], strides = [1]} : vector<16xi32> to vector<1xi32>
        %squeeze3A_1286 = vector.extract %slice3A_1285[0] : i32 from vector<1xi32>
        %broadcast_in_dim3A_1287 = vector.broadcast %squeeze3A_1286 : i32 to vector<16xi32>
        %mul3A_1288 = arith.constant 16 : i32
        %mul3A_1289 = arith.muli %scan3A_907, %mul3A_1288 : i32
        %add3A_1290 = arith.constant 6 : i32
        %add3A_1291 = arith.addi %mul3A_1289, %add3A_1290 : i32
        %broadcast_in_dim3A_1292 = vector.broadcast %add3A_1291 : i32 to vector<16xi32>
        %gather3A_1293 = tpu.vector_load_idx %arg10[%broadcast_in_dim3A_1284, %broadcast_in_dim3A_1287, %iota3A] : memref<32x8x32xf32, #tpu.memory_space<vmem>>[vector<16xi32>, vector<16xi32>, vector<16xi32>], vector<16xf32>,
        %add3A_1294 = arith.constant 16 : i32
        %add3A_1295 = vector.broadcast %add3A_1294 : i32 to vector<16xi32>
        %add3A_1296 = arith.addi %iota3A, %add3A_1295 : vector<16xi32>
        %gather3A_1297 = tpu.vector_load_idx %arg10[%broadcast_in_dim3A_1284, %broadcast_in_dim3A_1287, %add3A_1296] : memref<32x8x32xf32, #tpu.memory_space<vmem>>[vector<16xi32>, vector<16xi32>, vector<16xi32>], vector<16xf32>,
        tpu.vector_store_idx %arg11[%broadcast_in_dim3A_1292, %iota3A], %gather3A_1293 : memref<512x32xf32, #tpu.memory_space<vmem>>[vector<16xi32>, vector<16xi32>], vector<16xf32>,
        %add3A_1298 = arith.constant 16 : i32
        %add3A_1299 = vector.broadcast %add3A_1298 : i32 to vector<16xi32>
        %add3A_1300 = arith.addi %iota3A, %add3A_1299 : vector<16xi32>
        tpu.vector_store_idx %arg11[%broadcast_in_dim3A_1292, %add3A_1300], %gather3A_1297 : memref<512x32xf32, #tpu.memory_space<vmem>>[vector<16xi32>, vector<16xi32>], vector<16xf32>,
        %broadcast_in_dim3A_1301 = arith.constant 23 : i32
        %broadcast_in_dim3A_1302 = vector.broadcast %broadcast_in_dim3A_1301 : i32 to vector<16xi32>
        %slice3A_1303 = vector.extract_strided_slice %get3A_1176 {offsets = [7], sizes = [1], strides = [1]} : vector<16xi32> to vector<1xi32>
        %squeeze3A_1304 = vector.extract %slice3A_1303[0] : i32 from vector<1xi32>
        %broadcast_in_dim3A_1305 = vector.broadcast %squeeze3A_1304 : i32 to vector<16xi32>
        %mul3A_1306 = arith.constant 16 : i32
        %mul3A_1307 = arith.muli %scan3A_907, %mul3A_1306 : i32
        %add3A_1308 = arith.constant 7 : i32
        %add3A_1309 = arith.addi %mul3A_1307, %add3A_1308 : i32
        %broadcast_in_dim3A_1310 = vector.broadcast %add3A_1309 : i32 to vector<16xi32>
        %gather3A_1311 = tpu.vector_load_idx %arg10[%broadcast_in_dim3A_1302, %broadcast_in_dim3A_1305, %iota3A] : memref<32x8x32xf32, #tpu.memory_space<vmem>>[vector<16xi32>, vector<16xi32>, vector<16xi32>], vector<16xf32>,
        %add3A_1312 = arith.constant 16 : i32
        %add3A_1313 = vector.broadcast %add3A_1312 : i32 to vector<16xi32>
        %add3A_1314 = arith.addi %iota3A, %add3A_1313 : vector<16xi32>
        %gather3A_1315 = tpu.vector_load_idx %arg10[%broadcast_in_dim3A_1302, %broadcast_in_dim3A_1305, %add3A_1314] : memref<32x8x32xf32, #tpu.memory_space<vmem>>[vector<16xi32>, vector<16xi32>, vector<16xi32>], vector<16xf32>,
        tpu.vector_store_idx %arg11[%broadcast_in_dim3A_1310, %iota3A], %gather3A_1311 : memref<512x32xf32, #tpu.memory_space<vmem>>[vector<16xi32>, vector<16xi32>], vector<16xf32>,
        %add3A_1316 = arith.constant 16 : i32
        %add3A_1317 = vector.broadcast %add3A_1316 : i32 to vector<16xi32>
        %add3A_1318 = arith.addi %iota3A, %add3A_1317 : vector<16xi32>
        tpu.vector_store_idx %arg11[%broadcast_in_dim3A_1310, %add3A_1318], %gather3A_1315 : memref<512x32xf32, #tpu.memory_space<vmem>>[vector<16xi32>, vector<16xi32>], vector<16xf32>,
        %broadcast_in_dim3A_1319 = arith.constant 24 : i32
        %broadcast_in_dim3A_1320 = vector.broadcast %broadcast_in_dim3A_1319 : i32 to vector<16xi32>
        %slice3A_1321 = vector.extract_strided_slice %get3A_1176 {offsets = [8], sizes = [1], strides = [1]} : vector<16xi32> to vector<1xi32>
        %squeeze3A_1322 = vector.extract %slice3A_1321[0] : i32 from vector<1xi32>
        %broadcast_in_dim3A_1323 = vector.broadcast %squeeze3A_1322 : i32 to vector<16xi32>
        %mul3A_1324 = arith.constant 16 : i32
        %mul3A_1325 = arith.muli %scan3A_907, %mul3A_1324 : i32
        %add3A_1326 = arith.constant 8 : i32
        %add3A_1327 = arith.addi %mul3A_1325, %add3A_1326 : i32
        %broadcast_in_dim3A_1328 = vector.broadcast %add3A_1327 : i32 to vector<16xi32>
        %gather3A_1329 = tpu.vector_load_idx %arg10[%broadcast_in_dim3A_1320, %broadcast_in_dim3A_1323, %iota3A] : memref<32x8x32xf32, #tpu.memory_space<vmem>>[vector<16xi32>, vector<16xi32>, vector<16xi32>], vector<16xf32>,
        %add3A_1330 = arith.constant 16 : i32
        %add3A_1331 = vector.broadcast %add3A_1330 : i32 to vector<16xi32>
        %add3A_1332 = arith.addi %iota3A, %add3A_1331 : vector<16xi32>
        %gather3A_1333 = tpu.vector_load_idx %arg10[%broadcast_in_dim3A_1320, %broadcast_in_dim3A_1323, %add3A_1332] : memref<32x8x32xf32, #tpu.memory_space<vmem>>[vector<16xi32>, vector<16xi32>, vector<16xi32>], vector<16xf32>,
        tpu.vector_store_idx %arg11[%broadcast_in_dim3A_1328, %iota3A], %gather3A_1329 : memref<512x32xf32, #tpu.memory_space<vmem>>[vector<16xi32>, vector<16xi32>], vector<16xf32>,
        %add3A_1334 = arith.constant 16 : i32
        %add3A_1335 = vector.broadcast %add3A_1334 : i32 to vector<16xi32>
        %add3A_1336 = arith.addi %iota3A, %add3A_1335 : vector<16xi32>
        tpu.vector_store_idx %arg11[%broadcast_in_dim3A_1328, %add3A_1336], %gather3A_1333 : memref<512x32xf32, #tpu.memory_space<vmem>>[vector<16xi32>, vector<16xi32>], vector<16xf32>,
        %broadcast_in_dim3A_1337 = arith.constant 25 : i32
        %broadcast_in_dim3A_1338 = vector.broadcast %broadcast_in_dim3A_1337 : i32 to vector<16xi32>
        %slice3A_1339 = vector.extract_strided_slice %get3A_1176 {offsets = [9], sizes = [1], strides = [1]} : vector<16xi32> to vector<1xi32>
        %squeeze3A_1340 = vector.extract %slice3A_1339[0] : i32 from vector<1xi32>
        %broadcast_in_dim3A_1341 = vector.broadcast %squeeze3A_1340 : i32 to vector<16xi32>
        %mul3A_1342 = arith.constant 16 : i32
        %mul3A_1343 = arith.muli %scan3A_907, %mul3A_1342 : i32
        %add3A_1344 = arith.constant 9 : i32
        %add3A_1345 = arith.addi %mul3A_1343, %add3A_1344 : i32
        %broadcast_in_dim3A_1346 = vector.broadcast %add3A_1345 : i32 to vector<16xi32>
        %gather3A_1347 = tpu.vector_load_idx %arg10[%broadcast_in_dim3A_1338, %broadcast_in_dim3A_1341, %iota3A] : memref<32x8x32xf32, #tpu.memory_space<vmem>>[vector<16xi32>, vector<16xi32>, vector<16xi32>], vector<16xf32>,
        %add3A_1348 = arith.constant 16 : i32
        %add3A_1349 = vector.broadcast %add3A_1348 : i32 to vector<16xi32>
        %add3A_1350 = arith.addi %iota3A, %add3A_1349 : vector<16xi32>
        %gather3A_1351 = tpu.vector_load_idx %arg10[%broadcast_in_dim3A_1338, %broadcast_in_dim3A_1341, %add3A_1350] : memref<32x8x32xf32, #tpu.memory_space<vmem>>[vector<16xi32>, vector<16xi32>, vector<16xi32>], vector<16xf32>,
        tpu.vector_store_idx %arg11[%broadcast_in_dim3A_1346, %iota3A], %gather3A_1347 : memref<512x32xf32, #tpu.memory_space<vmem>>[vector<16xi32>, vector<16xi32>], vector<16xf32>,
        %add3A_1352 = arith.constant 16 : i32
        %add3A_1353 = vector.broadcast %add3A_1352 : i32 to vector<16xi32>
        %add3A_1354 = arith.addi %iota3A, %add3A_1353 : vector<16xi32>
        tpu.vector_store_idx %arg11[%broadcast_in_dim3A_1346, %add3A_1354], %gather3A_1351 : memref<512x32xf32, #tpu.memory_space<vmem>>[vector<16xi32>, vector<16xi32>], vector<16xf32>,
        %broadcast_in_dim3A_1355 = arith.constant 26 : i32
        %broadcast_in_dim3A_1356 = vector.broadcast %broadcast_in_dim3A_1355 : i32 to vector<16xi32>
        %slice3A_1357 = vector.extract_strided_slice %get3A_1176 {offsets = [10], sizes = [1], strides = [1]} : vector<16xi32> to vector<1xi32>
        %squeeze3A_1358 = vector.extract %slice3A_1357[0] : i32 from vector<1xi32>
        %broadcast_in_dim3A_1359 = vector.broadcast %squeeze3A_1358 : i32 to vector<16xi32>
        %mul3A_1360 = arith.constant 16 : i32
        %mul3A_1361 = arith.muli %scan3A_907, %mul3A_1360 : i32
        %add3A_1362 = arith.constant 10 : i32
        %add3A_1363 = arith.addi %mul3A_1361, %add3A_1362 : i32
        %broadcast_in_dim3A_1364 = vector.broadcast %add3A_1363 : i32 to vector<16xi32>
        %gather3A_1365 = tpu.vector_load_idx %arg10[%broadcast_in_dim3A_1356, %broadcast_in_dim3A_1359, %iota3A] : memref<32x8x32xf32, #tpu.memory_space<vmem>>[vector<16xi32>, vector<16xi32>, vector<16xi32>], vector<16xf32>,
        %add3A_1366 = arith.constant 16 : i32
        %add3A_1367 = vector.broadcast %add3A_1366 : i32 to vector<16xi32>
        %add3A_1368 = arith.addi %iota3A, %add3A_1367 : vector<16xi32>
        %gather3A_1369 = tpu.vector_load_idx %arg10[%broadcast_in_dim3A_1356, %broadcast_in_dim3A_1359, %add3A_1368] : memref<32x8x32xf32, #tpu.memory_space<vmem>>[vector<16xi32>, vector<16xi32>, vector<16xi32>], vector<16xf32>,
        tpu.vector_store_idx %arg11[%broadcast_in_dim3A_1364, %iota3A], %gather3A_1365 : memref<512x32xf32, #tpu.memory_space<vmem>>[vector<16xi32>, vector<16xi32>], vector<16xf32>,
        %add3A_1370 = arith.constant 16 : i32
        %add3A_1371 = vector.broadcast %add3A_1370 : i32 to vector<16xi32>
        %add3A_1372 = arith.addi %iota3A, %add3A_1371 : vector<16xi32>
        tpu.vector_store_idx %arg11[%broadcast_in_dim3A_1364, %add3A_1372], %gather3A_1369 : memref<512x32xf32, #tpu.memory_space<vmem>>[vector<16xi32>, vector<16xi32>], vector<16xf32>,
        %broadcast_in_dim3A_1373 = arith.constant 27 : i32
        %broadcast_in_dim3A_1374 = vector.broadcast %broadcast_in_dim3A_1373 : i32 to vector<16xi32>
        %slice3A_1375 = vector.extract_strided_slice %get3A_1176 {offsets = [11], sizes = [1], strides = [1]} : vector<16xi32> to vector<1xi32>
        %squeeze3A_1376 = vector.extract %slice3A_1375[0] : i32 from vector<1xi32>
        %broadcast_in_dim3A_1377 = vector.broadcast %squeeze3A_1376 : i32 to vector<16xi32>
        %mul3A_1378 = arith.constant 16 : i32
        %mul3A_1379 = arith.muli %scan3A_907, %mul3A_1378 : i32
        %add3A_1380 = arith.constant 11 : i32
        %add3A_1381 = arith.addi %mul3A_1379, %add3A_1380 : i32
        %broadcast_in_dim3A_1382 = vector.broadcast %add3A_1381 : i32 to vector<16xi32>
        %gather3A_1383 = tpu.vector_load_idx %arg10[%broadcast_in_dim3A_1374, %broadcast_in_dim3A_1377, %iota3A] : memref<32x8x32xf32, #tpu.memory_space<vmem>>[vector<16xi32>, vector<16xi32>, vector<16xi32>], vector<16xf32>,
        %add3A_1384 = arith.constant 16 : i32
        %add3A_1385 = vector.broadcast %add3A_1384 : i32 to vector<16xi32>
        %add3A_1386 = arith.addi %iota3A, %add3A_1385 : vector<16xi32>
        %gather3A_1387 = tpu.vector_load_idx %arg10[%broadcast_in_dim3A_1374, %broadcast_in_dim3A_1377, %add3A_1386] : memref<32x8x32xf32, #tpu.memory_space<vmem>>[vector<16xi32>, vector<16xi32>, vector<16xi32>], vector<16xf32>,
        tpu.vector_store_idx %arg11[%broadcast_in_dim3A_1382, %iota3A], %gather3A_1383 : memref<512x32xf32, #tpu.memory_space<vmem>>[vector<16xi32>, vector<16xi32>], vector<16xf32>,
        %add3A_1388 = arith.constant 16 : i32
        %add3A_1389 = vector.broadcast %add3A_1388 : i32 to vector<16xi32>
        %add3A_1390 = arith.addi %iota3A, %add3A_1389 : vector<16xi32>
        tpu.vector_store_idx %arg11[%broadcast_in_dim3A_1382, %add3A_1390], %gather3A_1387 : memref<512x32xf32, #tpu.memory_space<vmem>>[vector<16xi32>, vector<16xi32>], vector<16xf32>,
        %broadcast_in_dim3A_1391 = arith.constant 28 : i32
        %broadcast_in_dim3A_1392 = vector.broadcast %broadcast_in_dim3A_1391 : i32 to vector<16xi32>
        %slice3A_1393 = vector.extract_strided_slice %get3A_1176 {offsets = [12], sizes = [1], strides = [1]} : vector<16xi32> to vector<1xi32>
        %squeeze3A_1394 = vector.extract %slice3A_1393[0] : i32 from vector<1xi32>
        %broadcast_in_dim3A_1395 = vector.broadcast %squeeze3A_1394 : i32 to vector<16xi32>
        %mul3A_1396 = arith.constant 16 : i32
        %mul3A_1397 = arith.muli %scan3A_907, %mul3A_1396 : i32
        %add3A_1398 = arith.constant 12 : i32
        %add3A_1399 = arith.addi %mul3A_1397, %add3A_1398 : i32
        %broadcast_in_dim3A_1400 = vector.broadcast %add3A_1399 : i32 to vector<16xi32>
        %gather3A_1401 = tpu.vector_load_idx %arg10[%broadcast_in_dim3A_1392, %broadcast_in_dim3A_1395, %iota3A] : memref<32x8x32xf32, #tpu.memory_space<vmem>>[vector<16xi32>, vector<16xi32>, vector<16xi32>], vector<16xf32>,
        %add3A_1402 = arith.constant 16 : i32
        %add3A_1403 = vector.broadcast %add3A_1402 : i32 to vector<16xi32>
        %add3A_1404 = arith.addi %iota3A, %add3A_1403 : vector<16xi32>
        %gather3A_1405 = tpu.vector_load_idx %arg10[%broadcast_in_dim3A_1392, %broadcast_in_dim3A_1395, %add3A_1404] : memref<32x8x32xf32, #tpu.memory_space<vmem>>[vector<16xi32>, vector<16xi32>, vector<16xi32>], vector<16xf32>,
        tpu.vector_store_idx %arg11[%broadcast_in_dim3A_1400, %iota3A], %gather3A_1401 : memref<512x32xf32, #tpu.memory_space<vmem>>[vector<16xi32>, vector<16xi32>], vector<16xf32>,
        %add3A_1406 = arith.constant 16 : i32
        %add3A_1407 = vector.broadcast %add3A_1406 : i32 to vector<16xi32>
        %add3A_1408 = arith.addi %iota3A, %add3A_1407 : vector<16xi32>
        tpu.vector_store_idx %arg11[%broadcast_in_dim3A_1400, %add3A_1408], %gather3A_1405 : memref<512x32xf32, #tpu.memory_space<vmem>>[vector<16xi32>, vector<16xi32>], vector<16xf32>,
        %broadcast_in_dim3A_1409 = arith.constant 29 : i32
        %broadcast_in_dim3A_1410 = vector.broadcast %broadcast_in_dim3A_1409 : i32 to vector<16xi32>
        %slice3A_1411 = vector.extract_strided_slice %get3A_1176 {offsets = [13], sizes = [1], strides = [1]} : vector<16xi32> to vector<1xi32>
        %squeeze3A_1412 = vector.extract %slice3A_1411[0] : i32 from vector<1xi32>
        %broadcast_in_dim3A_1413 = vector.broadcast %squeeze3A_1412 : i32 to vector<16xi32>
        %mul3A_1414 = arith.constant 16 : i32
        %mul3A_1415 = arith.muli %scan3A_907, %mul3A_1414 : i32
        %add3A_1416 = arith.constant 13 : i32
        %add3A_1417 = arith.addi %mul3A_1415, %add3A_1416 : i32
        %broadcast_in_dim3A_1418 = vector.broadcast %add3A_1417 : i32 to vector<16xi32>
        %gather3A_1419 = tpu.vector_load_idx %arg10[%broadcast_in_dim3A_1410, %broadcast_in_dim3A_1413, %iota3A] : memref<32x8x32xf32, #tpu.memory_space<vmem>>[vector<16xi32>, vector<16xi32>, vector<16xi32>], vector<16xf32>,
        %add3A_1420 = arith.constant 16 : i32
        %add3A_1421 = vector.broadcast %add3A_1420 : i32 to vector<16xi32>
        %add3A_1422 = arith.addi %iota3A, %add3A_1421 : vector<16xi32>
        %gather3A_1423 = tpu.vector_load_idx %arg10[%broadcast_in_dim3A_1410, %broadcast_in_dim3A_1413, %add3A_1422] : memref<32x8x32xf32, #tpu.memory_space<vmem>>[vector<16xi32>, vector<16xi32>, vector<16xi32>], vector<16xf32>,
        tpu.vector_store_idx %arg11[%broadcast_in_dim3A_1418, %iota3A], %gather3A_1419 : memref<512x32xf32, #tpu.memory_space<vmem>>[vector<16xi32>, vector<16xi32>], vector<16xf32>,
        %add3A_1424 = arith.constant 16 : i32
        %add3A_1425 = vector.broadcast %add3A_1424 : i32 to vector<16xi32>
        %add3A_1426 = arith.addi %iota3A, %add3A_1425 : vector<16xi32>
        tpu.vector_store_idx %arg11[%broadcast_in_dim3A_1418, %add3A_1426], %gather3A_1423 : memref<512x32xf32, #tpu.memory_space<vmem>>[vector<16xi32>, vector<16xi32>], vector<16xf32>,
        %broadcast_in_dim3A_1427 = arith.constant 30 : i32
        %broadcast_in_dim3A_1428 = vector.broadcast %broadcast_in_dim3A_1427 : i32 to vector<16xi32>
        %slice3A_1429 = vector.extract_strided_slice %get3A_1176 {offsets = [14], sizes = [1], strides = [1]} : vector<16xi32> to vector<1xi32>
        %squeeze3A_1430 = vector.extract %slice3A_1429[0] : i32 from vector<1xi32>
        %broadcast_in_dim3A_1431 = vector.broadcast %squeeze3A_1430 : i32 to vector<16xi32>
        %mul3A_1432 = arith.constant 16 : i32
        %mul3A_1433 = arith.muli %scan3A_907, %mul3A_1432 : i32
        %add3A_1434 = arith.constant 14 : i32
        %add3A_1435 = arith.addi %mul3A_1433, %add3A_1434 : i32
        %broadcast_in_dim3A_1436 = vector.broadcast %add3A_1435 : i32 to vector<16xi32>
        %gather3A_1437 = tpu.vector_load_idx %arg10[%broadcast_in_dim3A_1428, %broadcast_in_dim3A_1431, %iota3A] : memref<32x8x32xf32, #tpu.memory_space<vmem>>[vector<16xi32>, vector<16xi32>, vector<16xi32>], vector<16xf32>,
        %add3A_1438 = arith.constant 16 : i32
        %add3A_1439 = vector.broadcast %add3A_1438 : i32 to vector<16xi32>
        %add3A_1440 = arith.addi %iota3A, %add3A_1439 : vector<16xi32>
        %gather3A_1441 = tpu.vector_load_idx %arg10[%broadcast_in_dim3A_1428, %broadcast_in_dim3A_1431, %add3A_1440] : memref<32x8x32xf32, #tpu.memory_space<vmem>>[vector<16xi32>, vector<16xi32>, vector<16xi32>], vector<16xf32>,
        tpu.vector_store_idx %arg11[%broadcast_in_dim3A_1436, %iota3A], %gather3A_1437 : memref<512x32xf32, #tpu.memory_space<vmem>>[vector<16xi32>, vector<16xi32>], vector<16xf32>,
        %add3A_1442 = arith.constant 16 : i32
        %add3A_1443 = vector.broadcast %add3A_1442 : i32 to vector<16xi32>
        %add3A_1444 = arith.addi %iota3A, %add3A_1443 : vector<16xi32>
        tpu.vector_store_idx %arg11[%broadcast_in_dim3A_1436, %add3A_1444], %gather3A_1441 : memref<512x32xf32, #tpu.memory_space<vmem>>[vector<16xi32>, vector<16xi32>], vector<16xf32>,
        %broadcast_in_dim3A_1445 = arith.constant 31 : i32
        %broadcast_in_dim3A_1446 = vector.broadcast %broadcast_in_dim3A_1445 : i32 to vector<16xi32>
        %slice3A_1447 = vector.extract_strided_slice %get3A_1176 {offsets = [15], sizes = [1], strides = [1]} : vector<16xi32> to vector<1xi32>
        %squeeze3A_1448 = vector.extract %slice3A_1447[0] : i32 from vector<1xi32>
        %broadcast_in_dim3A_1449 = vector.broadcast %squeeze3A_1448 : i32 to vector<16xi32>
        %mul3A_1450 = arith.constant 16 : i32
        %mul3A_1451 = arith.muli %scan3A_907, %mul3A_1450 : i32
        %add3A_1452 = arith.constant 15 : i32
        %add3A_1453 = arith.addi %mul3A_1451, %add3A_1452 : i32
        %broadcast_in_dim3A_1454 = vector.broadcast %add3A_1453 : i32 to vector<16xi32>
        %gather3A_1455 = tpu.vector_load_idx %arg10[%broadcast_in_dim3A_1446, %broadcast_in_dim3A_1449, %iota3A] : memref<32x8x32xf32, #tpu.memory_space<vmem>>[vector<16xi32>, vector<16xi32>, vector<16xi32>], vector<16xf32>,
        %add3A_1456 = arith.constant 16 : i32
        %add3A_1457 = vector.broadcast %add3A_1456 : i32 to vector<16xi32>
        %add3A_1458 = arith.addi %iota3A, %add3A_1457 : vector<16xi32>
        %gather3A_1459 = tpu.vector_load_idx %arg10[%broadcast_in_dim3A_1446, %broadcast_in_dim3A_1449, %add3A_1458] : memref<32x8x32xf32, #tpu.memory_space<vmem>>[vector<16xi32>, vector<16xi32>, vector<16xi32>], vector<16xf32>,
        tpu.vector_store_idx %arg11[%broadcast_in_dim3A_1454, %iota3A], %gather3A_1455 : memref<512x32xf32, #tpu.memory_space<vmem>>[vector<16xi32>, vector<16xi32>], vector<16xf32>,
        %add3A_1460 = arith.constant 16 : i32
        %add3A_1461 = vector.broadcast %add3A_1460 : i32 to vector<16xi32>
        %add3A_1462 = arith.addi %iota3A, %add3A_1461 : vector<16xi32>
        tpu.vector_store_idx %arg11[%broadcast_in_dim3A_1454, %add3A_1462], %gather3A_1459 : memref<512x32xf32, #tpu.memory_space<vmem>>[vector<16xi32>, vector<16xi32>], vector<16xf32>,
      } else {
        %dma_wait3A = arith.constant 0 : i32
        %dma_wait3A_918 = arith.constant 0 : i32
        %dma_wait3A_919 = arith.constant 0 : i32
        %dma_wait3A_920 = tpu.memref_slice %arg10[%dma_wait3A, %dma_wait3A_918, %dma_wait3A_919] : memref<32x8x32xf32, #tpu.memory_space<vmem>> -> memref<1x8x32xf32, #tpu.memory_space<vmem>>
        %dma_wait3A_921 = arith.constant 0 : i32
        %dma_wait3A_922 = arith.constant 0 : i32
        %dma_wait3A_923 = arith.constant 0 : i32
        %dma_wait3A_924 = tpu.memref_slice %arg4[%dma_wait3A_921, %dma_wait3A_922, %dma_wait3A_923] : memref<125000x8x32xf32, #tpu.memory_space<hbm>> -> memref<1x8x32xf32, #tpu.memory_space<hbm>>
        %dma_wait3A_925 = arith.constant 0 : i32
        %dma_wait3A_926 = arith.constant 0 : i32
        %dma_wait3A_927 = arith.constant 0 : i32
        %dma_wait3A_928 = tpu.memref_slice %arg10[%dma_wait3A_925, %dma_wait3A_926, %dma_wait3A_927] : memref<32x8x32xf32, #tpu.memory_space<vmem>> -> memref<1x8x32xf32, #tpu.memory_space<vmem>>
        %dma_wait3A_929 = arith.constant 0 : i32
        %dma_wait3A_930 = arith.constant 0 : i32
        %dma_wait3A_931 = arith.constant 0 : i32
        %dma_wait3A_932 = tpu.memref_slice %arg4[%dma_wait3A_929, %dma_wait3A_930, %dma_wait3A_931] : memref<125000x8x32xf32, #tpu.memory_space<hbm>> -> memref<1x8x32xf32, #tpu.memory_space<hbm>>
        tpu.wait_dma2 semaphore(%arg12 : memref<!tpu.dma_semaphore, #tpu.memory_space<semaphore_mem>>) src(%dma_wait3A_932 : memref<1x8x32xf32, #tpu.memory_space<hbm>>) dst(%dma_wait3A_928 : memref<1x8x32xf32, #tpu.memory_space<vmem>>)
        %dma_wait3A_933 = arith.constant 1 : i32
        %dma_wait3A_934 = arith.constant 0 : i32
        %dma_wait3A_935 = arith.constant 0 : i32
        %dma_wait3A_936 = tpu.memref_slice %arg10[%dma_wait3A_933, %dma_wait3A_934, %dma_wait3A_935] : memref<32x8x32xf32, #tpu.memory_space<vmem>> -> memref<1x8x32xf32, #tpu.memory_space<vmem>>
        %dma_wait3A_937 = arith.constant 0 : i32
        %dma_wait3A_938 = arith.constant 0 : i32
        %dma_wait3A_939 = arith.constant 0 : i32
        %dma_wait3A_940 = tpu.memref_slice %arg4[%dma_wait3A_937, %dma_wait3A_938, %dma_wait3A_939] : memref<125000x8x32xf32, #tpu.memory_space<hbm>> -> memref<1x8x32xf32, #tpu.memory_space<hbm>>
        %dma_wait3A_941 = arith.constant 1 : i32
        %dma_wait3A_942 = arith.constant 0 : i32
        %dma_wait3A_943 = arith.constant 0 : i32
        %dma_wait3A_944 = tpu.memref_slice %arg10[%dma_wait3A_941, %dma_wait3A_942, %dma_wait3A_943] : memref<32x8x32xf32, #tpu.memory_space<vmem>> -> memref<1x8x32xf32, #tpu.memory_space<vmem>>
        %dma_wait3A_945 = arith.constant 0 : i32
        %dma_wait3A_946 = arith.constant 0 : i32
        %dma_wait3A_947 = arith.constant 0 : i32
        %dma_wait3A_948 = tpu.memref_slice %arg4[%dma_wait3A_945, %dma_wait3A_946, %dma_wait3A_947] : memref<125000x8x32xf32, #tpu.memory_space<hbm>> -> memref<1x8x32xf32, #tpu.memory_space<hbm>>
        tpu.wait_dma2 semaphore(%arg12 : memref<!tpu.dma_semaphore, #tpu.memory_space<semaphore_mem>>) src(%dma_wait3A_948 : memref<1x8x32xf32, #tpu.memory_space<hbm>>) dst(%dma_wait3A_944 : memref<1x8x32xf32, #tpu.memory_space<vmem>>)
        %dma_wait3A_949 = arith.constant 2 : i32
        %dma_wait3A_950 = arith.constant 0 : i32
        %dma_wait3A_951 = arith.constant 0 : i32
        %dma_wait3A_952 = tpu.memref_slice %arg10[%dma_wait3A_949, %dma_wait3A_950, %dma_wait3A_951] : memref<32x8x32xf32, #tpu.memory_space<vmem>> -> memref<1x8x32xf32, #tpu.memory_space<vmem>>
        %dma_wait3A_953 = arith.constant 0 : i32
        %dma_wait3A_954 = arith.constant 0 : i32
        %dma_wait3A_955 = arith.constant 0 : i32
        %dma_wait3A_956 = tpu.memref_slice %arg4[%dma_wait3A_953, %dma_wait3A_954, %dma_wait3A_955] : memref<125000x8x32xf32, #tpu.memory_space<hbm>> -> memref<1x8x32xf32, #tpu.memory_space<hbm>>
        %dma_wait3A_957 = arith.constant 2 : i32
        %dma_wait3A_958 = arith.constant 0 : i32
        %dma_wait3A_959 = arith.constant 0 : i32
        %dma_wait3A_960 = tpu.memref_slice %arg10[%dma_wait3A_957, %dma_wait3A_958, %dma_wait3A_959] : memref<32x8x32xf32, #tpu.memory_space<vmem>> -> memref<1x8x32xf32, #tpu.memory_space<vmem>>
        %dma_wait3A_961 = arith.constant 0 : i32
        %dma_wait3A_962 = arith.constant 0 : i32
        %dma_wait3A_963 = arith.constant 0 : i32
        %dma_wait3A_964 = tpu.memref_slice %arg4[%dma_wait3A_961, %dma_wait3A_962, %dma_wait3A_963] : memref<125000x8x32xf32, #tpu.memory_space<hbm>> -> memref<1x8x32xf32, #tpu.memory_space<hbm>>
        tpu.wait_dma2 semaphore(%arg12 : memref<!tpu.dma_semaphore, #tpu.memory_space<semaphore_mem>>) src(%dma_wait3A_964 : memref<1x8x32xf32, #tpu.memory_space<hbm>>) dst(%dma_wait3A_960 : memref<1x8x32xf32, #tpu.memory_space<vmem>>)
        %dma_wait3A_965 = arith.constant 3 : i32
        %dma_wait3A_966 = arith.constant 0 : i32
        %dma_wait3A_967 = arith.constant 0 : i32
        %dma_wait3A_968 = tpu.memref_slice %arg10[%dma_wait3A_965, %dma_wait3A_966, %dma_wait3A_967] : memref<32x8x32xf32, #tpu.memory_space<vmem>> -> memref<1x8x32xf32, #tpu.memory_space<vmem>>
        %dma_wait3A_969 = arith.constant 0 : i32
        %dma_wait3A_970 = arith.constant 0 : i32
        %dma_wait3A_971 = arith.constant 0 : i32
        %dma_wait3A_972 = tpu.memref_slice %arg4[%dma_wait3A_969, %dma_wait3A_970, %dma_wait3A_971] : memref<125000x8x32xf32, #tpu.memory_space<hbm>> -> memref<1x8x32xf32, #tpu.memory_space<hbm>>
        %dma_wait3A_973 = arith.constant 3 : i32
        %dma_wait3A_974 = arith.constant 0 : i32
        %dma_wait3A_975 = arith.constant 0 : i32
        %dma_wait3A_976 = tpu.memref_slice %arg10[%dma_wait3A_973, %dma_wait3A_974, %dma_wait3A_975] : memref<32x8x32xf32, #tpu.memory_space<vmem>> -> memref<1x8x32xf32, #tpu.memory_space<vmem>>
        %dma_wait3A_977 = arith.constant 0 : i32
        %dma_wait3A_978 = arith.constant 0 : i32
        %dma_wait3A_979 = arith.constant 0 : i32
        %dma_wait3A_980 = tpu.memref_slice %arg4[%dma_wait3A_977, %dma_wait3A_978, %dma_wait3A_979] : memref<125000x8x32xf32, #tpu.memory_space<hbm>> -> memref<1x8x32xf32, #tpu.memory_space<hbm>>
        tpu.wait_dma2 semaphore(%arg12 : memref<!tpu.dma_semaphore, #tpu.memory_space<semaphore_mem>>) src(%dma_wait3A_980 : memref<1x8x32xf32, #tpu.memory_space<hbm>>) dst(%dma_wait3A_976 : memref<1x8x32xf32, #tpu.memory_space<vmem>>)
        %dma_wait3A_981 = arith.constant 4 : i32
        %dma_wait3A_982 = arith.constant 0 : i32
        %dma_wait3A_983 = arith.constant 0 : i32
        %dma_wait3A_984 = tpu.memref_slice %arg10[%dma_wait3A_981, %dma_wait3A_982, %dma_wait3A_983] : memref<32x8x32xf32, #tpu.memory_space<vmem>> -> memref<1x8x32xf32, #tpu.memory_space<vmem>>
        %dma_wait3A_985 = arith.constant 0 : i32
        %dma_wait3A_986 = arith.constant 0 : i32
        %dma_wait3A_987 = arith.constant 0 : i32
        %dma_wait3A_988 = tpu.memref_slice %arg4[%dma_wait3A_985, %dma_wait3A_986, %dma_wait3A_987] : memref<125000x8x32xf32, #tpu.memory_space<hbm>> -> memref<1x8x32xf32, #tpu.memory_space<hbm>>
        %dma_wait3A_989 = arith.constant 4 : i32
        %dma_wait3A_990 = arith.constant 0 : i32
        %dma_wait3A_991 = arith.constant 0 : i32
        %dma_wait3A_992 = tpu.memref_slice %arg10[%dma_wait3A_989, %dma_wait3A_990, %dma_wait3A_991] : memref<32x8x32xf32, #tpu.memory_space<vmem>> -> memref<1x8x32xf32, #tpu.memory_space<vmem>>
        %dma_wait3A_993 = arith.constant 0 : i32
        %dma_wait3A_994 = arith.constant 0 : i32
        %dma_wait3A_995 = arith.constant 0 : i32
        %dma_wait3A_996 = tpu.memref_slice %arg4[%dma_wait3A_993, %dma_wait3A_994, %dma_wait3A_995] : memref<125000x8x32xf32, #tpu.memory_space<hbm>> -> memref<1x8x32xf32, #tpu.memory_space<hbm>>
        tpu.wait_dma2 semaphore(%arg12 : memref<!tpu.dma_semaphore, #tpu.memory_space<semaphore_mem>>) src(%dma_wait3A_996 : memref<1x8x32xf32, #tpu.memory_space<hbm>>) dst(%dma_wait3A_992 : memref<1x8x32xf32, #tpu.memory_space<vmem>>)
        %dma_wait3A_997 = arith.constant 5 : i32
        %dma_wait3A_998 = arith.constant 0 : i32
        %dma_wait3A_999 = arith.constant 0 : i32
        %dma_wait3A_1000 = tpu.memref_slice %arg10[%dma_wait3A_997, %dma_wait3A_998, %dma_wait3A_999] : memref<32x8x32xf32, #tpu.memory_space<vmem>> -> memref<1x8x32xf32, #tpu.memory_space<vmem>>
        %dma_wait3A_1001 = arith.constant 0 : i32
        %dma_wait3A_1002 = arith.constant 0 : i32
        %dma_wait3A_1003 = arith.constant 0 : i32
        %dma_wait3A_1004 = tpu.memref_slice %arg4[%dma_wait3A_1001, %dma_wait3A_1002, %dma_wait3A_1003] : memref<125000x8x32xf32, #tpu.memory_space<hbm>> -> memref<1x8x32xf32, #tpu.memory_space<hbm>>
        %dma_wait3A_1005 = arith.constant 5 : i32
        %dma_wait3A_1006 = arith.constant 0 : i32
        %dma_wait3A_1007 = arith.constant 0 : i32
        %dma_wait3A_1008 = tpu.memref_slice %arg10[%dma_wait3A_1005, %dma_wait3A_1006, %dma_wait3A_1007] : memref<32x8x32xf32, #tpu.memory_space<vmem>> -> memref<1x8x32xf32, #tpu.memory_space<vmem>>
        %dma_wait3A_1009 = arith.constant 0 : i32
        %dma_wait3A_1010 = arith.constant 0 : i32
        %dma_wait3A_1011 = arith.constant 0 : i32
        %dma_wait3A_1012 = tpu.memref_slice %arg4[%dma_wait3A_1009, %dma_wait3A_1010, %dma_wait3A_1011] : memref<125000x8x32xf32, #tpu.memory_space<hbm>> -> memref<1x8x32xf32, #tpu.memory_space<hbm>>
        tpu.wait_dma2 semaphore(%arg12 : memref<!tpu.dma_semaphore, #tpu.memory_space<semaphore_mem>>) src(%dma_wait3A_1012 : memref<1x8x32xf32, #tpu.memory_space<hbm>>) dst(%dma_wait3A_1008 : memref<1x8x32xf32, #tpu.memory_space<vmem>>)
        %dma_wait3A_1013 = arith.constant 6 : i32
        %dma_wait3A_1014 = arith.constant 0 : i32
        %dma_wait3A_1015 = arith.constant 0 : i32
        %dma_wait3A_1016 = tpu.memref_slice %arg10[%dma_wait3A_1013, %dma_wait3A_1014, %dma_wait3A_1015] : memref<32x8x32xf32, #tpu.memory_space<vmem>> -> memref<1x8x32xf32, #tpu.memory_space<vmem>>
        %dma_wait3A_1017 = arith.constant 0 : i32
        %dma_wait3A_1018 = arith.constant 0 : i32
        %dma_wait3A_1019 = arith.constant 0 : i32
        %dma_wait3A_1020 = tpu.memref_slice %arg4[%dma_wait3A_1017, %dma_wait3A_1018, %dma_wait3A_1019] : memref<125000x8x32xf32, #tpu.memory_space<hbm>> -> memref<1x8x32xf32, #tpu.memory_space<hbm>>
        %dma_wait3A_1021 = arith.constant 6 : i32
        %dma_wait3A_1022 = arith.constant 0 : i32
        %dma_wait3A_1023 = arith.constant 0 : i32
        %dma_wait3A_1024 = tpu.memref_slice %arg10[%dma_wait3A_1021, %dma_wait3A_1022, %dma_wait3A_1023] : memref<32x8x32xf32, #tpu.memory_space<vmem>> -> memref<1x8x32xf32, #tpu.memory_space<vmem>>
        %dma_wait3A_1025 = arith.constant 0 : i32
        %dma_wait3A_1026 = arith.constant 0 : i32
        %dma_wait3A_1027 = arith.constant 0 : i32
        %dma_wait3A_1028 = tpu.memref_slice %arg4[%dma_wait3A_1025, %dma_wait3A_1026, %dma_wait3A_1027] : memref<125000x8x32xf32, #tpu.memory_space<hbm>> -> memref<1x8x32xf32, #tpu.memory_space<hbm>>
        tpu.wait_dma2 semaphore(%arg12 : memref<!tpu.dma_semaphore, #tpu.memory_space<semaphore_mem>>) src(%dma_wait3A_1028 : memref<1x8x32xf32, #tpu.memory_space<hbm>>) dst(%dma_wait3A_1024 : memref<1x8x32xf32, #tpu.memory_space<vmem>>)
        %dma_wait3A_1029 = arith.constant 7 : i32
        %dma_wait3A_1030 = arith.constant 0 : i32
        %dma_wait3A_1031 = arith.constant 0 : i32
        %dma_wait3A_1032 = tpu.memref_slice %arg10[%dma_wait3A_1029, %dma_wait3A_1030, %dma_wait3A_1031] : memref<32x8x32xf32, #tpu.memory_space<vmem>> -> memref<1x8x32xf32, #tpu.memory_space<vmem>>
        %dma_wait3A_1033 = arith.constant 0 : i32
        %dma_wait3A_1034 = arith.constant 0 : i32
        %dma_wait3A_1035 = arith.constant 0 : i32
        %dma_wait3A_1036 = tpu.memref_slice %arg4[%dma_wait3A_1033, %dma_wait3A_1034, %dma_wait3A_1035] : memref<125000x8x32xf32, #tpu.memory_space<hbm>> -> memref<1x8x32xf32, #tpu.memory_space<hbm>>
        %dma_wait3A_1037 = arith.constant 7 : i32
        %dma_wait3A_1038 = arith.constant 0 : i32
        %dma_wait3A_1039 = arith.constant 0 : i32
        %dma_wait3A_1040 = tpu.memref_slice %arg10[%dma_wait3A_1037, %dma_wait3A_1038, %dma_wait3A_1039] : memref<32x8x32xf32, #tpu.memory_space<vmem>> -> memref<1x8x32xf32, #tpu.memory_space<vmem>>
        %dma_wait3A_1041 = arith.constant 0 : i32
        %dma_wait3A_1042 = arith.constant 0 : i32
        %dma_wait3A_1043 = arith.constant 0 : i32
        %dma_wait3A_1044 = tpu.memref_slice %arg4[%dma_wait3A_1041, %dma_wait3A_1042, %dma_wait3A_1043] : memref<125000x8x32xf32, #tpu.memory_space<hbm>> -> memref<1x8x32xf32, #tpu.memory_space<hbm>>
        tpu.wait_dma2 semaphore(%arg12 : memref<!tpu.dma_semaphore, #tpu.memory_space<semaphore_mem>>) src(%dma_wait3A_1044 : memref<1x8x32xf32, #tpu.memory_space<hbm>>) dst(%dma_wait3A_1040 : memref<1x8x32xf32, #tpu.memory_space<vmem>>)
        %dma_wait3A_1045 = arith.constant 8 : i32
        %dma_wait3A_1046 = arith.constant 0 : i32
        %dma_wait3A_1047 = arith.constant 0 : i32
        %dma_wait3A_1048 = tpu.memref_slice %arg10[%dma_wait3A_1045, %dma_wait3A_1046, %dma_wait3A_1047] : memref<32x8x32xf32, #tpu.memory_space<vmem>> -> memref<1x8x32xf32, #tpu.memory_space<vmem>>
        %dma_wait3A_1049 = arith.constant 0 : i32
        %dma_wait3A_1050 = arith.constant 0 : i32
        %dma_wait3A_1051 = arith.constant 0 : i32
        %dma_wait3A_1052 = tpu.memref_slice %arg4[%dma_wait3A_1049, %dma_wait3A_1050, %dma_wait3A_1051] : memref<125000x8x32xf32, #tpu.memory_space<hbm>> -> memref<1x8x32xf32, #tpu.memory_space<hbm>>
        %dma_wait3A_1053 = arith.constant 8 : i32
        %dma_wait3A_1054 = arith.constant 0 : i32
        %dma_wait3A_1055 = arith.constant 0 : i32
        %dma_wait3A_1056 = tpu.memref_slice %arg10[%dma_wait3A_1053, %dma_wait3A_1054, %dma_wait3A_1055] : memref<32x8x32xf32, #tpu.memory_space<vmem>> -> memref<1x8x32xf32, #tpu.memory_space<vmem>>
        %dma_wait3A_1057 = arith.constant 0 : i32
        %dma_wait3A_1058 = arith.constant 0 : i32
        %dma_wait3A_1059 = arith.constant 0 : i32
        %dma_wait3A_1060 = tpu.memref_slice %arg4[%dma_wait3A_1057, %dma_wait3A_1058, %dma_wait3A_1059] : memref<125000x8x32xf32, #tpu.memory_space<hbm>> -> memref<1x8x32xf32, #tpu.memory_space<hbm>>
        tpu.wait_dma2 semaphore(%arg12 : memref<!tpu.dma_semaphore, #tpu.memory_space<semaphore_mem>>) src(%dma_wait3A_1060 : memref<1x8x32xf32, #tpu.memory_space<hbm>>) dst(%dma_wait3A_1056 : memref<1x8x32xf32, #tpu.memory_space<vmem>>)
        %dma_wait3A_1061 = arith.constant 9 : i32
        %dma_wait3A_1062 = arith.constant 0 : i32
        %dma_wait3A_1063 = arith.constant 0 : i32
        %dma_wait3A_1064 = tpu.memref_slice %arg10[%dma_wait3A_1061, %dma_wait3A_1062, %dma_wait3A_1063] : memref<32x8x32xf32, #tpu.memory_space<vmem>> -> memref<1x8x32xf32, #tpu.memory_space<vmem>>
        %dma_wait3A_1065 = arith.constant 0 : i32
        %dma_wait3A_1066 = arith.constant 0 : i32
        %dma_wait3A_1067 = arith.constant 0 : i32
        %dma_wait3A_1068 = tpu.memref_slice %arg4[%dma_wait3A_1065, %dma_wait3A_1066, %dma_wait3A_1067] : memref<125000x8x32xf32, #tpu.memory_space<hbm>> -> memref<1x8x32xf32, #tpu.memory_space<hbm>>
        %dma_wait3A_1069 = arith.constant 9 : i32
        %dma_wait3A_1070 = arith.constant 0 : i32
        %dma_wait3A_1071 = arith.constant 0 : i32
        %dma_wait3A_1072 = tpu.memref_slice %arg10[%dma_wait3A_1069, %dma_wait3A_1070, %dma_wait3A_1071] : memref<32x8x32xf32, #tpu.memory_space<vmem>> -> memref<1x8x32xf32, #tpu.memory_space<vmem>>
        %dma_wait3A_1073 = arith.constant 0 : i32
        %dma_wait3A_1074 = arith.constant 0 : i32
        %dma_wait3A_1075 = arith.constant 0 : i32
        %dma_wait3A_1076 = tpu.memref_slice %arg4[%dma_wait3A_1073, %dma_wait3A_1074, %dma_wait3A_1075] : memref<125000x8x32xf32, #tpu.memory_space<hbm>> -> memref<1x8x32xf32, #tpu.memory_space<hbm>>
        tpu.wait_dma2 semaphore(%arg12 : memref<!tpu.dma_semaphore, #tpu.memory_space<semaphore_mem>>) src(%dma_wait3A_1076 : memref<1x8x32xf32, #tpu.memory_space<hbm>>) dst(%dma_wait3A_1072 : memref<1x8x32xf32, #tpu.memory_space<vmem>>)
        %dma_wait3A_1077 = arith.constant 10 : i32
        %dma_wait3A_1078 = arith.constant 0 : i32
        %dma_wait3A_1079 = arith.constant 0 : i32
        %dma_wait3A_1080 = tpu.memref_slice %arg10[%dma_wait3A_1077, %dma_wait3A_1078, %dma_wait3A_1079] : memref<32x8x32xf32, #tpu.memory_space<vmem>> -> memref<1x8x32xf32, #tpu.memory_space<vmem>>
        %dma_wait3A_1081 = arith.constant 0 : i32
        %dma_wait3A_1082 = arith.constant 0 : i32
        %dma_wait3A_1083 = arith.constant 0 : i32
        %dma_wait3A_1084 = tpu.memref_slice %arg4[%dma_wait3A_1081, %dma_wait3A_1082, %dma_wait3A_1083] : memref<125000x8x32xf32, #tpu.memory_space<hbm>> -> memref<1x8x32xf32, #tpu.memory_space<hbm>>
        %dma_wait3A_1085 = arith.constant 10 : i32
        %dma_wait3A_1086 = arith.constant 0 : i32
        %dma_wait3A_1087 = arith.constant 0 : i32
        %dma_wait3A_1088 = tpu.memref_slice %arg10[%dma_wait3A_1085, %dma_wait3A_1086, %dma_wait3A_1087] : memref<32x8x32xf32, #tpu.memory_space<vmem>> -> memref<1x8x32xf32, #tpu.memory_space<vmem>>
        %dma_wait3A_1089 = arith.constant 0 : i32
        %dma_wait3A_1090 = arith.constant 0 : i32
        %dma_wait3A_1091 = arith.constant 0 : i32
        %dma_wait3A_1092 = tpu.memref_slice %arg4[%dma_wait3A_1089, %dma_wait3A_1090, %dma_wait3A_1091] : memref<125000x8x32xf32, #tpu.memory_space<hbm>> -> memref<1x8x32xf32, #tpu.memory_space<hbm>>
        tpu.wait_dma2 semaphore(%arg12 : memref<!tpu.dma_semaphore, #tpu.memory_space<semaphore_mem>>) src(%dma_wait3A_1092 : memref<1x8x32xf32, #tpu.memory_space<hbm>>) dst(%dma_wait3A_1088 : memref<1x8x32xf32, #tpu.memory_space<vmem>>)
        %dma_wait3A_1093 = arith.constant 11 : i32
        %dma_wait3A_1094 = arith.constant 0 : i32
        %dma_wait3A_1095 = arith.constant 0 : i32
        %dma_wait3A_1096 = tpu.memref_slice %arg10[%dma_wait3A_1093, %dma_wait3A_1094, %dma_wait3A_1095] : memref<32x8x32xf32, #tpu.memory_space<vmem>> -> memref<1x8x32xf32, #tpu.memory_space<vmem>>
        %dma_wait3A_1097 = arith.constant 0 : i32
        %dma_wait3A_1098 = arith.constant 0 : i32
        %dma_wait3A_1099 = arith.constant 0 : i32
        %dma_wait3A_1100 = tpu.memref_slice %arg4[%dma_wait3A_1097, %dma_wait3A_1098, %dma_wait3A_1099] : memref<125000x8x32xf32, #tpu.memory_space<hbm>> -> memref<1x8x32xf32, #tpu.memory_space<hbm>>
        %dma_wait3A_1101 = arith.constant 11 : i32
        %dma_wait3A_1102 = arith.constant 0 : i32
        %dma_wait3A_1103 = arith.constant 0 : i32
        %dma_wait3A_1104 = tpu.memref_slice %arg10[%dma_wait3A_1101, %dma_wait3A_1102, %dma_wait3A_1103] : memref<32x8x32xf32, #tpu.memory_space<vmem>> -> memref<1x8x32xf32, #tpu.memory_space<vmem>>
        %dma_wait3A_1105 = arith.constant 0 : i32
        %dma_wait3A_1106 = arith.constant 0 : i32
        %dma_wait3A_1107 = arith.constant 0 : i32
        %dma_wait3A_1108 = tpu.memref_slice %arg4[%dma_wait3A_1105, %dma_wait3A_1106, %dma_wait3A_1107] : memref<125000x8x32xf32, #tpu.memory_space<hbm>> -> memref<1x8x32xf32, #tpu.memory_space<hbm>>
        tpu.wait_dma2 semaphore(%arg12 : memref<!tpu.dma_semaphore, #tpu.memory_space<semaphore_mem>>) src(%dma_wait3A_1108 : memref<1x8x32xf32, #tpu.memory_space<hbm>>) dst(%dma_wait3A_1104 : memref<1x8x32xf32, #tpu.memory_space<vmem>>)
        %dma_wait3A_1109 = arith.constant 12 : i32
        %dma_wait3A_1110 = arith.constant 0 : i32
        %dma_wait3A_1111 = arith.constant 0 : i32
        %dma_wait3A_1112 = tpu.memref_slice %arg10[%dma_wait3A_1109, %dma_wait3A_1110, %dma_wait3A_1111] : memref<32x8x32xf32, #tpu.memory_space<vmem>> -> memref<1x8x32xf32, #tpu.memory_space<vmem>>
        %dma_wait3A_1113 = arith.constant 0 : i32
        %dma_wait3A_1114 = arith.constant 0 : i32
        %dma_wait3A_1115 = arith.constant 0 : i32
        %dma_wait3A_1116 = tpu.memref_slice %arg4[%dma_wait3A_1113, %dma_wait3A_1114, %dma_wait3A_1115] : memref<125000x8x32xf32, #tpu.memory_space<hbm>> -> memref<1x8x32xf32, #tpu.memory_space<hbm>>
        %dma_wait3A_1117 = arith.constant 12 : i32
        %dma_wait3A_1118 = arith.constant 0 : i32
        %dma_wait3A_1119 = arith.constant 0 : i32
        %dma_wait3A_1120 = tpu.memref_slice %arg10[%dma_wait3A_1117, %dma_wait3A_1118, %dma_wait3A_1119] : memref<32x8x32xf32, #tpu.memory_space<vmem>> -> memref<1x8x32xf32, #tpu.memory_space<vmem>>
        %dma_wait3A_1121 = arith.constant 0 : i32
        %dma_wait3A_1122 = arith.constant 0 : i32
        %dma_wait3A_1123 = arith.constant 0 : i32
        %dma_wait3A_1124 = tpu.memref_slice %arg4[%dma_wait3A_1121, %dma_wait3A_1122, %dma_wait3A_1123] : memref<125000x8x32xf32, #tpu.memory_space<hbm>> -> memref<1x8x32xf32, #tpu.memory_space<hbm>>
        tpu.wait_dma2 semaphore(%arg12 : memref<!tpu.dma_semaphore, #tpu.memory_space<semaphore_mem>>) src(%dma_wait3A_1124 : memref<1x8x32xf32, #tpu.memory_space<hbm>>) dst(%dma_wait3A_1120 : memref<1x8x32xf32, #tpu.memory_space<vmem>>)
        %dma_wait3A_1125 = arith.constant 13 : i32
        %dma_wait3A_1126 = arith.constant 0 : i32
        %dma_wait3A_1127 = arith.constant 0 : i32
        %dma_wait3A_1128 = tpu.memref_slice %arg10[%dma_wait3A_1125, %dma_wait3A_1126, %dma_wait3A_1127] : memref<32x8x32xf32, #tpu.memory_space<vmem>> -> memref<1x8x32xf32, #tpu.memory_space<vmem>>
        %dma_wait3A_1129 = arith.constant 0 : i32
        %dma_wait3A_1130 = arith.constant 0 : i32
        %dma_wait3A_1131 = arith.constant 0 : i32
        %dma_wait3A_1132 = tpu.memref_slice %arg4[%dma_wait3A_1129, %dma_wait3A_1130, %dma_wait3A_1131] : memref<125000x8x32xf32, #tpu.memory_space<hbm>> -> memref<1x8x32xf32, #tpu.memory_space<hbm>>
        %dma_wait3A_1133 = arith.constant 13 : i32
        %dma_wait3A_1134 = arith.constant 0 : i32
        %dma_wait3A_1135 = arith.constant 0 : i32
        %dma_wait3A_1136 = tpu.memref_slice %arg10[%dma_wait3A_1133, %dma_wait3A_1134, %dma_wait3A_1135] : memref<32x8x32xf32, #tpu.memory_space<vmem>> -> memref<1x8x32xf32, #tpu.memory_space<vmem>>
        %dma_wait3A_1137 = arith.constant 0 : i32
        %dma_wait3A_1138 = arith.constant 0 : i32
        %dma_wait3A_1139 = arith.constant 0 : i32
        %dma_wait3A_1140 = tpu.memref_slice %arg4[%dma_wait3A_1137, %dma_wait3A_1138, %dma_wait3A_1139] : memref<125000x8x32xf32, #tpu.memory_space<hbm>> -> memref<1x8x32xf32, #tpu.memory_space<hbm>>
        tpu.wait_dma2 semaphore(%arg12 : memref<!tpu.dma_semaphore, #tpu.memory_space<semaphore_mem>>) src(%dma_wait3A_1140 : memref<1x8x32xf32, #tpu.memory_space<hbm>>) dst(%dma_wait3A_1136 : memref<1x8x32xf32, #tpu.memory_space<vmem>>)
        %dma_wait3A_1141 = arith.constant 14 : i32
        %dma_wait3A_1142 = arith.constant 0 : i32
        %dma_wait3A_1143 = arith.constant 0 : i32
        %dma_wait3A_1144 = tpu.memref_slice %arg10[%dma_wait3A_1141, %dma_wait3A_1142, %dma_wait3A_1143] : memref<32x8x32xf32, #tpu.memory_space<vmem>> -> memref<1x8x32xf32, #tpu.memory_space<vmem>>
        %dma_wait3A_1145 = arith.constant 0 : i32
        %dma_wait3A_1146 = arith.constant 0 : i32
        %dma_wait3A_1147 = arith.constant 0 : i32
        %dma_wait3A_1148 = tpu.memref_slice %arg4[%dma_wait3A_1145, %dma_wait3A_1146, %dma_wait3A_1147] : memref<125000x8x32xf32, #tpu.memory_space<hbm>> -> memref<1x8x32xf32, #tpu.memory_space<hbm>>
        %dma_wait3A_1149 = arith.constant 14 : i32
        %dma_wait3A_1150 = arith.constant 0 : i32
        %dma_wait3A_1151 = arith.constant 0 : i32
        %dma_wait3A_1152 = tpu.memref_slice %arg10[%dma_wait3A_1149, %dma_wait3A_1150, %dma_wait3A_1151] : memref<32x8x32xf32, #tpu.memory_space<vmem>> -> memref<1x8x32xf32, #tpu.memory_space<vmem>>
        %dma_wait3A_1153 = arith.constant 0 : i32
        %dma_wait3A_1154 = arith.constant 0 : i32
        %dma_wait3A_1155 = arith.constant 0 : i32
        %dma_wait3A_1156 = tpu.memref_slice %arg4[%dma_wait3A_1153, %dma_wait3A_1154, %dma_wait3A_1155] : memref<125000x8x32xf32, #tpu.memory_space<hbm>> -> memref<1x8x32xf32, #tpu.memory_space<hbm>>
        tpu.wait_dma2 semaphore(%arg12 : memref<!tpu.dma_semaphore, #tpu.memory_space<semaphore_mem>>) src(%dma_wait3A_1156 : memref<1x8x32xf32, #tpu.memory_space<hbm>>) dst(%dma_wait3A_1152 : memref<1x8x32xf32, #tpu.memory_space<vmem>>)
        %dma_wait3A_1157 = arith.constant 15 : i32
        %dma_wait3A_1158 = arith.constant 0 : i32
        %dma_wait3A_1159 = arith.constant 0 : i32
        %dma_wait3A_1160 = tpu.memref_slice %arg10[%dma_wait3A_1157, %dma_wait3A_1158, %dma_wait3A_1159] : memref<32x8x32xf32, #tpu.memory_space<vmem>> -> memref<1x8x32xf32, #tpu.memory_space<vmem>>
        %dma_wait3A_1161 = arith.constant 0 : i32
        %dma_wait3A_1162 = arith.constant 0 : i32
        %dma_wait3A_1163 = arith.constant 0 : i32
        %dma_wait3A_1164 = tpu.memref_slice %arg4[%dma_wait3A_1161, %dma_wait3A_1162, %dma_wait3A_1163] : memref<125000x8x32xf32, #tpu.memory_space<hbm>> -> memref<1x8x32xf32, #tpu.memory_space<hbm>>
        %dma_wait3A_1165 = arith.constant 15 : i32
        %dma_wait3A_1166 = arith.constant 0 : i32
        %dma_wait3A_1167 = arith.constant 0 : i32
        %dma_wait3A_1168 = tpu.memref_slice %arg10[%dma_wait3A_1165, %dma_wait3A_1166, %dma_wait3A_1167] : memref<32x8x32xf32, #tpu.memory_space<vmem>> -> memref<1x8x32xf32, #tpu.memory_space<vmem>>
        %dma_wait3A_1169 = arith.constant 0 : i32
        %dma_wait3A_1170 = arith.constant 0 : i32
        %dma_wait3A_1171 = arith.constant 0 : i32
        %dma_wait3A_1172 = tpu.memref_slice %arg4[%dma_wait3A_1169, %dma_wait3A_1170, %dma_wait3A_1171] : memref<125000x8x32xf32, #tpu.memory_space<hbm>> -> memref<1x8x32xf32, #tpu.memory_space<hbm>>
        tpu.wait_dma2 semaphore(%arg12 : memref<!tpu.dma_semaphore, #tpu.memory_space<semaphore_mem>>) src(%dma_wait3A_1172 : memref<1x8x32xf32, #tpu.memory_space<hbm>>) dst(%dma_wait3A_1168 : memref<1x8x32xf32, #tpu.memory_space<vmem>>)
        %mul3A_1173 = arith.constant 16 : i32
        %mul3A_1174 = arith.muli %scan3A_907, %mul3A_1173 : i32
        %get3A_1175 = arith.index_cast %mul3A_1174 : i32 to index
        %get3A_1176 = tpu.vector_load %arg9[%get3A_1175] {strides = array<i32>} : memref<512xi32, #tpu.memory_space<vmem>>, vector<16xi32>,
        %broadcast_in_dim3A = arith.constant 0 : i32
        %broadcast_in_dim3A_1177 = vector.broadcast %broadcast_in_dim3A : i32 to vector<16xi32>
        %slice3A_1178 = vector.extract_strided_slice %get3A_1176 {offsets = [0], sizes = [1], strides = [1]} : vector<16xi32> to vector<1xi32>
        %squeeze3A_1179 = vector.extract %slice3A_1178[0] : i32 from vector<1xi32>
        %broadcast_in_dim3A_1180 = vector.broadcast %squeeze3A_1179 : i32 to vector<16xi32>
        %mul3A_1181 = arith.constant 16 : i32
        %mul3A_1182 = arith.muli %scan3A_907, %mul3A_1181 : i32
        %add3A_1183 = arith.constant 0 : i32
        %add3A_1184 = arith.addi %mul3A_1182, %add3A_1183 : i32
        %broadcast_in_dim3A_1185 = vector.broadcast %add3A_1184 : i32 to vector<16xi32>
        %gather3A = tpu.vector_load_idx %arg10[%broadcast_in_dim3A_1177, %broadcast_in_dim3A_1180, %iota3A] : memref<32x8x32xf32, #tpu.memory_space<vmem>>[vector<16xi32>, vector<16xi32>, vector<16xi32>], vector<16xf32>,
        %add3A_1186 = arith.constant 16 : i32
        %add3A_1187 = vector.broadcast %add3A_1186 : i32 to vector<16xi32>
        %add3A_1188 = arith.addi %iota3A, %add3A_1187 : vector<16xi32>
        %gather3A_1189 = tpu.vector_load_idx %arg10[%broadcast_in_dim3A_1177, %broadcast_in_dim3A_1180, %add3A_1188] : memref<32x8x32xf32, #tpu.memory_space<vmem>>[vector<16xi32>, vector<16xi32>, vector<16xi32>], vector<16xf32>,
        tpu.vector_store_idx %arg11[%broadcast_in_dim3A_1185, %iota3A], %gather3A : memref<512x32xf32, #tpu.memory_space<vmem>>[vector<16xi32>, vector<16xi32>], vector<16xf32>,
        %add3A_1190 = arith.constant 16 : i32
        %add3A_1191 = vector.broadcast %add3A_1190 : i32 to vector<16xi32>
        %add3A_1192 = arith.addi %iota3A, %add3A_1191 : vector<16xi32>
        tpu.vector_store_idx %arg11[%broadcast_in_dim3A_1185, %add3A_1192], %gather3A_1189 : memref<512x32xf32, #tpu.memory_space<vmem>>[vector<16xi32>, vector<16xi32>], vector<16xf32>,
        %broadcast_in_dim3A_1193 = arith.constant 1 : i32
        %broadcast_in_dim3A_1194 = vector.broadcast %broadcast_in_dim3A_1193 : i32 to vector<16xi32>
        %slice3A_1195 = vector.extract_strided_slice %get3A_1176 {offsets = [1], sizes = [1], strides = [1]} : vector<16xi32> to vector<1xi32>
        %squeeze3A_1196 = vector.extract %slice3A_1195[0] : i32 from vector<1xi32>
        %broadcast_in_dim3A_1197 = vector.broadcast %squeeze3A_1196 : i32 to vector<16xi32>
        %mul3A_1198 = arith.constant 16 : i32
        %mul3A_1199 = arith.muli %scan3A_907, %mul3A_1198 : i32
        %add3A_1200 = arith.constant 1 : i32
        %add3A_1201 = arith.addi %mul3A_1199, %add3A_1200 : i32
        %broadcast_in_dim3A_1202 = vector.broadcast %add3A_1201 : i32 to vector<16xi32>
        %gather3A_1203 = tpu.vector_load_idx %arg10[%broadcast_in_dim3A_1194, %broadcast_in_dim3A_1197, %iota3A] : memref<32x8x32xf32, #tpu.memory_space<vmem>>[vector<16xi32>, vector<16xi32>, vector<16xi32>], vector<16xf32>,
        %add3A_1204 = arith.constant 16 : i32
        %add3A_1205 = vector.broadcast %add3A_1204 : i32 to vector<16xi32>
        %add3A_1206 = arith.addi %iota3A, %add3A_1205 : vector<16xi32>
        %gather3A_1207 = tpu.vector_load_idx %arg10[%broadcast_in_dim3A_1194, %broadcast_in_dim3A_1197, %add3A_1206] : memref<32x8x32xf32, #tpu.memory_space<vmem>>[vector<16xi32>, vector<16xi32>, vector<16xi32>], vector<16xf32>,
        tpu.vector_store_idx %arg11[%broadcast_in_dim3A_1202, %iota3A], %gather3A_1203 : memref<512x32xf32, #tpu.memory_space<vmem>>[vector<16xi32>, vector<16xi32>], vector<16xf32>,
        %add3A_1208 = arith.constant 16 : i32
        %add3A_1209 = vector.broadcast %add3A_1208 : i32 to vector<16xi32>
        %add3A_1210 = arith.addi %iota3A, %add3A_1209 : vector<16xi32>
        tpu.vector_store_idx %arg11[%broadcast_in_dim3A_1202, %add3A_1210], %gather3A_1207 : memref<512x32xf32, #tpu.memory_space<vmem>>[vector<16xi32>, vector<16xi32>], vector<16xf32>,
        %broadcast_in_dim3A_1211 = arith.constant 2 : i32
        %broadcast_in_dim3A_1212 = vector.broadcast %broadcast_in_dim3A_1211 : i32 to vector<16xi32>
        %slice3A_1213 = vector.extract_strided_slice %get3A_1176 {offsets = [2], sizes = [1], strides = [1]} : vector<16xi32> to vector<1xi32>
        %squeeze3A_1214 = vector.extract %slice3A_1213[0] : i32 from vector<1xi32>
        %broadcast_in_dim3A_1215 = vector.broadcast %squeeze3A_1214 : i32 to vector<16xi32>
        %mul3A_1216 = arith.constant 16 : i32
        %mul3A_1217 = arith.muli %scan3A_907, %mul3A_1216 : i32
        %add3A_1218 = arith.constant 2 : i32
        %add3A_1219 = arith.addi %mul3A_1217, %add3A_1218 : i32
        %broadcast_in_dim3A_1220 = vector.broadcast %add3A_1219 : i32 to vector<16xi32>
        %gather3A_1221 = tpu.vector_load_idx %arg10[%broadcast_in_dim3A_1212, %broadcast_in_dim3A_1215, %iota3A] : memref<32x8x32xf32, #tpu.memory_space<vmem>>[vector<16xi32>, vector<16xi32>, vector<16xi32>], vector<16xf32>,
        %add3A_1222 = arith.constant 16 : i32
        %add3A_1223 = vector.broadcast %add3A_1222 : i32 to vector<16xi32>
        %add3A_1224 = arith.addi %iota3A, %add3A_1223 : vector<16xi32>
        %gather3A_1225 = tpu.vector_load_idx %arg10[%broadcast_in_dim3A_1212, %broadcast_in_dim3A_1215, %add3A_1224] : memref<32x8x32xf32, #tpu.memory_space<vmem>>[vector<16xi32>, vector<16xi32>, vector<16xi32>], vector<16xf32>,
        tpu.vector_store_idx %arg11[%broadcast_in_dim3A_1220, %iota3A], %gather3A_1221 : memref<512x32xf32, #tpu.memory_space<vmem>>[vector<16xi32>, vector<16xi32>], vector<16xf32>,
        %add3A_1226 = arith.constant 16 : i32
        %add3A_1227 = vector.broadcast %add3A_1226 : i32 to vector<16xi32>
        %add3A_1228 = arith.addi %iota3A, %add3A_1227 : vector<16xi32>
        tpu.vector_store_idx %arg11[%broadcast_in_dim3A_1220, %add3A_1228], %gather3A_1225 : memref<512x32xf32, #tpu.memory_space<vmem>>[vector<16xi32>, vector<16xi32>], vector<16xf32>,
        %broadcast_in_dim3A_1229 = arith.constant 3 : i32
        %broadcast_in_dim3A_1230 = vector.broadcast %broadcast_in_dim3A_1229 : i32 to vector<16xi32>
        %slice3A_1231 = vector.extract_strided_slice %get3A_1176 {offsets = [3], sizes = [1], strides = [1]} : vector<16xi32> to vector<1xi32>
        %squeeze3A_1232 = vector.extract %slice3A_1231[0] : i32 from vector<1xi32>
        %broadcast_in_dim3A_1233 = vector.broadcast %squeeze3A_1232 : i32 to vector<16xi32>
        %mul3A_1234 = arith.constant 16 : i32
        %mul3A_1235 = arith.muli %scan3A_907, %mul3A_1234 : i32
        %add3A_1236 = arith.constant 3 : i32
        %add3A_1237 = arith.addi %mul3A_1235, %add3A_1236 : i32
        %broadcast_in_dim3A_1238 = vector.broadcast %add3A_1237 : i32 to vector<16xi32>
        %gather3A_1239 = tpu.vector_load_idx %arg10[%broadcast_in_dim3A_1230, %broadcast_in_dim3A_1233, %iota3A] : memref<32x8x32xf32, #tpu.memory_space<vmem>>[vector<16xi32>, vector<16xi32>, vector<16xi32>], vector<16xf32>,
        %add3A_1240 = arith.constant 16 : i32
        %add3A_1241 = vector.broadcast %add3A_1240 : i32 to vector<16xi32>
        %add3A_1242 = arith.addi %iota3A, %add3A_1241 : vector<16xi32>
        %gather3A_1243 = tpu.vector_load_idx %arg10[%broadcast_in_dim3A_1230, %broadcast_in_dim3A_1233, %add3A_1242] : memref<32x8x32xf32, #tpu.memory_space<vmem>>[vector<16xi32>, vector<16xi32>, vector<16xi32>], vector<16xf32>,
        tpu.vector_store_idx %arg11[%broadcast_in_dim3A_1238, %iota3A], %gather3A_1239 : memref<512x32xf32, #tpu.memory_space<vmem>>[vector<16xi32>, vector<16xi32>], vector<16xf32>,
        %add3A_1244 = arith.constant 16 : i32
        %add3A_1245 = vector.broadcast %add3A_1244 : i32 to vector<16xi32>
        %add3A_1246 = arith.addi %iota3A, %add3A_1245 : vector<16xi32>
        tpu.vector_store_idx %arg11[%broadcast_in_dim3A_1238, %add3A_1246], %gather3A_1243 : memref<512x32xf32, #tpu.memory_space<vmem>>[vector<16xi32>, vector<16xi32>], vector<16xf32>,
        %broadcast_in_dim3A_1247 = arith.constant 4 : i32
        %broadcast_in_dim3A_1248 = vector.broadcast %broadcast_in_dim3A_1247 : i32 to vector<16xi32>
        %slice3A_1249 = vector.extract_strided_slice %get3A_1176 {offsets = [4], sizes = [1], strides = [1]} : vector<16xi32> to vector<1xi32>
        %squeeze3A_1250 = vector.extract %slice3A_1249[0] : i32 from vector<1xi32>
        %broadcast_in_dim3A_1251 = vector.broadcast %squeeze3A_1250 : i32 to vector<16xi32>
        %mul3A_1252 = arith.constant 16 : i32
        %mul3A_1253 = arith.muli %scan3A_907, %mul3A_1252 : i32
        %add3A_1254 = arith.constant 4 : i32
        %add3A_1255 = arith.addi %mul3A_1253, %add3A_1254 : i32
        %broadcast_in_dim3A_1256 = vector.broadcast %add3A_1255 : i32 to vector<16xi32>
        %gather3A_1257 = tpu.vector_load_idx %arg10[%broadcast_in_dim3A_1248, %broadcast_in_dim3A_1251, %iota3A] : memref<32x8x32xf32, #tpu.memory_space<vmem>>[vector<16xi32>, vector<16xi32>, vector<16xi32>], vector<16xf32>,
        %add3A_1258 = arith.constant 16 : i32
        %add3A_1259 = vector.broadcast %add3A_1258 : i32 to vector<16xi32>
        %add3A_1260 = arith.addi %iota3A, %add3A_1259 : vector<16xi32>
        %gather3A_1261 = tpu.vector_load_idx %arg10[%broadcast_in_dim3A_1248, %broadcast_in_dim3A_1251, %add3A_1260] : memref<32x8x32xf32, #tpu.memory_space<vmem>>[vector<16xi32>, vector<16xi32>, vector<16xi32>], vector<16xf32>,
        tpu.vector_store_idx %arg11[%broadcast_in_dim3A_1256, %iota3A], %gather3A_1257 : memref<512x32xf32, #tpu.memory_space<vmem>>[vector<16xi32>, vector<16xi32>], vector<16xf32>,
        %add3A_1262 = arith.constant 16 : i32
        %add3A_1263 = vector.broadcast %add3A_1262 : i32 to vector<16xi32>
        %add3A_1264 = arith.addi %iota3A, %add3A_1263 : vector<16xi32>
        tpu.vector_store_idx %arg11[%broadcast_in_dim3A_1256, %add3A_1264], %gather3A_1261 : memref<512x32xf32, #tpu.memory_space<vmem>>[vector<16xi32>, vector<16xi32>], vector<16xf32>,
        %broadcast_in_dim3A_1265 = arith.constant 5 : i32
        %broadcast_in_dim3A_1266 = vector.broadcast %broadcast_in_dim3A_1265 : i32 to vector<16xi32>
        %slice3A_1267 = vector.extract_strided_slice %get3A_1176 {offsets = [5], sizes = [1], strides = [1]} : vector<16xi32> to vector<1xi32>
        %squeeze3A_1268 = vector.extract %slice3A_1267[0] : i32 from vector<1xi32>
        %broadcast_in_dim3A_1269 = vector.broadcast %squeeze3A_1268 : i32 to vector<16xi32>
        %mul3A_1270 = arith.constant 16 : i32
        %mul3A_1271 = arith.muli %scan3A_907, %mul3A_1270 : i32
        %add3A_1272 = arith.constant 5 : i32
        %add3A_1273 = arith.addi %mul3A_1271, %add3A_1272 : i32
        %broadcast_in_dim3A_1274 = vector.broadcast %add3A_1273 : i32 to vector<16xi32>
        %gather3A_1275 = tpu.vector_load_idx %arg10[%broadcast_in_dim3A_1266, %broadcast_in_dim3A_1269, %iota3A] : memref<32x8x32xf32, #tpu.memory_space<vmem>>[vector<16xi32>, vector<16xi32>, vector<16xi32>], vector<16xf32>,
        %add3A_1276 = arith.constant 16 : i32
        %add3A_1277 = vector.broadcast %add3A_1276 : i32 to vector<16xi32>
        %add3A_1278 = arith.addi %iota3A, %add3A_1277 : vector<16xi32>
        %gather3A_1279 = tpu.vector_load_idx %arg10[%broadcast_in_dim3A_1266, %broadcast_in_dim3A_1269, %add3A_1278] : memref<32x8x32xf32, #tpu.memory_space<vmem>>[vector<16xi32>, vector<16xi32>, vector<16xi32>], vector<16xf32>,
        tpu.vector_store_idx %arg11[%broadcast_in_dim3A_1274, %iota3A], %gather3A_1275 : memref<512x32xf32, #tpu.memory_space<vmem>>[vector<16xi32>, vector<16xi32>], vector<16xf32>,
        %add3A_1280 = arith.constant 16 : i32
        %add3A_1281 = vector.broadcast %add3A_1280 : i32 to vector<16xi32>
        %add3A_1282 = arith.addi %iota3A, %add3A_1281 : vector<16xi32>
        tpu.vector_store_idx %arg11[%broadcast_in_dim3A_1274, %add3A_1282], %gather3A_1279 : memref<512x32xf32, #tpu.memory_space<vmem>>[vector<16xi32>, vector<16xi32>], vector<16xf32>,
        %broadcast_in_dim3A_1283 = arith.constant 6 : i32
        %broadcast_in_dim3A_1284 = vector.broadcast %broadcast_in_dim3A_1283 : i32 to vector<16xi32>
        %slice3A_1285 = vector.extract_strided_slice %get3A_1176 {offsets = [6], sizes = [1], strides = [1]} : vector<16xi32> to vector<1xi32>
        %squeeze3A_1286 = vector.extract %slice3A_1285[0] : i32 from vector<1xi32>
        %broadcast_in_dim3A_1287 = vector.broadcast %squeeze3A_1286 : i32 to vector<16xi32>
        %mul3A_1288 = arith.constant 16 : i32
        %mul3A_1289 = arith.muli %scan3A_907, %mul3A_1288 : i32
        %add3A_1290 = arith.constant 6 : i32
        %add3A_1291 = arith.addi %mul3A_1289, %add3A_1290 : i32
        %broadcast_in_dim3A_1292 = vector.broadcast %add3A_1291 : i32 to vector<16xi32>
        %gather3A_1293 = tpu.vector_load_idx %arg10[%broadcast_in_dim3A_1284, %broadcast_in_dim3A_1287, %iota3A] : memref<32x8x32xf32, #tpu.memory_space<vmem>>[vector<16xi32>, vector<16xi32>, vector<16xi32>], vector<16xf32>,
        %add3A_1294 = arith.constant 16 : i32
        %add3A_1295 = vector.broadcast %add3A_1294 : i32 to vector<16xi32>
        %add3A_1296 = arith.addi %iota3A, %add3A_1295 : vector<16xi32>
        %gather3A_1297 = tpu.vector_load_idx %arg10[%broadcast_in_dim3A_1284, %broadcast_in_dim3A_1287, %add3A_1296] : memref<32x8x32xf32, #tpu.memory_space<vmem>>[vector<16xi32>, vector<16xi32>, vector<16xi32>], vector<16xf32>,
        tpu.vector_store_idx %arg11[%broadcast_in_dim3A_1292, %iota3A], %gather3A_1293 : memref<512x32xf32, #tpu.memory_space<vmem>>[vector<16xi32>, vector<16xi32>], vector<16xf32>,
        %add3A_1298 = arith.constant 16 : i32
        %add3A_1299 = vector.broadcast %add3A_1298 : i32 to vector<16xi32>
        %add3A_1300 = arith.addi %iota3A, %add3A_1299 : vector<16xi32>
        tpu.vector_store_idx %arg11[%broadcast_in_dim3A_1292, %add3A_1300], %gather3A_1297 : memref<512x32xf32, #tpu.memory_space<vmem>>[vector<16xi32>, vector<16xi32>], vector<16xf32>,
        %broadcast_in_dim3A_1301 = arith.constant 7 : i32
        %broadcast_in_dim3A_1302 = vector.broadcast %broadcast_in_dim3A_1301 : i32 to vector<16xi32>
        %slice3A_1303 = vector.extract_strided_slice %get3A_1176 {offsets = [7], sizes = [1], strides = [1]} : vector<16xi32> to vector<1xi32>
        %squeeze3A_1304 = vector.extract %slice3A_1303[0] : i32 from vector<1xi32>
        %broadcast_in_dim3A_1305 = vector.broadcast %squeeze3A_1304 : i32 to vector<16xi32>
        %mul3A_1306 = arith.constant 16 : i32
        %mul3A_1307 = arith.muli %scan3A_907, %mul3A_1306 : i32
        %add3A_1308 = arith.constant 7 : i32
        %add3A_1309 = arith.addi %mul3A_1307, %add3A_1308 : i32
        %broadcast_in_dim3A_1310 = vector.broadcast %add3A_1309 : i32 to vector<16xi32>
        %gather3A_1311 = tpu.vector_load_idx %arg10[%broadcast_in_dim3A_1302, %broadcast_in_dim3A_1305, %iota3A] : memref<32x8x32xf32, #tpu.memory_space<vmem>>[vector<16xi32>, vector<16xi32>, vector<16xi32>], vector<16xf32>,
        %add3A_1312 = arith.constant 16 : i32
        %add3A_1313 = vector.broadcast %add3A_1312 : i32 to vector<16xi32>
        %add3A_1314 = arith.addi %iota3A, %add3A_1313 : vector<16xi32>
        %gather3A_1315 = tpu.vector_load_idx %arg10[%broadcast_in_dim3A_1302, %broadcast_in_dim3A_1305, %add3A_1314] : memref<32x8x32xf32, #tpu.memory_space<vmem>>[vector<16xi32>, vector<16xi32>, vector<16xi32>], vector<16xf32>,
        tpu.vector_store_idx %arg11[%broadcast_in_dim3A_1310, %iota3A], %gather3A_1311 : memref<512x32xf32, #tpu.memory_space<vmem>>[vector<16xi32>, vector<16xi32>], vector<16xf32>,
        %add3A_1316 = arith.constant 16 : i32
        %add3A_1317 = vector.broadcast %add3A_1316 : i32 to vector<16xi32>
        %add3A_1318 = arith.addi %iota3A, %add3A_1317 : vector<16xi32>
        tpu.vector_store_idx %arg11[%broadcast_in_dim3A_1310, %add3A_1318], %gather3A_1315 : memref<512x32xf32, #tpu.memory_space<vmem>>[vector<16xi32>, vector<16xi32>], vector<16xf32>,
        %broadcast_in_dim3A_1319 = arith.constant 8 : i32
        %broadcast_in_dim3A_1320 = vector.broadcast %broadcast_in_dim3A_1319 : i32 to vector<16xi32>
        %slice3A_1321 = vector.extract_strided_slice %get3A_1176 {offsets = [8], sizes = [1], strides = [1]} : vector<16xi32> to vector<1xi32>
        %squeeze3A_1322 = vector.extract %slice3A_1321[0] : i32 from vector<1xi32>
        %broadcast_in_dim3A_1323 = vector.broadcast %squeeze3A_1322 : i32 to vector<16xi32>
        %mul3A_1324 = arith.constant 16 : i32
        %mul3A_1325 = arith.muli %scan3A_907, %mul3A_1324 : i32
        %add3A_1326 = arith.constant 8 : i32
        %add3A_1327 = arith.addi %mul3A_1325, %add3A_1326 : i32
        %broadcast_in_dim3A_1328 = vector.broadcast %add3A_1327 : i32 to vector<16xi32>
        %gather3A_1329 = tpu.vector_load_idx %arg10[%broadcast_in_dim3A_1320, %broadcast_in_dim3A_1323, %iota3A] : memref<32x8x32xf32, #tpu.memory_space<vmem>>[vector<16xi32>, vector<16xi32>, vector<16xi32>], vector<16xf32>,
        %add3A_1330 = arith.constant 16 : i32
        %add3A_1331 = vector.broadcast %add3A_1330 : i32 to vector<16xi32>
        %add3A_1332 = arith.addi %iota3A, %add3A_1331 : vector<16xi32>
        %gather3A_1333 = tpu.vector_load_idx %arg10[%broadcast_in_dim3A_1320, %broadcast_in_dim3A_1323, %add3A_1332] : memref<32x8x32xf32, #tpu.memory_space<vmem>>[vector<16xi32>, vector<16xi32>, vector<16xi32>], vector<16xf32>,
        tpu.vector_store_idx %arg11[%broadcast_in_dim3A_1328, %iota3A], %gather3A_1329 : memref<512x32xf32, #tpu.memory_space<vmem>>[vector<16xi32>, vector<16xi32>], vector<16xf32>,
        %add3A_1334 = arith.constant 16 : i32
        %add3A_1335 = vector.broadcast %add3A_1334 : i32 to vector<16xi32>
        %add3A_1336 = arith.addi %iota3A, %add3A_1335 : vector<16xi32>
        tpu.vector_store_idx %arg11[%broadcast_in_dim3A_1328, %add3A_1336], %gather3A_1333 : memref<512x32xf32, #tpu.memory_space<vmem>>[vector<16xi32>, vector<16xi32>], vector<16xf32>,
        %broadcast_in_dim3A_1337 = arith.constant 9 : i32
        %broadcast_in_dim3A_1338 = vector.broadcast %broadcast_in_dim3A_1337 : i32 to vector<16xi32>
        %slice3A_1339 = vector.extract_strided_slice %get3A_1176 {offsets = [9], sizes = [1], strides = [1]} : vector<16xi32> to vector<1xi32>
        %squeeze3A_1340 = vector.extract %slice3A_1339[0] : i32 from vector<1xi32>
        %broadcast_in_dim3A_1341 = vector.broadcast %squeeze3A_1340 : i32 to vector<16xi32>
        %mul3A_1342 = arith.constant 16 : i32
        %mul3A_1343 = arith.muli %scan3A_907, %mul3A_1342 : i32
        %add3A_1344 = arith.constant 9 : i32
        %add3A_1345 = arith.addi %mul3A_1343, %add3A_1344 : i32
        %broadcast_in_dim3A_1346 = vector.broadcast %add3A_1345 : i32 to vector<16xi32>
        %gather3A_1347 = tpu.vector_load_idx %arg10[%broadcast_in_dim3A_1338, %broadcast_in_dim3A_1341, %iota3A] : memref<32x8x32xf32, #tpu.memory_space<vmem>>[vector<16xi32>, vector<16xi32>, vector<16xi32>], vector<16xf32>,
        %add3A_1348 = arith.constant 16 : i32
        %add3A_1349 = vector.broadcast %add3A_1348 : i32 to vector<16xi32>
        %add3A_1350 = arith.addi %iota3A, %add3A_1349 : vector<16xi32>
        %gather3A_1351 = tpu.vector_load_idx %arg10[%broadcast_in_dim3A_1338, %broadcast_in_dim3A_1341, %add3A_1350] : memref<32x8x32xf32, #tpu.memory_space<vmem>>[vector<16xi32>, vector<16xi32>, vector<16xi32>], vector<16xf32>,
        tpu.vector_store_idx %arg11[%broadcast_in_dim3A_1346, %iota3A], %gather3A_1347 : memref<512x32xf32, #tpu.memory_space<vmem>>[vector<16xi32>, vector<16xi32>], vector<16xf32>,
        %add3A_1352 = arith.constant 16 : i32
        %add3A_1353 = vector.broadcast %add3A_1352 : i32 to vector<16xi32>
        %add3A_1354 = arith.addi %iota3A, %add3A_1353 : vector<16xi32>
        tpu.vector_store_idx %arg11[%broadcast_in_dim3A_1346, %add3A_1354], %gather3A_1351 : memref<512x32xf32, #tpu.memory_space<vmem>>[vector<16xi32>, vector<16xi32>], vector<16xf32>,
        %broadcast_in_dim3A_1355 = arith.constant 10 : i32
        %broadcast_in_dim3A_1356 = vector.broadcast %broadcast_in_dim3A_1355 : i32 to vector<16xi32>
        %slice3A_1357 = vector.extract_strided_slice %get3A_1176 {offsets = [10], sizes = [1], strides = [1]} : vector<16xi32> to vector<1xi32>
        %squeeze3A_1358 = vector.extract %slice3A_1357[0] : i32 from vector<1xi32>
        %broadcast_in_dim3A_1359 = vector.broadcast %squeeze3A_1358 : i32 to vector<16xi32>
        %mul3A_1360 = arith.constant 16 : i32
        %mul3A_1361 = arith.muli %scan3A_907, %mul3A_1360 : i32
        %add3A_1362 = arith.constant 10 : i32
        %add3A_1363 = arith.addi %mul3A_1361, %add3A_1362 : i32
        %broadcast_in_dim3A_1364 = vector.broadcast %add3A_1363 : i32 to vector<16xi32>
        %gather3A_1365 = tpu.vector_load_idx %arg10[%broadcast_in_dim3A_1356, %broadcast_in_dim3A_1359, %iota3A] : memref<32x8x32xf32, #tpu.memory_space<vmem>>[vector<16xi32>, vector<16xi32>, vector<16xi32>], vector<16xf32>,
        %add3A_1366 = arith.constant 16 : i32
        %add3A_1367 = vector.broadcast %add3A_1366 : i32 to vector<16xi32>
        %add3A_1368 = arith.addi %iota3A, %add3A_1367 : vector<16xi32>
        %gather3A_1369 = tpu.vector_load_idx %arg10[%broadcast_in_dim3A_1356, %broadcast_in_dim3A_1359, %add3A_1368] : memref<32x8x32xf32, #tpu.memory_space<vmem>>[vector<16xi32>, vector<16xi32>, vector<16xi32>], vector<16xf32>,
        tpu.vector_store_idx %arg11[%broadcast_in_dim3A_1364, %iota3A], %gather3A_1365 : memref<512x32xf32, #tpu.memory_space<vmem>>[vector<16xi32>, vector<16xi32>], vector<16xf32>,
        %add3A_1370 = arith.constant 16 : i32
        %add3A_1371 = vector.broadcast %add3A_1370 : i32 to vector<16xi32>
        %add3A_1372 = arith.addi %iota3A, %add3A_1371 : vector<16xi32>
        tpu.vector_store_idx %arg11[%broadcast_in_dim3A_1364, %add3A_1372], %gather3A_1369 : memref<512x32xf32, #tpu.memory_space<vmem>>[vector<16xi32>, vector<16xi32>], vector<16xf32>,
        %broadcast_in_dim3A_1373 = arith.constant 11 : i32
        %broadcast_in_dim3A_1374 = vector.broadcast %broadcast_in_dim3A_1373 : i32 to vector<16xi32>
        %slice3A_1375 = vector.extract_strided_slice %get3A_1176 {offsets = [11], sizes = [1], strides = [1]} : vector<16xi32> to vector<1xi32>
        %squeeze3A_1376 = vector.extract %slice3A_1375[0] : i32 from vector<1xi32>
        %broadcast_in_dim3A_1377 = vector.broadcast %squeeze3A_1376 : i32 to vector<16xi32>
        %mul3A_1378 = arith.constant 16 : i32
        %mul3A_1379 = arith.muli %scan3A_907, %mul3A_1378 : i32
        %add3A_1380 = arith.constant 11 : i32
        %add3A_1381 = arith.addi %mul3A_1379, %add3A_1380 : i32
        %broadcast_in_dim3A_1382 = vector.broadcast %add3A_1381 : i32 to vector<16xi32>
        %gather3A_1383 = tpu.vector_load_idx %arg10[%broadcast_in_dim3A_1374, %broadcast_in_dim3A_1377, %iota3A] : memref<32x8x32xf32, #tpu.memory_space<vmem>>[vector<16xi32>, vector<16xi32>, vector<16xi32>], vector<16xf32>,
        %add3A_1384 = arith.constant 16 : i32
        %add3A_1385 = vector.broadcast %add3A_1384 : i32 to vector<16xi32>
        %add3A_1386 = arith.addi %iota3A, %add3A_1385 : vector<16xi32>
        %gather3A_1387 = tpu.vector_load_idx %arg10[%broadcast_in_dim3A_1374, %broadcast_in_dim3A_1377, %add3A_1386] : memref<32x8x32xf32, #tpu.memory_space<vmem>>[vector<16xi32>, vector<16xi32>, vector<16xi32>], vector<16xf32>,
        tpu.vector_store_idx %arg11[%broadcast_in_dim3A_1382, %iota3A], %gather3A_1383 : memref<512x32xf32, #tpu.memory_space<vmem>>[vector<16xi32>, vector<16xi32>], vector<16xf32>,
        %add3A_1388 = arith.constant 16 : i32
        %add3A_1389 = vector.broadcast %add3A_1388 : i32 to vector<16xi32>
        %add3A_1390 = arith.addi %iota3A, %add3A_1389 : vector<16xi32>
        tpu.vector_store_idx %arg11[%broadcast_in_dim3A_1382, %add3A_1390], %gather3A_1387 : memref<512x32xf32, #tpu.memory_space<vmem>>[vector<16xi32>, vector<16xi32>], vector<16xf32>,
        %broadcast_in_dim3A_1391 = arith.constant 12 : i32
        %broadcast_in_dim3A_1392 = vector.broadcast %broadcast_in_dim3A_1391 : i32 to vector<16xi32>
        %slice3A_1393 = vector.extract_strided_slice %get3A_1176 {offsets = [12], sizes = [1], strides = [1]} : vector<16xi32> to vector<1xi32>
        %squeeze3A_1394 = vector.extract %slice3A_1393[0] : i32 from vector<1xi32>
        %broadcast_in_dim3A_1395 = vector.broadcast %squeeze3A_1394 : i32 to vector<16xi32>
        %mul3A_1396 = arith.constant 16 : i32
        %mul3A_1397 = arith.muli %scan3A_907, %mul3A_1396 : i32
        %add3A_1398 = arith.constant 12 : i32
        %add3A_1399 = arith.addi %mul3A_1397, %add3A_1398 : i32
        %broadcast_in_dim3A_1400 = vector.broadcast %add3A_1399 : i32 to vector<16xi32>
        %gather3A_1401 = tpu.vector_load_idx %arg10[%broadcast_in_dim3A_1392, %broadcast_in_dim3A_1395, %iota3A] : memref<32x8x32xf32, #tpu.memory_space<vmem>>[vector<16xi32>, vector<16xi32>, vector<16xi32>], vector<16xf32>,
        %add3A_1402 = arith.constant 16 : i32
        %add3A_1403 = vector.broadcast %add3A_1402 : i32 to vector<16xi32>
        %add3A_1404 = arith.addi %iota3A, %add3A_1403 : vector<16xi32>
        %gather3A_1405 = tpu.vector_load_idx %arg10[%broadcast_in_dim3A_1392, %broadcast_in_dim3A_1395, %add3A_1404] : memref<32x8x32xf32, #tpu.memory_space<vmem>>[vector<16xi32>, vector<16xi32>, vector<16xi32>], vector<16xf32>,
        tpu.vector_store_idx %arg11[%broadcast_in_dim3A_1400, %iota3A], %gather3A_1401 : memref<512x32xf32, #tpu.memory_space<vmem>>[vector<16xi32>, vector<16xi32>], vector<16xf32>,
        %add3A_1406 = arith.constant 16 : i32
        %add3A_1407 = vector.broadcast %add3A_1406 : i32 to vector<16xi32>
        %add3A_1408 = arith.addi %iota3A, %add3A_1407 : vector<16xi32>
        tpu.vector_store_idx %arg11[%broadcast_in_dim3A_1400, %add3A_1408], %gather3A_1405 : memref<512x32xf32, #tpu.memory_space<vmem>>[vector<16xi32>, vector<16xi32>], vector<16xf32>,
        %broadcast_in_dim3A_1409 = arith.constant 13 : i32
        %broadcast_in_dim3A_1410 = vector.broadcast %broadcast_in_dim3A_1409 : i32 to vector<16xi32>
        %slice3A_1411 = vector.extract_strided_slice %get3A_1176 {offsets = [13], sizes = [1], strides = [1]} : vector<16xi32> to vector<1xi32>
        %squeeze3A_1412 = vector.extract %slice3A_1411[0] : i32 from vector<1xi32>
        %broadcast_in_dim3A_1413 = vector.broadcast %squeeze3A_1412 : i32 to vector<16xi32>
        %mul3A_1414 = arith.constant 16 : i32
        %mul3A_1415 = arith.muli %scan3A_907, %mul3A_1414 : i32
        %add3A_1416 = arith.constant 13 : i32
        %add3A_1417 = arith.addi %mul3A_1415, %add3A_1416 : i32
        %broadcast_in_dim3A_1418 = vector.broadcast %add3A_1417 : i32 to vector<16xi32>
        %gather3A_1419 = tpu.vector_load_idx %arg10[%broadcast_in_dim3A_1410, %broadcast_in_dim3A_1413, %iota3A] : memref<32x8x32xf32, #tpu.memory_space<vmem>>[vector<16xi32>, vector<16xi32>, vector<16xi32>], vector<16xf32>,
        %add3A_1420 = arith.constant 16 : i32
        %add3A_1421 = vector.broadcast %add3A_1420 : i32 to vector<16xi32>
        %add3A_1422 = arith.addi %iota3A, %add3A_1421 : vector<16xi32>
        %gather3A_1423 = tpu.vector_load_idx %arg10[%broadcast_in_dim3A_1410, %broadcast_in_dim3A_1413, %add3A_1422] : memref<32x8x32xf32, #tpu.memory_space<vmem>>[vector<16xi32>, vector<16xi32>, vector<16xi32>], vector<16xf32>,
        tpu.vector_store_idx %arg11[%broadcast_in_dim3A_1418, %iota3A], %gather3A_1419 : memref<512x32xf32, #tpu.memory_space<vmem>>[vector<16xi32>, vector<16xi32>], vector<16xf32>,
        %add3A_1424 = arith.constant 16 : i32
        %add3A_1425 = vector.broadcast %add3A_1424 : i32 to vector<16xi32>
        %add3A_1426 = arith.addi %iota3A, %add3A_1425 : vector<16xi32>
        tpu.vector_store_idx %arg11[%broadcast_in_dim3A_1418, %add3A_1426], %gather3A_1423 : memref<512x32xf32, #tpu.memory_space<vmem>>[vector<16xi32>, vector<16xi32>], vector<16xf32>,
        %broadcast_in_dim3A_1427 = arith.constant 14 : i32
        %broadcast_in_dim3A_1428 = vector.broadcast %broadcast_in_dim3A_1427 : i32 to vector<16xi32>
        %slice3A_1429 = vector.extract_strided_slice %get3A_1176 {offsets = [14], sizes = [1], strides = [1]} : vector<16xi32> to vector<1xi32>
        %squeeze3A_1430 = vector.extract %slice3A_1429[0] : i32 from vector<1xi32>
        %broadcast_in_dim3A_1431 = vector.broadcast %squeeze3A_1430 : i32 to vector<16xi32>
        %mul3A_1432 = arith.constant 16 : i32
        %mul3A_1433 = arith.muli %scan3A_907, %mul3A_1432 : i32
        %add3A_1434 = arith.constant 14 : i32
        %add3A_1435 = arith.addi %mul3A_1433, %add3A_1434 : i32
        %broadcast_in_dim3A_1436 = vector.broadcast %add3A_1435 : i32 to vector<16xi32>
        %gather3A_1437 = tpu.vector_load_idx %arg10[%broadcast_in_dim3A_1428, %broadcast_in_dim3A_1431, %iota3A] : memref<32x8x32xf32, #tpu.memory_space<vmem>>[vector<16xi32>, vector<16xi32>, vector<16xi32>], vector<16xf32>,
        %add3A_1438 = arith.constant 16 : i32
        %add3A_1439 = vector.broadcast %add3A_1438 : i32 to vector<16xi32>
        %add3A_1440 = arith.addi %iota3A, %add3A_1439 : vector<16xi32>
        %gather3A_1441 = tpu.vector_load_idx %arg10[%broadcast_in_dim3A_1428, %broadcast_in_dim3A_1431, %add3A_1440] : memref<32x8x32xf32, #tpu.memory_space<vmem>>[vector<16xi32>, vector<16xi32>, vector<16xi32>], vector<16xf32>,
        tpu.vector_store_idx %arg11[%broadcast_in_dim3A_1436, %iota3A], %gather3A_1437 : memref<512x32xf32, #tpu.memory_space<vmem>>[vector<16xi32>, vector<16xi32>], vector<16xf32>,
        %add3A_1442 = arith.constant 16 : i32
        %add3A_1443 = vector.broadcast %add3A_1442 : i32 to vector<16xi32>
        %add3A_1444 = arith.addi %iota3A, %add3A_1443 : vector<16xi32>
        tpu.vector_store_idx %arg11[%broadcast_in_dim3A_1436, %add3A_1444], %gather3A_1441 : memref<512x32xf32, #tpu.memory_space<vmem>>[vector<16xi32>, vector<16xi32>], vector<16xf32>,
        %broadcast_in_dim3A_1445 = arith.constant 15 : i32
        %broadcast_in_dim3A_1446 = vector.broadcast %broadcast_in_dim3A_1445 : i32 to vector<16xi32>
        %slice3A_1447 = vector.extract_strided_slice %get3A_1176 {offsets = [15], sizes = [1], strides = [1]} : vector<16xi32> to vector<1xi32>
        %squeeze3A_1448 = vector.extract %slice3A_1447[0] : i32 from vector<1xi32>
        %broadcast_in_dim3A_1449 = vector.broadcast %squeeze3A_1448 : i32 to vector<16xi32>
        %mul3A_1450 = arith.constant 16 : i32
        %mul3A_1451 = arith.muli %scan3A_907, %mul3A_1450 : i32
        %add3A_1452 = arith.constant 15 : i32
        %add3A_1453 = arith.addi %mul3A_1451, %add3A_1452 : i32
        %broadcast_in_dim3A_1454 = vector.broadcast %add3A_1453 : i32 to vector<16xi32>
        %gather3A_1455 = tpu.vector_load_idx %arg10[%broadcast_in_dim3A_1446, %broadcast_in_dim3A_1449, %iota3A] : memref<32x8x32xf32, #tpu.memory_space<vmem>>[vector<16xi32>, vector<16xi32>, vector<16xi32>], vector<16xf32>,
        %add3A_1456 = arith.constant 16 : i32
        %add3A_1457 = vector.broadcast %add3A_1456 : i32 to vector<16xi32>
        %add3A_1458 = arith.addi %iota3A, %add3A_1457 : vector<16xi32>
        %gather3A_1459 = tpu.vector_load_idx %arg10[%broadcast_in_dim3A_1446, %broadcast_in_dim3A_1449, %add3A_1458] : memref<32x8x32xf32, #tpu.memory_space<vmem>>[vector<16xi32>, vector<16xi32>, vector<16xi32>], vector<16xf32>,
        tpu.vector_store_idx %arg11[%broadcast_in_dim3A_1454, %iota3A], %gather3A_1455 : memref<512x32xf32, #tpu.memory_space<vmem>>[vector<16xi32>, vector<16xi32>], vector<16xf32>,
        %add3A_1460 = arith.constant 16 : i32
        %add3A_1461 = vector.broadcast %add3A_1460 : i32 to vector<16xi32>
        %add3A_1462 = arith.addi %iota3A, %add3A_1461 : vector<16xi32>
        tpu.vector_store_idx %arg11[%broadcast_in_dim3A_1454, %add3A_1462], %gather3A_1459 : memref<512x32xf32, #tpu.memory_space<vmem>>[vector<16xi32>, vector<16xi32>], vector<16xf32>,
      }
    }
    %scan3A_906 = arith.constant 32 : i32
    "tpu.region"() ({
      %run_scoped3A = tpu.sem_alloc : memref<!tpu.dma_semaphore, #tpu.memory_space<semaphore_mem>>
      %dma_start3A_907 = arith.constant 0 : i32
      %dma_start3A_908 = tpu.memref_slice %arg6[%mul3A_2, %dma_start3A_907] : memref<16384x32xf32, #tpu.memory_space<hbm>> -> memref<512x32xf32, #tpu.memory_space<hbm>>
      %dma_start3A_909 = arith.constant 0 : i32
      %dma_start3A_910 = tpu.memref_slice %arg6[%mul3A_2, %dma_start3A_909] : memref<16384x32xf32, #tpu.memory_space<hbm>> -> memref<512x32xf32, #tpu.memory_space<hbm>>
      tpu.enqueue_dma source(%arg11 : memref<512x32xf32, #tpu.memory_space<vmem>>) target(%dma_start3A_910 : memref<512x32xf32, #tpu.memory_space<hbm>>) target_semaphore(%run_scoped3A : memref<!tpu.dma_semaphore, #tpu.memory_space<semaphore_mem>>)
      %dma_wait3A = arith.constant 0 : i32
      %dma_wait3A_911 = tpu.memref_slice %arg6[%mul3A_2, %dma_wait3A] : memref<16384x32xf32, #tpu.memory_space<hbm>> -> memref<512x32xf32, #tpu.memory_space<hbm>>
      %dma_wait3A_912 = arith.constant 0 : i32
      %dma_wait3A_913 = tpu.memref_slice %arg6[%mul3A_2, %dma_wait3A_912] : memref<16384x32xf32, #tpu.memory_space<hbm>> -> memref<512x32xf32, #tpu.memory_space<hbm>>
      tpu.wait_dma2 semaphore(%run_scoped3A : memref<!tpu.dma_semaphore, #tpu.memory_space<semaphore_mem>>) src(%arg11 : memref<512x32xf32, #tpu.memory_space<vmem>>) dst(%dma_wait3A_913 : memref<512x32xf32, #tpu.memory_space<hbm>>)
      tpu.yield
    }) : () -> ()
    return
  }
}

</mosaic_0001>

<sc_bundles>
// kernel: kernel.3.cloned.1.call-start
scs
__scs_entry_jumppad:
0x0: {  	(pc) =	sbr.rel $0x88, $3  }
0x1: {  	(tag) =	ssettag $0x0;
	lr =	simm.s32 $0x1  }
0x2: {  	[smem:$0x3F9E] =	sst lr;
	_ =	strace $0xD0000000  }
0x3: {  	_ = 	snop  }
0x4: {  	_ = 	snop  }
0x5: {  	_ = 	snop  }
0x6: {  	_ = 	snop  }
0x7: {  	_ = 	snop  }
__scs_overlays_trampoline_lowered:
0x8: {  	[smem:$0x3FAD] =	sst s0  }
0x9: {  	[smem:$0x3FAE] =	sst s1  }
0xa: {  	[smem:$0x3FAF] =	sst s2  }
0xb: {  	[smem:$0x3FB0] =	sst s3  }
0xc: {  	[smem:$0x3FB1] =	sst s4  }
0xd: {  	[smem:$0x3FB2] =	sst s5  }
0xe: {  	[smem:$0x3FB3] =	sst s6  }
0xf: {  	[smem:$0x3FB4] =	sst s7  }
0x10: {  	[smem:$0x3FB5] =	sst s8  }
0x11: {  	[smem:$0x3FB6] =	sst s9;
	s0 =	simm.s32 @!p0 $0x0  }
0x12: {  	s1 =	sld [smem:$0x3F9C];
	s0 =	simm.s32 @p0 $0x1  }
0x13: {  	[smem:$0x3FB7] =	sst s0;
	s0 =	simm.s32 @!p1 $0x0  }
0x14: {  	s2 =	sld [smem:$0x3F9B];
	s0 =	simm.s32 @p1 $0x1  }
0x15: {  	[smem:$0x3FB8] =	sst s0;
	s0 =	simm.s32 @!p2 $0x0  }
0x16: {  	s3 =	sld [smem:$0x3FDB];
	s0 =	simm.s32 @p2 $0x1  }
0x17: {  	s4 =	simm.s32 $0x1BF5;
	[smem:$0x3FBA] =	sst s0  }
0x18: {  	s0 =	sld [smem:$0x3F9D];
	_ =	swait.ge [sflag:s4], $0x0  }
0x19: {  	s7 =	sld [smem:$0x3F9E]  }
0x1a: {  	s8 =	sadd.s32 $0xFFFFE003, lr  }
0x1b: {  	s9 =	sadd.s32 $0xFFFFFEF7, lr;
	s5 =	simm.s32 $0xFFFFFFFF;
	p2 =	slt.u32 s8, $0xFFFFF086  }
0x1c: {  	p1 =	slt.u32 s9, $0xF7A;
	s5 =	simm.s32 @!p2 $0x0  }
0x1d: {  	s5 =	simm.s32 @p1 $0x1;
	p0 =	seq.s32 s7, s2  }
0x1e: {  	s7 =	smul.u32 @!p0 $0xF7A, s2;
	p2 =	seq.s32 @!p0 s5, $0x0  }
0x1f: {  	s9 =	smul.u32 $0xF7A, s1;
	s8 =	simm.s32 @!p0 $0x1BF5;
	p2 =	por !p2, p0  }
0x20: {  	[sflag:s8] =	ssyncset.s32 @!p0 $0xFFFFF086;
	s6 =	sadd.s32 @!p0 s3, s7;
	s7 =	simm.s32 @!p0 $0x108  }
0x21: {  	s3 =	sadd.s32 s3, s9;
	s6 =	sadd.s32 @!p0 $0x88, s6;
	s7 =	simm.s32 @p2 $0x1082  }
0x22: {  	[simem:s7], [sflag:s8] =	dma.local @!p0 [hbm:s6], $0xF7A  }
0x23: {  	s9 =	sor.u32 $0xD0000000, s2;
	s6 =	simm.s32 $0x108;
	_ =	swait.ge @!p0 [sflag:s8], $0x0  }
0x24: {  	s3 =	sadd.s32 $0x88, s3;
	s6 =	simm.s32 @!p1 $0x1082;
	[sflag:s4] =	ssyncset.s32 $0xFFFFF086  }
0x25: {  	[simem:s6], [sflag:s4] =	dma.local [hbm:s3], $0xF7A  }
0x26: {  	[smem:$0x3F9E] =	sst s1;
	(tag) =	ssettag s2;
	_ =	strace s9  }
0x27: {  	s1 =	sld [smem:$0x3FAE]  }
0x28: {  	s2 =	sld [smem:$0x3FAF]  }
0x29: {  	s4 =	sld [smem:$0x3FB1]  }
0x2a: {  	p0 =	seq.s32 s5, $0x0;
	s5 =	sld [smem:$0x3FB2]  }
0x2b: {  	s6 =	sld [smem:$0x3FB3]  }
0x2c: {  	s7 =	sld [smem:$0x3FB4]  }
0x2d: {  	s3 =	simm.s32 $0x108;
	s8 =	sld [smem:$0x3FB5]  }
0x2e: {  	s3 =	simm.s32 @!p0 $0x1082;
	s9 =	sld [smem:$0x3FB6]  }
0x2f: {  	lr =	sadd.s32 s0, s3;
	s0 =	sld [smem:$0x3FAD]  }
0x30: {  	s3 =	sld [smem:$0x3FB0]  }
0x31: {  	[smem:$0x3FB9] =	sst s10  }
0x32: {  	s10 =	sld [smem:$0x3FB7];
	_ =	sdelay $0x3  }
0x33: {  	p0 =	seq.s32 s10, $0x1;
	s10 =	sld [smem:$0x3FB9];
	_ =	sdelay $0x3  }
0x34: {  	[smem:$0x3FB9] =	sst s10  }
0x35: {  	s10 =	sld [smem:$0x3FB8];
	_ =	sdelay $0x3  }
0x36: {  	p1 =	seq.s32 s10, $0x1;
	s10 =	sld [smem:$0x3FB9];
	_ =	sdelay $0x3  }
0x37: {  	[smem:$0x3FB9] =	sst s10  }
0x38: {  	s10 =	sld [smem:$0x3FBA]  }
0x39: {  	_ = 	snop;
	(pc) =	sbr.ind lr, $3  }
0x3a: {  	_ = 	snop  }
0x3b: {  	_ = 	snop  }
0x3c: {  	p2 =	seq.s32 s10, $0x1;
	s10 =	sld [smem:$0x3FB9]  }
0x3d: {  	_ =	shalt  }
0x3e: {  	_ =	shalt  }
0x3f: {  	_ =	shalt  }
0x40: {  	_ =	shalt  }
0x41: {  	_ =	shalt  }
0x42: {  	_ =	shalt  }
0x43: {  	_ =	shalt  }
0x44: {  	_ =	shalt  }
0x45: {  	_ =	shalt  }
0x46: {  	_ =	shalt  }
0x47: {  	_ =	shalt  }
0x48: {  	_ =	shalt  }
0x49: {  	_ =	shalt  }
0x4a: {  	_ =	shalt  }
0x4b: {  	_ =	shalt  }
0x4c: {  	_ =	shalt  }
0x4d: {  	_ =	shalt  }
0x4e: {  	_ =	shalt  }
0x4f: {  	_ =	shalt  }
0x50: {  	_ =	shalt  }
0x51: {  	_ =	shalt  }
0x52: {  	_ =	shalt  }
0x53: {  	_ =	shalt  }
0x54: {  	_ =	shalt  }
0x55: {  	_ =	shalt  }
0x56: {  	_ =	shalt  }
0x57: {  	_ =	shalt  }
0x58: {  	_ =	shalt  }
0x59: {  	_ =	shalt  }
0x5a: {  	_ =	shalt  }
0x5b: {  	_ =	shalt  }
0x5c: {  	_ =	shalt  }
0x5d: {  	_ =	shalt  }
0x5e: {  	_ =	shalt  }
0x5f: {  	_ =	shalt  }
0x60: {  	_ =	shalt  }
0x61: {  	_ =	shalt  }
0x62: {  	_ =	shalt  }
0x63: {  	_ =	shalt  }
0x64: {  	_ =	shalt  }
0x65: {  	_ =	shalt  }
0x66: {  	_ =	shalt  }
0x67: {  	_ =	shalt  }
0x68: {  	_ =	shalt  }
0x69: {  	_ =	shalt  }
0x6a: {  	_ =	shalt  }
0x6b: {  	_ =	shalt  }
0x6c: {  	_ =	shalt  }
0x6d: {  	_ =	shalt  }
0x6e: {  	_ =	shalt  }
0x6f: {  	_ =	shalt  }
0x70: {  	_ =	shalt  }
0x71: {  	_ =	shalt  }
0x72: {  	_ =	shalt  }
0x73: {  	_ =	shalt  }
0x74: {  	_ =	shalt  }
0x75: {  	_ =	shalt  }
0x76: {  	_ =	shalt  }
0x77: {  	_ =	shalt  }
0x78: {  	_ =	shalt  }
0x79: {  	_ =	shalt  }
0x7a: {  	_ =	shalt  }
0x7b: {  	_ =	shalt  }
0x7c: {  	_ =	shalt  }
0x7d: {  	_ =	shalt  }
0x7e: {  	_ =	shalt  }
0x7f: {  	_ =	shalt  }
0x80: {  	_ =	shalt  }
0x81: {  	_ =	shalt  }
0x82: {  	_ =	shalt  }
0x83: {  	_ =	shalt  }
0x84: {  	_ =	shalt  }
0x85: {  	_ =	shalt  }
0x86: {  	_ =	shalt  }
0x87: {  	_ =	shalt  }
.Lfunc_end0:
.L_simem_size_0:
called_computation_lowered:
.L_overlay_start_0:
0x88: {  	s2 =	sld [smem:$0x3FD9]  }
0x89: {  	s3 =	sld [smem:$0x3FFE];
	_ =	sdelay $0x1  }
0x8a: {  	s1 =	srdreg.scid  }
0x8b: {  	s0 =	sand.u32 $0x1, s1  }
0x8c: {  	s17 =	sshll.u32 s0, $0xA;
	s2 =	sadd.s32 s3, s2  }
0x8d: {  	s2 =	sadd.s32 s2, s17  }
0x8e: {  	[smem:$0x3FC5] =	sst s2  }
0x8f: {  	_ = 	snop  }
0x90: {  	s2 =	sld [smem:$0x3FC9];
	(tm) =	ssettm $0x1  }
0x91: {  	s18 =	sld [smem:$0x3FFB];
	_ =	sdelay $0x3  }
0x92: {  	_ =	strace s18  }
0x93: {  	s3 =	sld [smem:$0x3FFC];
	_ =	sdelay $0x3  }
0x94: {  	_ =	strace s3  }
0x95: {  	s3 =	sld [smem:$0x3FFD];
	_ =	sdelay $0x3  }
0x96: {  	_ =	strace s3  }
0x97: {  	_ =	strace $0x8FFFFFFF  }
0x98: {  	s19 =	sld [smem:$0x3FDB];
	_ =	sdelay $0x1  }
0x99: {  	s4 =	simm.s32 $_scs_section_size  }
0x9a: {  	s5 =	simm.s32 $_size__tile_overlayer_lowered;
	s6 =	simm.s32 $_tile_overlayer_lowered  }
0x9b: {  	s22 =	simm.s32 $0x1BFF;
	s21 =	sshll.u32 s6, $0x1;
	s3 =	sadd.s32 s4, s19  }
0x9c: {  	s7 =	simm.s32 $0x0;
	s20 =	sshll.u32 s5, $0x1;
	s5 =	sadd.s32 s21, s3  }
0x9d: {  	[timem:s7], [sflag:s22] =	dma.local [hbm:s5], s20  }
0x9e: {  	_ =	swait.ge [sflag:s22], s20  }
0x9f: {  	s4 =	ssub.s32 $0x0, s20;
	[sflag:s22] =	ssyncset.done $0x0  }
0xa0: {  	[sflag:s22] =	ssyncadd.s32 s4;
	_ =	sdelay $0x1  }
0xa1: {  	s23 =	simm.s32 $0x1B8B  }
0xa2: {  	_ =	swait.ge [sflag:s23], $0x1  }
0xa3: {  	[sflag:s23] =	ssyncset.done $0x0  }
0xa4: {  	s25 =	simm.s32 $0x1B8E;
	s24 =	sld [smem:$0x3FFE];
	[sflag:s23] =	ssyncadd.s32 $0xFFFFFFFF  }
0xa5: {  	s26 =	simm.s32 $execute0_lowered;
	[smem:$0x3FD2] =	sst s25  }
0xa6: {  	s5 =	sshll.u32 s26, $0x1;
	_ =	strace $0x80000046;
	[dreg:$0x1] =	wrdreg $0xFFFFFFFF  }
0xa7: {  	s28 =	simm.s32 $_size_execute0_lowered;
	s3 =	sadd.s32 s3, s5;
	[dreg:$0x0] =	wrdreg $0x0  }
0xa8: {  	s5 =	sshll.u32 s28, $0x1;
	[dreg:$0x2] =	wrdreg s3  }
0xa9: {  	[dreg:$0x3] =	wrdreg s5  }
0xaa: {  	[dreg:$0x4] =	wrdreg $0xC0  }
0xab: {  	_ =	task [dreg:s7], $0x5FFFF  }
0xac: {  	[dreg:$0x1] =	wrdreg $0xFFFFFFFF  }
0xad: {  	[dreg:$0x0] =	wrdreg $0x60  }
0xae: {  	[dreg:$0x2] =	wrdreg s2  }
0xaf: {  	[dreg:$0x3] =	wrdreg s24  }
0xb0: {  	[dreg:$0x4] =	wrdreg $0x9  }
0xb1: {  	_ =	task.clear_ibuf [dreg:s7], $0x5FFFF;
	_ =	strace $0x90000046  }
0xb2: {  	s29 =	simm.s32 $0x9;
	_ =	strace $0x80000048  }
0xb3: {  	_ =	swait.ge [sflag:s29], $0x1  }
0xb4: {  	[sflag:s29] =	ssyncadd.s32 $0xFFFFFFFF  }
0xb5: {  	_ =	strace $0x90000048  }
0xb6: {  	_ =	sfence  }
0xb7: {  	s30 =	sld [smem:$0x0];
	_ =	sdelay $0x2  }
0xb8: {  	s31 =	sshll.u32 s1, $0xD;
	s1 =	sshrl.u32 s1, $0x2  }
0xb9: {  	s3 =	sand.u32 $0x4000, s31;
	s1 =	sadd.s32 s1, s30  }
0xba: {  	s0 =	sor.u32 s3, s0;
	s1 =	sshll.u32 s1, $0x11  }
0xbb: {  	s0 =	sor.u32 s1, s0  }
0xbc: {  	s0 =	sadd.s32 $0x8F2B, s0  }
0xbd: {  	[sflag:s0] =	ssyncadd.remote.s32 $0x1  }
0xbe: {  	_ =	sfence.sel $0xFFFF  }
0xbf: {  	[dreg:$0x0] =	wrdreg $0xFFFFFFFF;
	(pc) =	sbr.abs _section_cstart, $3  }
0xc0: {  	[dreg:$0x1] =	wrdreg $0xFFFFFFFF  }
0xc1: {  	_ =	task.clear_ibuf [dreg:s7], $0x2FFFF;
	_ =	strace $0x9FFFFFFF  }
0xc2: {  	(tm) =	ssettm $0x7FFFFFFF  }
0xc3: {  	_ =	shalt  }
tec
execute0_lowered:
.L_overlay_start_1:
0x0: {  	(tag) =	ssettag $0x1  }
0x1: {  	s0 =	rddreg [dreg:$0x0]  }
0x2: {  	s1 =	rddreg [dreg:$0x1];
	s3 =	srdreg.scid;
	s2 =	simm.s32 $0x0  }
0x3: {  	s4 =	stileid.u32;
	s10 =	simm.s32 $0x600;
	s14 =	simm.s32 $0x1600  }
0x4: {  	s15 =	simm.s32 $0x1A00;
	s16 =	simm.s32 $0x1E00;
	s17 =	simm.s32 $0x2200  }
0x5: {  	s18 =	simm.s32 $0x2600;
	s19 =	simm.s32 $0x2A00;
	s20 =	simm.s32 $0x2E00  }
0x6: {  	s21 =	simm.s32 $0x3200;
	s22 =	simm.s32 $0x3600;
	s23 =	simm.s32 $0x3A00  }
0x7: {  	s24 =	simm.s32 $0x3E00;
	s25 =	simm.s32 $0x4200;
	s28 =	simm.s32 $0x8600  }
0x8: {  	s5 =	sand.u32 $0x1, s3;
	[smem:$0x7FF] =	sst s2;
	s4 =	sshll.u32 s4, $0xA  }
0x9: {  	s3 =	sadd.s32 $0x800, s1;
	s6 =	sshll.u32 s5, $0x9;
	_ =	strace $0x80000047  }
0xa: {  	s5 =	ssub.s32 $0x2, s5;
	s6 =	sor.u32 s6, s4;
	s4 =	sadd.s32 $0xF42C00, s1  }
0xb: {  	s26 =	sshrl.u32 s5, $0x1;
	s7 =	sshll.u32 s6, $0x4;
	s6 =	sshrl.u32 s6, $0x3  }
.Ltmp0:
0xc: {  	s5 =	ssub.s32 s5, s26;
	s0 =	sadd.s32 s0, s6;
	(pc) =	sbr.rel .LBB2_1-.Ltmp0, $4  }
0xd: {  	s1 =	sadd.s32 s7, s1;
	s31 =	smax.u32 s5, $0x1;
	[dreg:$0x3] =	wrdreg s0  }
0xe: {  	s26 =	simm.s32 $0x2;
	s29 =	sadd.s32 $0x1E85000, s1;
	[dreg:$0x6] =	wrdreg s31  }
0xf: {  	v1 =	vimm.s32 $0x0;
	vm0 =	vcmask $0x300;
	v0 =	vlaneseq.u32;
	s6 =	simm.s32 $0x1;
	s30 =	sadd.s32 $0x1EC5000, s1;
	[dreg:$0x4] =	wrdreg s29  }
0x10: {  	v1 =	vsel vm0, $0x7, v1;
	v2 =	vor.u32 $0x10, v0;
	s5 =	simm.s32 $0x0;
	s1 =	simm.s32 $0x3;
	[dreg:$0x5] =	wrdreg s30  }
.LBB2_15:
0x11: {  	s0 =	rddreg [dreg:$0x5];
	s1 =	simm.s32 $0x3  }
0x12: {  	[hbm4b:s0+s2] =	stream.linear.scatter [tilespmem:s28], [sflag:$0x3], $0x10000, $0x38;
	[tilespmem:$0x18600] =	vst v63  }
0x13: {  	_ =	swait.ge [sflag:s1], $0x10000  }
0x14: {  	s5 =	rddreg [dreg:$0x7]  }
0x15: {  	s31 =	rddreg [dreg:$0x6];
	s5 =	sadd.s32 $0x1, s5  }
0x16: {  	p0 =	sne.s32 s5, s31  }
.Ltmp1:
0x17: {  	_ = 	snop;
	(pc) =	sbr.rel @!p0 .LBB2_16-.Ltmp1, $3  }
0x18: {  	_ =	sdelay $0x1  }
0x19: {  	[sflag:s1] =	ssyncset.done $0x0  }
0x1a: {  	[sflag:s1] =	ssyncadd.s32 $0xFFFF0000  }
.LBB2_1:
0x1b: {  	[dreg:$0x7] =	wrdreg s5  }
0x1c: {  	s0 =	rddreg [dreg:$0x3]  }
0x1d: {  	[tilespmem:s2], [sflag:$0x3] =	stream.linear.gather [hbm4b:s0+s2], $0x200, $0x38;
	[tilespmem:$0x18600] =	vst v63  }
0x1e: {  	_ =	swait.ge [sflag:s1], $0x200  }
0x1f: {  	[sflag:s1] =	ssyncset.done $0x0  }
0x20: {  	[sflag:s1] =	ssyncadd.s32 $0xFFFFFE00  }
0x21: {  	v3 =	vld [tilespmem:$0x0];
	_ =	sdelay $0x1  }
0x22: {  	v4 =	vld [tilespmem:$0x10];
	_ =	sdelay $0x1  }
0x23: {  	v5 =	vld [tilespmem:$0x20]  }
0x24: {  	v6 =	vshrl.u32 v3, $0x3  }
0x25: {  	v35 =	vld [tilespmem:$0x30];
	v3 =	vand.u32 $0x7, v3;
	[tilespmem:$0x200] =	vst v6  }
0x26: {  	[tilespmem:$0x400] =	vst v3;
	v3 =	vshrl.u32 v4, $0x3  }
0x27: {  	v36 =	vld [tilespmem:$0x40];
	[tilespmem:$0x210] =	vst v3;
	v3 =	vand.u32 $0x7, v4  }
0x28: {  	[tilespmem:$0x410] =	vst v3;
	v3 =	vshrl.u32 v5, $0x3  }
0x29: {  	v37 =	vld [tilespmem:$0x50];
	[tilespmem:$0x220] =	vst v3;
	v3 =	vand.u32 $0x7, v5  }
0x2a: {  	[tilespmem:$0x420] =	vst v3;
	v3 =	vshrl.u32 v35, $0x3  }
0x2b: {  	v38 =	vld [tilespmem:$0x60];
	[tilespmem:$0x230] =	vst v3;
	v3 =	vand.u32 $0x7, v35  }
0x2c: {  	[tilespmem:$0x430] =	vst v3;
	v3 =	vshrl.u32 v36, $0x3  }
0x2d: {  	v39 =	vld [tilespmem:$0x70];
	[tilespmem:$0x240] =	vst v3;
	v3 =	vand.u32 $0x7, v36  }
0x2e: {  	[tilespmem:$0x440] =	vst v3;
	v3 =	vshrl.u32 v37, $0x3  }
0x2f: {  	v40 =	vld [tilespmem:$0x80];
	[tilespmem:$0x250] =	vst v3;
	v3 =	vand.u32 $0x7, v37  }
0x30: {  	[tilespmem:$0x450] =	vst v3;
	v3 =	vshrl.u32 v38, $0x3  }
0x31: {  	v41 =	vld [tilespmem:$0x90];
	[tilespmem:$0x260] =	vst v3;
	v3 =	vand.u32 $0x7, v38  }
0x32: {  	[tilespmem:$0x460] =	vst v3;
	v3 =	vshrl.u32 v39, $0x3  }
0x33: {  	v42 =	vld [tilespmem:$0xA0];
	[tilespmem:$0x270] =	vst v3;
	v3 =	vand.u32 $0x7, v39  }
0x34: {  	[tilespmem:$0x470] =	vst v3;
	v3 =	vshrl.u32 v40, $0x3  }
0x35: {  	v43 =	vld [tilespmem:$0xB0];
	[tilespmem:$0x280] =	vst v3;
	v3 =	vand.u32 $0x7, v40  }
0x36: {  	[tilespmem:$0x480] =	vst v3;
	v3 =	vshrl.u32 v41, $0x3  }
0x37: {  	v44 =	vld [tilespmem:$0xC0];
	[tilespmem:$0x290] =	vst v3;
	v3 =	vand.u32 $0x7, v41  }
0x38: {  	[tilespmem:$0x490] =	vst v3;
	v3 =	vshrl.u32 v42, $0x3  }
0x39: {  	v45 =	vld [tilespmem:$0xD0];
	[tilespmem:$0x2A0] =	vst v3;
	v3 =	vand.u32 $0x7, v42  }
0x3a: {  	[tilespmem:$0x4A0] =	vst v3;
	v3 =	vshrl.u32 v43, $0x3  }
0x3b: {  	v46 =	vld [tilespmem:$0xE0];
	[tilespmem:$0x2B0] =	vst v3;
	v3 =	vand.u32 $0x7, v43  }
0x3c: {  	[tilespmem:$0x4B0] =	vst v3;
	v3 =	vshrl.u32 v44, $0x3  }
0x3d: {  	v47 =	vld [tilespmem:$0xF0];
	[tilespmem:$0x2C0] =	vst v3;
	v3 =	vand.u32 $0x7, v44  }
0x3e: {  	[tilespmem:$0x4C0] =	vst v3;
	v3 =	vshrl.u32 v45, $0x3  }
0x3f: {  	v48 =	vld [tilespmem:$0x100];
	[tilespmem:$0x2D0] =	vst v3;
	v3 =	vand.u32 $0x7, v45  }
0x40: {  	[tilespmem:$0x4D0] =	vst v3;
	v3 =	vshrl.u32 v46, $0x3  }
0x41: {  	v49 =	vld [tilespmem:$0x110];
	[tilespmem:$0x2E0] =	vst v3;
	v3 =	vand.u32 $0x7, v46  }
0x42: {  	v55 =	vld [tilespmem:$0x200];
	[tilespmem:$0x4E0] =	vst v3;
	v3 =	vshrl.u32 v47, $0x3  }
0x43: {  	v50 =	vld [tilespmem:$0x120];
	[tilespmem:$0x2F0] =	vst v3;
	v3 =	vand.u32 $0x7, v47  }
0x44: {  	[tilespmem:$0x4F0] =	vst v3;
	v3 =	vshrl.u32 v48, $0x3  }
0x45: {  	v51 =	vld [tilespmem:$0x130];
	[tilespmem:$0x300] =	vst v3;
	v3 =	vand.u32 $0x7, v48  }
0x46: {  	[tilespmem:$0x500] =	vst v3;
	v3 =	vshrl.u32 v49, $0x3  }
0x47: {  	v52 =	vld [tilespmem:$0x140];
	v5 =	vshll.u32 v55, $0x7;
	[tilespmem:$0x310] =	vst v3;
	v3 =	vand.u32 $0x7, v49  }
0x48: {  	(v2sf) =	vpush v5, $0x0;
	[tilespmem:$0x510] =	vst v3;
	v3 =	vshrl.u32 v50, $0x3  }
0x49: {  	v53 =	vld [tilespmem:$0x150];
	(v2sf) =	vpush v5, $0x1;
	[tilespmem:$0x320] =	vst v3;
	v3 =	vand.u32 $0x7, v50  }
0x4a: {  	[tilespmem:$0x520] =	vst v3;
	v3 =	vshrl.u32 v51, $0x3  }
0x4b: {  	v54 =	vld [tilespmem:$0x160];
	[tilespmem:$0x330] =	vst v3;
	v3 =	vand.u32 $0x7, v51  }
0x4c: {  	[tilespmem:$0x530] =	vst v3;
	v3 =	vshrl.u32 v52, $0x3  }
0x4d: {  	v7 =	vld [tilespmem:$0x170];
	[tilespmem:$0x340] =	vst v3;
	v3 =	vand.u32 $0x7, v52  }
0x4e: {  	[tilespmem:$0x540] =	vst v3;
	v3 =	vshrl.u32 v53, $0x3  }
0x4f: {  	v56 =	vld [tilespmem:$0x180];
	[tilespmem:$0x350] =	vst v3;
	v3 =	vand.u32 $0x7, v53  }
0x50: {  	[tilespmem:$0x550] =	vst v3;
	v3 =	vshrl.u32 v54, $0x3  }
0x51: {  	v57 =	vld [tilespmem:$0x190];
	[tilespmem:$0x360] =	vst v3;
	v3 =	vand.u32 $0x7, v54  }
0x52: {  	[tilespmem:$0x560] =	vst v3;
	v3 =	vshrl.u32 v7, $0x3  }
0x53: {  	v58 =	vld [tilespmem:$0x1A0];
	[tilespmem:$0x370] =	vst v3;
	v3 =	vand.u32 $0x7, v7  }
0x54: {  	(v2sf) =	vpush v5, $0x2;
	[tilespmem:$0x570] =	vst v3;
	v3 =	vshrl.u32 v56, $0x3  }
0x55: {  	v59 =	vld [tilespmem:$0x1B0];
	(v2sf) =	vpush v5, $0x3;
	[tilespmem:$0x380] =	vst v3;
	v3 =	vand.u32 $0x7, v56  }
0x56: {  	[tilespmem:$0x580] =	vst v3;
	v3 =	vshrl.u32 v57, $0x3  }
0x57: {  	v60 =	vld [tilespmem:$0x1C0];
	s13 =	spop (v2sf);
	(v2sf) =	vpush v5, $0x4;
	[tilespmem:$0x390] =	vst v3;
	v3 =	vand.u32 $0x7, v57  }
0x58: {  	s30 =	spop (v2sf);
	(v2sf) =	vpush v5, $0x5;
	[tilespmem:$0x590] =	vst v3;
	v3 =	vshrl.u32 v58, $0x3  }
0x59: {  	v61 =	vld [tilespmem:$0x1D0];
	[tilespmem:$0x3A0] =	vst v3;
	v3 =	vand.u32 $0x7, v58  }
0x5a: {  	[tilespmem:$0x5A0] =	vst v3;
	v3 =	vshrl.u32 v59, $0x3  }
0x5b: {  	v62 =	vld [tilespmem:$0x1E0];
	[tilespmem:$0x3B0] =	vst v3;
	v3 =	vand.u32 $0x7, v59  }
0x5c: {  	[tilespmem:$0x5B0] =	vst v3;
	v3 =	vshrl.u32 v60, $0x3  }
0x5d: {  	v63 =	vld [tilespmem:$0x1F0];
	[tilespmem:$0x3C0] =	vst v3;
	v3 =	vand.u32 $0x7, v60  }
0x5e: {  	[tilespmem:$0x5C0] =	vst v3;
	v3 =	vshrl.u32 v61, $0x3  }
0x5f: {  	[tilespmem:$0x3D0] =	vst v3;
	v3 =	vand.u32 $0x7, v61  }
0x60: {  	[tilespmem:$0x5D0] =	vst v3;
	v3 =	vshrl.u32 v62, $0x3  }
0x61: {  	[tilespmem:$0x3E0] =	vst v3;
	v3 =	vand.u32 $0x7, v62  }
0x62: {  	[tilespmem:$0x5E0] =	vst v3;
	v3 =	vshrl.u32 v63, $0x3  }
0x63: {  	s0 =	sand.u32 $0x1FFFFF80, s13;
	s1 =	spop (v2sf);
	(v2sf) =	vpush v5, $0x6;
	[tilespmem:$0x3F0] =	vst v3;
	v3 =	vand.u32 $0x7, v63  }
0x64: {  	s0 =	sadd.s32 s3, s0;
	s7 =	spop (v2sf);
	(v2sf) =	vpush v5, $0x7;
	[tilespmem:$0x5F0] =	vst v3  }
0x65: {  	[tilespmem:s10], [sflag:$0x1] =	stream.linear.gather [hbm4b:s0+s2], $0x400, $0x38;
	[tilespmem:$0x18600] =	vst v63  }
0x66: {  	s9 =	spop (v2sf);
	(v2sf) =	vpush v5, $0x8;
	s0 =	sand.u32 $0x1FFFFF80, s30  }
0x67: {  	s31 =	simm.s32 $0xA00;
	s11 =	spop (v2sf);
	(v2sf) =	vpush v5, $0x9;
	s0 =	sadd.s32 s3, s0  }
0x68: {  	[tilespmem:s31], [sflag:$0x1] =	stream.linear.gather [hbm4b:s0+s2], $0x400, $0x38;
	[tilespmem:$0x18600] =	vst v63  }
0x69: {  	s0 =	sand.u32 $0x1FFFFF80, s1  }
0x6a: {  	s5 =	simm.s32 $0xE00;
	s0 =	sadd.s32 s3, s0  }
0x6b: {  	[tilespmem:s5], [sflag:$0x1] =	stream.linear.gather [hbm4b:s0+s2], $0x400, $0x38;
	[tilespmem:$0x18600] =	vst v63  }
0x6c: {  	(v2sf) =	vpush v5, $0xA;
	s0 =	sand.u32 $0x1FFFFF80, s7  }
0x6d: {  	s8 =	simm.s32 $0x1200;
	s0 =	sadd.s32 s3, s0  }
0x6e: {  	[tilespmem:s8], [sflag:$0x1] =	stream.linear.gather [hbm4b:s0+s2], $0x400, $0x38;
	[tilespmem:$0x18600] =	vst v63  }
0x6f: {  	s0 =	sand.u32 $0x1FFFFF80, s9  }
0x70: {  	s0 =	sadd.s32 s3, s0  }
0x71: {  	[tilespmem:s14], [sflag:$0x1] =	stream.linear.gather [hbm4b:s0+s2], $0x400, $0x38;
	[tilespmem:$0x18600] =	vst v63  }
0x72: {  	s12 =	spop (v2sf);
	(v2sf) =	vpush v5, $0xB;
	s0 =	sand.u32 $0x1FFFFF80, s11  }
0x73: {  	s13 =	spop (v2sf);
	(v2sf) =	vpush v5, $0xC;
	s0 =	sadd.s32 s3, s0  }
0x74: {  	[tilespmem:s15], [sflag:$0x1] =	stream.linear.gather [hbm4b:s0+s2], $0x400, $0x38;
	[tilespmem:$0x18600] =	vst v63  }
0x75: {  	s30 =	spop (v2sf);
	(v2sf) =	vpush v5, $0xD;
	s0 =	sand.u32 $0x1FFFFF80, s12  }
0x76: {  	s31 =	spop (v2sf);
	s0 =	sadd.s32 s3, s0  }
0x77: {  	(v2sf) =	vpush v5, $0xE;
	[tilespmem:s16], [sflag:$0x1] =	stream.linear.gather [hbm4b:s0+s2], $0x400, $0x38;
	[tilespmem:$0x18600] =	vst v63  }
0x78: {  	s0 =	sand.u32 $0x1FFFFF80, s13  }
0x79: {  	s0 =	sadd.s32 s3, s0  }
0x7a: {  	[tilespmem:s17], [sflag:$0x1] =	stream.linear.gather [hbm4b:s0+s2], $0x400, $0x38;
	[tilespmem:$0x18600] =	vst v63  }
0x7b: {  	s1 =	spop (v2sf);
	(v2sf) =	vpush v5, $0xF;
	s0 =	sand.u32 $0x1FFFFF80, s30  }
0x7c: {  	s0 =	sadd.s32 s3, s0  }
0x7d: {  	[tilespmem:s18], [sflag:$0x1] =	stream.linear.gather [hbm4b:s0+s2], $0x400, $0x38;
	[tilespmem:$0x18600] =	vst v63  }
0x7e: {  	s0 =	sand.u32 $0x1FFFFF80, s31  }
0x7f: {  	s0 =	sadd.s32 s3, s0  }
0x80: {  	[tilespmem:s19], [sflag:$0x1] =	stream.linear.gather [hbm4b:s0+s2], $0x400, $0x38;
	[tilespmem:$0x18600] =	vst v63  }
0x81: {  	s5 =	spop (v2sf);
	s0 =	sand.u32 $0x1FFFFF80, s1  }
0x82: {  	s7 =	sand.u32 $0x1FFFFF80, s5;
	s8 =	spop (v2sf);
	s0 =	sadd.s32 s3, s0  }
0x83: {  	[tilespmem:s20], [sflag:$0x1] =	stream.linear.gather [hbm4b:s0+s2], $0x400, $0x38;
	[tilespmem:$0x18600] =	vst v63  }
0x84: {  	s9 =	sand.u32 $0x1FFFFF80, s8;
	s11 =	spop (v2sf);
	s0 =	sadd.s32 s3, s7  }
0x85: {  	[tilespmem:s21], [sflag:$0x1] =	stream.linear.gather [hbm4b:s0+s2], $0x400, $0x38;
	[tilespmem:$0x18600] =	vst v63  }
0x86: {  	s12 =	sand.u32 $0x1FFFFF80, s11;
	s13 =	spop (v2sf);
	s0 =	sadd.s32 s3, s9  }
0x87: {  	[tilespmem:s22], [sflag:$0x1] =	stream.linear.gather [hbm4b:s0+s2], $0x400, $0x38;
	[tilespmem:$0x18600] =	vst v63  }
0x88: {  	s30 =	sand.u32 $0x1FFFFF80, s13;
	s0 =	sadd.s32 s3, s12  }
0x89: {  	[tilespmem:s23], [sflag:$0x1] =	stream.linear.gather [hbm4b:s0+s2], $0x400, $0x38;
	[tilespmem:$0x18600] =	vst v63  }
.Ltmp2:
0x8a: {  	s31 =	spop (v2sf);
	s0 =	sadd.s32 s3, s30;
	(pc) =	sbr.rel .LBB2_2-.Ltmp2, $4  }
0x8b: {  	[tilespmem:s24], [sflag:$0x1] =	stream.linear.gather [hbm4b:s0+s2], $0x400, $0x38;
	[tilespmem:$0x18600] =	vst v63  }
0x8c: {  	s29 =	simm.s32 $0x0;
	s8 =	simm.s32 $0x400;
	s0 =	sand.u32 $0x1FFFFF80, s31  }
0x8d: {  	s7 =	simm.s32 $0xF;
	s9 =	simm.s32 $0x210;
	s0 =	sadd.s32 s3, s0  }
0x8e: {  	[tilespmem:s25], [sflag:$0x1] =	stream.linear.gather [hbm4b:s0+s2], $0x400, $0x38;
	[tilespmem:$0x18600] =	vst v63  }
.LBB2_4:
0x8f: {  	(v2sf) =	vpush v3, $0x6;
	_ =	sdelay $0x4  }
0x90: {  	(v2sf) =	vpush v3, $0x7;
	_ =	sdelay $0x1  }
0x91: {  	(v2sf) =	vpush v3, $0x8  }
0x92: {  	[tilespmem:s10], [sflag:$0x1] =	stream.linear.gather [hbm4b:s11+s2], $0x400, $0x38;
	[tilespmem:$0x18600] =	vst v63  }
0x93: {  	s13 =	simm.s32 $0xA00;
	(v2sf) =	vpush v3, $0x9  }
0x94: {  	[tilespmem:s13], [sflag:$0x1] =	stream.linear.gather [hbm4b:s1+s2], $0x400, $0x38;
	[tilespmem:$0x18600] =	vst v63  }
0x95: {  	s12 =	simm.s32 $0xE00  }
0x96: {  	[tilespmem:s12], [sflag:$0x1] =	stream.linear.gather [hbm4b:s31+s2], $0x400, $0x38;
	[tilespmem:$0x18600] =	vst v63  }
0x97: {  	s13 =	simm.s32 $0x1200  }
0x98: {  	[tilespmem:s13], [sflag:$0x1] =	stream.linear.gather [hbm4b:s5+s2], $0x400, $0x38;
	[tilespmem:$0x18600] =	vst v63  }
0x99: {  	s31 =	spop (v2sf);
	(v2sf) =	vpush v3, $0xA;
	_ =	sdelay $0x1  }
0x9a: {  	[tilespmem:s14], [sflag:$0x1] =	stream.linear.gather [hbm4b:s0+s2], $0x400, $0x38;
	[tilespmem:$0x18600] =	vst v63  }
0x9b: {  	_ = 	snop  }
0x9c: {  	[tilespmem:s15], [sflag:$0x1] =	stream.linear.gather [hbm4b:s30+s2], $0x400, $0x38;
	(v2sf) =	vpush v3, $0xB;
	[tilespmem:$0x18600] =	vst v63  }
0x9d: {  	s1 =	spop (v2sf);
	(v2sf) =	vpush v3, $0xC  }
0x9e: {  	s0 =	sand.u32 $0x1FFFFF80, s31  }
0x9f: {  	s0 =	sadd.s32 s3, s0;
	s5 =	spop (v2sf);
	(v2sf) =	vpush v3, $0xD  }
0xa0: {  	[tilespmem:s16], [sflag:$0x1] =	stream.linear.gather [hbm4b:s0+s2], $0x400, $0x38;
	[tilespmem:$0x18600] =	vst v63  }
0xa1: {  	s0 =	sand.u32 $0x1FFFFF80, s1;
	s11 =	spop (v2sf);
	(v2sf) =	vpush v3, $0xE  }
0xa2: {  	s0 =	sadd.s32 s3, s0  }
0xa3: {  	[tilespmem:s17], [sflag:$0x1] =	stream.linear.gather [hbm4b:s0+s2], $0x400, $0x38;
	[tilespmem:$0x18600] =	vst v63  }
0xa4: {  	s0 =	sand.u32 $0x1FFFFF80, s5  }
0xa5: {  	s0 =	sadd.s32 s3, s0  }
0xa6: {  	[tilespmem:s18], [sflag:$0x1] =	stream.linear.gather [hbm4b:s0+s2], $0x400, $0x38;
	[tilespmem:$0x18600] =	vst v63  }
0xa7: {  	s12 =	spop (v2sf);
	(v2sf) =	vpush v3, $0xF  }
0xa8: {  	s0 =	sand.u32 $0x1FFFFF80, s11  }
0xa9: {  	s0 =	sadd.s32 s3, s0  }
0xaa: {  	[tilespmem:s19], [sflag:$0x1] =	stream.linear.gather [hbm4b:s0+s2], $0x400, $0x38;
	[tilespmem:$0x18600] =	vst v63  }
0xab: {  	s0 =	sand.u32 $0x1FFFFF80, s12;
	s13 =	spop (v2sf)  }
0xac: {  	s0 =	sadd.s32 s3, s0;
	s30 =	sand.u32 $0x1FFFFF80, s13;
	s31 =	spop (v2sf)  }
0xad: {  	[tilespmem:s20], [sflag:$0x1] =	stream.linear.gather [hbm4b:s0+s2], $0x400, $0x38;
	[tilespmem:$0x18600] =	vst v63  }
0xae: {  	s0 =	sadd.s32 s3, s30;
	s5 =	sand.u32 $0x1FFFFF80, s31;
	s11 =	spop (v2sf)  }
0xaf: {  	[tilespmem:s21], [sflag:$0x1] =	stream.linear.gather [hbm4b:s0+s2], $0x400, $0x38;
	[tilespmem:$0x18600] =	vst v63  }
0xb0: {  	s12 =	sand.u32 $0x1FFFFF80, s11;
	s13 =	spop (v2sf);
	s0 =	sadd.s32 s3, s5  }
0xb1: {  	[tilespmem:s22], [sflag:$0x1] =	stream.linear.gather [hbm4b:s0+s2], $0x400, $0x38;
	[tilespmem:$0x18600] =	vst v63  }
0xb2: {  	s30 =	sand.u32 $0x1FFFFF80, s13;
	s0 =	sadd.s32 s3, s12  }
0xb3: {  	[tilespmem:s23], [sflag:$0x1] =	stream.linear.gather [hbm4b:s0+s2], $0x400, $0x38;
	[tilespmem:$0x18600] =	vst v63  }
0xb4: {  	s0 =	sadd.s32 s3, s30  }
0xb5: {  	[tilespmem:s24], [sflag:$0x1] =	stream.linear.gather [hbm4b:s0+s2], $0x400, $0x38;
	[tilespmem:$0x18600] =	vst v63  }
0xb6: {  	s31 =	spop (v2sf)  }
0xb7: {  	s0 =	sand.u32 $0x1FFFFF80, s31  }
0xb8: {  	s0 =	sadd.s32 s3, s0  }
0xb9: {  	[tilespmem:s25], [sflag:$0x1] =	stream.linear.gather [hbm4b:s0+s2], $0x400, $0x38;
	[tilespmem:$0x18600] =	vst v63  }
.LBB2_5:
0xba: {  	_ =	swait.ge [sflag:s26], $0x400  }
0xbb: {  	[sflag:s26] =	ssyncset.done $0x0  }
0xbc: {  	[sflag:s26] =	ssyncadd.s32 $0xFFFFFC00  }
0xbd: {  	_ =	swait.ge [sflag:s26], $0x400  }
0xbe: {  	[sflag:s26] =	ssyncset.done $0x0  }
0xbf: {  	[sflag:s26] =	ssyncadd.s32 $0xFFFFFC00  }
0xc0: {  	_ =	swait.ge [sflag:s26], $0x400  }
0xc1: {  	[sflag:s26] =	ssyncset.done $0x0  }
0xc2: {  	[sflag:s26] =	ssyncadd.s32 $0xFFFFFC00  }
0xc3: {  	_ =	swait.ge [sflag:s26], $0x400  }
0xc4: {  	[sflag:s26] =	ssyncset.done $0x0  }
0xc5: {  	[sflag:s26] =	ssyncadd.s32 $0xFFFFFC00  }
0xc6: {  	_ =	swait.ge [sflag:s26], $0x400  }
0xc7: {  	[sflag:s26] =	ssyncset.done $0x0  }
0xc8: {  	[sflag:s26] =	ssyncadd.s32 $0xFFFFFC00  }
0xc9: {  	_ =	swait.ge [sflag:s26], $0x400  }
0xca: {  	[sflag:s26] =	ssyncset.done $0x0  }
0xcb: {  	[sflag:s26] =	ssyncadd.s32 $0xFFFFFC00  }
0xcc: {  	_ =	swait.ge [sflag:s26], $0x400  }
0xcd: {  	[sflag:s26] =	ssyncset.done $0x0  }
0xce: {  	[sflag:s26] =	ssyncadd.s32 $0xFFFFFC00  }
0xcf: {  	_ =	swait.ge [sflag:s26], $0x400  }
0xd0: {  	[sflag:s26] =	ssyncset.done $0x0  }
0xd1: {  	[sflag:s26] =	ssyncadd.s32 $0xFFFFFC00  }
0xd2: {  	_ =	swait.ge [sflag:s26], $0x400  }
0xd3: {  	[sflag:s26] =	ssyncset.done $0x0  }
0xd4: {  	[sflag:s26] =	ssyncadd.s32 $0xFFFFFC00  }
0xd5: {  	_ =	swait.ge [sflag:s26], $0x400  }
0xd6: {  	[sflag:s26] =	ssyncset.done $0x0  }
0xd7: {  	[sflag:s26] =	ssyncadd.s32 $0xFFFFFC00  }
0xd8: {  	_ =	swait.ge [sflag:s26], $0x400  }
0xd9: {  	[sflag:s26] =	ssyncset.done $0x0  }
0xda: {  	[sflag:s26] =	ssyncadd.s32 $0xFFFFFC00  }
0xdb: {  	_ =	swait.ge [sflag:s26], $0x400  }
0xdc: {  	[sflag:s26] =	ssyncset.done $0x0  }
0xdd: {  	[sflag:s26] =	ssyncadd.s32 $0xFFFFFC00  }
0xde: {  	_ =	swait.ge [sflag:s26], $0x400  }
0xdf: {  	[sflag:s26] =	ssyncset.done $0x0  }
0xe0: {  	[sflag:s26] =	ssyncadd.s32 $0xFFFFFC00  }
0xe1: {  	_ =	swait.ge [sflag:s26], $0x400  }
0xe2: {  	[sflag:s26] =	ssyncset.done $0x0  }
0xe3: {  	[sflag:s26] =	ssyncadd.s32 $0xFFFFFC00  }
0xe4: {  	_ =	swait.ge [sflag:s26], $0x400  }
0xe5: {  	[sflag:s26] =	ssyncset.done $0x0  }
0xe6: {  	[sflag:s26] =	ssyncadd.s32 $0xFFFFFC00  }
0xe7: {  	_ =	swait.ge [sflag:s26], $0x400  }
0xe8: {  	[sflag:s26] =	ssyncset.done $0x0  }
0xe9: {  	[sflag:s26] =	ssyncadd.s32 $0xFFFFFC00  }
0xea: {  	v6 =	vld [tilespmem:s8+$0x0]  }
0xeb: {  	v4 =	vimm.s32 $0x7800;
	v5 =	vimm.s32 $0x7400;
	v7 =	vimm.s32 $0x7000  }
0xec: {  	v8 =	vimm.s32 $0x6C00;
	v9 =	vimm.s32 $0x6800;
	v10 =	vimm.s32 $0x6400  }
0xed: {  	v11 =	vimm.s32 $0x6000;
	v12 =	vimm.s32 $0x5C00;
	v13 =	vimm.s32 $0x5800  }
0xee: {  	v14 =	vimm.s32 $0x5400;
	v15 =	vimm.s32 $0x5000;
	v17 =	vimm.s32 $0x4C00  }
0xef: {  	s0 =	sadd.s32 $0xFFFFFFF1, s7;
	v19 =	vimm.s32 $0x4800;
	v20 =	vimm.s32 $0x4400;
	v3 =	vshll.u32 v6, v1  }
0xf0: {  	v16 =	vmov s0;
	v18 =	vadd.s32 $0x4000, v3;
	v3 =	vimm.s32 $0x7C00  }
.LBB2_7:
0xf1: {  	v18 =	vbroadcast v18, $0x0;
	_ =	sdelay $0x1  }
0xf2: {  	v21 =	vor.u32 v0, v18  }
0xf3: {  	v18 =	vor.u32 v2, v18  }
0xf4: {  	v16 =	vshll.u32 v16, $0x7  }
0xf5: {  	v6 =	vshll.u32 v6, $0x7;
	v16 =	vbroadcast v16, $0x0  }
0xf6: {  	v20 =	vadd.s32 v20, v6  }
0xf7: {  	v20 =	vbroadcast v20, $0x1;
	v22 =	vor.u32 v0, v16;
	v21 =	vld.idx.msk [tilespmem:v21+s10+$0x0], $0xffff  }
0xf8: {  	v16 =	vor.u32 v2, v16;
	v18 =	vld.idx.msk [tilespmem:v18+s10+$0x0], $0xffff  }
0xf9: {  	v23 =	vor.u32 v0, v20  }
0xfa: {  	v20 =	vor.u32 v2, v20;
	_ =	sdelay $0x1  }
0xfb: {  	s30 =	sshll.u32 s7, $0x7;
	[tilespmem:v22+s28+$0x0] =	vst.idx.msk $0xffff, v21  }
0xfc: {  	s0 =	sadd.s32 $0xFFFFF900, s30;
	v59 =	vadd.s32 v19, v6;
	[tilespmem:v16+s28+$0x0] =	vst.idx.msk $0xffff, v18  }
0xfd: {  	v60 =	vor.u32 s0, v0;
	v16 =	vbroadcast v59, $0x2;
	v18 =	vld.idx.msk [tilespmem:v23+s10+$0x0], $0xffff  }
0xfe: {  	v61 =	vor.u32 s0, v2;
	v20 =	vld.idx.msk [tilespmem:v20+s10+$0x0], $0xffff  }
0xff: {  	v62 =	vor.u32 v0, v16  }
0x100: {  	v16 =	vor.u32 v2, v16;
	_ =	sdelay $0x1  }
0x101: {  	[tilespmem:v60+s28+$0x0] =	vst.idx.msk $0xffff, v18  }
0x102: {  	s31 =	sadd.s32 $0xFFFFF980, s30;
	v17 =	vadd.s32 v17, v6;
	[tilespmem:v61+s28+$0x0] =	vst.idx.msk $0xffff, v20  }
0x103: {  	v63 =	vor.u32 s31, v0;
	v17 =	vbroadcast v17, $0x3;
	v18 =	vld.idx.msk [tilespmem:v62+s10+$0x0], $0xffff  }
0x104: {  	v24 =	vor.u32 s31, v2;
	v16 =	vld.idx.msk [tilespmem:v16+s10+$0x0], $0xffff  }
0x105: {  	v25 =	vor.u32 v0, v17  }
0x106: {  	v17 =	vor.u32 v2, v17;
	_ =	sdelay $0x1  }
0x107: {  	[tilespmem:v63+s28+$0x0] =	vst.idx.msk $0xffff, v18  }
0x108: {  	s1 =	sadd.s32 $0xFFFFFA00, s30;
	v15 =	vadd.s32 v15, v6;
	[tilespmem:v24+s28+$0x0] =	vst.idx.msk $0xffff, v16  }
0x109: {  	v26 =	vor.u32 s1, v0;
	v15 =	vbroadcast v15, $0x4;
	v16 =	vld.idx.msk [tilespmem:v25+s10+$0x0], $0xffff  }
0x10a: {  	v27 =	vor.u32 s1, v2;
	v17 =	vld.idx.msk [tilespmem:v17+s10+$0x0], $0xffff  }
0x10b: {  	v28 =	vor.u32 v0, v15  }
0x10c: {  	v15 =	vor.u32 v2, v15;
	_ =	sdelay $0x1  }
0x10d: {  	[tilespmem:v26+s28+$0x0] =	vst.idx.msk $0xffff, v16  }
0x10e: {  	s5 =	sadd.s32 $0xFFFFFA80, s30;
	v14 =	vadd.s32 v14, v6;
	[tilespmem:v27+s28+$0x0] =	vst.idx.msk $0xffff, v17  }
0x10f: {  	v29 =	vor.u32 s5, v0;
	v14 =	vbroadcast v14, $0x5;
	v16 =	vld.idx.msk [tilespmem:v28+s10+$0x0], $0xffff  }
0x110: {  	v30 =	vor.u32 s5, v2;
	v15 =	vld.idx.msk [tilespmem:v15+s10+$0x0], $0xffff  }
0x111: {  	v31 =	vor.u32 v0, v14  }
0x112: {  	v14 =	vor.u32 v2, v14;
	_ =	sdelay $0x1  }
0x113: {  	[tilespmem:v29+s28+$0x0] =	vst.idx.msk $0xffff, v16  }
0x114: {  	s11 =	sadd.s32 $0xFFFFFB00, s30;
	v13 =	vadd.s32 v13, v6;
	[tilespmem:v30+s28+$0x0] =	vst.idx.msk $0xffff, v15  }
0x115: {  	v32 =	vor.u32 s11, v0;
	v13 =	vbroadcast v13, $0x6;
	v15 =	vld.idx.msk [tilespmem:v31+s10+$0x0], $0xffff  }
0x116: {  	v33 =	vor.u32 s11, v2;
	v14 =	vld.idx.msk [tilespmem:v14+s10+$0x0], $0xffff  }
0x117: {  	v34 =	vor.u32 v0, v13  }
0x118: {  	v13 =	vor.u32 v2, v13;
	_ =	sdelay $0x1  }
0x119: {  	[tilespmem:v32+s28+$0x0] =	vst.idx.msk $0xffff, v15  }
0x11a: {  	s12 =	sadd.s32 $0xFFFFFB80, s30;
	v12 =	vadd.s32 v12, v6;
	[tilespmem:v33+s28+$0x0] =	vst.idx.msk $0xffff, v14  }
0x11b: {  	v35 =	vor.u32 s12, v0;
	v12 =	vbroadcast v12, $0x7;
	v14 =	vld.idx.msk [tilespmem:v34+s10+$0x0], $0xffff  }
0x11c: {  	v36 =	vor.u32 s12, v2;
	v13 =	vld.idx.msk [tilespmem:v13+s10+$0x0], $0xffff  }
0x11d: {  	v37 =	vor.u32 v0, v12  }
0x11e: {  	v12 =	vor.u32 v2, v12;
	_ =	sdelay $0x1  }
0x11f: {  	[tilespmem:v35+s28+$0x0] =	vst.idx.msk $0xffff, v14  }
0x120: {  	s13 =	sadd.s32 $0xFFFFFC00, s30;
	v11 =	vadd.s32 v11, v6;
	[tilespmem:v36+s28+$0x0] =	vst.idx.msk $0xffff, v13  }
0x121: {  	v38 =	vor.u32 s13, v0;
	v11 =	vbroadcast v11, $0x8;
	v13 =	vld.idx.msk [tilespmem:v37+s10+$0x0], $0xffff  }
0x122: {  	v39 =	vor.u32 s13, v2;
	v12 =	vld.idx.msk [tilespmem:v12+s10+$0x0], $0xffff  }
0x123: {  	v40 =	vor.u32 v0, v11  }
0x124: {  	v11 =	vor.u32 v2, v11;
	_ =	sdelay $0x1  }
0x125: {  	[tilespmem:v38+s28+$0x0] =	vst.idx.msk $0xffff, v13  }
0x126: {  	v10 =	vadd.s32 v10, v6;
	s31 =	sadd.s32 $0xFFFFFC80, s30;
	[tilespmem:v39+s28+$0x0] =	vst.idx.msk $0xffff, v12  }
0x127: {  	v10 =	vbroadcast v10, $0x9;
	v41 =	vor.u32 s31, v0;
	v12 =	vld.idx.msk [tilespmem:v40+s10+$0x0], $0xffff  }
0x128: {  	v42 =	vor.u32 s31, v2;
	v11 =	vld.idx.msk [tilespmem:v11+s10+$0x0], $0xffff  }
0x129: {  	v43 =	vor.u32 v0, v10  }
0x12a: {  	v10 =	vor.u32 v2, v10;
	_ =	sdelay $0x1  }
0x12b: {  	[tilespmem:v41+s28+$0x0] =	vst.idx.msk $0xffff, v12  }
0x12c: {  	v9 =	vadd.s32 v9, v6;
	s1 =	sadd.s32 $0xFFFFFD00, s30;
	[tilespmem:v42+s28+$0x0] =	vst.idx.msk $0xffff, v11  }
0x12d: {  	v9 =	vbroadcast v9, $0xA;
	v44 =	vor.u32 s1, v0;
	v11 =	vld.idx.msk [tilespmem:v43+s10+$0x0], $0xffff  }
0x12e: {  	v45 =	vor.u32 s1, v2;
	v10 =	vld.idx.msk [tilespmem:v10+s10+$0x0], $0xffff  }
0x12f: {  	v46 =	vor.u32 v0, v9  }
0x130: {  	v9 =	vor.u32 v2, v9;
	_ =	sdelay $0x1  }
0x131: {  	[tilespmem:v44+s28+$0x0] =	vst.idx.msk $0xffff, v11  }
0x132: {  	v8 =	vadd.s32 v8, v6;
	s5 =	sadd.s32 $0xFFFFFD80, s30;
	[tilespmem:v45+s28+$0x0] =	vst.idx.msk $0xffff, v10  }
0x133: {  	v8 =	vbroadcast v8, $0xB;
	v47 =	vor.u32 s5, v0;
	v10 =	vld.idx.msk [tilespmem:v46+s10+$0x0], $0xffff  }
0x134: {  	v48 =	vor.u32 s5, v2;
	v9 =	vld.idx.msk [tilespmem:v9+s10+$0x0], $0xffff  }
0x135: {  	v49 =	vor.u32 v0, v8  }
0x136: {  	v8 =	vor.u32 v2, v8;
	_ =	sdelay $0x1  }
0x137: {  	[tilespmem:v47+s28+$0x0] =	vst.idx.msk $0xffff, v10  }
0x138: {  	v7 =	vadd.s32 v7, v6;
	s11 =	sadd.s32 $0xFFFFFE00, s30;
	[tilespmem:v48+s28+$0x0] =	vst.idx.msk $0xffff, v9  }
0x139: {  	v7 =	vbroadcast v7, $0xC;
	v50 =	vor.u32 s11, v0;
	v9 =	vld.idx.msk [tilespmem:v49+s10+$0x0], $0xffff  }
0x13a: {  	v51 =	vor.u32 s11, v2;
	v8 =	vld.idx.msk [tilespmem:v8+s10+$0x0], $0xffff  }
0x13b: {  	v52 =	vor.u32 v0, v7  }
0x13c: {  	v7 =	vor.u32 v2, v7;
	_ =	sdelay $0x1  }
0x13d: {  	[tilespmem:v50+s28+$0x0] =	vst.idx.msk $0xffff, v9  }
0x13e: {  	v5 =	vadd.s32 v5, v6;
	s12 =	sadd.s32 $0xFFFFFE80, s30;
	[tilespmem:v51+s28+$0x0] =	vst.idx.msk $0xffff, v8  }
0x13f: {  	v5 =	vbroadcast v5, $0xD;
	v53 =	vor.u32 s12, v0;
	v8 =	vld.idx.msk [tilespmem:v52+s10+$0x0], $0xffff  }
0x140: {  	v54 =	vor.u32 s12, v2;
	v7 =	vld.idx.msk [tilespmem:v7+s10+$0x0], $0xffff  }
0x141: {  	v55 =	vor.u32 v0, v5  }
0x142: {  	v5 =	vor.u32 v2, v5;
	_ =	sdelay $0x1  }
0x143: {  	[tilespmem:v53+s28+$0x0] =	vst.idx.msk $0xffff, v8  }
0x144: {  	v4 =	vadd.s32 v4, v6;
	s13 =	sadd.s32 $0xFFFFFF00, s30;
	[tilespmem:v54+s28+$0x0] =	vst.idx.msk $0xffff, v7  }
0x145: {  	v4 =	vbroadcast v4, $0xE;
	v56 =	vor.u32 s13, v0;
	v7 =	vld.idx.msk [tilespmem:v55+s10+$0x0], $0xffff  }
0x146: {  	v57 =	vor.u32 s13, v2;
	v5 =	vld.idx.msk [tilespmem:v5+s10+$0x0], $0xffff  }
0x147: {  	v58 =	vor.u32 v0, v4  }
0x148: {  	v4 =	vor.u32 v2, v4;
	_ =	sdelay $0x1  }
0x149: {  	[tilespmem:v56+s28+$0x0] =	vst.idx.msk $0xffff, v7  }
0x14a: {  	v3 =	vadd.s32 v3, v6;
	s31 =	sadd.s32 $0xFFFFFF80, s30;
	[tilespmem:v57+s28+$0x0] =	vst.idx.msk $0xffff, v5  }
0x14b: {  	v3 =	vbroadcast v3, $0xF;
	v59 =	vor.u32 s31, v0;
	v5 =	vld.idx.msk [tilespmem:v58+s10+$0x0], $0xffff  }
0x14c: {  	v60 =	vor.u32 s31, v2;
	v4 =	vld.idx.msk [tilespmem:v4+s10+$0x0], $0xffff  }
0x14d: {  	v61 =	vor.u32 v0, v3  }
0x14e: {  	v3 =	vor.u32 v2, v3;
	_ =	sdelay $0x1  }
0x14f: {  	[tilespmem:v59+s28+$0x0] =	vst.idx.msk $0xffff, v5  }
0x150: {  	[tilespmem:v60+s28+$0x0] =	vst.idx.msk $0xffff, v4  }
0x151: {  	s7 =	sadd.s32 $0x10, s7;
	v62 =	vor.u32 s30, v0;
	v4 =	vld.idx.msk [tilespmem:v61+s10+$0x0], $0xffff  }
0x152: {  	p0 =	sne.s32 s7, $0x20F;
	v63 =	vor.u32 s30, v2;
	v3 =	vld.idx.msk [tilespmem:v3+s10+$0x0], $0xffff  }
.Ltmp3:
0x153: {  	_ = 	snop;
	(pc) =	sbr.rel @!p0 .LBB2_8-.Ltmp3, $3  }
0x154: {  	_ =	sdelay $0x1  }
0x155: {  	[tilespmem:v62+s28+$0x0] =	vst.idx.msk $0xffff, v4  }
0x156: {  	s8 =	sadd.s32 $0x10, s8;
	s9 =	sadd.s32 $0x10, s9;
	s29 =	sadd.s32 $0x1, s29;
	[tilespmem:v63+s28+$0x0] =	vst.idx.msk $0xffff, v3  }
.LBB2_2:
0x157: {  	p0 =	seq.s32 s7, $0x1FF  }
.Ltmp4:
0x158: {  	_ = 	snop;
	(pc) =	sbr.rel @p0 .LBB2_5-.Ltmp4, $1  }
0x159: {  	_ =	sdelay $0x3  }
0x15a: {  	v3 =	vld [tilespmem:s9+$0x0];
	_ =	sdelay $0x4  }
0x15b: {  	v3 =	vshll.u32 v3, $0x7  }
0x15c: {  	(v2sf) =	vpush v3, $0x0  }
0x15d: {  	(v2sf) =	vpush v3, $0x1  }
0x15e: {  	(v2sf) =	vpush v3, $0x2  }
0x15f: {  	(v2sf) =	vpush v3, $0x3  }
0x160: {  	(v2sf) =	vpush v3, $0x4  }
0x161: {  	(v2sf) =	vpush v3, $0x5;
	_ =	sdelay $0x9  }
0x162: {  	s0 =	spop (v2sf)  }
0x163: {  	s11 =	sand.u32 $0x1, s29;
	s1 =	spop (v2sf)  }
0x164: {  	p0 =	seq.s32 s11, $0x0;
	s0 =	sand.u32 $0x1FFFFF80, s0;
	s5 =	spop (v2sf)  }
.Ltmp5:
0x165: {  	s11 =	sadd.s32 s3, s0;
	s30 =	spop (v2sf);
	(pc) =	sbr.rel @!p0 .LBB2_4-.Ltmp5, $4  }
0x166: {  	s1 =	sand.u32 $0x1FFFFF80, s1;
	s5 =	sand.u32 $0x1FFFFF80, s5;
	s12 =	spop (v2sf)  }
0x167: {  	s1 =	sadd.s32 s3, s1;
	s31 =	sadd.s32 s3, s5;
	s5 =	spop (v2sf)  }
0x168: {  	s13 =	sand.u32 $0x1FFFFF80, s30;
	s12 =	sand.u32 $0x1FFFFF80, s12;
	s30 =	sand.u32 $0x1FFFFF80, s5  }
0x169: {  	s5 =	sadd.s32 s3, s13;
	s0 =	sadd.s32 s3, s12;
	s30 =	sadd.s32 s3, s30  }
0x16a: {  	(v2sf) =	vpush v3, $0x6;
	_ =	sdelay $0x1  }
0x16b: {  	(v2sf) =	vpush v3, $0x7  }
0x16c: {  	s12 =	simm.s32 $0x4600  }
0x16d: {  	[tilespmem:s12], [sflag:$0x2] =	stream.linear.gather [hbm4b:s11+s2], $0x400, $0x38;
	[tilespmem:$0x18600] =	vst v63  }
0x16e: {  	s12 =	simm.s32 $0x4A00  }
0x16f: {  	(v2sf) =	vpush v3, $0x8;
	[tilespmem:s12], [sflag:$0x2] =	stream.linear.gather [hbm4b:s1+s2], $0x400, $0x38;
	[tilespmem:$0x18600] =	vst v63  }
0x170: {  	s13 =	simm.s32 $0x4E00  }
0x171: {  	[tilespmem:s13], [sflag:$0x2] =	stream.linear.gather [hbm4b:s31+s2], $0x400, $0x38;
	[tilespmem:$0x18600] =	vst v63  }
0x172: {  	s11 =	simm.s32 $0x5200;
	(v2sf) =	vpush v3, $0x9  }
0x173: {  	[tilespmem:s11], [sflag:$0x2] =	stream.linear.gather [hbm4b:s5+s2], $0x400, $0x38;
	[tilespmem:$0x18600] =	vst v63  }
0x174: {  	s12 =	simm.s32 $0x5600  }
0x175: {  	[tilespmem:s12], [sflag:$0x2] =	stream.linear.gather [hbm4b:s0+s2], $0x400, $0x38;
	[tilespmem:$0x18600] =	vst v63  }
0x176: {  	s13 =	simm.s32 $0x5A00  }
0x177: {  	[tilespmem:s13], [sflag:$0x2] =	stream.linear.gather [hbm4b:s30+s2], $0x400, $0x38;
	[tilespmem:$0x18600] =	vst v63  }
0x178: {  	s30 =	spop (v2sf);
	(v2sf) =	vpush v3, $0xA;
	_ =	sdelay $0x1  }
0x179: {  	s5 =	spop (v2sf);
	(v2sf) =	vpush v3, $0xB;
	_ =	sdelay $0x2  }
0x17a: {  	s0 =	sand.u32 $0x1FFFFF80, s30  }
0x17b: {  	s31 =	simm.s32 $0x5E00;
	s0 =	sadd.s32 s3, s0;
	s12 =	spop (v2sf)  }
0x17c: {  	(v2sf) =	vpush v3, $0xC;
	[tilespmem:s31], [sflag:$0x2] =	stream.linear.gather [hbm4b:s0+s2], $0x400, $0x38;
	[tilespmem:$0x18600] =	vst v63  }
0x17d: {  	s0 =	sand.u32 $0x1FFFFF80, s5  }
0x17e: {  	s11 =	simm.s32 $0x6200;
	s30 =	spop (v2sf);
	s0 =	sadd.s32 s3, s0  }
0x17f: {  	(v2sf) =	vpush v3, $0xD;
	[tilespmem:s11], [sflag:$0x2] =	stream.linear.gather [hbm4b:s0+s2], $0x400, $0x38;
	[tilespmem:$0x18600] =	vst v63  }
0x180: {  	s0 =	sand.u32 $0x1FFFFF80, s12  }
0x181: {  	s13 =	simm.s32 $0x6600;
	s0 =	sadd.s32 s3, s0  }
0x182: {  	[tilespmem:s13], [sflag:$0x2] =	stream.linear.gather [hbm4b:s0+s2], $0x400, $0x38;
	[tilespmem:$0x18600] =	vst v63  }
0x183: {  	s0 =	sand.u32 $0x1FFFFF80, s30  }
0x184: {  	s31 =	simm.s32 $0x6A00;
	s0 =	sadd.s32 s3, s0;
	s5 =	spop (v2sf);
	(v2sf) =	vpush v3, $0xE  }
0x185: {  	[tilespmem:s31], [sflag:$0x2] =	stream.linear.gather [hbm4b:s0+s2], $0x400, $0x38;
	[tilespmem:$0x18600] =	vst v63  }
0x186: {  	s12 =	spop (v2sf);
	(v2sf) =	vpush v3, $0xF  }
0x187: {  	s0 =	sand.u32 $0x1FFFFF80, s5  }
0x188: {  	s11 =	simm.s32 $0x6E00;
	s0 =	sadd.s32 s3, s0  }
0x189: {  	[tilespmem:s11], [sflag:$0x2] =	stream.linear.gather [hbm4b:s0+s2], $0x400, $0x38;
	[tilespmem:$0x18600] =	vst v63  }
0x18a: {  	s0 =	sand.u32 $0x1FFFFF80, s12  }
0x18b: {  	s13 =	simm.s32 $0x7200;
	s30 =	spop (v2sf);
	s0 =	sadd.s32 s3, s0  }
0x18c: {  	[tilespmem:s13], [sflag:$0x2] =	stream.linear.gather [hbm4b:s0+s2], $0x400, $0x38;
	[tilespmem:$0x18600] =	vst v63  }
0x18d: {  	s0 =	sand.u32 $0x1FFFFF80, s30  }
0x18e: {  	s31 =	simm.s32 $0x7600;
	s1 =	spop (v2sf);
	s0 =	sadd.s32 s3, s0  }
0x18f: {  	[tilespmem:s31], [sflag:$0x2] =	stream.linear.gather [hbm4b:s0+s2], $0x400, $0x38;
	[tilespmem:$0x18600] =	vst v63  }
0x190: {  	s0 =	sand.u32 $0x1FFFFF80, s1  }
0x191: {  	s5 =	simm.s32 $0x7A00;
	s0 =	sadd.s32 s3, s0  }
0x192: {  	[tilespmem:s5], [sflag:$0x2] =	stream.linear.gather [hbm4b:s0+s2], $0x400, $0x38;
	[tilespmem:$0x18600] =	vst v63  }
0x193: {  	s11 =	spop (v2sf)  }
0x194: {  	s0 =	sand.u32 $0x1FFFFF80, s11  }
0x195: {  	s12 =	simm.s32 $0x7E00;
	s13 =	spop (v2sf);
	s0 =	sadd.s32 s3, s0  }
0x196: {  	[tilespmem:s12], [sflag:$0x2] =	stream.linear.gather [hbm4b:s0+s2], $0x400, $0x38;
	[tilespmem:$0x18600] =	vst v63  }
0x197: {  	s0 =	sand.u32 $0x1FFFFF80, s13  }
0x198: {  	s30 =	simm.s32 $0x8200;
	s0 =	sadd.s32 s3, s0  }
0x199: {  	[tilespmem:s30], [sflag:$0x2] =	stream.linear.gather [hbm4b:s0+s2], $0x400, $0x38;
	[tilespmem:$0x18600] =	vst v63  }
0x19a: {  	_ =	swait.ge [sflag:s6], $0x400  }
0x19b: {  	[sflag:s6] =	ssyncset.done $0x0  }
0x19c: {  	[sflag:s6] =	ssyncadd.s32 $0xFFFFFC00  }
0x19d: {  	_ =	swait.ge [sflag:s6], $0x400  }
0x19e: {  	[sflag:s6] =	ssyncset.done $0x0  }
0x19f: {  	[sflag:s6] =	ssyncadd.s32 $0xFFFFFC00  }
0x1a0: {  	_ =	swait.ge [sflag:s6], $0x400  }
0x1a1: {  	[sflag:s6] =	ssyncset.done $0x0  }
0x1a2: {  	[sflag:s6] =	ssyncadd.s32 $0xFFFFFC00  }
0x1a3: {  	_ =	swait.ge [sflag:s6], $0x400  }
0x1a4: {  	[sflag:s6] =	ssyncset.done $0x0  }
0x1a5: {  	[sflag:s6] =	ssyncadd.s32 $0xFFFFFC00  }
0x1a6: {  	_ =	swait.ge [sflag:s6], $0x400  }
0x1a7: {  	[sflag:s6] =	ssyncset.done $0x0  }
0x1a8: {  	[sflag:s6] =	ssyncadd.s32 $0xFFFFFC00  }
0x1a9: {  	_ =	swait.ge [sflag:s6], $0x400  }
0x1aa: {  	[sflag:s6] =	ssyncset.done $0x0  }
0x1ab: {  	[sflag:s6] =	ssyncadd.s32 $0xFFFFFC00  }
0x1ac: {  	_ =	swait.ge [sflag:s6], $0x400  }
0x1ad: {  	[sflag:s6] =	ssyncset.done $0x0  }
0x1ae: {  	[sflag:s6] =	ssyncadd.s32 $0xFFFFFC00  }
0x1af: {  	_ =	swait.ge [sflag:s6], $0x400  }
0x1b0: {  	[sflag:s6] =	ssyncset.done $0x0  }
0x1b1: {  	[sflag:s6] =	ssyncadd.s32 $0xFFFFFC00  }
0x1b2: {  	_ =	swait.ge [sflag:s6], $0x400  }
0x1b3: {  	[sflag:s6] =	ssyncset.done $0x0  }
0x1b4: {  	[sflag:s6] =	ssyncadd.s32 $0xFFFFFC00  }
0x1b5: {  	_ =	swait.ge [sflag:s6], $0x400  }
0x1b6: {  	[sflag:s6] =	ssyncset.done $0x0  }
0x1b7: {  	[sflag:s6] =	ssyncadd.s32 $0xFFFFFC00  }
0x1b8: {  	_ =	swait.ge [sflag:s6], $0x400  }
0x1b9: {  	[sflag:s6] =	ssyncset.done $0x0  }
0x1ba: {  	[sflag:s6] =	ssyncadd.s32 $0xFFFFFC00  }
0x1bb: {  	_ =	swait.ge [sflag:s6], $0x400  }
0x1bc: {  	[sflag:s6] =	ssyncset.done $0x0  }
0x1bd: {  	[sflag:s6] =	ssyncadd.s32 $0xFFFFFC00  }
0x1be: {  	_ =	swait.ge [sflag:s6], $0x400  }
0x1bf: {  	[sflag:s6] =	ssyncset.done $0x0  }
0x1c0: {  	[sflag:s6] =	ssyncadd.s32 $0xFFFFFC00  }
0x1c1: {  	_ =	swait.ge [sflag:s6], $0x400  }
0x1c2: {  	[sflag:s6] =	ssyncset.done $0x0  }
0x1c3: {  	[sflag:s6] =	ssyncadd.s32 $0xFFFFFC00  }
0x1c4: {  	_ =	swait.ge [sflag:s6], $0x400  }
0x1c5: {  	[sflag:s6] =	ssyncset.done $0x0  }
0x1c6: {  	[sflag:s6] =	ssyncadd.s32 $0xFFFFFC00  }
0x1c7: {  	_ =	swait.ge [sflag:s6], $0x400  }
0x1c8: {  	[sflag:s6] =	ssyncset.done $0x0  }
0x1c9: {  	[sflag:s6] =	ssyncadd.s32 $0xFFFFFC00  }
0x1ca: {  	v4 =	vimm.s32 $0x3800;
	v5 =	vimm.s32 $0x3400;
	v6 =	vld [tilespmem:s8+$0x0]  }
.Ltmp6:
0x1cb: {  	v7 =	vimm.s32 $0x3000;
	v8 =	vimm.s32 $0x2C00;
	v9 =	vimm.s32 $0x2800;
	(pc) =	sbr.rel .LBB2_7-.Ltmp6, $4  }
0x1cc: {  	v10 =	vimm.s32 $0x2400;
	v11 =	vimm.s32 $0x2000;
	v12 =	vimm.s32 $0x1C00  }
0x1cd: {  	v13 =	vimm.s32 $0x1800;
	v14 =	vimm.s32 $0x1400;
	v15 =	vimm.s32 $0x1000  }
0x1ce: {  	v17 =	vimm.s32 $0xC00;
	v19 =	vimm.s32 $0x800;
	v20 =	vimm.s32 $0x400;
	s31 =	sadd.s32 $0xFFFFFFF1, s7  }
0x1cf: {  	v3 =	vimm.s32 $0x3C00;
	v16 =	vmov s31;
	v18 =	vshll.u32 v6, v1  }
.LBB2_8:
0x1d0: {  	s7 =	simm.s32 $0x0;
	s0 =	rddreg [dreg:$0x4];
	s8 =	simm.s32 $0x3  }
0x1d1: {  	[hbm4b:s0+s7] =	stream.linear.scatter [tilespmem:s28], [sflag:$0x3], $0x10000, $0x38;
	[tilespmem:$0x18600] =	vst v63  }
0x1d2: {  	_ =	swait.ge [sflag:s8], $0x10000  }
0x1d3: {  	[sflag:s8] =	ssyncset.done $0x0  }
0x1d4: {  	[sflag:s8] =	ssyncadd.s32 $0xFFFF0000  }
0x1d5: {  	v3 =	vld [tilespmem:$0x200];
	_ =	sdelay $0x4  }
0x1d6: {  	v3 =	vshll.u32 v3, $0x7  }
0x1d7: {  	(v2sf) =	vpush v3, $0x0  }
0x1d8: {  	(v2sf) =	vpush v3, $0x1;
	_ =	sdelay $0x5  }
0x1d9: {  	(v2sf) =	vpush v3, $0x2;
	_ =	sdelay $0x1  }
0x1da: {  	(v2sf) =	vpush v3, $0x3;
	_ =	sdelay $0x5  }
0x1db: {  	s9 =	spop (v2sf);
	(v2sf) =	vpush v3, $0x4  }
0x1dc: {  	s11 =	spop (v2sf);
	(v2sf) =	vpush v3, $0x5;
	_ =	sdelay $0x4  }
0x1dd: {  	s0 =	sand.u32 $0x1FFFFF80, s9  }
0x1de: {  	s0 =	sadd.s32 s4, s0;
	s12 =	spop (v2sf);
	(v2sf) =	vpush v3, $0x6  }
0x1df: {  	[tilespmem:s10], [sflag:$0x1] =	stream.linear.gather [hbm4b:s0+s7], $0x400, $0x38;
	[tilespmem:$0x18600] =	vst v63  }
0x1e0: {  	s0 =	sand.u32 $0x1FFFFF80, s11;
	s30 =	spop (v2sf);
	(v2sf) =	vpush v3, $0x7  }
0x1e1: {  	s1 =	simm.s32 $0xA00;
	s0 =	sadd.s32 s4, s0  }
0x1e2: {  	[tilespmem:s1], [sflag:$0x1] =	stream.linear.gather [hbm4b:s0+s7], $0x400, $0x38;
	[tilespmem:$0x18600] =	vst v63  }
0x1e3: {  	s0 =	sand.u32 $0x1FFFFF80, s12  }
0x1e4: {  	s13 =	simm.s32 $0xE00;
	s0 =	sadd.s32 s4, s0  }
0x1e5: {  	[tilespmem:s13], [sflag:$0x1] =	stream.linear.gather [hbm4b:s0+s7], $0x400, $0x38;
	[tilespmem:$0x18600] =	vst v63  }
0x1e6: {  	s0 =	sand.u32 $0x1FFFFF80, s30;
	s5 =	spop (v2sf);
	(v2sf) =	vpush v3, $0x8  }
0x1e7: {  	s31 =	simm.s32 $0x1200;
	s0 =	sadd.s32 s4, s0;
	s8 =	spop (v2sf);
	(v2sf) =	vpush v3, $0x9  }
0x1e8: {  	[tilespmem:s31], [sflag:$0x1] =	stream.linear.gather [hbm4b:s0+s7], $0x400, $0x38;
	[tilespmem:$0x18600] =	vst v63  }
0x1e9: {  	s0 =	sand.u32 $0x1FFFFF80, s5;
	(v2sf) =	vpush v3, $0xA  }
0x1ea: {  	s0 =	sadd.s32 s4, s0  }
0x1eb: {  	[tilespmem:s14], [sflag:$0x1] =	stream.linear.gather [hbm4b:s0+s7], $0x400, $0x38;
	[tilespmem:$0x18600] =	vst v63  }
0x1ec: {  	s0 =	sand.u32 $0x1FFFFF80, s8  }
0x1ed: {  	s9 =	spop (v2sf);
	s0 =	sadd.s32 s4, s0  }
0x1ee: {  	(v2sf) =	vpush v3, $0xB;
	[tilespmem:s15], [sflag:$0x1] =	stream.linear.gather [hbm4b:s0+s7], $0x400, $0x38;
	[tilespmem:$0x18600] =	vst v63  }
0x1ef: {  	s11 =	spop (v2sf);
	(v2sf) =	vpush v3, $0xC;
	s0 =	sand.u32 $0x1FFFFF80, s9  }
0x1f0: {  	s0 =	sadd.s32 s4, s0  }
0x1f1: {  	[tilespmem:s16], [sflag:$0x1] =	stream.linear.gather [hbm4b:s0+s7], $0x400, $0x38;
	[tilespmem:$0x18600] =	vst v63  }
0x1f2: {  	s0 =	sand.u32 $0x1FFFFF80, s11  }
0x1f3: {  	s0 =	sadd.s32 s4, s0  }
0x1f4: {  	[tilespmem:s17], [sflag:$0x1] =	stream.linear.gather [hbm4b:s0+s7], $0x400, $0x38;
	[tilespmem:$0x18600] =	vst v63  }
0x1f5: {  	s12 =	spop (v2sf);
	(v2sf) =	vpush v3, $0xD  }
0x1f6: {  	s13 =	spop (v2sf);
	(v2sf) =	vpush v3, $0xE  }
0x1f7: {  	s0 =	sand.u32 $0x1FFFFF80, s12  }
0x1f8: {  	s0 =	sadd.s32 s4, s0;
	s30 =	spop (v2sf)  }
0x1f9: {  	(v2sf) =	vpush v3, $0xF;
	[tilespmem:s18], [sflag:$0x1] =	stream.linear.gather [hbm4b:s0+s7], $0x400, $0x38;
	[tilespmem:$0x18600] =	vst v63  }
0x1fa: {  	s0 =	sand.u32 $0x1FFFFF80, s13  }
0x1fb: {  	s0 =	sadd.s32 s4, s0  }
0x1fc: {  	[tilespmem:s19], [sflag:$0x1] =	stream.linear.gather [hbm4b:s0+s7], $0x400, $0x38;
	[tilespmem:$0x18600] =	vst v63  }
0x1fd: {  	s31 =	spop (v2sf);
	s0 =	sand.u32 $0x1FFFFF80, s30  }
0x1fe: {  	s5 =	sand.u32 $0x1FFFFF80, s31;
	s8 =	spop (v2sf);
	s0 =	sadd.s32 s4, s0  }
0x1ff: {  	[tilespmem:s20], [sflag:$0x1] =	stream.linear.gather [hbm4b:s0+s7], $0x400, $0x38;
	[tilespmem:$0x18600] =	vst v63  }
0x200: {  	s9 =	sand.u32 $0x1FFFFF80, s8;
	s0 =	sadd.s32 s4, s5  }
0x201: {  	[tilespmem:s21], [sflag:$0x1] =	stream.linear.gather [hbm4b:s0+s7], $0x400, $0x38;
	[tilespmem:$0x18600] =	vst v63  }
0x202: {  	s0 =	sadd.s32 s4, s9  }
0x203: {  	[tilespmem:s22], [sflag:$0x1] =	stream.linear.gather [hbm4b:s0+s7], $0x400, $0x38;
	[tilespmem:$0x18600] =	vst v63  }
0x204: {  	s11 =	spop (v2sf)  }
0x205: {  	s12 =	sand.u32 $0x1FFFFF80, s11;
	s13 =	spop (v2sf)  }
0x206: {  	s0 =	sadd.s32 s4, s12;
	s30 =	sand.u32 $0x1FFFFF80, s13  }
0x207: {  	[tilespmem:s23], [sflag:$0x1] =	stream.linear.gather [hbm4b:s0+s7], $0x400, $0x38;
	[tilespmem:$0x18600] =	vst v63  }
.Ltmp7:
0x208: {  	s31 =	spop (v2sf);
	s0 =	sadd.s32 s4, s30;
	(pc) =	sbr.rel .LBB2_9-.Ltmp7, $4  }
0x209: {  	[tilespmem:s24], [sflag:$0x1] =	stream.linear.gather [hbm4b:s0+s7], $0x400, $0x38;
	[tilespmem:$0x18600] =	vst v63  }
0x20a: {  	s29 =	simm.s32 $0x210;
	s0 =	sand.u32 $0x1FFFFF80, s31  }
0x20b: {  	s8 =	simm.s32 $0xF;
	s9 =	simm.s32 $0x400;
	s0 =	sadd.s32 s4, s0  }
0x20c: {  	[tilespmem:s25], [sflag:$0x1] =	stream.linear.gather [hbm4b:s0+s7], $0x400, $0x38;
	[tilespmem:$0x18600] =	vst v63  }
.LBB2_11:
0x20d: {  	(v2sf) =	vpush v3, $0x6;
	_ =	sdelay $0x4  }
0x20e: {  	(v2sf) =	vpush v3, $0x7  }
0x20f: {  	[tilespmem:s10], [sflag:$0x1] =	stream.linear.gather [hbm4b:s11+s2], $0x400, $0x38;
	[tilespmem:$0x18600] =	vst v63  }
0x210: {  	s13 =	simm.s32 $0xA00;
	(v2sf) =	vpush v3, $0x8  }
0x211: {  	[tilespmem:s13], [sflag:$0x1] =	stream.linear.gather [hbm4b:s1+s2], $0x400, $0x38;
	[tilespmem:$0x18600] =	vst v63  }
0x212: {  	s12 =	simm.s32 $0xE00;
	(v2sf) =	vpush v3, $0x9  }
0x213: {  	[tilespmem:s12], [sflag:$0x1] =	stream.linear.gather [hbm4b:s0+s2], $0x400, $0x38;
	[tilespmem:$0x18600] =	vst v63  }
0x214: {  	s13 =	simm.s32 $0x1200  }
0x215: {  	[tilespmem:s13], [sflag:$0x1] =	stream.linear.gather [hbm4b:s5+s2], $0x400, $0x38;
	[tilespmem:$0x18600] =	vst v63  }
0x216: {  	_ = 	snop  }
0x217: {  	[tilespmem:s14], [sflag:$0x1] =	stream.linear.gather [hbm4b:s31+s2], $0x400, $0x38;
	[tilespmem:$0x18600] =	vst v63  }
0x218: {  	s31 =	spop (v2sf);
	(v2sf) =	vpush v3, $0xA;
	_ =	sdelay $0x3  }
0x219: {  	[tilespmem:s15], [sflag:$0x1] =	stream.linear.gather [hbm4b:s30+s2], $0x400, $0x38;
	(v2sf) =	vpush v3, $0xB;
	[tilespmem:$0x18600] =	vst v63  }
0x21a: {  	s1 =	spop (v2sf);
	(v2sf) =	vpush v3, $0xC  }
0x21b: {  	s0 =	sand.u32 $0x1FFFFF80, s31  }
0x21c: {  	s0 =	sadd.s32 s4, s0;
	s5 =	spop (v2sf);
	(v2sf) =	vpush v3, $0xD  }
0x21d: {  	[tilespmem:s16], [sflag:$0x1] =	stream.linear.gather [hbm4b:s0+s2], $0x400, $0x38;
	[tilespmem:$0x18600] =	vst v63  }
0x21e: {  	s0 =	sand.u32 $0x1FFFFF80, s1;
	s11 =	spop (v2sf);
	(v2sf) =	vpush v3, $0xE  }
0x21f: {  	s0 =	sadd.s32 s4, s0  }
0x220: {  	[tilespmem:s17], [sflag:$0x1] =	stream.linear.gather [hbm4b:s0+s2], $0x400, $0x38;
	[tilespmem:$0x18600] =	vst v63  }
0x221: {  	s0 =	sand.u32 $0x1FFFFF80, s5  }
0x222: {  	s0 =	sadd.s32 s4, s0  }
0x223: {  	[tilespmem:s18], [sflag:$0x1] =	stream.linear.gather [hbm4b:s0+s2], $0x400, $0x38;
	[tilespmem:$0x18600] =	vst v63  }
0x224: {  	s12 =	spop (v2sf);
	(v2sf) =	vpush v3, $0xF  }
0x225: {  	s0 =	sand.u32 $0x1FFFFF80, s11  }
0x226: {  	s0 =	sadd.s32 s4, s0  }
0x227: {  	[tilespmem:s19], [sflag:$0x1] =	stream.linear.gather [hbm4b:s0+s2], $0x400, $0x38;
	[tilespmem:$0x18600] =	vst v63  }
0x228: {  	s0 =	sand.u32 $0x1FFFFF80, s12;
	s13 =	spop (v2sf)  }
0x229: {  	s0 =	sadd.s32 s4, s0;
	s30 =	sand.u32 $0x1FFFFF80, s13;
	s31 =	spop (v2sf)  }
0x22a: {  	[tilespmem:s20], [sflag:$0x1] =	stream.linear.gather [hbm4b:s0+s2], $0x400, $0x38;
	[tilespmem:$0x18600] =	vst v63  }
0x22b: {  	s0 =	sadd.s32 s4, s30;
	s5 =	sand.u32 $0x1FFFFF80, s31;
	s11 =	spop (v2sf)  }
0x22c: {  	[tilespmem:s21], [sflag:$0x1] =	stream.linear.gather [hbm4b:s0+s2], $0x400, $0x38;
	[tilespmem:$0x18600] =	vst v63  }
0x22d: {  	s12 =	sand.u32 $0x1FFFFF80, s11;
	s13 =	spop (v2sf);
	s0 =	sadd.s32 s4, s5  }
0x22e: {  	[tilespmem:s22], [sflag:$0x1] =	stream.linear.gather [hbm4b:s0+s2], $0x400, $0x38;
	[tilespmem:$0x18600] =	vst v63  }
0x22f: {  	s30 =	sand.u32 $0x1FFFFF80, s13;
	s0 =	sadd.s32 s4, s12  }
0x230: {  	[tilespmem:s23], [sflag:$0x1] =	stream.linear.gather [hbm4b:s0+s2], $0x400, $0x38;
	[tilespmem:$0x18600] =	vst v63  }
0x231: {  	s0 =	sadd.s32 s4, s30  }
0x232: {  	[tilespmem:s24], [sflag:$0x1] =	stream.linear.gather [hbm4b:s0+s2], $0x400, $0x38;
	[tilespmem:$0x18600] =	vst v63  }
0x233: {  	s31 =	spop (v2sf)  }
0x234: {  	s0 =	sand.u32 $0x1FFFFF80, s31  }
0x235: {  	s0 =	sadd.s32 s4, s0  }
0x236: {  	[tilespmem:s25], [sflag:$0x1] =	stream.linear.gather [hbm4b:s0+s2], $0x400, $0x38;
	[tilespmem:$0x18600] =	vst v63  }
.LBB2_12:
0x237: {  	_ =	swait.ge [sflag:s26], $0x400  }
0x238: {  	[sflag:s26] =	ssyncset.done $0x0  }
0x239: {  	[sflag:s26] =	ssyncadd.s32 $0xFFFFFC00  }
0x23a: {  	_ =	swait.ge [sflag:s26], $0x400  }
0x23b: {  	[sflag:s26] =	ssyncset.done $0x0  }
0x23c: {  	[sflag:s26] =	ssyncadd.s32 $0xFFFFFC00  }
0x23d: {  	_ =	swait.ge [sflag:s26], $0x400  }
0x23e: {  	[sflag:s26] =	ssyncset.done $0x0  }
0x23f: {  	[sflag:s26] =	ssyncadd.s32 $0xFFFFFC00  }
0x240: {  	_ =	swait.ge [sflag:s26], $0x400  }
0x241: {  	[sflag:s26] =	ssyncset.done $0x0  }
0x242: {  	[sflag:s26] =	ssyncadd.s32 $0xFFFFFC00  }
0x243: {  	_ =	swait.ge [sflag:s26], $0x400  }
0x244: {  	[sflag:s26] =	ssyncset.done $0x0  }
0x245: {  	[sflag:s26] =	ssyncadd.s32 $0xFFFFFC00  }
0x246: {  	_ =	swait.ge [sflag:s26], $0x400  }
0x247: {  	[sflag:s26] =	ssyncset.done $0x0  }
0x248: {  	[sflag:s26] =	ssyncadd.s32 $0xFFFFFC00  }
0x249: {  	_ =	swait.ge [sflag:s26], $0x400  }
0x24a: {  	[sflag:s26] =	ssyncset.done $0x0  }
0x24b: {  	[sflag:s26] =	ssyncadd.s32 $0xFFFFFC00  }
0x24c: {  	_ =	swait.ge [sflag:s26], $0x400  }
0x24d: {  	[sflag:s26] =	ssyncset.done $0x0  }
0x24e: {  	[sflag:s26] =	ssyncadd.s32 $0xFFFFFC00  }
0x24f: {  	_ =	swait.ge [sflag:s26], $0x400  }
0x250: {  	[sflag:s26] =	ssyncset.done $0x0  }
0x251: {  	[sflag:s26] =	ssyncadd.s32 $0xFFFFFC00  }
0x252: {  	_ =	swait.ge [sflag:s26], $0x400  }
0x253: {  	[sflag:s26] =	ssyncset.done $0x0  }
0x254: {  	[sflag:s26] =	ssyncadd.s32 $0xFFFFFC00  }
0x255: {  	_ =	swait.ge [sflag:s26], $0x400  }
0x256: {  	[sflag:s26] =	ssyncset.done $0x0  }
0x257: {  	[sflag:s26] =	ssyncadd.s32 $0xFFFFFC00  }
0x258: {  	_ =	swait.ge [sflag:s26], $0x400  }
0x259: {  	[sflag:s26] =	ssyncset.done $0x0  }
0x25a: {  	[sflag:s26] =	ssyncadd.s32 $0xFFFFFC00  }
0x25b: {  	_ =	swait.ge [sflag:s26], $0x400  }
0x25c: {  	[sflag:s26] =	ssyncset.done $0x0  }
0x25d: {  	[sflag:s26] =	ssyncadd.s32 $0xFFFFFC00  }
0x25e: {  	_ =	swait.ge [sflag:s26], $0x400  }
0x25f: {  	[sflag:s26] =	ssyncset.done $0x0  }
0x260: {  	[sflag:s26] =	ssyncadd.s32 $0xFFFFFC00  }
0x261: {  	_ =	swait.ge [sflag:s26], $0x400  }
0x262: {  	[sflag:s26] =	ssyncset.done $0x0  }
0x263: {  	[sflag:s26] =	ssyncadd.s32 $0xFFFFFC00  }
0x264: {  	_ =	swait.ge [sflag:s26], $0x400  }
0x265: {  	[sflag:s26] =	ssyncset.done $0x0  }
0x266: {  	[sflag:s26] =	ssyncadd.s32 $0xFFFFFC00  }
0x267: {  	v6 =	vld [tilespmem:s9+$0x0]  }
0x268: {  	v4 =	vimm.s32 $0x7800;
	v5 =	vimm.s32 $0x7400;
	v7 =	vimm.s32 $0x7000  }
0x269: {  	v8 =	vimm.s32 $0x6C00;
	v9 =	vimm.s32 $0x6800;
	v10 =	vimm.s32 $0x6400  }
0x26a: {  	v11 =	vimm.s32 $0x6000;
	v12 =	vimm.s32 $0x5C00;
	v13 =	vimm.s32 $0x5800  }
0x26b: {  	v14 =	vimm.s32 $0x5400;
	v15 =	vimm.s32 $0x5000;
	v17 =	vimm.s32 $0x4C00  }
0x26c: {  	s0 =	sadd.s32 $0xFFFFFFF1, s8;
	v19 =	vimm.s32 $0x4800;
	v20 =	vimm.s32 $0x4400;
	v3 =	vshll.u32 v6, v1  }
0x26d: {  	v16 =	vmov s0;
	v18 =	vadd.s32 $0x4000, v3;
	v3 =	vimm.s32 $0x7C00  }
.LBB2_14:
0x26e: {  	v18 =	vbroadcast v18, $0x0;
	_ =	sdelay $0x1  }
0x26f: {  	v21 =	vor.u32 v0, v18  }
0x270: {  	v18 =	vor.u32 v2, v18  }
0x271: {  	v16 =	vshll.u32 v16, $0x7  }
0x272: {  	v6 =	vshll.u32 v6, $0x7;
	v16 =	vbroadcast v16, $0x0  }
0x273: {  	v20 =	vadd.s32 v20, v6  }
0x274: {  	v20 =	vbroadcast v20, $0x1;
	v22 =	vor.u32 v0, v16;
	v21 =	vld.idx.msk [tilespmem:v21+s10+$0x0], $0xffff  }
0x275: {  	v16 =	vor.u32 v2, v16;
	v18 =	vld.idx.msk [tilespmem:v18+s10+$0x0], $0xffff  }
0x276: {  	v23 =	vor.u32 v0, v20  }
0x277: {  	v20 =	vor.u32 v2, v20;
	_ =	sdelay $0x1  }
0x278: {  	s30 =	sshll.u32 s8, $0x7;
	[tilespmem:v22+s28+$0x0] =	vst.idx.msk $0xffff, v21  }
0x279: {  	s0 =	sadd.s32 $0xFFFFF900, s30;
	v59 =	vadd.s32 v19, v6;
	[tilespmem:v16+s28+$0x0] =	vst.idx.msk $0xffff, v18  }
0x27a: {  	v60 =	vor.u32 s0, v0;
	v16 =	vbroadcast v59, $0x2;
	v18 =	vld.idx.msk [tilespmem:v23+s10+$0x0], $0xffff  }
0x27b: {  	v61 =	vor.u32 s0, v2;
	v20 =	vld.idx.msk [tilespmem:v20+s10+$0x0], $0xffff  }
0x27c: {  	v62 =	vor.u32 v0, v16  }
0x27d: {  	v16 =	vor.u32 v2, v16;
	_ =	sdelay $0x1  }
0x27e: {  	[tilespmem:v60+s28+$0x0] =	vst.idx.msk $0xffff, v18  }
0x27f: {  	s31 =	sadd.s32 $0xFFFFF980, s30;
	v17 =	vadd.s32 v17, v6;
	[tilespmem:v61+s28+$0x0] =	vst.idx.msk $0xffff, v20  }
0x280: {  	v63 =	vor.u32 s31, v0;
	v17 =	vbroadcast v17, $0x3;
	v18 =	vld.idx.msk [tilespmem:v62+s10+$0x0], $0xffff  }
0x281: {  	v24 =	vor.u32 s31, v2;
	v16 =	vld.idx.msk [tilespmem:v16+s10+$0x0], $0xffff  }
0x282: {  	v25 =	vor.u32 v0, v17  }
0x283: {  	v17 =	vor.u32 v2, v17;
	_ =	sdelay $0x1  }
0x284: {  	[tilespmem:v63+s28+$0x0] =	vst.idx.msk $0xffff, v18  }
0x285: {  	s1 =	sadd.s32 $0xFFFFFA00, s30;
	v15 =	vadd.s32 v15, v6;
	[tilespmem:v24+s28+$0x0] =	vst.idx.msk $0xffff, v16  }
0x286: {  	v26 =	vor.u32 s1, v0;
	v15 =	vbroadcast v15, $0x4;
	v16 =	vld.idx.msk [tilespmem:v25+s10+$0x0], $0xffff  }
0x287: {  	v27 =	vor.u32 s1, v2;
	v17 =	vld.idx.msk [tilespmem:v17+s10+$0x0], $0xffff  }
0x288: {  	v28 =	vor.u32 v0, v15  }
0x289: {  	v15 =	vor.u32 v2, v15;
	_ =	sdelay $0x1  }
0x28a: {  	[tilespmem:v26+s28+$0x0] =	vst.idx.msk $0xffff, v16  }
0x28b: {  	s5 =	sadd.s32 $0xFFFFFA80, s30;
	v14 =	vadd.s32 v14, v6;
	[tilespmem:v27+s28+$0x0] =	vst.idx.msk $0xffff, v17  }
0x28c: {  	v29 =	vor.u32 s5, v0;
	v14 =	vbroadcast v14, $0x5;
	v16 =	vld.idx.msk [tilespmem:v28+s10+$0x0], $0xffff  }
0x28d: {  	v30 =	vor.u32 s5, v2;
	v15 =	vld.idx.msk [tilespmem:v15+s10+$0x0], $0xffff  }
0x28e: {  	v31 =	vor.u32 v0, v14  }
0x28f: {  	v14 =	vor.u32 v2, v14;
	_ =	sdelay $0x1  }
0x290: {  	[tilespmem:v29+s28+$0x0] =	vst.idx.msk $0xffff, v16  }
0x291: {  	s11 =	sadd.s32 $0xFFFFFB00, s30;
	v13 =	vadd.s32 v13, v6;
	[tilespmem:v30+s28+$0x0] =	vst.idx.msk $0xffff, v15  }
0x292: {  	v32 =	vor.u32 s11, v0;
	v13 =	vbroadcast v13, $0x6;
	v15 =	vld.idx.msk [tilespmem:v31+s10+$0x0], $0xffff  }
0x293: {  	v33 =	vor.u32 s11, v2;
	v14 =	vld.idx.msk [tilespmem:v14+s10+$0x0], $0xffff  }
0x294: {  	v34 =	vor.u32 v0, v13  }
0x295: {  	v13 =	vor.u32 v2, v13;
	_ =	sdelay $0x1  }
0x296: {  	[tilespmem:v32+s28+$0x0] =	vst.idx.msk $0xffff, v15  }
0x297: {  	s12 =	sadd.s32 $0xFFFFFB80, s30;
	v12 =	vadd.s32 v12, v6;
	[tilespmem:v33+s28+$0x0] =	vst.idx.msk $0xffff, v14  }
0x298: {  	v35 =	vor.u32 s12, v0;
	v12 =	vbroadcast v12, $0x7;
	v14 =	vld.idx.msk [tilespmem:v34+s10+$0x0], $0xffff  }
0x299: {  	v36 =	vor.u32 s12, v2;
	v13 =	vld.idx.msk [tilespmem:v13+s10+$0x0], $0xffff  }
0x29a: {  	v37 =	vor.u32 v0, v12  }
0x29b: {  	v12 =	vor.u32 v2, v12;
	_ =	sdelay $0x1  }
0x29c: {  	[tilespmem:v35+s28+$0x0] =	vst.idx.msk $0xffff, v14  }
0x29d: {  	s13 =	sadd.s32 $0xFFFFFC00, s30;
	v11 =	vadd.s32 v11, v6;
	[tilespmem:v36+s28+$0x0] =	vst.idx.msk $0xffff, v13  }
0x29e: {  	v38 =	vor.u32 s13, v0;
	v11 =	vbroadcast v11, $0x8;
	v13 =	vld.idx.msk [tilespmem:v37+s10+$0x0], $0xffff  }
0x29f: {  	v39 =	vor.u32 s13, v2;
	v12 =	vld.idx.msk [tilespmem:v12+s10+$0x0], $0xffff  }
0x2a0: {  	v40 =	vor.u32 v0, v11  }
0x2a1: {  	v11 =	vor.u32 v2, v11;
	_ =	sdelay $0x1  }
0x2a2: {  	[tilespmem:v38+s28+$0x0] =	vst.idx.msk $0xffff, v13  }
0x2a3: {  	v10 =	vadd.s32 v10, v6;
	s31 =	sadd.s32 $0xFFFFFC80, s30;
	[tilespmem:v39+s28+$0x0] =	vst.idx.msk $0xffff, v12  }
0x2a4: {  	v10 =	vbroadcast v10, $0x9;
	v41 =	vor.u32 s31, v0;
	v12 =	vld.idx.msk [tilespmem:v40+s10+$0x0], $0xffff  }
0x2a5: {  	v42 =	vor.u32 s31, v2;
	v11 =	vld.idx.msk [tilespmem:v11+s10+$0x0], $0xffff  }
0x2a6: {  	v43 =	vor.u32 v0, v10  }
0x2a7: {  	v10 =	vor.u32 v2, v10;
	_ =	sdelay $0x1  }
0x2a8: {  	[tilespmem:v41+s28+$0x0] =	vst.idx.msk $0xffff, v12  }
0x2a9: {  	v9 =	vadd.s32 v9, v6;
	s1 =	sadd.s32 $0xFFFFFD00, s30;
	[tilespmem:v42+s28+$0x0] =	vst.idx.msk $0xffff, v11  }
0x2aa: {  	v9 =	vbroadcast v9, $0xA;
	v44 =	vor.u32 s1, v0;
	v11 =	vld.idx.msk [tilespmem:v43+s10+$0x0], $0xffff  }
0x2ab: {  	v45 =	vor.u32 s1, v2;
	v10 =	vld.idx.msk [tilespmem:v10+s10+$0x0], $0xffff  }
0x2ac: {  	v46 =	vor.u32 v0, v9  }
0x2ad: {  	v9 =	vor.u32 v2, v9;
	_ =	sdelay $0x1  }
0x2ae: {  	[tilespmem:v44+s28+$0x0] =	vst.idx.msk $0xffff, v11  }
0x2af: {  	v8 =	vadd.s32 v8, v6;
	s5 =	sadd.s32 $0xFFFFFD80, s30;
	[tilespmem:v45+s28+$0x0] =	vst.idx.msk $0xffff, v10  }
0x2b0: {  	v8 =	vbroadcast v8, $0xB;
	v47 =	vor.u32 s5, v0;
	v10 =	vld.idx.msk [tilespmem:v46+s10+$0x0], $0xffff  }
0x2b1: {  	v48 =	vor.u32 s5, v2;
	v9 =	vld.idx.msk [tilespmem:v9+s10+$0x0], $0xffff  }
0x2b2: {  	v49 =	vor.u32 v0, v8  }
0x2b3: {  	v8 =	vor.u32 v2, v8;
	_ =	sdelay $0x1  }
0x2b4: {  	[tilespmem:v47+s28+$0x0] =	vst.idx.msk $0xffff, v10  }
0x2b5: {  	v7 =	vadd.s32 v7, v6;
	s11 =	sadd.s32 $0xFFFFFE00, s30;
	[tilespmem:v48+s28+$0x0] =	vst.idx.msk $0xffff, v9  }
0x2b6: {  	v7 =	vbroadcast v7, $0xC;
	v50 =	vor.u32 s11, v0;
	v9 =	vld.idx.msk [tilespmem:v49+s10+$0x0], $0xffff  }
0x2b7: {  	v51 =	vor.u32 s11, v2;
	v8 =	vld.idx.msk [tilespmem:v8+s10+$0x0], $0xffff  }
0x2b8: {  	v52 =	vor.u32 v0, v7  }
0x2b9: {  	v7 =	vor.u32 v2, v7;
	_ =	sdelay $0x1  }
0x2ba: {  	[tilespmem:v50+s28+$0x0] =	vst.idx.msk $0xffff, v9  }
0x2bb: {  	v5 =	vadd.s32 v5, v6;
	s12 =	sadd.s32 $0xFFFFFE80, s30;
	[tilespmem:v51+s28+$0x0] =	vst.idx.msk $0xffff, v8  }
0x2bc: {  	v5 =	vbroadcast v5, $0xD;
	v53 =	vor.u32 s12, v0;
	v8 =	vld.idx.msk [tilespmem:v52+s10+$0x0], $0xffff  }
0x2bd: {  	v54 =	vor.u32 s12, v2;
	v7 =	vld.idx.msk [tilespmem:v7+s10+$0x0], $0xffff  }
0x2be: {  	v55 =	vor.u32 v0, v5  }
0x2bf: {  	v5 =	vor.u32 v2, v5;
	_ =	sdelay $0x1  }
0x2c0: {  	[tilespmem:v53+s28+$0x0] =	vst.idx.msk $0xffff, v8  }
0x2c1: {  	v4 =	vadd.s32 v4, v6;
	s13 =	sadd.s32 $0xFFFFFF00, s30;
	[tilespmem:v54+s28+$0x0] =	vst.idx.msk $0xffff, v7  }
0x2c2: {  	v4 =	vbroadcast v4, $0xE;
	v56 =	vor.u32 s13, v0;
	v7 =	vld.idx.msk [tilespmem:v55+s10+$0x0], $0xffff  }
0x2c3: {  	v57 =	vor.u32 s13, v2;
	v5 =	vld.idx.msk [tilespmem:v5+s10+$0x0], $0xffff  }
0x2c4: {  	v58 =	vor.u32 v0, v4  }
0x2c5: {  	v4 =	vor.u32 v2, v4;
	_ =	sdelay $0x1  }
0x2c6: {  	[tilespmem:v56+s28+$0x0] =	vst.idx.msk $0xffff, v7  }
0x2c7: {  	v3 =	vadd.s32 v3, v6;
	s31 =	sadd.s32 $0xFFFFFF80, s30;
	[tilespmem:v57+s28+$0x0] =	vst.idx.msk $0xffff, v5  }
0x2c8: {  	v3 =	vbroadcast v3, $0xF;
	v59 =	vor.u32 s31, v0;
	v5 =	vld.idx.msk [tilespmem:v58+s10+$0x0], $0xffff  }
0x2c9: {  	v60 =	vor.u32 s31, v2;
	v4 =	vld.idx.msk [tilespmem:v4+s10+$0x0], $0xffff  }
0x2ca: {  	v61 =	vor.u32 v0, v3  }
0x2cb: {  	v3 =	vor.u32 v2, v3;
	_ =	sdelay $0x1  }
0x2cc: {  	[tilespmem:v59+s28+$0x0] =	vst.idx.msk $0xffff, v5  }
0x2cd: {  	[tilespmem:v60+s28+$0x0] =	vst.idx.msk $0xffff, v4  }
0x2ce: {  	s8 =	sadd.s32 $0x10, s8;
	v62 =	vor.u32 s30, v0;
	v4 =	vld.idx.msk [tilespmem:v61+s10+$0x0], $0xffff  }
0x2cf: {  	p0 =	sne.s32 s8, $0x20F;
	v63 =	vor.u32 s30, v2;
	v3 =	vld.idx.msk [tilespmem:v3+s10+$0x0], $0xffff  }
.Ltmp8:
0x2d0: {  	_ = 	snop;
	(pc) =	sbr.rel @!p0 .LBB2_15-.Ltmp8, $3  }
0x2d1: {  	_ =	sdelay $0x1  }
0x2d2: {  	[tilespmem:v62+s28+$0x0] =	vst.idx.msk $0xffff, v4  }
0x2d3: {  	s9 =	sadd.s32 $0x10, s9;
	s29 =	sadd.s32 $0x10, s29;
	s7 =	sadd.s32 $0x1, s7;
	[tilespmem:v63+s28+$0x0] =	vst.idx.msk $0xffff, v3  }
.LBB2_9:
0x2d4: {  	p0 =	seq.s32 s8, $0x1FF  }
.Ltmp9:
0x2d5: {  	_ = 	snop;
	(pc) =	sbr.rel @p0 .LBB2_12-.Ltmp9, $1  }
0x2d6: {  	_ =	sdelay $0x3  }
0x2d7: {  	v3 =	vld [tilespmem:s29+$0x0];
	_ =	sdelay $0x4  }
0x2d8: {  	v3 =	vshll.u32 v3, $0x7  }
0x2d9: {  	(v2sf) =	vpush v3, $0x0  }
0x2da: {  	(v2sf) =	vpush v3, $0x1  }
0x2db: {  	(v2sf) =	vpush v3, $0x2  }
0x2dc: {  	(v2sf) =	vpush v3, $0x3  }
0x2dd: {  	(v2sf) =	vpush v3, $0x4  }
0x2de: {  	(v2sf) =	vpush v3, $0x5;
	_ =	sdelay $0x9  }
0x2df: {  	s0 =	spop (v2sf)  }
0x2e0: {  	s11 =	sand.u32 $0x1, s7;
	s1 =	spop (v2sf)  }
0x2e1: {  	p0 =	seq.s32 s11, $0x0;
	s0 =	sand.u32 $0x1FFFFF80, s0;
	s5 =	spop (v2sf)  }
.Ltmp10:
0x2e2: {  	s11 =	sadd.s32 s4, s0;
	s12 =	spop (v2sf);
	(pc) =	sbr.rel @!p0 .LBB2_11-.Ltmp10, $4  }
0x2e3: {  	s1 =	sand.u32 $0x1FFFFF80, s1;
	s5 =	sand.u32 $0x1FFFFF80, s5;
	s30 =	spop (v2sf)  }
0x2e4: {  	s1 =	sadd.s32 s4, s1;
	s0 =	sadd.s32 s4, s5;
	s13 =	spop (v2sf)  }
0x2e5: {  	s12 =	sand.u32 $0x1FFFFF80, s12;
	s30 =	sand.u32 $0x1FFFFF80, s30;
	s13 =	sand.u32 $0x1FFFFF80, s13  }
0x2e6: {  	s5 =	sadd.s32 s4, s12;
	s31 =	sadd.s32 s4, s30;
	s30 =	sadd.s32 s4, s13  }
0x2e7: {  	(v2sf) =	vpush v3, $0x6;
	_ =	sdelay $0x1  }
0x2e8: {  	(v2sf) =	vpush v3, $0x7  }
0x2e9: {  	s12 =	simm.s32 $0x4600  }
0x2ea: {  	[tilespmem:s12], [sflag:$0x2] =	stream.linear.gather [hbm4b:s11+s2], $0x400, $0x38;
	[tilespmem:$0x18600] =	vst v63  }
0x2eb: {  	s12 =	simm.s32 $0x4A00  }
0x2ec: {  	(v2sf) =	vpush v3, $0x8;
	[tilespmem:s12], [sflag:$0x2] =	stream.linear.gather [hbm4b:s1+s2], $0x400, $0x38;
	[tilespmem:$0x18600] =	vst v63  }
0x2ed: {  	s13 =	simm.s32 $0x4E00  }
0x2ee: {  	[tilespmem:s13], [sflag:$0x2] =	stream.linear.gather [hbm4b:s0+s2], $0x400, $0x38;
	[tilespmem:$0x18600] =	vst v63  }
0x2ef: {  	s11 =	simm.s32 $0x5200;
	(v2sf) =	vpush v3, $0x9  }
0x2f0: {  	[tilespmem:s11], [sflag:$0x2] =	stream.linear.gather [hbm4b:s5+s2], $0x400, $0x38;
	[tilespmem:$0x18600] =	vst v63  }
0x2f1: {  	s12 =	simm.s32 $0x5600  }
0x2f2: {  	[tilespmem:s12], [sflag:$0x2] =	stream.linear.gather [hbm4b:s31+s2], $0x400, $0x38;
	[tilespmem:$0x18600] =	vst v63  }
0x2f3: {  	s13 =	simm.s32 $0x5A00  }
0x2f4: {  	[tilespmem:s13], [sflag:$0x2] =	stream.linear.gather [hbm4b:s30+s2], $0x400, $0x38;
	[tilespmem:$0x18600] =	vst v63  }
0x2f5: {  	s30 =	spop (v2sf);
	(v2sf) =	vpush v3, $0xA;
	_ =	sdelay $0x1  }
0x2f6: {  	s5 =	spop (v2sf);
	(v2sf) =	vpush v3, $0xB;
	_ =	sdelay $0x2  }
0x2f7: {  	s0 =	sand.u32 $0x1FFFFF80, s30  }
0x2f8: {  	s31 =	simm.s32 $0x5E00;
	s0 =	sadd.s32 s4, s0;
	s12 =	spop (v2sf)  }
0x2f9: {  	(v2sf) =	vpush v3, $0xC;
	[tilespmem:s31], [sflag:$0x2] =	stream.linear.gather [hbm4b:s0+s2], $0x400, $0x38;
	[tilespmem:$0x18600] =	vst v63  }
0x2fa: {  	s0 =	sand.u32 $0x1FFFFF80, s5  }
0x2fb: {  	s11 =	simm.s32 $0x6200;
	s30 =	spop (v2sf);
	s0 =	sadd.s32 s4, s0  }
0x2fc: {  	(v2sf) =	vpush v3, $0xD;
	[tilespmem:s11], [sflag:$0x2] =	stream.linear.gather [hbm4b:s0+s2], $0x400, $0x38;
	[tilespmem:$0x18600] =	vst v63  }
0x2fd: {  	s0 =	sand.u32 $0x1FFFFF80, s12  }
0x2fe: {  	s13 =	simm.s32 $0x6600;
	s0 =	sadd.s32 s4, s0  }
0x2ff: {  	[tilespmem:s13], [sflag:$0x2] =	stream.linear.gather [hbm4b:s0+s2], $0x400, $0x38;
	[tilespmem:$0x18600] =	vst v63  }
0x300: {  	s0 =	sand.u32 $0x1FFFFF80, s30  }
0x301: {  	s31 =	simm.s32 $0x6A00;
	s0 =	sadd.s32 s4, s0;
	s5 =	spop (v2sf);
	(v2sf) =	vpush v3, $0xE  }
0x302: {  	[tilespmem:s31], [sflag:$0x2] =	stream.linear.gather [hbm4b:s0+s2], $0x400, $0x38;
	[tilespmem:$0x18600] =	vst v63  }
0x303: {  	s12 =	spop (v2sf);
	(v2sf) =	vpush v3, $0xF  }
0x304: {  	s0 =	sand.u32 $0x1FFFFF80, s5  }
0x305: {  	s11 =	simm.s32 $0x6E00;
	s0 =	sadd.s32 s4, s0  }
0x306: {  	[tilespmem:s11], [sflag:$0x2] =	stream.linear.gather [hbm4b:s0+s2], $0x400, $0x38;
	[tilespmem:$0x18600] =	vst v63  }
0x307: {  	s0 =	sand.u32 $0x1FFFFF80, s12  }
0x308: {  	s13 =	simm.s32 $0x7200;
	s30 =	spop (v2sf);
	s0 =	sadd.s32 s4, s0  }
0x309: {  	[tilespmem:s13], [sflag:$0x2] =	stream.linear.gather [hbm4b:s0+s2], $0x400, $0x38;
	[tilespmem:$0x18600] =	vst v63  }
0x30a: {  	s0 =	sand.u32 $0x1FFFFF80, s30  }
0x30b: {  	s31 =	simm.s32 $0x7600;
	s1 =	spop (v2sf);
	s0 =	sadd.s32 s4, s0  }
0x30c: {  	[tilespmem:s31], [sflag:$0x2] =	stream.linear.gather [hbm4b:s0+s2], $0x400, $0x38;
	[tilespmem:$0x18600] =	vst v63  }
0x30d: {  	s0 =	sand.u32 $0x1FFFFF80, s1  }
0x30e: {  	s5 =	simm.s32 $0x7A00;
	s0 =	sadd.s32 s4, s0  }
0x30f: {  	[tilespmem:s5], [sflag:$0x2] =	stream.linear.gather [hbm4b:s0+s2], $0x400, $0x38;
	[tilespmem:$0x18600] =	vst v63  }
0x310: {  	s11 =	spop (v2sf)  }
0x311: {  	s0 =	sand.u32 $0x1FFFFF80, s11  }
0x312: {  	s12 =	simm.s32 $0x7E00;
	s13 =	spop (v2sf);
	s0 =	sadd.s32 s4, s0  }
0x313: {  	[tilespmem:s12], [sflag:$0x2] =	stream.linear.gather [hbm4b:s0+s2], $0x400, $0x38;
	[tilespmem:$0x18600] =	vst v63  }
0x314: {  	s0 =	sand.u32 $0x1FFFFF80, s13  }
0x315: {  	s30 =	simm.s32 $0x8200;
	s0 =	sadd.s32 s4, s0  }
0x316: {  	[tilespmem:s30], [sflag:$0x2] =	stream.linear.gather [hbm4b:s0+s2], $0x400, $0x38;
	[tilespmem:$0x18600] =	vst v63  }
0x317: {  	_ =	swait.ge [sflag:s6], $0x400  }
0x318: {  	[sflag:s6] =	ssyncset.done $0x0  }
0x319: {  	[sflag:s6] =	ssyncadd.s32 $0xFFFFFC00  }
0x31a: {  	_ =	swait.ge [sflag:s6], $0x400  }
0x31b: {  	[sflag:s6] =	ssyncset.done $0x0  }
0x31c: {  	[sflag:s6] =	ssyncadd.s32 $0xFFFFFC00  }
0x31d: {  	_ =	swait.ge [sflag:s6], $0x400  }
0x31e: {  	[sflag:s6] =	ssyncset.done $0x0  }
0x31f: {  	[sflag:s6] =	ssyncadd.s32 $0xFFFFFC00  }
0x320: {  	_ =	swait.ge [sflag:s6], $0x400  }
0x321: {  	[sflag:s6] =	ssyncset.done $0x0  }
0x322: {  	[sflag:s6] =	ssyncadd.s32 $0xFFFFFC00  }
0x323: {  	_ =	swait.ge [sflag:s6], $0x400  }
0x324: {  	[sflag:s6] =	ssyncset.done $0x0  }
0x325: {  	[sflag:s6] =	ssyncadd.s32 $0xFFFFFC00  }
0x326: {  	_ =	swait.ge [sflag:s6], $0x400  }
0x327: {  	[sflag:s6] =	ssyncset.done $0x0  }
0x328: {  	[sflag:s6] =	ssyncadd.s32 $0xFFFFFC00  }
0x329: {  	_ =	swait.ge [sflag:s6], $0x400  }
0x32a: {  	[sflag:s6] =	ssyncset.done $0x0  }
0x32b: {  	[sflag:s6] =	ssyncadd.s32 $0xFFFFFC00  }
0x32c: {  	_ =	swait.ge [sflag:s6], $0x400  }
0x32d: {  	[sflag:s6] =	ssyncset.done $0x0  }
0x32e: {  	[sflag:s6] =	ssyncadd.s32 $0xFFFFFC00  }
0x32f: {  	_ =	swait.ge [sflag:s6], $0x400  }
0x330: {  	[sflag:s6] =	ssyncset.done $0x0  }
0x331: {  	[sflag:s6] =	ssyncadd.s32 $0xFFFFFC00  }
0x332: {  	_ =	swait.ge [sflag:s6], $0x400  }
0x333: {  	[sflag:s6] =	ssyncset.done $0x0  }
0x334: {  	[sflag:s6] =	ssyncadd.s32 $0xFFFFFC00  }
0x335: {  	_ =	swait.ge [sflag:s6], $0x400  }
0x336: {  	[sflag:s6] =	ssyncset.done $0x0  }
0x337: {  	[sflag:s6] =	ssyncadd.s32 $0xFFFFFC00  }
0x338: {  	_ =	swait.ge [sflag:s6], $0x400  }
0x339: {  	[sflag:s6] =	ssyncset.done $0x0  }
0x33a: {  	[sflag:s6] =	ssyncadd.s32 $0xFFFFFC00  }
0x33b: {  	_ =	swait.ge [sflag:s6], $0x400  }
0x33c: {  	[sflag:s6] =	ssyncset.done $0x0  }
0x33d: {  	[sflag:s6] =	ssyncadd.s32 $0xFFFFFC00  }
0x33e: {  	_ =	swait.ge [sflag:s6], $0x400  }
0x33f: {  	[sflag:s6] =	ssyncset.done $0x0  }
0x340: {  	[sflag:s6] =	ssyncadd.s32 $0xFFFFFC00  }
0x341: {  	_ =	swait.ge [sflag:s6], $0x400  }
0x342: {  	[sflag:s6] =	ssyncset.done $0x0  }
0x343: {  	[sflag:s6] =	ssyncadd.s32 $0xFFFFFC00  }
0x344: {  	_ =	swait.ge [sflag:s6], $0x400  }
0x345: {  	[sflag:s6] =	ssyncset.done $0x0  }
0x346: {  	[sflag:s6] =	ssyncadd.s32 $0xFFFFFC00  }
0x347: {  	v4 =	vimm.s32 $0x3800;
	v5 =	vimm.s32 $0x3400;
	v6 =	vld [tilespmem:s9+$0x0]  }
.Ltmp11:
0x348: {  	v7 =	vimm.s32 $0x3000;
	v8 =	vimm.s32 $0x2C00;
	v9 =	vimm.s32 $0x2800;
	(pc) =	sbr.rel .LBB2_14-.Ltmp11, $4  }
0x349: {  	v10 =	vimm.s32 $0x2400;
	v11 =	vimm.s32 $0x2000;
	v12 =	vimm.s32 $0x1C00  }
0x34a: {  	v13 =	vimm.s32 $0x1800;
	v14 =	vimm.s32 $0x1400;
	v15 =	vimm.s32 $0x1000  }
0x34b: {  	v17 =	vimm.s32 $0xC00;
	v19 =	vimm.s32 $0x800;
	v20 =	vimm.s32 $0x400;
	s31 =	sadd.s32 $0xFFFFFFF1, s8  }
0x34c: {  	v3 =	vimm.s32 $0x3C00;
	v16 =	vmov s31;
	v18 =	vshll.u32 v6, v1  }
.LBB2_16:
0x34d: {  	_ =	sfence.sel $0x180000  }
0x34e: {  	[bflag:$0x0] =	sbarrier.arrive $0xFFFF  }
0x34f: {  	_ =	strace $0x90000047  }
0x350: {  	s0 =	stileid.u32;
	[bflag:$0x2] =	sbarrier.arrive $0xFFFF  }
0x351: {  	p0 =	sne.s32 s0, $0x0;
	s0 =	rddreg [dreg:$0x2]  }
0x352: {  	s0 =	sadd.s32 @!p0 $0x100000, s0  }
0x353: {  	[sflag:s0] =	ssyncadd.tile.s32 @!p0 $0x1;
	_ =	shalt  }
.Lfunc_end2:
_tile_overlayer_lowered:
.L_overlay_start_2:
0x354: {  	(tag) =	ssettag $0x2  }
0x355: {  	s0 =	rddreg [dreg:$0x0];
	s2 =	stileid.u32  }
0x356: {  	s1 =	rddreg [dreg:$0x1];
	p0 =	sne.s32 s2, $0x0  }
0x357: {  	s3 =	rddreg [dreg:$0x2];
	[bflag:$0x3] =	sbarrier.arrive $0xFFFF;
	s2 =	simm.s32 @!p0 $0x1C03  }
0x358: {  	[timem:s3], [sflag:s2] =	dma.local @!p0 [hbm:s0], s1  }
0x359: {  	s0 =	simm.s32 @!p0 $0x3  }
0x35a: {  	_ =	swait.ge @!p0 [sflag:s0], s1  }
0x35b: {  	s1 =	ssub.s32 @!p0 $0x0, s1;
	[sflag:s0] =	ssyncset.done @!p0 $0x0  }
0x35c: {  	[sflag:s0] =	ssyncadd.s32 @!p0 s1  }
0x35d: {  	[bflag:$0x3] =	sbarrier.arrive $0xFFFF  }
0x35e: {  	_ =	shalt  }

</sc_bundles>
